<compile_context>
chip_gen: v7x
topology: tpu7x:2x2x1
jax: 0.10.2.dev20260603
libtpu: 0.0.44.dev20260713+nightly
codegen_flags: <defaults>
</compile_context>

<pallas_src>
import functools

import jax
import jax.numpy as jnp
from jax import lax
from jax.experimental import pallas as pl
from jax.experimental.pallas import tpu as pltpu
from jax.experimental.pallas import tpu_sc as plsc

N = 10000
E = 320000
D = 128
DH = D // 2
DR = 16

NC = 2
NS = 16
NP = 10240
ROWS_PER_TILE = NP // NS
B = 128
_EB = 2560

_NODE_BLK = 1000



def _node_pre_body(x_ref, att_ref, wnt_ref, bn_ref, h_ref, g2a_ref, g2b_ref):
    h = jnp.dot(x_ref[...], wnt_ref[...], preferred_element_type=jnp.float32)
    h = h + bn_ref[...]
    h_ref[...] = h
    g2 = att_ref[...] * h
    g2a_ref[...] = g2[:, :DH]
    g2b_ref[...] = g2[:, DH:]


def _node_pre(x, att_node, wn_t, b_node):
    grid = (N // _NODE_BLK,)
    return pl.pallas_call(
        _node_pre_body,
        grid=grid,
        in_specs=[
            pl.BlockSpec((_NODE_BLK, D), lambda i: (i, 0)),
            pl.BlockSpec((_NODE_BLK, 1), lambda i: (i, 0)),
            pl.BlockSpec((D, D), lambda i: (0, 0)),
            pl.BlockSpec((1, D), lambda i: (0, 0)),
        ],
        out_specs=[
            pl.BlockSpec((_NODE_BLK, D), lambda i: (i, 0)),
            pl.BlockSpec((_NODE_BLK, DH), lambda i: (i, 0)),
            pl.BlockSpec((_NODE_BLK, DH), lambda i: (i, 0)),
        ],
        out_shape=[
            jax.ShapeDtypeStruct((N, D), jnp.float32),
            jax.ShapeDtypeStruct((N, DH), jnp.float32),
            jax.ShapeDtypeStruct((N, DH), jnp.float32),
        ],
    )(x, att_node, wn_t, b_node)


def _edge_pre_body(relT_ref, attT_ref, w17_ref, out_ref):
    a = attT_ref[...]
    rs = relT_ref[...] * a
    lhs = jnp.concatenate([rs, a], axis=0)
    z2 = lax.dot_general(lhs, w17_ref[...], (((0,), (0,)), ((), ())),
                         preferred_element_type=jnp.float32)
    pad = (lax.broadcasted_iota(jnp.int32, (_EB // 4, DR), 1) == 0)
    pad = pad.astype(jnp.float32)
    parts = []
    for j in range(4):
        parts.append(z2[j * (_EB // 4):(j + 1) * (_EB // 4), :])
        parts.append(pad)
    out_ref[...] = jnp.concatenate(parts, axis=1)


def _edge_pre(relT, attT, w17):
    grid = (E // _EB,)
    return pl.pallas_call(
        _edge_pre_body,
        grid=grid,
        in_specs=[
            pl.BlockSpec((DR, _EB), lambda i: (0, i)),
            pl.BlockSpec((1, _EB), lambda i: (0, i)),
            pl.BlockSpec((DR + 1, DR), lambda i: (0, 0)),
        ],
        out_specs=pl.BlockSpec((_EB // 4, 2 * DR * 4), lambda i: (i, 0)),
        out_shape=jax.ShapeDtypeStruct((E // 4, 2 * DR * 4), jnp.float32),
    )(relT, attT, w17)



_sc_mesh = plsc.VectorSubcoreMesh(core_axis_name="c", subcore_axis_name="s")


def _tile_blocks(s):
    nblk = 7 + jnp.where(s < 13, 1, 0)
    tblk0 = 7 * s + jnp.minimum(s, 13)
    return nblk, tblk0


@functools.partial(
    pl.kernel,
    out_type=jax.ShapeDtypeStruct((NC, NP, DH), jnp.float32),
    mesh=_sc_mesh,
    compiler_params=pltpu.CompilerParams(use_tc_tiling_on_sc=False,
                                         needs_layout_passes=False),
    scratch_types=[
        pltpu.VMEM((2, B), jnp.int32),
        pltpu.VMEM((2, B), jnp.int32),
        pltpu.VMEM((2, B), jnp.int32),
        pltpu.VMEM((2, B), jnp.int32),
        pltpu.VMEM((B, DH), jnp.float32),
        pltpu.VMEM((B, DH), jnp.float32),
        pltpu.VMEM((B, DH), jnp.float32),
        pltpu.VMEM((B, DH), jnp.float32),
        pltpu.VMEM((160, DH), jnp.float32),
        pltpu.VMEM_SHARED((NP, DH), jnp.float32),
        pltpu.SemaphoreType.DMA,
        pltpu.SemaphoreType.DMA,
        pltpu.SemaphoreType.DMA,
        pltpu.SemaphoreType.DMA,
        pltpu.SemaphoreType.DMA,
        pltpu.SemaphoreType.DMA,
        pltpu.SemaphoreType.DMA,
        pltpu.SemaphoreType.DMA,
    ],
)
def _sc_p2(g2a_hbm, g2b_hbm, ei_hbm, p2_out,
           idx0, idx1, idx2, idx3, rows0, rows1, rows2, rows3, zb_w, p2_sh,
           semi0, semi1, semi2, semi3, semg0, semg1, semg2, semg3):
    c = lax.axis_index("c")
    s = lax.axis_index("s")
    zero16 = jnp.zeros((16,), jnp.float32)

    def zrow_w(i, carry):
        for j in range(DH // 16):
            zb_w[i, pl.ds(j * 16, 16)] = zero16
        return carry

    lax.fori_loop(0, 160, zrow_w, 0)

    base_r = s * ROWS_PER_TILE
    for k in range(ROWS_PER_TILE // 160):
        pltpu.sync_copy(zb_w, p2_sh.at[pl.ds(base_r + k * 160, 160)])
    plsc.subcore_barrier()

    nblk, tblk0 = _tile_blocks(s)
    tbase = tblk0 * _EB
    nbatch = (_EB // B) * nblk

    def iload(b, slot, sem):
        return pltpu.async_copy(ei_hbm.at[:, pl.ds(tbase + b * B, B)], slot, sem)

    def iwait(slot, sem):
        pltpu.make_async_copy(ei_hbm.at[:, pl.ds(tbase, B)], slot, sem).wait()

    def gstart(g2_hbm, slot_i, slot_r, sem):
        return pltpu.async_copy(g2_hbm.at[slot_i.at[0]], slot_r, sem)

    def gwait(g2_hbm, slot_r, sem):
        pltpu.make_async_copy(g2_hbm.at[pl.ds(0, B)], slot_r, sem).wait()

    idxs = (idx0, idx1, idx2, idx3)
    rows = (rows0, rows1, rows2, rows3)
    isems = (semi0, semi1, semi2, semi3)
    gsems = (semg0, semg1, semg2, semg3)

    def p2_pipeline(g2_hbm):
        for d in range(4):
            iload(d, idxs[d], isems[d])
        for d in range(3):
            iwait(idxs[d], isems[d])
            gstart(g2_hbm, idxs[d], rows[d], gsems[d])

        def outer(bb, carry):
            b0 = bb * 4
            for d in range(4):
                p3 = (d + 3) % 4
                gwait(g2_hbm, rows[d], gsems[d])
                pltpu.sync_copy(rows[d], p2_sh.at[idxs[d].at[1]], add=True)
                iwait(idxs[p3], isems[p3])
                gstart(g2_hbm, idxs[p3], rows[p3], gsems[p3])
                iload(b0 + d + 4, idxs[d], isems[d])
            return carry

        lax.fori_loop(0, nbatch // 4 - 1, outer, 0)
        for d in range(4):
            gwait(g2_hbm, rows[d], gsems[d])
            pltpu.sync_copy(rows[d], p2_sh.at[idxs[d].at[1]], add=True)
            if d == 0:
                iwait(idxs[3], isems[3])
                gstart(g2_hbm, idxs[3], rows[3], gsems[3])

    @pl.when(c == 0)
    def _():
        p2_pipeline(g2a_hbm)

    @pl.when(c == 1)
    def _():
        p2_pipeline(g2b_hbm)

    plsc.subcore_barrier()
    pltpu.sync_copy(p2_sh.at[pl.ds(base_r, ROWS_PER_TILE)],
                    p2_out.at[c, pl.ds(base_r, ROWS_PER_TILE)])


_QB = _EB // B


@functools.partial(
    pl.kernel,
    out_type=jax.ShapeDtypeStruct((NC, NP, 2 * DR), jnp.float32),
    mesh=_sc_mesh,
    compiler_params=pltpu.CompilerParams(use_tc_tiling_on_sc=False,
                                         needs_layout_passes=False),
    scratch_types=[
        pltpu.VMEM((_EB,), jnp.int32),
        pltpu.VMEM((_EB // 2, 2 * DR), jnp.float32),
        pltpu.VMEM((_EB // 2, 2 * DR), jnp.float32),
        pltpu.VMEM((_QB, B), jnp.int32),
        pltpu.VMEM((80, 2 * DR), jnp.float32),
        pltpu.VMEM_SHARED((NP, 2 * DR), jnp.float32),
        pltpu.SemaphoreType.DMA,
        pltpu.SemaphoreType.DMA,
        pltpu.SemaphoreType.DMA,
        pltpu.SemaphoreType.DMA,
    ],
)
def _sc_qd(ei_hbm, r2_hbm, qd_out, dst_blk, rhA, rhB, dstp,
           zb_n, qd_sh, semqA, semqB, semsA, semsB):
    c = lax.axis_index("c")
    s = lax.axis_index("s")
    zero16 = jnp.zeros((16,), jnp.float32)

    def zrow_n(i, carry):
        for j in range(2 * DR // 16):
            zb_n[i, pl.ds(j * 16, 16)] = zero16
        return carry

    lax.fori_loop(0, 80, zrow_n, 0)
    base_r = s * ROWS_PER_TILE
    for k in range(ROWS_PER_TILE // 80):
        pltpu.sync_copy(zb_n, qd_sh.at[pl.ds(base_r + k * 80, 80)])
    plsc.subcore_barrier()

    nblk, tblk0 = _tile_blocks(s)
    nb0 = nblk // 2
    nb = jnp.where(c == 0, nb0, nblk - nb0)
    qb0 = tblk0 + jnp.where(c == 0, 0, nb0)

    lane = lax.iota(jnp.int32, 16)
    v0 = (lane & 3) * jnp.int32(_EB // 4) + (lane >> 2)
    HQ = _QB // 2

    def blk(q, carry):
        eb = (qb0 + q) * _EB
        pltpu.async_copy(r2_hbm.at[pl.ds(eb, _EB // 2)], rhA, semqA)
        pltpu.async_copy(r2_hbm.at[pl.ds(eb + _EB // 2, _EB // 2)], rhB, semqB)
        pltpu.sync_copy(ei_hbm.at[1, pl.ds(eb, _EB)], dst_blk)

        def half_process(rh, semq, sems, half):
            pltpu.make_async_copy(r2_hbm.at[pl.ds(eb, _EB // 2)], rh,
                                  semq).wait()

            def sub(k, c2):
                kk = k + half * HQ
                for g in range(8):
                    idxv = v0 + jnp.int32(4 * g) + kk * 32
                    dstp[kk, pl.ds(16 * g, 16)] = plsc.load_gather(dst_blk,
                                                                   [idxv])
                pltpu.async_copy(rh.at[pl.ds(k * B, B)],
                                 qd_sh.at[dstp.at[kk]], sems, add=True)
                return c2

            lax.fori_loop(0, HQ, sub, 0)

        half_process(rhA, semqA, semsA, 0)
        half_process(rhB, semqB, semsB, 1)

        def drain(k, c2):
            pltpu.make_async_copy(rhA.at[pl.ds(0, B)], qd_sh.at[dstp.at[0]],
                                  semsA).wait()
            pltpu.make_async_copy(rhB.at[pl.ds(0, B)], qd_sh.at[dstp.at[0]],
                                  semsB).wait()
            return c2

        lax.fori_loop(0, HQ, drain, 0)
        return carry

    lax.fori_loop(0, nb, blk, 0)
    plsc.subcore_barrier()
    pltpu.sync_copy(qd_sh.at[pl.ds(base_r, ROWS_PER_TILE)],
                    qd_out.at[c, pl.ds(base_r, ROWS_PER_TILE)])



def _post_body(h_ref, g2a_ref, g2b_ref, p2p_ref, qdp_ref, waht_ref, wa1t_ref,
               wa2t_ref, ba_ref, out_ref):
    p2 = jnp.concatenate([p2p_ref[0], p2p_ref[1]], axis=1)
    qd = qdp_ref[0] + qdp_ref[1]
    deg = qd[:, DR:DR + 1]
    qr = qd[:, 0:DR]
    g2 = jnp.concatenate([g2a_ref[...], g2b_ref[...]], axis=1)
    hs1 = p2 + deg * g2
    acc = jnp.dot(h_ref[...], waht_ref[...], preferred_element_type=jnp.float32)
    acc = acc + jnp.dot(hs1, wa1t_ref[...], preferred_element_type=jnp.float32)
    acc = acc + jnp.dot(qr, wa2t_ref[...], preferred_element_type=jnp.float32)
    out_ref[...] = jnp.maximum(acc + ba_ref[...], 0.0)


def _post(h, g2a, g2b, p2p, qdp, wah_t, wa1_t, wa2_t, b_apply):
    grid = (N // _NODE_BLK,)
    return pl.pallas_call(
        _post_body,
        grid=grid,
        in_specs=[
            pl.BlockSpec((_NODE_BLK, D), lambda i: (i, 0)),
            pl.BlockSpec((_NODE_BLK, DH), lambda i: (i, 0)),
            pl.BlockSpec((_NODE_BLK, DH), lambda i: (i, 0)),
            pl.BlockSpec((NC, _NODE_BLK, DH), lambda i: (0, i, 0)),
            pl.BlockSpec((NC, _NODE_BLK, 2 * DR), lambda i: (0, i, 0)),
            pl.BlockSpec((D, D), lambda i: (0, 0)),
            pl.BlockSpec((D, D), lambda i: (0, 0)),
            pl.BlockSpec((DR, D), lambda i: (0, 0)),
            pl.BlockSpec((1, D), lambda i: (0, 0)),
        ],
        out_specs=pl.BlockSpec((_NODE_BLK, D), lambda i: (i, 0)),
        out_shape=jax.ShapeDtypeStruct((N, D), jnp.float32),
    )(h, g2a, g2b, p2p, qdp, wah_t, wa1_t, wa2_t, b_apply)


def kernel(x, att_node, edge_index, rel, att_edge, W_node, b_node, W_rel,
           b_rel, W_apply, b_apply):
    ei32 = edge_index.astype(jnp.int32)
    h, g2a, g2b = _node_pre(x, att_node, W_node.T, b_node.reshape(1, D))
    w17 = jnp.concatenate([W_rel.T, b_rel.reshape(1, DR)], axis=0)
    r2q = _edge_pre(rel.T, att_edge.reshape(1, E), w17)
    r2aug = r2q.reshape(E, 2 * DR)
    p2p = _sc_p2(g2a, g2b, ei32)
    qdp = _sc_qd(ei32, r2aug)
    return _post(h, g2a, g2b, p2p, qdp,
                 W_apply[:, :D].T, W_apply[:, D:2 * D].T, W_apply[:, 2 * D:].T,
                 b_apply.reshape(1, D))

# --- scband reference (transcript-rebuilt; emitter-appended) ---
"""Pipeline reference for scband-image-gcn-21320217657492 (READ-ONLY COPY).

The authoritative reference and input builder live on the scoring server;
editing this copy changes nothing except your own understanding.
"""

import jax, jax.numpy as jnp
import numpy as np

N = 10000
E = 320000
D_IN = 128
D_OUT = 128
D_REL = 16

def setup_inputs(seed: int = 0) -> dict:
    key = jax.random.key(seed)
    ks = jax.random.split(key, 12)
    x = jax.random.normal(ks[0], (N, D_IN), dtype=jnp.float32)
    att_node = jax.random.uniform(ks[1], (N, 1), dtype=jnp.float32)
    edge_index = jax.random.randint(ks[2], (2, E), 0, N, dtype=jnp.int64)
    rel = jax.random.normal(ks[3], (E, D_REL), dtype=jnp.float32)
    att_edge = jax.random.uniform(ks[4], (E, 1), dtype=jnp.float32)
    # learned parameters (PyTorch Linear: y = x @ W.T + b)
    W_node = jax.random.normal(ks[5], (D_IN, D_IN), dtype=jnp.float32) * (1.0 / np.sqrt(D_IN))
    b_node = jnp.zeros((D_IN,), dtype=jnp.float32)
    W_rel = jax.random.normal(ks[6], (D_REL, D_REL), dtype=jnp.float32) * (1.0 / np.sqrt(D_REL))
    b_rel = jnp.zeros((D_REL,), dtype=jnp.float32)
    W_apply = jax.random.normal(ks[7], (D_OUT, D_IN + D_REL + D_IN), dtype=jnp.float32) * (1.0 / np.sqrt(D_IN + D_REL + D_IN))
    b_apply = jnp.zeros((D_OUT,), dtype=jnp.float32)
    return {"x": x, "att_node": att_node, "edge_index": edge_index, "rel": rel, "att_edge": att_edge,
            "W_node": W_node, "b_node": b_node, "W_rel": W_rel, "b_rel": b_rel,
            "W_apply": W_apply, "b_apply": b_apply}

def reference(x, att_node, edge_index, rel, att_edge, W_node, b_node, W_rel, b_rel, W_apply, b_apply):
    # apply_node: h = node_fc(h)
    h = x @ W_node.T + b_node
    src = edge_index[0]
    dst = edge_index[1]
    # message: z1 = att_src * h_src + att_dst * h_dst ; z2 = att_edge * rel_fc(rel)
    z1 = att_node[src] * h[src] + att_node[dst] * h[dst]
    z2 = att_edge * (rel @ W_rel.T + b_rel)
    msg = jnp.concatenate([z1, z2], axis=1)
    # reduce: sum messages at destination nodes
    h_sum = jax.ops.segment_sum(msg, dst, num_segments=N)
    # apply: cat([h, h_sum]) -> apply_fc -> relu
    h_cat = jnp.concatenate([h, h_sum], axis=1)
    out = jax.nn.relu(h_cat @ W_apply.T + b_apply)
    return out

if __name__ == "__main__":
    import jax
    _d = setup_inputs()
    print(jax.jit(kernel)(*tuple(_d.values())))

</pallas_src>

<mosaic_0001>
#map = affine_map<(d0, d1) -> (0, 0)>
#map1 = affine_map<(d0, d1) -> (0, 0, 0)>
module attributes {stable_mosaic.version = 14 : i64} {
  func.func @_sc_p2(%arg0: i32, %arg1: i32, %arg2: memref<10000x64xf32, #tpu.memory_space<hbm>>, %arg3: memref<10000x64xf32, #tpu.memory_space<hbm>>, %arg4: memref<2x320000xi32, #tpu.memory_space<hbm>>, %arg5: memref<2x10240x64xf32, #tpu.memory_space<hbm>>, %arg6: memref<2x128xi32, #tpu.memory_space<vmem>>, %arg7: memref<2x128xi32, #tpu.memory_space<vmem>>, %arg8: memref<2x128xi32, #tpu.memory_space<vmem>>, %arg9: memref<2x128xi32, #tpu.memory_space<vmem>>, %arg10: memref<128x64xf32, #tpu.memory_space<vmem>>, %arg11: memref<128x64xf32, #tpu.memory_space<vmem>>, %arg12: memref<128x64xf32, #tpu.memory_space<vmem>>, %arg13: memref<128x64xf32, #tpu.memory_space<vmem>>, %arg14: memref<160x64xf32, #tpu.memory_space<vmem>>, %arg15: memref<10240x64xf32, #tpu.memory_space<vmem_shared>>, %arg16: memref<!tpu.dma_semaphore, #tpu.memory_space<semaphore_mem>>, %arg17: memref<!tpu.dma_semaphore, #tpu.memory_space<semaphore_mem>>, %arg18: memref<!tpu.dma_semaphore, #tpu.memory_space<semaphore_mem>>, %arg19: memref<!tpu.dma_semaphore, #tpu.memory_space<semaphore_mem>>, %arg20: memref<!tpu.dma_semaphore, #tpu.memory_space<semaphore_mem>>, %arg21: memref<!tpu.dma_semaphore, #tpu.memory_space<semaphore_mem>>, %arg22: memref<!tpu.dma_semaphore, #tpu.memory_space<semaphore_mem>>, %arg23: memref<!tpu.dma_semaphore, #tpu.memory_space<semaphore_mem>>) attributes {dimension_semantics = [#tpu.dimension_semantics<core_parallel>, #tpu.dimension_semantics<subcore_parallel>], iteration_bounds = array<i64: 2, 16>, scalar_prefetch = 0 : i64, scratch_operands = 18 : i64, tpu.core_type = #tpu.core_type<sc_vector_subcore>, window_params = [{transform_indices = #map}, {transform_indices = #map}, {transform_indices = #map}, {transform_indices = #map1}]} {
    %broadcast_in_dim3A = arith.constant 0.000000e+00 : f32
    %broadcast_in_dim3A_0 = vector.broadcast %broadcast_in_dim3A : f32 to vector<16xf32>
    %scan3A = arith.constant 0 : i32
    %scan3A_1 = arith.constant 0 : i32
    %scan3A_2 = arith.constant 160 : i32
    %scan3A_3 = arith.addi %scan3A_1, %scan3A_2 : i32
    %scan3A_4 = arith.constant 1 : i32
    scf.for %scan3A_34 = %scan3A_1 to %scan3A_3 step %scan3A_4  : i32 {
      %swap3A = arith.index_cast %scan3A_34 : i32 to index
      %swap3A_35 = arith.constant 0 : index
      %swap3A_36 = tpu.vector_load %arg14[%swap3A, %swap3A_35] {strides = array<i32>} : memref<160x64xf32, #tpu.memory_space<vmem>>, vector<16xf32>,
      tpu.vector_store %arg14[%swap3A, %swap3A_35], %broadcast_in_dim3A_0 {strides = array<i32>} : memref<160x64xf32, #tpu.memory_space<vmem>>, vector<16xf32>,
      %swap3A_37 = arith.index_cast %scan3A_34 : i32 to index
      %swap3A_38 = arith.constant 16 : index
      %swap3A_39 = tpu.vector_load %arg14[%swap3A_37, %swap3A_38] {strides = array<i32>} : memref<160x64xf32, #tpu.memory_space<vmem>>, vector<16xf32>,
      tpu.vector_store %arg14[%swap3A_37, %swap3A_38], %broadcast_in_dim3A_0 {strides = array<i32>} : memref<160x64xf32, #tpu.memory_space<vmem>>, vector<16xf32>,
      %swap3A_40 = arith.index_cast %scan3A_34 : i32 to index
      %swap3A_41 = arith.constant 32 : index
      %swap3A_42 = tpu.vector_load %arg14[%swap3A_40, %swap3A_41] {strides = array<i32>} : memref<160x64xf32, #tpu.memory_space<vmem>>, vector<16xf32>,
      tpu.vector_store %arg14[%swap3A_40, %swap3A_41], %broadcast_in_dim3A_0 {strides = array<i32>} : memref<160x64xf32, #tpu.memory_space<vmem>>, vector<16xf32>,
      %swap3A_43 = arith.index_cast %scan3A_34 : i32 to index
      %swap3A_44 = arith.constant 48 : index
      %swap3A_45 = tpu.vector_load %arg14[%swap3A_43, %swap3A_44] {strides = array<i32>} : memref<160x64xf32, #tpu.memory_space<vmem>>, vector<16xf32>,
      tpu.vector_store %arg14[%swap3A_43, %swap3A_44], %broadcast_in_dim3A_0 {strides = array<i32>} : memref<160x64xf32, #tpu.memory_space<vmem>>, vector<16xf32>,
    }
    %scan3A_5 = arith.constant 160 : i32
    %mul3A = arith.constant 640 : i32
    %mul3A_6 = arith.muli %arg1, %mul3A : i32
    %add3A = arith.constant 0 : i32
    %add3A_7 = arith.addi %mul3A_6, %add3A : i32
    "tpu.region"() ({
      %run_scoped3A = tpu.sem_alloc : memref<!tpu.dma_semaphore, #tpu.memory_space<semaphore_mem>>
      %dma_start3A = arith.constant 0 : i32
      %dma_start3A_34 = tpu.memref_slice %arg15[%add3A_7, %dma_start3A] : memref<10240x64xf32, #tpu.memory_space<vmem_shared>> -> memref<160x64xf32, #tpu.memory_space<vmem_shared>>
      %dma_start3A_35 = arith.constant 0 : i32
      %dma_start3A_36 = tpu.memref_slice %arg15[%add3A_7, %dma_start3A_35] : memref<10240x64xf32, #tpu.memory_space<vmem_shared>> -> memref<160x64xf32, #tpu.memory_space<vmem_shared>>
      tpu.enqueue_dma source(%arg14 : memref<160x64xf32, #tpu.memory_space<vmem>>) target(%dma_start3A_36 : memref<160x64xf32, #tpu.memory_space<vmem_shared>>) target_semaphore(%run_scoped3A : memref<!tpu.dma_semaphore, #tpu.memory_space<semaphore_mem>>)
      %dma_wait3A = arith.constant 0 : i32
      %dma_wait3A_37 = tpu.memref_slice %arg15[%add3A_7, %dma_wait3A] : memref<10240x64xf32, #tpu.memory_space<vmem_shared>> -> memref<160x64xf32, #tpu.memory_space<vmem_shared>>
      %dma_wait3A_38 = arith.constant 0 : i32
      %dma_wait3A_39 = tpu.memref_slice %arg15[%add3A_7, %dma_wait3A_38] : memref<10240x64xf32, #tpu.memory_space<vmem_shared>> -> memref<160x64xf32, #tpu.memory_space<vmem_shared>>
      tpu.wait_dma2 semaphore(%run_scoped3A : memref<!tpu.dma_semaphore, #tpu.memory_space<semaphore_mem>>) src(%arg14 : memref<160x64xf32, #tpu.memory_space<vmem>>) dst(%dma_wait3A_39 : memref<160x64xf32, #tpu.memory_space<vmem_shared>>)
      tpu.yield
    }) : () -> ()
    %add3A_8 = arith.constant 160 : i32
    %add3A_9 = arith.addi %mul3A_6, %add3A_8 : i32
    "tpu.region"() ({
      %run_scoped3A = tpu.sem_alloc : memref<!tpu.dma_semaphore, #tpu.memory_space<semaphore_mem>>
      %dma_start3A = arith.constant 0 : i32
      %dma_start3A_34 = tpu.memref_slice %arg15[%add3A_9, %dma_start3A] : memref<10240x64xf32, #tpu.memory_space<vmem_shared>> -> memref<160x64xf32, #tpu.memory_space<vmem_shared>>
      %dma_start3A_35 = arith.constant 0 : i32
      %dma_start3A_36 = tpu.memref_slice %arg15[%add3A_9, %dma_start3A_35] : memref<10240x64xf32, #tpu.memory_space<vmem_shared>> -> memref<160x64xf32, #tpu.memory_space<vmem_shared>>
      tpu.enqueue_dma source(%arg14 : memref<160x64xf32, #tpu.memory_space<vmem>>) target(%dma_start3A_36 : memref<160x64xf32, #tpu.memory_space<vmem_shared>>) target_semaphore(%run_scoped3A : memref<!tpu.dma_semaphore, #tpu.memory_space<semaphore_mem>>)
      %dma_wait3A = arith.constant 0 : i32
      %dma_wait3A_37 = tpu.memref_slice %arg15[%add3A_9, %dma_wait3A] : memref<10240x64xf32, #tpu.memory_space<vmem_shared>> -> memref<160x64xf32, #tpu.memory_space<vmem_shared>>
      %dma_wait3A_38 = arith.constant 0 : i32
      %dma_wait3A_39 = tpu.memref_slice %arg15[%add3A_9, %dma_wait3A_38] : memref<10240x64xf32, #tpu.memory_space<vmem_shared>> -> memref<160x64xf32, #tpu.memory_space<vmem_shared>>
      tpu.wait_dma2 semaphore(%run_scoped3A : memref<!tpu.dma_semaphore, #tpu.memory_space<semaphore_mem>>) src(%arg14 : memref<160x64xf32, #tpu.memory_space<vmem>>) dst(%dma_wait3A_39 : memref<160x64xf32, #tpu.memory_space<vmem_shared>>)
      tpu.yield
    }) : () -> ()
    %add3A_10 = arith.constant 320 : i32
    %add3A_11 = arith.addi %mul3A_6, %add3A_10 : i32
    "tpu.region"() ({
      %run_scoped3A = tpu.sem_alloc : memref<!tpu.dma_semaphore, #tpu.memory_space<semaphore_mem>>
      %dma_start3A = arith.constant 0 : i32
      %dma_start3A_34 = tpu.memref_slice %arg15[%add3A_11, %dma_start3A] : memref<10240x64xf32, #tpu.memory_space<vmem_shared>> -> memref<160x64xf32, #tpu.memory_space<vmem_shared>>
      %dma_start3A_35 = arith.constant 0 : i32
      %dma_start3A_36 = tpu.memref_slice %arg15[%add3A_11, %dma_start3A_35] : memref<10240x64xf32, #tpu.memory_space<vmem_shared>> -> memref<160x64xf32, #tpu.memory_space<vmem_shared>>
      tpu.enqueue_dma source(%arg14 : memref<160x64xf32, #tpu.memory_space<vmem>>) target(%dma_start3A_36 : memref<160x64xf32, #tpu.memory_space<vmem_shared>>) target_semaphore(%run_scoped3A : memref<!tpu.dma_semaphore, #tpu.memory_space<semaphore_mem>>)
      %dma_wait3A = arith.constant 0 : i32
      %dma_wait3A_37 = tpu.memref_slice %arg15[%add3A_11, %dma_wait3A] : memref<10240x64xf32, #tpu.memory_space<vmem_shared>> -> memref<160x64xf32, #tpu.memory_space<vmem_shared>>
      %dma_wait3A_38 = arith.constant 0 : i32
      %dma_wait3A_39 = tpu.memref_slice %arg15[%add3A_11, %dma_wait3A_38] : memref<10240x64xf32, #tpu.memory_space<vmem_shared>> -> memref<160x64xf32, #tpu.memory_space<vmem_shared>>
      tpu.wait_dma2 semaphore(%run_scoped3A : memref<!tpu.dma_semaphore, #tpu.memory_space<semaphore_mem>>) src(%arg14 : memref<160x64xf32, #tpu.memory_space<vmem>>) dst(%dma_wait3A_39 : memref<160x64xf32, #tpu.memory_space<vmem_shared>>)
      tpu.yield
    }) : () -> ()
    %add3A_12 = arith.constant 480 : i32
    %add3A_13 = arith.addi %mul3A_6, %add3A_12 : i32
    "tpu.region"() ({
      %run_scoped3A = tpu.sem_alloc : memref<!tpu.dma_semaphore, #tpu.memory_space<semaphore_mem>>
      %dma_start3A = arith.constant 0 : i32
      %dma_start3A_34 = tpu.memref_slice %arg15[%add3A_13, %dma_start3A] : memref<10240x64xf32, #tpu.memory_space<vmem_shared>> -> memref<160x64xf32, #tpu.memory_space<vmem_shared>>
      %dma_start3A_35 = arith.constant 0 : i32
      %dma_start3A_36 = tpu.memref_slice %arg15[%add3A_13, %dma_start3A_35] : memref<10240x64xf32, #tpu.memory_space<vmem_shared>> -> memref<160x64xf32, #tpu.memory_space<vmem_shared>>
      tpu.enqueue_dma source(%arg14 : memref<160x64xf32, #tpu.memory_space<vmem>>) target(%dma_start3A_36 : memref<160x64xf32, #tpu.memory_space<vmem_shared>>) target_semaphore(%run_scoped3A : memref<!tpu.dma_semaphore, #tpu.memory_space<semaphore_mem>>)
      %dma_wait3A = arith.constant 0 : i32
      %dma_wait3A_37 = tpu.memref_slice %arg15[%add3A_13, %dma_wait3A] : memref<10240x64xf32, #tpu.memory_space<vmem_shared>> -> memref<160x64xf32, #tpu.memory_space<vmem_shared>>
      %dma_wait3A_38 = arith.constant 0 : i32
      %dma_wait3A_39 = tpu.memref_slice %arg15[%add3A_13, %dma_wait3A_38] : memref<10240x64xf32, #tpu.memory_space<vmem_shared>> -> memref<160x64xf32, #tpu.memory_space<vmem_shared>>
      tpu.wait_dma2 semaphore(%run_scoped3A : memref<!tpu.dma_semaphore, #tpu.memory_space<semaphore_mem>>) src(%arg14 : memref<160x64xf32, #tpu.memory_space<vmem>>) dst(%dma_wait3A_39 : memref<160x64xf32, #tpu.memory_space<vmem_shared>>)
      tpu.yield
    }) : () -> ()
    %barrier3A = arith.constant 0 : index
    tpu.barrier barrier_id(%barrier3A)
    %lt3A = arith.constant 13 : i32
    %lt3A_14 = arith.cmpi slt, %arg1, %lt3A : i32
    %jit3A = arith.constant 1 : i32
    %jit3A_15 = arith.constant 0 : i32
    %select_n3A = arith.select %lt3A_14, %jit3A, %jit3A_15 : i32
    %add3A_16 = arith.constant 7 : i32
    %add3A_17 = arith.addi %add3A_16, %select_n3A : i32
    %mul3A_18 = arith.constant 7 : i32
    %mul3A_19 = arith.muli %mul3A_18, %arg1 : i32
    %min3A = arith.constant 13 : i32
    %min3A_20 = arith.minsi %arg1, %min3A : i32
    %add3A_21 = arith.addi %mul3A_19, %min3A_20 : i32
    %mul3A_22 = arith.constant 2560 : i32
    %mul3A_23 = arith.muli %add3A_21, %mul3A_22 : i32
    %mul3A_24 = arith.constant 20 : i32
    %mul3A_25 = arith.muli %mul3A_24, %add3A_17 : i32
    %eq3A = arith.constant 0 : i32
    %eq3A_26 = arith.cmpi eq, %arg0, %eq3A : i32
    %convert_element_type3A = arith.extui %eq3A_26 : i1 to i32
    %cond3A = arith.constant 0 : i32
    %cond3A_27 = arith.cmpi ne, %convert_element_type3A, %cond3A : i32
    scf.if %cond3A_27 {
      %add3A_34 = arith.constant 0 : i32
      %add3A_35 = arith.addi %mul3A_23, %add3A_34 : i32
      %dma_start3A = arith.constant 0 : i32
      %dma_start3A_36 = tpu.memref_slice %arg4[%dma_start3A, %add3A_35] : memref<2x320000xi32, #tpu.memory_space<hbm>> -> memref<2x128xi32, #tpu.memory_space<hbm>>
      %dma_start3A_37 = arith.constant 0 : i32
      %dma_start3A_38 = tpu.memref_slice %arg4[%dma_start3A_37, %add3A_35] : memref<2x320000xi32, #tpu.memory_space<hbm>> -> memref<2x128xi32, #tpu.memory_space<hbm>>
      tpu.enqueue_dma source(%dma_start3A_38 : memref<2x128xi32, #tpu.memory_space<hbm>>) target(%arg6 : memref<2x128xi32, #tpu.memory_space<vmem>>) target_semaphore(%arg16 : memref<!tpu.dma_semaphore, #tpu.memory_space<semaphore_mem>>)
      %add3A_39 = arith.constant 128 : i32
      %add3A_40 = arith.addi %mul3A_23, %add3A_39 : i32
      %dma_start3A_41 = arith.constant 0 : i32
      %dma_start3A_42 = tpu.memref_slice %arg4[%dma_start3A_41, %add3A_40] : memref<2x320000xi32, #tpu.memory_space<hbm>> -> memref<2x128xi32, #tpu.memory_space<hbm>>
      %dma_start3A_43 = arith.constant 0 : i32
      %dma_start3A_44 = tpu.memref_slice %arg4[%dma_start3A_43, %add3A_40] : memref<2x320000xi32, #tpu.memory_space<hbm>> -> memref<2x128xi32, #tpu.memory_space<hbm>>
      tpu.enqueue_dma source(%dma_start3A_44 : memref<2x128xi32, #tpu.memory_space<hbm>>) target(%arg7 : memref<2x128xi32, #tpu.memory_space<vmem>>) target_semaphore(%arg17 : memref<!tpu.dma_semaphore, #tpu.memory_space<semaphore_mem>>)
      %add3A_45 = arith.constant 256 : i32
      %add3A_46 = arith.addi %mul3A_23, %add3A_45 : i32
      %dma_start3A_47 = arith.constant 0 : i32
      %dma_start3A_48 = tpu.memref_slice %arg4[%dma_start3A_47, %add3A_46] : memref<2x320000xi32, #tpu.memory_space<hbm>> -> memref<2x128xi32, #tpu.memory_space<hbm>>
      %dma_start3A_49 = arith.constant 0 : i32
      %dma_start3A_50 = tpu.memref_slice %arg4[%dma_start3A_49, %add3A_46] : memref<2x320000xi32, #tpu.memory_space<hbm>> -> memref<2x128xi32, #tpu.memory_space<hbm>>
      tpu.enqueue_dma source(%dma_start3A_50 : memref<2x128xi32, #tpu.memory_space<hbm>>) target(%arg8 : memref<2x128xi32, #tpu.memory_space<vmem>>) target_semaphore(%arg18 : memref<!tpu.dma_semaphore, #tpu.memory_space<semaphore_mem>>)
      %add3A_51 = arith.constant 384 : i32
      %add3A_52 = arith.addi %mul3A_23, %add3A_51 : i32
      %dma_start3A_53 = arith.constant 0 : i32
      %dma_start3A_54 = tpu.memref_slice %arg4[%dma_start3A_53, %add3A_52] : memref<2x320000xi32, #tpu.memory_space<hbm>> -> memref<2x128xi32, #tpu.memory_space<hbm>>
      %dma_start3A_55 = arith.constant 0 : i32
      %dma_start3A_56 = tpu.memref_slice %arg4[%dma_start3A_55, %add3A_52] : memref<2x320000xi32, #tpu.memory_space<hbm>> -> memref<2x128xi32, #tpu.memory_space<hbm>>
      tpu.enqueue_dma source(%dma_start3A_56 : memref<2x128xi32, #tpu.memory_space<hbm>>) target(%arg9 : memref<2x128xi32, #tpu.memory_space<vmem>>) target_semaphore(%arg19 : memref<!tpu.dma_semaphore, #tpu.memory_space<semaphore_mem>>)
      %dma_wait3A = arith.constant 0 : i32
      %dma_wait3A_57 = tpu.memref_slice %arg4[%dma_wait3A, %mul3A_23] : memref<2x320000xi32, #tpu.memory_space<hbm>> -> memref<2x128xi32, #tpu.memory_space<hbm>>
      %dma_wait3A_58 = arith.constant 0 : i32
      %dma_wait3A_59 = tpu.memref_slice %arg4[%dma_wait3A_58, %mul3A_23] : memref<2x320000xi32, #tpu.memory_space<hbm>> -> memref<2x128xi32, #tpu.memory_space<hbm>>
      tpu.wait_dma2 semaphore(%arg16 : memref<!tpu.dma_semaphore, #tpu.memory_space<semaphore_mem>>) src(%dma_wait3A_59 : memref<2x128xi32, #tpu.memory_space<hbm>>) dst(%arg6 : memref<2x128xi32, #tpu.memory_space<vmem>>)
      %dma_start3A_60 = arith.constant 0 : i32
      %dma_start3A_61 = arith.constant 0 : i32
      %dma_start3A_62 = tpu.memref_slice %arg6[%dma_start3A_60, %dma_start3A_61] : memref<2x128xi32, #tpu.memory_space<vmem>> -> memref<1x128xi32, #tpu.memory_space<vmem>>
      %dma_start3A_63 = tpu.memref_squeeze %dma_start3A_62 : memref<1x128xi32, #tpu.memory_space<vmem>> -> memref<128xi32, #tpu.memory_space<vmem>>
      %dma_start3A_64 = arith.constant 0 : i32
      %dma_start3A_65 = arith.constant 0 : i32
      %dma_start3A_66 = tpu.memref_slice %arg2[%dma_start3A_64, %dma_start3A_65] : memref<10000x64xf32, #tpu.memory_space<hbm>> -> memref<10000x64xf32, #tpu.memory_space<hbm>>
      tpu.enqueue_indirect_dma source(%dma_start3A_66 : memref<10000x64xf32, #tpu.memory_space<hbm>>) target(%arg10 : memref<128x64xf32, #tpu.memory_space<vmem>>) offsets(%dma_start3A_63 : memref<128xi32, #tpu.memory_space<vmem>>) semaphore(%arg20 : memref<!tpu.dma_semaphore, #tpu.memory_space<semaphore_mem>>)
      %dma_wait3A_67 = arith.constant 0 : i32
      %dma_wait3A_68 = tpu.memref_slice %arg4[%dma_wait3A_67, %mul3A_23] : memref<2x320000xi32, #tpu.memory_space<hbm>> -> memref<2x128xi32, #tpu.memory_space<hbm>>
      %dma_wait3A_69 = arith.constant 0 : i32
      %dma_wait3A_70 = tpu.memref_slice %arg4[%dma_wait3A_69, %mul3A_23] : memref<2x320000xi32, #tpu.memory_space<hbm>> -> memref<2x128xi32, #tpu.memory_space<hbm>>
      tpu.wait_dma2 semaphore(%arg17 : memref<!tpu.dma_semaphore, #tpu.memory_space<semaphore_mem>>) src(%dma_wait3A_70 : memref<2x128xi32, #tpu.memory_space<hbm>>) dst(%arg7 : memref<2x128xi32, #tpu.memory_space<vmem>>)
      %dma_start3A_71 = arith.constant 0 : i32
      %dma_start3A_72 = arith.constant 0 : i32
      %dma_start3A_73 = tpu.memref_slice %arg7[%dma_start3A_71, %dma_start3A_72] : memref<2x128xi32, #tpu.memory_space<vmem>> -> memref<1x128xi32, #tpu.memory_space<vmem>>
      %dma_start3A_74 = tpu.memref_squeeze %dma_start3A_73 : memref<1x128xi32, #tpu.memory_space<vmem>> -> memref<128xi32, #tpu.memory_space<vmem>>
      %dma_start3A_75 = arith.constant 0 : i32
      %dma_start3A_76 = arith.constant 0 : i32
      %dma_start3A_77 = tpu.memref_slice %arg2[%dma_start3A_75, %dma_start3A_76] : memref<10000x64xf32, #tpu.memory_space<hbm>> -> memref<10000x64xf32, #tpu.memory_space<hbm>>
      tpu.enqueue_indirect_dma source(%dma_start3A_77 : memref<10000x64xf32, #tpu.memory_space<hbm>>) target(%arg11 : memref<128x64xf32, #tpu.memory_space<vmem>>) offsets(%dma_start3A_74 : memref<128xi32, #tpu.memory_space<vmem>>) semaphore(%arg21 : memref<!tpu.dma_semaphore, #tpu.memory_space<semaphore_mem>>)
      %dma_wait3A_78 = arith.constant 0 : i32
      %dma_wait3A_79 = tpu.memref_slice %arg4[%dma_wait3A_78, %mul3A_23] : memref<2x320000xi32, #tpu.memory_space<hbm>> -> memref<2x128xi32, #tpu.memory_space<hbm>>
      %dma_wait3A_80 = arith.constant 0 : i32
      %dma_wait3A_81 = tpu.memref_slice %arg4[%dma_wait3A_80, %mul3A_23] : memref<2x320000xi32, #tpu.memory_space<hbm>> -> memref<2x128xi32, #tpu.memory_space<hbm>>
      tpu.wait_dma2 semaphore(%arg18 : memref<!tpu.dma_semaphore, #tpu.memory_space<semaphore_mem>>) src(%dma_wait3A_81 : memref<2x128xi32, #tpu.memory_space<hbm>>) dst(%arg8 : memref<2x128xi32, #tpu.memory_space<vmem>>)
      %dma_start3A_82 = arith.constant 0 : i32
      %dma_start3A_83 = arith.constant 0 : i32
      %dma_start3A_84 = tpu.memref_slice %arg8[%dma_start3A_82, %dma_start3A_83] : memref<2x128xi32, #tpu.memory_space<vmem>> -> memref<1x128xi32, #tpu.memory_space<vmem>>
      %dma_start3A_85 = tpu.memref_squeeze %dma_start3A_84 : memref<1x128xi32, #tpu.memory_space<vmem>> -> memref<128xi32, #tpu.memory_space<vmem>>
      %dma_start3A_86 = arith.constant 0 : i32
      %dma_start3A_87 = arith.constant 0 : i32
      %dma_start3A_88 = tpu.memref_slice %arg2[%dma_start3A_86, %dma_start3A_87] : memref<10000x64xf32, #tpu.memory_space<hbm>> -> memref<10000x64xf32, #tpu.memory_space<hbm>>
      tpu.enqueue_indirect_dma source(%dma_start3A_88 : memref<10000x64xf32, #tpu.memory_space<hbm>>) target(%arg12 : memref<128x64xf32, #tpu.memory_space<vmem>>) offsets(%dma_start3A_85 : memref<128xi32, #tpu.memory_space<vmem>>) semaphore(%arg22 : memref<!tpu.dma_semaphore, #tpu.memory_space<semaphore_mem>>)
      %jit3A_89 = arith.constant 4 : i32
      %div3A = arith.divsi %mul3A_25, %jit3A_89 : i32
      %sign3A = arith.constant 0 : i32
      %sign3A_90 = arith.cmpi sgt, %mul3A_25, %sign3A : i32
      %sign3A_91 = arith.extui %sign3A_90 : i1 to i32
      %sign3A_92 = arith.constant 0 : i32
      %sign3A_93 = arith.cmpi slt, %mul3A_25, %sign3A_92 : i32
      %sign3A_94 = arith.extui %sign3A_93 : i1 to i32
      %sign3A_95 = arith.subi %sign3A_91, %sign3A_94 : i32
      %sign3A_96 = arith.constant 0 : i32
      %sign3A_97 = arith.cmpi sgt, %jit3A_89, %sign3A_96 : i32
      %sign3A_98 = arith.extui %sign3A_97 : i1 to i32
      %sign3A_99 = arith.constant 0 : i32
      %sign3A_100 = arith.cmpi slt, %jit3A_89, %sign3A_99 : i32
      %sign3A_101 = arith.extui %sign3A_100 : i1 to i32
      %sign3A_102 = arith.subi %sign3A_98, %sign3A_101 : i32
      %ne3A = arith.cmpi ne, %sign3A_95, %sign3A_102 : i32
      %rem3A = arith.remsi %mul3A_25, %jit3A_89 : i32
      %ne3A_103 = arith.constant 0 : i32
      %ne3A_104 = arith.cmpi ne, %rem3A, %ne3A_103 : i32
      %and3A = arith.andi %ne3A, %ne3A_104 : i1
      %sub3A = arith.constant 1 : i32
      %sub3A_105 = arith.subi %div3A, %sub3A : i32
      %select_n3A_106 = arith.select %and3A, %sub3A_105, %div3A : i32
      %sub3A_107 = arith.constant 1 : i32
      %sub3A_108 = arith.subi %select_n3A_106, %sub3A_107 : i32
      %while3A = arith.constant 0 : i32
      %while3A_109 = arith.constant 0 : i32
      %while3A_110 = arith.subi %sub3A_108, %while3A_109 : i32
      %while3A_111 = arith.addi %while3A_109, %while3A_110 : i32
      %while3A_112 = arith.constant 1 : i32
      %while3A_113 = arith.divsi %while3A_110, %while3A_112 : i32
      %while3A_114 = arith.muli %while3A_113, %while3A_112 : i32
      %while3A_115 = arith.addi %while3A_109, %while3A_114 : i32
      %while3A_116 = arith.constant 1 : i32
      scf.for %while3A_156 = %while3A_109 to %while3A_115 step %while3A_116  : i32 {
        %mul3A_157 = arith.constant 4 : i32
        %mul3A_158 = arith.muli %while3A_156, %mul3A_157 : i32
        %dma_wait3A_159 = arith.constant 0 : i32
        %dma_wait3A_160 = arith.constant 0 : i32
        %dma_wait3A_161 = tpu.memref_slice %arg2[%dma_wait3A_159, %dma_wait3A_160] : memref<10000x64xf32, #tpu.memory_space<hbm>> -> memref<128x64xf32, #tpu.memory_space<hbm>>
        %dma_wait3A_162 = arith.constant 0 : i32
        %dma_wait3A_163 = arith.constant 0 : i32
        %dma_wait3A_164 = tpu.memref_slice %arg2[%dma_wait3A_162, %dma_wait3A_163] : memref<10000x64xf32, #tpu.memory_space<hbm>> -> memref<128x64xf32, #tpu.memory_space<hbm>>
        tpu.wait_dma2 semaphore(%arg20 : memref<!tpu.dma_semaphore, #tpu.memory_space<semaphore_mem>>) src(%dma_wait3A_164 : memref<128x64xf32, #tpu.memory_space<hbm>>) dst(%arg10 : memref<128x64xf32, #tpu.memory_space<vmem>>)
        %run_scoped3A_165 = arith.constant 1 : i32
        "tpu.region"() ({
          %run_scoped3A_275 = tpu.sem_alloc : memref<!tpu.dma_semaphore, #tpu.memory_space<semaphore_mem>>
          %dma_start3A_276 = arith.constant 0 : i32
          %dma_start3A_277 = tpu.memref_slice %arg6[%run_scoped3A_165, %dma_start3A_276] : memref<2x128xi32, #tpu.memory_space<vmem>> -> memref<1x128xi32, #tpu.memory_space<vmem>>
          %dma_start3A_278 = tpu.memref_squeeze %dma_start3A_277 : memref<1x128xi32, #tpu.memory_space<vmem>> -> memref<128xi32, #tpu.memory_space<vmem>>
          %dma_start3A_279 = arith.constant 0 : i32
          %dma_start3A_280 = arith.constant 0 : i32
          %dma_start3A_281 = tpu.memref_slice %arg15[%dma_start3A_279, %dma_start3A_280] : memref<10240x64xf32, #tpu.memory_space<vmem_shared>> -> memref<10240x64xf32, #tpu.memory_space<vmem_shared>>
          tpu.enqueue_indirect_dma source(%arg10 : memref<128x64xf32, #tpu.memory_space<vmem>>) target(%dma_start3A_281 : memref<10240x64xf32, #tpu.memory_space<vmem_shared>>) offsets(%dma_start3A_278 : memref<128xi32, #tpu.memory_space<vmem>>) semaphore(%run_scoped3A_275 : memref<!tpu.dma_semaphore, #tpu.memory_space<semaphore_mem>>) {add = true}
          %dma_wait3A_282 = arith.constant 0 : i32
          %dma_wait3A_283 = tpu.memref_slice %arg6[%run_scoped3A_165, %dma_wait3A_282] : memref<2x128xi32, #tpu.memory_space<vmem>> -> memref<1x128xi32, #tpu.memory_space<vmem>>
          %dma_wait3A_284 = tpu.memref_squeeze %dma_wait3A_283 : memref<1x128xi32, #tpu.memory_space<vmem>> -> memref<128xi32, #tpu.memory_space<vmem>>
          %dma_wait3A_285 = arith.constant 0 : i32
          %dma_wait3A_286 = arith.constant 0 : i32
          %dma_wait3A_287 = tpu.memref_slice %arg15[%dma_wait3A_285, %dma_wait3A_286] : memref<10240x64xf32, #tpu.memory_space<vmem_shared>> -> memref<10240x64xf32, #tpu.memory_space<vmem_shared>>
          tpu.wait_indirect_dma semaphore(%run_scoped3A_275 : memref<!tpu.dma_semaphore, #tpu.memory_space<semaphore_mem>>) src(%arg10 : memref<128x64xf32, #tpu.memory_space<vmem>>) dst(%dma_wait3A_287 : memref<10240x64xf32, #tpu.memory_space<vmem_shared>>)
          tpu.yield
        }) : () -> ()
        %dma_wait3A_166 = arith.constant 0 : i32
        %dma_wait3A_167 = tpu.memref_slice %arg4[%dma_wait3A_166, %mul3A_23] : memref<2x320000xi32, #tpu.memory_space<hbm>> -> memref<2x128xi32, #tpu.memory_space<hbm>>
        %dma_wait3A_168 = arith.constant 0 : i32
        %dma_wait3A_169 = tpu.memref_slice %arg4[%dma_wait3A_168, %mul3A_23] : memref<2x320000xi32, #tpu.memory_space<hbm>> -> memref<2x128xi32, #tpu.memory_space<hbm>>
        tpu.wait_dma2 semaphore(%arg19 : memref<!tpu.dma_semaphore, #tpu.memory_space<semaphore_mem>>) src(%dma_wait3A_169 : memref<2x128xi32, #tpu.memory_space<hbm>>) dst(%arg9 : memref<2x128xi32, #tpu.memory_space<vmem>>)
        %dma_start3A_170 = arith.constant 0 : i32
        %dma_start3A_171 = arith.constant 0 : i32
        %dma_start3A_172 = tpu.memref_slice %arg9[%dma_start3A_170, %dma_start3A_171] : memref<2x128xi32, #tpu.memory_space<vmem>> -> memref<1x128xi32, #tpu.memory_space<vmem>>
        %dma_start3A_173 = tpu.memref_squeeze %dma_start3A_172 : memref<1x128xi32, #tpu.memory_space<vmem>> -> memref<128xi32, #tpu.memory_space<vmem>>
        %dma_start3A_174 = arith.constant 0 : i32
        %dma_start3A_175 = arith.constant 0 : i32
        %dma_start3A_176 = tpu.memref_slice %arg2[%dma_start3A_174, %dma_start3A_175] : memref<10000x64xf32, #tpu.memory_space<hbm>> -> memref<10000x64xf32, #tpu.memory_space<hbm>>
        tpu.enqueue_indirect_dma source(%dma_start3A_176 : memref<10000x64xf32, #tpu.memory_space<hbm>>) target(%arg13 : memref<128x64xf32, #tpu.memory_space<vmem>>) offsets(%dma_start3A_173 : memref<128xi32, #tpu.memory_space<vmem>>) semaphore(%arg23 : memref<!tpu.dma_semaphore, #tpu.memory_space<semaphore_mem>>)
        %add3A_177 = arith.constant 0 : i32
        %add3A_178 = arith.addi %mul3A_158, %add3A_177 : i32
        %add3A_179 = arith.constant 4 : i32
        %add3A_180 = arith.addi %add3A_178, %add3A_179 : i32
        %mul3A_181 = arith.constant 128 : i32
        %mul3A_182 = arith.muli %add3A_180, %mul3A_181 : i32
        %add3A_183 = arith.addi %mul3A_23, %mul3A_182 : i32
        %dma_start3A_184 = arith.constant 0 : i32
        %dma_start3A_185 = tpu.memref_slice %arg4[%dma_start3A_184, %add3A_183] : memref<2x320000xi32, #tpu.memory_space<hbm>> -> memref<2x128xi32, #tpu.memory_space<hbm>>
        %dma_start3A_186 = arith.constant 0 : i32
        %dma_start3A_187 = tpu.memref_slice %arg4[%dma_start3A_186, %add3A_183] : memref<2x320000xi32, #tpu.memory_space<hbm>> -> memref<2x128xi32, #tpu.memory_space<hbm>>
        tpu.enqueue_dma source(%dma_start3A_187 : memref<2x128xi32, #tpu.memory_space<hbm>>) target(%arg6 : memref<2x128xi32, #tpu.memory_space<vmem>>) target_semaphore(%arg16 : memref<!tpu.dma_semaphore, #tpu.memory_space<semaphore_mem>>)
        %dma_wait3A_188 = arith.constant 0 : i32
        %dma_wait3A_189 = arith.constant 0 : i32
        %dma_wait3A_190 = tpu.memref_slice %arg2[%dma_wait3A_188, %dma_wait3A_189] : memref<10000x64xf32, #tpu.memory_space<hbm>> -> memref<128x64xf32, #tpu.memory_space<hbm>>
        %dma_wait3A_191 = arith.constant 0 : i32
        %dma_wait3A_192 = arith.constant 0 : i32
        %dma_wait3A_193 = tpu.memref_slice %arg2[%dma_wait3A_191, %dma_wait3A_192] : memref<10000x64xf32, #tpu.memory_space<hbm>> -> memref<128x64xf32, #tpu.memory_space<hbm>>
        tpu.wait_dma2 semaphore(%arg21 : memref<!tpu.dma_semaphore, #tpu.memory_space<semaphore_mem>>) src(%dma_wait3A_193 : memref<128x64xf32, #tpu.memory_space<hbm>>) dst(%arg11 : memref<128x64xf32, #tpu.memory_space<vmem>>)
        %run_scoped3A_194 = arith.constant 1 : i32
        "tpu.region"() ({
          %run_scoped3A_275 = tpu.sem_alloc : memref<!tpu.dma_semaphore, #tpu.memory_space<semaphore_mem>>
          %dma_start3A_276 = arith.constant 0 : i32
          %dma_start3A_277 = tpu.memref_slice %arg7[%run_scoped3A_194, %dma_start3A_276] : memref<2x128xi32, #tpu.memory_space<vmem>> -> memref<1x128xi32, #tpu.memory_space<vmem>>
          %dma_start3A_278 = tpu.memref_squeeze %dma_start3A_277 : memref<1x128xi32, #tpu.memory_space<vmem>> -> memref<128xi32, #tpu.memory_space<vmem>>
          %dma_start3A_279 = arith.constant 0 : i32
          %dma_start3A_280 = arith.constant 0 : i32
          %dma_start3A_281 = tpu.memref_slice %arg15[%dma_start3A_279, %dma_start3A_280] : memref<10240x64xf32, #tpu.memory_space<vmem_shared>> -> memref<10240x64xf32, #tpu.memory_space<vmem_shared>>
          tpu.enqueue_indirect_dma source(%arg11 : memref<128x64xf32, #tpu.memory_space<vmem>>) target(%dma_start3A_281 : memref<10240x64xf32, #tpu.memory_space<vmem_shared>>) offsets(%dma_start3A_278 : memref<128xi32, #tpu.memory_space<vmem>>) semaphore(%run_scoped3A_275 : memref<!tpu.dma_semaphore, #tpu.memory_space<semaphore_mem>>) {add = true}
          %dma_wait3A_282 = arith.constant 0 : i32
          %dma_wait3A_283 = tpu.memref_slice %arg7[%run_scoped3A_194, %dma_wait3A_282] : memref<2x128xi32, #tpu.memory_space<vmem>> -> memref<1x128xi32, #tpu.memory_space<vmem>>
          %dma_wait3A_284 = tpu.memref_squeeze %dma_wait3A_283 : memref<1x128xi32, #tpu.memory_space<vmem>> -> memref<128xi32, #tpu.memory_space<vmem>>
          %dma_wait3A_285 = arith.constant 0 : i32
          %dma_wait3A_286 = arith.constant 0 : i32
          %dma_wait3A_287 = tpu.memref_slice %arg15[%dma_wait3A_285, %dma_wait3A_286] : memref<10240x64xf32, #tpu.memory_space<vmem_shared>> -> memref<10240x64xf32, #tpu.memory_space<vmem_shared>>
          tpu.wait_indirect_dma semaphore(%run_scoped3A_275 : memref<!tpu.dma_semaphore, #tpu.memory_space<semaphore_mem>>) src(%arg11 : memref<128x64xf32, #tpu.memory_space<vmem>>) dst(%dma_wait3A_287 : memref<10240x64xf32, #tpu.memory_space<vmem_shared>>)
          tpu.yield
        }) : () -> ()
        %dma_wait3A_195 = arith.constant 0 : i32
        %dma_wait3A_196 = tpu.memref_slice %arg4[%dma_wait3A_195, %mul3A_23] : memref<2x320000xi32, #tpu.memory_space<hbm>> -> memref<2x128xi32, #tpu.memory_space<hbm>>
        %dma_wait3A_197 = arith.constant 0 : i32
        %dma_wait3A_198 = tpu.memref_slice %arg4[%dma_wait3A_197, %mul3A_23] : memref<2x320000xi32, #tpu.memory_space<hbm>> -> memref<2x128xi32, #tpu.memory_space<hbm>>
        tpu.wait_dma2 semaphore(%arg16 : memref<!tpu.dma_semaphore, #tpu.memory_space<semaphore_mem>>) src(%dma_wait3A_198 : memref<2x128xi32, #tpu.memory_space<hbm>>) dst(%arg6 : memref<2x128xi32, #tpu.memory_space<vmem>>)
        %dma_start3A_199 = arith.constant 0 : i32
        %dma_start3A_200 = arith.constant 0 : i32
        %dma_start3A_201 = tpu.memref_slice %arg6[%dma_start3A_199, %dma_start3A_200] : memref<2x128xi32, #tpu.memory_space<vmem>> -> memref<1x128xi32, #tpu.memory_space<vmem>>
        %dma_start3A_202 = tpu.memref_squeeze %dma_start3A_201 : memref<1x128xi32, #tpu.memory_space<vmem>> -> memref<128xi32, #tpu.memory_space<vmem>>
        %dma_start3A_203 = arith.constant 0 : i32
        %dma_start3A_204 = arith.constant 0 : i32
        %dma_start3A_205 = tpu.memref_slice %arg2[%dma_start3A_203, %dma_start3A_204] : memref<10000x64xf32, #tpu.memory_space<hbm>> -> memref<10000x64xf32, #tpu.memory_space<hbm>>
        tpu.enqueue_indirect_dma source(%dma_start3A_205 : memref<10000x64xf32, #tpu.memory_space<hbm>>) target(%arg10 : memref<128x64xf32, #tpu.memory_space<vmem>>) offsets(%dma_start3A_202 : memref<128xi32, #tpu.memory_space<vmem>>) semaphore(%arg20 : memref<!tpu.dma_semaphore, #tpu.memory_space<semaphore_mem>>)
        %add3A_206 = arith.constant 1 : i32
        %add3A_207 = arith.addi %mul3A_158, %add3A_206 : i32
        %add3A_208 = arith.constant 4 : i32
        %add3A_209 = arith.addi %add3A_207, %add3A_208 : i32
        %mul3A_210 = arith.constant 128 : i32
        %mul3A_211 = arith.muli %add3A_209, %mul3A_210 : i32
        %add3A_212 = arith.addi %mul3A_23, %mul3A_211 : i32
        %dma_start3A_213 = arith.constant 0 : i32
        %dma_start3A_214 = tpu.memref_slice %arg4[%dma_start3A_213, %add3A_212] : memref<2x320000xi32, #tpu.memory_space<hbm>> -> memref<2x128xi32, #tpu.memory_space<hbm>>
        %dma_start3A_215 = arith.constant 0 : i32
        %dma_start3A_216 = tpu.memref_slice %arg4[%dma_start3A_215, %add3A_212] : memref<2x320000xi32, #tpu.memory_space<hbm>> -> memref<2x128xi32, #tpu.memory_space<hbm>>
        tpu.enqueue_dma source(%dma_start3A_216 : memref<2x128xi32, #tpu.memory_space<hbm>>) target(%arg7 : memref<2x128xi32, #tpu.memory_space<vmem>>) target_semaphore(%arg17 : memref<!tpu.dma_semaphore, #tpu.memory_space<semaphore_mem>>)
        %dma_wait3A_217 = arith.constant 0 : i32
        %dma_wait3A_218 = arith.constant 0 : i32
        %dma_wait3A_219 = tpu.memref_slice %arg2[%dma_wait3A_217, %dma_wait3A_218] : memref<10000x64xf32, #tpu.memory_space<hbm>> -> memref<128x64xf32, #tpu.memory_space<hbm>>
        %dma_wait3A_220 = arith.constant 0 : i32
        %dma_wait3A_221 = arith.constant 0 : i32
        %dma_wait3A_222 = tpu.memref_slice %arg2[%dma_wait3A_220, %dma_wait3A_221] : memref<10000x64xf32, #tpu.memory_space<hbm>> -> memref<128x64xf32, #tpu.memory_space<hbm>>
        tpu.wait_dma2 semaphore(%arg22 : memref<!tpu.dma_semaphore, #tpu.memory_space<semaphore_mem>>) src(%dma_wait3A_222 : memref<128x64xf32, #tpu.memory_space<hbm>>) dst(%arg12 : memref<128x64xf32, #tpu.memory_space<vmem>>)
        %run_scoped3A_223 = arith.constant 1 : i32
        "tpu.region"() ({
          %run_scoped3A_275 = tpu.sem_alloc : memref<!tpu.dma_semaphore, #tpu.memory_space<semaphore_mem>>
          %dma_start3A_276 = arith.constant 0 : i32
          %dma_start3A_277 = tpu.memref_slice %arg8[%run_scoped3A_223, %dma_start3A_276] : memref<2x128xi32, #tpu.memory_space<vmem>> -> memref<1x128xi32, #tpu.memory_space<vmem>>
          %dma_start3A_278 = tpu.memref_squeeze %dma_start3A_277 : memref<1x128xi32, #tpu.memory_space<vmem>> -> memref<128xi32, #tpu.memory_space<vmem>>
          %dma_start3A_279 = arith.constant 0 : i32
          %dma_start3A_280 = arith.constant 0 : i32
          %dma_start3A_281 = tpu.memref_slice %arg15[%dma_start3A_279, %dma_start3A_280] : memref<10240x64xf32, #tpu.memory_space<vmem_shared>> -> memref<10240x64xf32, #tpu.memory_space<vmem_shared>>
          tpu.enqueue_indirect_dma source(%arg12 : memref<128x64xf32, #tpu.memory_space<vmem>>) target(%dma_start3A_281 : memref<10240x64xf32, #tpu.memory_space<vmem_shared>>) offsets(%dma_start3A_278 : memref<128xi32, #tpu.memory_space<vmem>>) semaphore(%run_scoped3A_275 : memref<!tpu.dma_semaphore, #tpu.memory_space<semaphore_mem>>) {add = true}
          %dma_wait3A_282 = arith.constant 0 : i32
          %dma_wait3A_283 = tpu.memref_slice %arg8[%run_scoped3A_223, %dma_wait3A_282] : memref<2x128xi32, #tpu.memory_space<vmem>> -> memref<1x128xi32, #tpu.memory_space<vmem>>
          %dma_wait3A_284 = tpu.memref_squeeze %dma_wait3A_283 : memref<1x128xi32, #tpu.memory_space<vmem>> -> memref<128xi32, #tpu.memory_space<vmem>>
          %dma_wait3A_285 = arith.constant 0 : i32
          %dma_wait3A_286 = arith.constant 0 : i32
          %dma_wait3A_287 = tpu.memref_slice %arg15[%dma_wait3A_285, %dma_wait3A_286] : memref<10240x64xf32, #tpu.memory_space<vmem_shared>> -> memref<10240x64xf32, #tpu.memory_space<vmem_shared>>
          tpu.wait_indirect_dma semaphore(%run_scoped3A_275 : memref<!tpu.dma_semaphore, #tpu.memory_space<semaphore_mem>>) src(%arg12 : memref<128x64xf32, #tpu.memory_space<vmem>>) dst(%dma_wait3A_287 : memref<10240x64xf32, #tpu.memory_space<vmem_shared>>)
          tpu.yield
        }) : () -> ()
        %dma_wait3A_224 = arith.constant 0 : i32
        %dma_wait3A_225 = tpu.memref_slice %arg4[%dma_wait3A_224, %mul3A_23] : memref<2x320000xi32, #tpu.memory_space<hbm>> -> memref<2x128xi32, #tpu.memory_space<hbm>>
        %dma_wait3A_226 = arith.constant 0 : i32
        %dma_wait3A_227 = tpu.memref_slice %arg4[%dma_wait3A_226, %mul3A_23] : memref<2x320000xi32, #tpu.memory_space<hbm>> -> memref<2x128xi32, #tpu.memory_space<hbm>>
        tpu.wait_dma2 semaphore(%arg17 : memref<!tpu.dma_semaphore, #tpu.memory_space<semaphore_mem>>) src(%dma_wait3A_227 : memref<2x128xi32, #tpu.memory_space<hbm>>) dst(%arg7 : memref<2x128xi32, #tpu.memory_space<vmem>>)
        %dma_start3A_228 = arith.constant 0 : i32
        %dma_start3A_229 = arith.constant 0 : i32
        %dma_start3A_230 = tpu.memref_slice %arg7[%dma_start3A_228, %dma_start3A_229] : memref<2x128xi32, #tpu.memory_space<vmem>> -> memref<1x128xi32, #tpu.memory_space<vmem>>
        %dma_start3A_231 = tpu.memref_squeeze %dma_start3A_230 : memref<1x128xi32, #tpu.memory_space<vmem>> -> memref<128xi32, #tpu.memory_space<vmem>>
        %dma_start3A_232 = arith.constant 0 : i32
        %dma_start3A_233 = arith.constant 0 : i32
        %dma_start3A_234 = tpu.memref_slice %arg2[%dma_start3A_232, %dma_start3A_233] : memref<10000x64xf32, #tpu.memory_space<hbm>> -> memref<10000x64xf32, #tpu.memory_space<hbm>>
        tpu.enqueue_indirect_dma source(%dma_start3A_234 : memref<10000x64xf32, #tpu.memory_space<hbm>>) target(%arg11 : memref<128x64xf32, #tpu.memory_space<vmem>>) offsets(%dma_start3A_231 : memref<128xi32, #tpu.memory_space<vmem>>) semaphore(%arg21 : memref<!tpu.dma_semaphore, #tpu.memory_space<semaphore_mem>>)
        %add3A_235 = arith.constant 2 : i32
        %add3A_236 = arith.addi %mul3A_158, %add3A_235 : i32
        %add3A_237 = arith.constant 4 : i32
        %add3A_238 = arith.addi %add3A_236, %add3A_237 : i32
        %mul3A_239 = arith.constant 128 : i32
        %mul3A_240 = arith.muli %add3A_238, %mul3A_239 : i32
        %add3A_241 = arith.addi %mul3A_23, %mul3A_240 : i32
        %dma_start3A_242 = arith.constant 0 : i32
        %dma_start3A_243 = tpu.memref_slice %arg4[%dma_start3A_242, %add3A_241] : memref<2x320000xi32, #tpu.memory_space<hbm>> -> memref<2x128xi32, #tpu.memory_space<hbm>>
        %dma_start3A_244 = arith.constant 0 : i32
        %dma_start3A_245 = tpu.memref_slice %arg4[%dma_start3A_244, %add3A_241] : memref<2x320000xi32, #tpu.memory_space<hbm>> -> memref<2x128xi32, #tpu.memory_space<hbm>>
        tpu.enqueue_dma source(%dma_start3A_245 : memref<2x128xi32, #tpu.memory_space<hbm>>) target(%arg8 : memref<2x128xi32, #tpu.memory_space<vmem>>) target_semaphore(%arg18 : memref<!tpu.dma_semaphore, #tpu.memory_space<semaphore_mem>>)
        %dma_wait3A_246 = arith.constant 0 : i32
        %dma_wait3A_247 = arith.constant 0 : i32
        %dma_wait3A_248 = tpu.memref_slice %arg2[%dma_wait3A_246, %dma_wait3A_247] : memref<10000x64xf32, #tpu.memory_space<hbm>> -> memref<128x64xf32, #tpu.memory_space<hbm>>
        %dma_wait3A_249 = arith.constant 0 : i32
        %dma_wait3A_250 = arith.constant 0 : i32
        %dma_wait3A_251 = tpu.memref_slice %arg2[%dma_wait3A_249, %dma_wait3A_250] : memref<10000x64xf32, #tpu.memory_space<hbm>> -> memref<128x64xf32, #tpu.memory_space<hbm>>
        tpu.wait_dma2 semaphore(%arg23 : memref<!tpu.dma_semaphore, #tpu.memory_space<semaphore_mem>>) src(%dma_wait3A_251 : memref<128x64xf32, #tpu.memory_space<hbm>>) dst(%arg13 : memref<128x64xf32, #tpu.memory_space<vmem>>)
        %run_scoped3A_252 = arith.constant 1 : i32
        "tpu.region"() ({
          %run_scoped3A_275 = tpu.sem_alloc : memref<!tpu.dma_semaphore, #tpu.memory_space<semaphore_mem>>
          %dma_start3A_276 = arith.constant 0 : i32
          %dma_start3A_277 = tpu.memref_slice %arg9[%run_scoped3A_252, %dma_start3A_276] : memref<2x128xi32, #tpu.memory_space<vmem>> -> memref<1x128xi32, #tpu.memory_space<vmem>>
          %dma_start3A_278 = tpu.memref_squeeze %dma_start3A_277 : memref<1x128xi32, #tpu.memory_space<vmem>> -> memref<128xi32, #tpu.memory_space<vmem>>
          %dma_start3A_279 = arith.constant 0 : i32
          %dma_start3A_280 = arith.constant 0 : i32
          %dma_start3A_281 = tpu.memref_slice %arg15[%dma_start3A_279, %dma_start3A_280] : memref<10240x64xf32, #tpu.memory_space<vmem_shared>> -> memref<10240x64xf32, #tpu.memory_space<vmem_shared>>
          tpu.enqueue_indirect_dma source(%arg13 : memref<128x64xf32, #tpu.memory_space<vmem>>) target(%dma_start3A_281 : memref<10240x64xf32, #tpu.memory_space<vmem_shared>>) offsets(%dma_start3A_278 : memref<128xi32, #tpu.memory_space<vmem>>) semaphore(%run_scoped3A_275 : memref<!tpu.dma_semaphore, #tpu.memory_space<semaphore_mem>>) {add = true}
          %dma_wait3A_282 = arith.constant 0 : i32
          %dma_wait3A_283 = tpu.memref_slice %arg9[%run_scoped3A_252, %dma_wait3A_282] : memref<2x128xi32, #tpu.memory_space<vmem>> -> memref<1x128xi32, #tpu.memory_space<vmem>>
          %dma_wait3A_284 = tpu.memref_squeeze %dma_wait3A_283 : memref<1x128xi32, #tpu.memory_space<vmem>> -> memref<128xi32, #tpu.memory_space<vmem>>
          %dma_wait3A_285 = arith.constant 0 : i32
          %dma_wait3A_286 = arith.constant 0 : i32
          %dma_wait3A_287 = tpu.memref_slice %arg15[%dma_wait3A_285, %dma_wait3A_286] : memref<10240x64xf32, #tpu.memory_space<vmem_shared>> -> memref<10240x64xf32, #tpu.memory_space<vmem_shared>>
          tpu.wait_indirect_dma semaphore(%run_scoped3A_275 : memref<!tpu.dma_semaphore, #tpu.memory_space<semaphore_mem>>) src(%arg13 : memref<128x64xf32, #tpu.memory_space<vmem>>) dst(%dma_wait3A_287 : memref<10240x64xf32, #tpu.memory_space<vmem_shared>>)
          tpu.yield
        }) : () -> ()
        %dma_wait3A_253 = arith.constant 0 : i32
        %dma_wait3A_254 = tpu.memref_slice %arg4[%dma_wait3A_253, %mul3A_23] : memref<2x320000xi32, #tpu.memory_space<hbm>> -> memref<2x128xi32, #tpu.memory_space<hbm>>
        %dma_wait3A_255 = arith.constant 0 : i32
        %dma_wait3A_256 = tpu.memref_slice %arg4[%dma_wait3A_255, %mul3A_23] : memref<2x320000xi32, #tpu.memory_space<hbm>> -> memref<2x128xi32, #tpu.memory_space<hbm>>
        tpu.wait_dma2 semaphore(%arg18 : memref<!tpu.dma_semaphore, #tpu.memory_space<semaphore_mem>>) src(%dma_wait3A_256 : memref<2x128xi32, #tpu.memory_space<hbm>>) dst(%arg8 : memref<2x128xi32, #tpu.memory_space<vmem>>)
        %dma_start3A_257 = arith.constant 0 : i32
        %dma_start3A_258 = arith.constant 0 : i32
        %dma_start3A_259 = tpu.memref_slice %arg8[%dma_start3A_257, %dma_start3A_258] : memref<2x128xi32, #tpu.memory_space<vmem>> -> memref<1x128xi32, #tpu.memory_space<vmem>>
        %dma_start3A_260 = tpu.memref_squeeze %dma_start3A_259 : memref<1x128xi32, #tpu.memory_space<vmem>> -> memref<128xi32, #tpu.memory_space<vmem>>
        %dma_start3A_261 = arith.constant 0 : i32
        %dma_start3A_262 = arith.constant 0 : i32
        %dma_start3A_263 = tpu.memref_slice %arg2[%dma_start3A_261, %dma_start3A_262] : memref<10000x64xf32, #tpu.memory_space<hbm>> -> memref<10000x64xf32, #tpu.memory_space<hbm>>
        tpu.enqueue_indirect_dma source(%dma_start3A_263 : memref<10000x64xf32, #tpu.memory_space<hbm>>) target(%arg12 : memref<128x64xf32, #tpu.memory_space<vmem>>) offsets(%dma_start3A_260 : memref<128xi32, #tpu.memory_space<vmem>>) semaphore(%arg22 : memref<!tpu.dma_semaphore, #tpu.memory_space<semaphore_mem>>)
        %add3A_264 = arith.constant 3 : i32
        %add3A_265 = arith.addi %mul3A_158, %add3A_264 : i32
        %add3A_266 = arith.constant 4 : i32
        %add3A_267 = arith.addi %add3A_265, %add3A_266 : i32
        %mul3A_268 = arith.constant 128 : i32
        %mul3A_269 = arith.muli %add3A_267, %mul3A_268 : i32
        %add3A_270 = arith.addi %mul3A_23, %mul3A_269 : i32
        %dma_start3A_271 = arith.constant 0 : i32
        %dma_start3A_272 = tpu.memref_slice %arg4[%dma_start3A_271, %add3A_270] : memref<2x320000xi32, #tpu.memory_space<hbm>> -> memref<2x128xi32, #tpu.memory_space<hbm>>
        %dma_start3A_273 = arith.constant 0 : i32
        %dma_start3A_274 = tpu.memref_slice %arg4[%dma_start3A_273, %add3A_270] : memref<2x320000xi32, #tpu.memory_space<hbm>> -> memref<2x128xi32, #tpu.memory_space<hbm>>
        tpu.enqueue_dma source(%dma_start3A_274 : memref<2x128xi32, #tpu.memory_space<hbm>>) target(%arg9 : memref<2x128xi32, #tpu.memory_space<vmem>>) target_semaphore(%arg19 : memref<!tpu.dma_semaphore, #tpu.memory_space<semaphore_mem>>)
      }
      %while3A_117 = arith.constant 1 : i32
      scf.for %while3A_156 = %while3A_115 to %while3A_111 step %while3A_117  : i32 {
        %mul3A_157 = arith.constant 4 : i32
        %mul3A_158 = arith.muli %while3A_156, %mul3A_157 : i32
        %dma_wait3A_159 = arith.constant 0 : i32
        %dma_wait3A_160 = arith.constant 0 : i32
        %dma_wait3A_161 = tpu.memref_slice %arg2[%dma_wait3A_159, %dma_wait3A_160] : memref<10000x64xf32, #tpu.memory_space<hbm>> -> memref<128x64xf32, #tpu.memory_space<hbm>>
        %dma_wait3A_162 = arith.constant 0 : i32
        %dma_wait3A_163 = arith.constant 0 : i32
        %dma_wait3A_164 = tpu.memref_slice %arg2[%dma_wait3A_162, %dma_wait3A_163] : memref<10000x64xf32, #tpu.memory_space<hbm>> -> memref<128x64xf32, #tpu.memory_space<hbm>>
        tpu.wait_dma2 semaphore(%arg20 : memref<!tpu.dma_semaphore, #tpu.memory_space<semaphore_mem>>) src(%dma_wait3A_164 : memref<128x64xf32, #tpu.memory_space<hbm>>) dst(%arg10 : memref<128x64xf32, #tpu.memory_space<vmem>>)
        %run_scoped3A_165 = arith.constant 1 : i32
        "tpu.region"() ({
          %run_scoped3A_275 = tpu.sem_alloc : memref<!tpu.dma_semaphore, #tpu.memory_space<semaphore_mem>>
          %dma_start3A_276 = arith.constant 0 : i32
          %dma_start3A_277 = tpu.memref_slice %arg6[%run_scoped3A_165, %dma_start3A_276] : memref<2x128xi32, #tpu.memory_space<vmem>> -> memref<1x128xi32, #tpu.memory_space<vmem>>
          %dma_start3A_278 = tpu.memref_squeeze %dma_start3A_277 : memref<1x128xi32, #tpu.memory_space<vmem>> -> memref<128xi32, #tpu.memory_space<vmem>>
          %dma_start3A_279 = arith.constant 0 : i32
          %dma_start3A_280 = arith.constant 0 : i32
          %dma_start3A_281 = tpu.memref_slice %arg15[%dma_start3A_279, %dma_start3A_280] : memref<10240x64xf32, #tpu.memory_space<vmem_shared>> -> memref<10240x64xf32, #tpu.memory_space<vmem_shared>>
          tpu.enqueue_indirect_dma source(%arg10 : memref<128x64xf32, #tpu.memory_space<vmem>>) target(%dma_start3A_281 : memref<10240x64xf32, #tpu.memory_space<vmem_shared>>) offsets(%dma_start3A_278 : memref<128xi32, #tpu.memory_space<vmem>>) semaphore(%run_scoped3A_275 : memref<!tpu.dma_semaphore, #tpu.memory_space<semaphore_mem>>) {add = true}
          %dma_wait3A_282 = arith.constant 0 : i32
          %dma_wait3A_283 = tpu.memref_slice %arg6[%run_scoped3A_165, %dma_wait3A_282] : memref<2x128xi32, #tpu.memory_space<vmem>> -> memref<1x128xi32, #tpu.memory_space<vmem>>
          %dma_wait3A_284 = tpu.memref_squeeze %dma_wait3A_283 : memref<1x128xi32, #tpu.memory_space<vmem>> -> memref<128xi32, #tpu.memory_space<vmem>>
          %dma_wait3A_285 = arith.constant 0 : i32
          %dma_wait3A_286 = arith.constant 0 : i32
          %dma_wait3A_287 = tpu.memref_slice %arg15[%dma_wait3A_285, %dma_wait3A_286] : memref<10240x64xf32, #tpu.memory_space<vmem_shared>> -> memref<10240x64xf32, #tpu.memory_space<vmem_shared>>
          tpu.wait_indirect_dma semaphore(%run_scoped3A_275 : memref<!tpu.dma_semaphore, #tpu.memory_space<semaphore_mem>>) src(%arg10 : memref<128x64xf32, #tpu.memory_space<vmem>>) dst(%dma_wait3A_287 : memref<10240x64xf32, #tpu.memory_space<vmem_shared>>)
          tpu.yield
        }) : () -> ()
        %dma_wait3A_166 = arith.constant 0 : i32
        %dma_wait3A_167 = tpu.memref_slice %arg4[%dma_wait3A_166, %mul3A_23] : memref<2x320000xi32, #tpu.memory_space<hbm>> -> memref<2x128xi32, #tpu.memory_space<hbm>>
        %dma_wait3A_168 = arith.constant 0 : i32
        %dma_wait3A_169 = tpu.memref_slice %arg4[%dma_wait3A_168, %mul3A_23] : memref<2x320000xi32, #tpu.memory_space<hbm>> -> memref<2x128xi32, #tpu.memory_space<hbm>>
        tpu.wait_dma2 semaphore(%arg19 : memref<!tpu.dma_semaphore, #tpu.memory_space<semaphore_mem>>) src(%dma_wait3A_169 : memref<2x128xi32, #tpu.memory_space<hbm>>) dst(%arg9 : memref<2x128xi32, #tpu.memory_space<vmem>>)
        %dma_start3A_170 = arith.constant 0 : i32
        %dma_start3A_171 = arith.constant 0 : i32
        %dma_start3A_172 = tpu.memref_slice %arg9[%dma_start3A_170, %dma_start3A_171] : memref<2x128xi32, #tpu.memory_space<vmem>> -> memref<1x128xi32, #tpu.memory_space<vmem>>
        %dma_start3A_173 = tpu.memref_squeeze %dma_start3A_172 : memref<1x128xi32, #tpu.memory_space<vmem>> -> memref<128xi32, #tpu.memory_space<vmem>>
        %dma_start3A_174 = arith.constant 0 : i32
        %dma_start3A_175 = arith.constant 0 : i32
        %dma_start3A_176 = tpu.memref_slice %arg2[%dma_start3A_174, %dma_start3A_175] : memref<10000x64xf32, #tpu.memory_space<hbm>> -> memref<10000x64xf32, #tpu.memory_space<hbm>>
        tpu.enqueue_indirect_dma source(%dma_start3A_176 : memref<10000x64xf32, #tpu.memory_space<hbm>>) target(%arg13 : memref<128x64xf32, #tpu.memory_space<vmem>>) offsets(%dma_start3A_173 : memref<128xi32, #tpu.memory_space<vmem>>) semaphore(%arg23 : memref<!tpu.dma_semaphore, #tpu.memory_space<semaphore_mem>>)
        %add3A_177 = arith.constant 0 : i32
        %add3A_178 = arith.addi %mul3A_158, %add3A_177 : i32
        %add3A_179 = arith.constant 4 : i32
        %add3A_180 = arith.addi %add3A_178, %add3A_179 : i32
        %mul3A_181 = arith.constant 128 : i32
        %mul3A_182 = arith.muli %add3A_180, %mul3A_181 : i32
        %add3A_183 = arith.addi %mul3A_23, %mul3A_182 : i32
        %dma_start3A_184 = arith.constant 0 : i32
        %dma_start3A_185 = tpu.memref_slice %arg4[%dma_start3A_184, %add3A_183] : memref<2x320000xi32, #tpu.memory_space<hbm>> -> memref<2x128xi32, #tpu.memory_space<hbm>>
        %dma_start3A_186 = arith.constant 0 : i32
        %dma_start3A_187 = tpu.memref_slice %arg4[%dma_start3A_186, %add3A_183] : memref<2x320000xi32, #tpu.memory_space<hbm>> -> memref<2x128xi32, #tpu.memory_space<hbm>>
        tpu.enqueue_dma source(%dma_start3A_187 : memref<2x128xi32, #tpu.memory_space<hbm>>) target(%arg6 : memref<2x128xi32, #tpu.memory_space<vmem>>) target_semaphore(%arg16 : memref<!tpu.dma_semaphore, #tpu.memory_space<semaphore_mem>>)
        %dma_wait3A_188 = arith.constant 0 : i32
        %dma_wait3A_189 = arith.constant 0 : i32
        %dma_wait3A_190 = tpu.memref_slice %arg2[%dma_wait3A_188, %dma_wait3A_189] : memref<10000x64xf32, #tpu.memory_space<hbm>> -> memref<128x64xf32, #tpu.memory_space<hbm>>
        %dma_wait3A_191 = arith.constant 0 : i32
        %dma_wait3A_192 = arith.constant 0 : i32
        %dma_wait3A_193 = tpu.memref_slice %arg2[%dma_wait3A_191, %dma_wait3A_192] : memref<10000x64xf32, #tpu.memory_space<hbm>> -> memref<128x64xf32, #tpu.memory_space<hbm>>
        tpu.wait_dma2 semaphore(%arg21 : memref<!tpu.dma_semaphore, #tpu.memory_space<semaphore_mem>>) src(%dma_wait3A_193 : memref<128x64xf32, #tpu.memory_space<hbm>>) dst(%arg11 : memref<128x64xf32, #tpu.memory_space<vmem>>)
        %run_scoped3A_194 = arith.constant 1 : i32
        "tpu.region"() ({
          %run_scoped3A_275 = tpu.sem_alloc : memref<!tpu.dma_semaphore, #tpu.memory_space<semaphore_mem>>
          %dma_start3A_276 = arith.constant 0 : i32
          %dma_start3A_277 = tpu.memref_slice %arg7[%run_scoped3A_194, %dma_start3A_276] : memref<2x128xi32, #tpu.memory_space<vmem>> -> memref<1x128xi32, #tpu.memory_space<vmem>>
          %dma_start3A_278 = tpu.memref_squeeze %dma_start3A_277 : memref<1x128xi32, #tpu.memory_space<vmem>> -> memref<128xi32, #tpu.memory_space<vmem>>
          %dma_start3A_279 = arith.constant 0 : i32
          %dma_start3A_280 = arith.constant 0 : i32
          %dma_start3A_281 = tpu.memref_slice %arg15[%dma_start3A_279, %dma_start3A_280] : memref<10240x64xf32, #tpu.memory_space<vmem_shared>> -> memref<10240x64xf32, #tpu.memory_space<vmem_shared>>
          tpu.enqueue_indirect_dma source(%arg11 : memref<128x64xf32, #tpu.memory_space<vmem>>) target(%dma_start3A_281 : memref<10240x64xf32, #tpu.memory_space<vmem_shared>>) offsets(%dma_start3A_278 : memref<128xi32, #tpu.memory_space<vmem>>) semaphore(%run_scoped3A_275 : memref<!tpu.dma_semaphore, #tpu.memory_space<semaphore_mem>>) {add = true}
          %dma_wait3A_282 = arith.constant 0 : i32
          %dma_wait3A_283 = tpu.memref_slice %arg7[%run_scoped3A_194, %dma_wait3A_282] : memref<2x128xi32, #tpu.memory_space<vmem>> -> memref<1x128xi32, #tpu.memory_space<vmem>>
          %dma_wait3A_284 = tpu.memref_squeeze %dma_wait3A_283 : memref<1x128xi32, #tpu.memory_space<vmem>> -> memref<128xi32, #tpu.memory_space<vmem>>
          %dma_wait3A_285 = arith.constant 0 : i32
          %dma_wait3A_286 = arith.constant 0 : i32
          %dma_wait3A_287 = tpu.memref_slice %arg15[%dma_wait3A_285, %dma_wait3A_286] : memref<10240x64xf32, #tpu.memory_space<vmem_shared>> -> memref<10240x64xf32, #tpu.memory_space<vmem_shared>>
          tpu.wait_indirect_dma semaphore(%run_scoped3A_275 : memref<!tpu.dma_semaphore, #tpu.memory_space<semaphore_mem>>) src(%arg11 : memref<128x64xf32, #tpu.memory_space<vmem>>) dst(%dma_wait3A_287 : memref<10240x64xf32, #tpu.memory_space<vmem_shared>>)
          tpu.yield
        }) : () -> ()
        %dma_wait3A_195 = arith.constant 0 : i32
        %dma_wait3A_196 = tpu.memref_slice %arg4[%dma_wait3A_195, %mul3A_23] : memref<2x320000xi32, #tpu.memory_space<hbm>> -> memref<2x128xi32, #tpu.memory_space<hbm>>
        %dma_wait3A_197 = arith.constant 0 : i32
        %dma_wait3A_198 = tpu.memref_slice %arg4[%dma_wait3A_197, %mul3A_23] : memref<2x320000xi32, #tpu.memory_space<hbm>> -> memref<2x128xi32, #tpu.memory_space<hbm>>
        tpu.wait_dma2 semaphore(%arg16 : memref<!tpu.dma_semaphore, #tpu.memory_space<semaphore_mem>>) src(%dma_wait3A_198 : memref<2x128xi32, #tpu.memory_space<hbm>>) dst(%arg6 : memref<2x128xi32, #tpu.memory_space<vmem>>)
        %dma_start3A_199 = arith.constant 0 : i32
        %dma_start3A_200 = arith.constant 0 : i32
        %dma_start3A_201 = tpu.memref_slice %arg6[%dma_start3A_199, %dma_start3A_200] : memref<2x128xi32, #tpu.memory_space<vmem>> -> memref<1x128xi32, #tpu.memory_space<vmem>>
        %dma_start3A_202 = tpu.memref_squeeze %dma_start3A_201 : memref<1x128xi32, #tpu.memory_space<vmem>> -> memref<128xi32, #tpu.memory_space<vmem>>
        %dma_start3A_203 = arith.constant 0 : i32
        %dma_start3A_204 = arith.constant 0 : i32
        %dma_start3A_205 = tpu.memref_slice %arg2[%dma_start3A_203, %dma_start3A_204] : memref<10000x64xf32, #tpu.memory_space<hbm>> -> memref<10000x64xf32, #tpu.memory_space<hbm>>
        tpu.enqueue_indirect_dma source(%dma_start3A_205 : memref<10000x64xf32, #tpu.memory_space<hbm>>) target(%arg10 : memref<128x64xf32, #tpu.memory_space<vmem>>) offsets(%dma_start3A_202 : memref<128xi32, #tpu.memory_space<vmem>>) semaphore(%arg20 : memref<!tpu.dma_semaphore, #tpu.memory_space<semaphore_mem>>)
        %add3A_206 = arith.constant 1 : i32
        %add3A_207 = arith.addi %mul3A_158, %add3A_206 : i32
        %add3A_208 = arith.constant 4 : i32
        %add3A_209 = arith.addi %add3A_207, %add3A_208 : i32
        %mul3A_210 = arith.constant 128 : i32
        %mul3A_211 = arith.muli %add3A_209, %mul3A_210 : i32
        %add3A_212 = arith.addi %mul3A_23, %mul3A_211 : i32
        %dma_start3A_213 = arith.constant 0 : i32
        %dma_start3A_214 = tpu.memref_slice %arg4[%dma_start3A_213, %add3A_212] : memref<2x320000xi32, #tpu.memory_space<hbm>> -> memref<2x128xi32, #tpu.memory_space<hbm>>
        %dma_start3A_215 = arith.constant 0 : i32
        %dma_start3A_216 = tpu.memref_slice %arg4[%dma_start3A_215, %add3A_212] : memref<2x320000xi32, #tpu.memory_space<hbm>> -> memref<2x128xi32, #tpu.memory_space<hbm>>
        tpu.enqueue_dma source(%dma_start3A_216 : memref<2x128xi32, #tpu.memory_space<hbm>>) target(%arg7 : memref<2x128xi32, #tpu.memory_space<vmem>>) target_semaphore(%arg17 : memref<!tpu.dma_semaphore, #tpu.memory_space<semaphore_mem>>)
        %dma_wait3A_217 = arith.constant 0 : i32
        %dma_wait3A_218 = arith.constant 0 : i32
        %dma_wait3A_219 = tpu.memref_slice %arg2[%dma_wait3A_217, %dma_wait3A_218] : memref<10000x64xf32, #tpu.memory_space<hbm>> -> memref<128x64xf32, #tpu.memory_space<hbm>>
        %dma_wait3A_220 = arith.constant 0 : i32
        %dma_wait3A_221 = arith.constant 0 : i32
        %dma_wait3A_222 = tpu.memref_slice %arg2[%dma_wait3A_220, %dma_wait3A_221] : memref<10000x64xf32, #tpu.memory_space<hbm>> -> memref<128x64xf32, #tpu.memory_space<hbm>>
        tpu.wait_dma2 semaphore(%arg22 : memref<!tpu.dma_semaphore, #tpu.memory_space<semaphore_mem>>) src(%dma_wait3A_222 : memref<128x64xf32, #tpu.memory_space<hbm>>) dst(%arg12 : memref<128x64xf32, #tpu.memory_space<vmem>>)
        %run_scoped3A_223 = arith.constant 1 : i32
        "tpu.region"() ({
          %run_scoped3A_275 = tpu.sem_alloc : memref<!tpu.dma_semaphore, #tpu.memory_space<semaphore_mem>>
          %dma_start3A_276 = arith.constant 0 : i32
          %dma_start3A_277 = tpu.memref_slice %arg8[%run_scoped3A_223, %dma_start3A_276] : memref<2x128xi32, #tpu.memory_space<vmem>> -> memref<1x128xi32, #tpu.memory_space<vmem>>
          %dma_start3A_278 = tpu.memref_squeeze %dma_start3A_277 : memref<1x128xi32, #tpu.memory_space<vmem>> -> memref<128xi32, #tpu.memory_space<vmem>>
          %dma_start3A_279 = arith.constant 0 : i32
          %dma_start3A_280 = arith.constant 0 : i32
          %dma_start3A_281 = tpu.memref_slice %arg15[%dma_start3A_279, %dma_start3A_280] : memref<10240x64xf32, #tpu.memory_space<vmem_shared>> -> memref<10240x64xf32, #tpu.memory_space<vmem_shared>>
          tpu.enqueue_indirect_dma source(%arg12 : memref<128x64xf32, #tpu.memory_space<vmem>>) target(%dma_start3A_281 : memref<10240x64xf32, #tpu.memory_space<vmem_shared>>) offsets(%dma_start3A_278 : memref<128xi32, #tpu.memory_space<vmem>>) semaphore(%run_scoped3A_275 : memref<!tpu.dma_semaphore, #tpu.memory_space<semaphore_mem>>) {add = true}
          %dma_wait3A_282 = arith.constant 0 : i32
          %dma_wait3A_283 = tpu.memref_slice %arg8[%run_scoped3A_223, %dma_wait3A_282] : memref<2x128xi32, #tpu.memory_space<vmem>> -> memref<1x128xi32, #tpu.memory_space<vmem>>
          %dma_wait3A_284 = tpu.memref_squeeze %dma_wait3A_283 : memref<1x128xi32, #tpu.memory_space<vmem>> -> memref<128xi32, #tpu.memory_space<vmem>>
          %dma_wait3A_285 = arith.constant 0 : i32
          %dma_wait3A_286 = arith.constant 0 : i32
          %dma_wait3A_287 = tpu.memref_slice %arg15[%dma_wait3A_285, %dma_wait3A_286] : memref<10240x64xf32, #tpu.memory_space<vmem_shared>> -> memref<10240x64xf32, #tpu.memory_space<vmem_shared>>
          tpu.wait_indirect_dma semaphore(%run_scoped3A_275 : memref<!tpu.dma_semaphore, #tpu.memory_space<semaphore_mem>>) src(%arg12 : memref<128x64xf32, #tpu.memory_space<vmem>>) dst(%dma_wait3A_287 : memref<10240x64xf32, #tpu.memory_space<vmem_shared>>)
          tpu.yield
        }) : () -> ()
        %dma_wait3A_224 = arith.constant 0 : i32
        %dma_wait3A_225 = tpu.memref_slice %arg4[%dma_wait3A_224, %mul3A_23] : memref<2x320000xi32, #tpu.memory_space<hbm>> -> memref<2x128xi32, #tpu.memory_space<hbm>>
        %dma_wait3A_226 = arith.constant 0 : i32
        %dma_wait3A_227 = tpu.memref_slice %arg4[%dma_wait3A_226, %mul3A_23] : memref<2x320000xi32, #tpu.memory_space<hbm>> -> memref<2x128xi32, #tpu.memory_space<hbm>>
        tpu.wait_dma2 semaphore(%arg17 : memref<!tpu.dma_semaphore, #tpu.memory_space<semaphore_mem>>) src(%dma_wait3A_227 : memref<2x128xi32, #tpu.memory_space<hbm>>) dst(%arg7 : memref<2x128xi32, #tpu.memory_space<vmem>>)
        %dma_start3A_228 = arith.constant 0 : i32
        %dma_start3A_229 = arith.constant 0 : i32
        %dma_start3A_230 = tpu.memref_slice %arg7[%dma_start3A_228, %dma_start3A_229] : memref<2x128xi32, #tpu.memory_space<vmem>> -> memref<1x128xi32, #tpu.memory_space<vmem>>
        %dma_start3A_231 = tpu.memref_squeeze %dma_start3A_230 : memref<1x128xi32, #tpu.memory_space<vmem>> -> memref<128xi32, #tpu.memory_space<vmem>>
        %dma_start3A_232 = arith.constant 0 : i32
        %dma_start3A_233 = arith.constant 0 : i32
        %dma_start3A_234 = tpu.memref_slice %arg2[%dma_start3A_232, %dma_start3A_233] : memref<10000x64xf32, #tpu.memory_space<hbm>> -> memref<10000x64xf32, #tpu.memory_space<hbm>>
        tpu.enqueue_indirect_dma source(%dma_start3A_234 : memref<10000x64xf32, #tpu.memory_space<hbm>>) target(%arg11 : memref<128x64xf32, #tpu.memory_space<vmem>>) offsets(%dma_start3A_231 : memref<128xi32, #tpu.memory_space<vmem>>) semaphore(%arg21 : memref<!tpu.dma_semaphore, #tpu.memory_space<semaphore_mem>>)
        %add3A_235 = arith.constant 2 : i32
        %add3A_236 = arith.addi %mul3A_158, %add3A_235 : i32
        %add3A_237 = arith.constant 4 : i32
        %add3A_238 = arith.addi %add3A_236, %add3A_237 : i32
        %mul3A_239 = arith.constant 128 : i32
        %mul3A_240 = arith.muli %add3A_238, %mul3A_239 : i32
        %add3A_241 = arith.addi %mul3A_23, %mul3A_240 : i32
        %dma_start3A_242 = arith.constant 0 : i32
        %dma_start3A_243 = tpu.memref_slice %arg4[%dma_start3A_242, %add3A_241] : memref<2x320000xi32, #tpu.memory_space<hbm>> -> memref<2x128xi32, #tpu.memory_space<hbm>>
        %dma_start3A_244 = arith.constant 0 : i32
        %dma_start3A_245 = tpu.memref_slice %arg4[%dma_start3A_244, %add3A_241] : memref<2x320000xi32, #tpu.memory_space<hbm>> -> memref<2x128xi32, #tpu.memory_space<hbm>>
        tpu.enqueue_dma source(%dma_start3A_245 : memref<2x128xi32, #tpu.memory_space<hbm>>) target(%arg8 : memref<2x128xi32, #tpu.memory_space<vmem>>) target_semaphore(%arg18 : memref<!tpu.dma_semaphore, #tpu.memory_space<semaphore_mem>>)
        %dma_wait3A_246 = arith.constant 0 : i32
        %dma_wait3A_247 = arith.constant 0 : i32
        %dma_wait3A_248 = tpu.memref_slice %arg2[%dma_wait3A_246, %dma_wait3A_247] : memref<10000x64xf32, #tpu.memory_space<hbm>> -> memref<128x64xf32, #tpu.memory_space<hbm>>
        %dma_wait3A_249 = arith.constant 0 : i32
        %dma_wait3A_250 = arith.constant 0 : i32
        %dma_wait3A_251 = tpu.memref_slice %arg2[%dma_wait3A_249, %dma_wait3A_250] : memref<10000x64xf32, #tpu.memory_space<hbm>> -> memref<128x64xf32, #tpu.memory_space<hbm>>
        tpu.wait_dma2 semaphore(%arg23 : memref<!tpu.dma_semaphore, #tpu.memory_space<semaphore_mem>>) src(%dma_wait3A_251 : memref<128x64xf32, #tpu.memory_space<hbm>>) dst(%arg13 : memref<128x64xf32, #tpu.memory_space<vmem>>)
        %run_scoped3A_252 = arith.constant 1 : i32
        "tpu.region"() ({
          %run_scoped3A_275 = tpu.sem_alloc : memref<!tpu.dma_semaphore, #tpu.memory_space<semaphore_mem>>
          %dma_start3A_276 = arith.constant 0 : i32
          %dma_start3A_277 = tpu.memref_slice %arg9[%run_scoped3A_252, %dma_start3A_276] : memref<2x128xi32, #tpu.memory_space<vmem>> -> memref<1x128xi32, #tpu.memory_space<vmem>>
          %dma_start3A_278 = tpu.memref_squeeze %dma_start3A_277 : memref<1x128xi32, #tpu.memory_space<vmem>> -> memref<128xi32, #tpu.memory_space<vmem>>
          %dma_start3A_279 = arith.constant 0 : i32
          %dma_start3A_280 = arith.constant 0 : i32
          %dma_start3A_281 = tpu.memref_slice %arg15[%dma_start3A_279, %dma_start3A_280] : memref<10240x64xf32, #tpu.memory_space<vmem_shared>> -> memref<10240x64xf32, #tpu.memory_space<vmem_shared>>
          tpu.enqueue_indirect_dma source(%arg13 : memref<128x64xf32, #tpu.memory_space<vmem>>) target(%dma_start3A_281 : memref<10240x64xf32, #tpu.memory_space<vmem_shared>>) offsets(%dma_start3A_278 : memref<128xi32, #tpu.memory_space<vmem>>) semaphore(%run_scoped3A_275 : memref<!tpu.dma_semaphore, #tpu.memory_space<semaphore_mem>>) {add = true}
          %dma_wait3A_282 = arith.constant 0 : i32
          %dma_wait3A_283 = tpu.memref_slice %arg9[%run_scoped3A_252, %dma_wait3A_282] : memref<2x128xi32, #tpu.memory_space<vmem>> -> memref<1x128xi32, #tpu.memory_space<vmem>>
          %dma_wait3A_284 = tpu.memref_squeeze %dma_wait3A_283 : memref<1x128xi32, #tpu.memory_space<vmem>> -> memref<128xi32, #tpu.memory_space<vmem>>
          %dma_wait3A_285 = arith.constant 0 : i32
          %dma_wait3A_286 = arith.constant 0 : i32
          %dma_wait3A_287 = tpu.memref_slice %arg15[%dma_wait3A_285, %dma_wait3A_286] : memref<10240x64xf32, #tpu.memory_space<vmem_shared>> -> memref<10240x64xf32, #tpu.memory_space<vmem_shared>>
          tpu.wait_indirect_dma semaphore(%run_scoped3A_275 : memref<!tpu.dma_semaphore, #tpu.memory_space<semaphore_mem>>) src(%arg13 : memref<128x64xf32, #tpu.memory_space<vmem>>) dst(%dma_wait3A_287 : memref<10240x64xf32, #tpu.memory_space<vmem_shared>>)
          tpu.yield
        }) : () -> ()
        %dma_wait3A_253 = arith.constant 0 : i32
        %dma_wait3A_254 = tpu.memref_slice %arg4[%dma_wait3A_253, %mul3A_23] : memref<2x320000xi32, #tpu.memory_space<hbm>> -> memref<2x128xi32, #tpu.memory_space<hbm>>
        %dma_wait3A_255 = arith.constant 0 : i32
        %dma_wait3A_256 = tpu.memref_slice %arg4[%dma_wait3A_255, %mul3A_23] : memref<2x320000xi32, #tpu.memory_space<hbm>> -> memref<2x128xi32, #tpu.memory_space<hbm>>
        tpu.wait_dma2 semaphore(%arg18 : memref<!tpu.dma_semaphore, #tpu.memory_space<semaphore_mem>>) src(%dma_wait3A_256 : memref<2x128xi32, #tpu.memory_space<hbm>>) dst(%arg8 : memref<2x128xi32, #tpu.memory_space<vmem>>)
        %dma_start3A_257 = arith.constant 0 : i32
        %dma_start3A_258 = arith.constant 0 : i32
        %dma_start3A_259 = tpu.memref_slice %arg8[%dma_start3A_257, %dma_start3A_258] : memref<2x128xi32, #tpu.memory_space<vmem>> -> memref<1x128xi32, #tpu.memory_space<vmem>>
        %dma_start3A_260 = tpu.memref_squeeze %dma_start3A_259 : memref<1x128xi32, #tpu.memory_space<vmem>> -> memref<128xi32, #tpu.memory_space<vmem>>
        %dma_start3A_261 = arith.constant 0 : i32
        %dma_start3A_262 = arith.constant 0 : i32
        %dma_start3A_263 = tpu.memref_slice %arg2[%dma_start3A_261, %dma_start3A_262] : memref<10000x64xf32, #tpu.memory_space<hbm>> -> memref<10000x64xf32, #tpu.memory_space<hbm>>
        tpu.enqueue_indirect_dma source(%dma_start3A_263 : memref<10000x64xf32, #tpu.memory_space<hbm>>) target(%arg12 : memref<128x64xf32, #tpu.memory_space<vmem>>) offsets(%dma_start3A_260 : memref<128xi32, #tpu.memory_space<vmem>>) semaphore(%arg22 : memref<!tpu.dma_semaphore, #tpu.memory_space<semaphore_mem>>)
        %add3A_264 = arith.constant 3 : i32
        %add3A_265 = arith.addi %mul3A_158, %add3A_264 : i32
        %add3A_266 = arith.constant 4 : i32
        %add3A_267 = arith.addi %add3A_265, %add3A_266 : i32
        %mul3A_268 = arith.constant 128 : i32
        %mul3A_269 = arith.muli %add3A_267, %mul3A_268 : i32
        %add3A_270 = arith.addi %mul3A_23, %mul3A_269 : i32
        %dma_start3A_271 = arith.constant 0 : i32
        %dma_start3A_272 = tpu.memref_slice %arg4[%dma_start3A_271, %add3A_270] : memref<2x320000xi32, #tpu.memory_space<hbm>> -> memref<2x128xi32, #tpu.memory_space<hbm>>
        %dma_start3A_273 = arith.constant 0 : i32
        %dma_start3A_274 = tpu.memref_slice %arg4[%dma_start3A_273, %add3A_270] : memref<2x320000xi32, #tpu.memory_space<hbm>> -> memref<2x128xi32, #tpu.memory_space<hbm>>
        tpu.enqueue_dma source(%dma_start3A_274 : memref<2x128xi32, #tpu.memory_space<hbm>>) target(%arg9 : memref<2x128xi32, #tpu.memory_space<vmem>>) target_semaphore(%arg19 : memref<!tpu.dma_semaphore, #tpu.memory_space<semaphore_mem>>)
      }
      %dma_wait3A_118 = arith.constant 0 : i32
      %dma_wait3A_119 = arith.constant 0 : i32
      %dma_wait3A_120 = tpu.memref_slice %arg2[%dma_wait3A_118, %dma_wait3A_119] : memref<10000x64xf32, #tpu.memory_space<hbm>> -> memref<128x64xf32, #tpu.memory_space<hbm>>
      %dma_wait3A_121 = arith.constant 0 : i32
      %dma_wait3A_122 = arith.constant 0 : i32
      %dma_wait3A_123 = tpu.memref_slice %arg2[%dma_wait3A_121, %dma_wait3A_122] : memref<10000x64xf32, #tpu.memory_space<hbm>> -> memref<128x64xf32, #tpu.memory_space<hbm>>
      tpu.wait_dma2 semaphore(%arg20 : memref<!tpu.dma_semaphore, #tpu.memory_space<semaphore_mem>>) src(%dma_wait3A_123 : memref<128x64xf32, #tpu.memory_space<hbm>>) dst(%arg10 : memref<128x64xf32, #tpu.memory_space<vmem>>)
      %run_scoped3A = arith.constant 1 : i32
      "tpu.region"() ({
        %run_scoped3A_156 = tpu.sem_alloc : memref<!tpu.dma_semaphore, #tpu.memory_space<semaphore_mem>>
        %dma_start3A_157 = arith.constant 0 : i32
        %dma_start3A_158 = tpu.memref_slice %arg6[%run_scoped3A, %dma_start3A_157] : memref<2x128xi32, #tpu.memory_space<vmem>> -> memref<1x128xi32, #tpu.memory_space<vmem>>
        %dma_start3A_159 = tpu.memref_squeeze %dma_start3A_158 : memref<1x128xi32, #tpu.memory_space<vmem>> -> memref<128xi32, #tpu.memory_space<vmem>>
        %dma_start3A_160 = arith.constant 0 : i32
        %dma_start3A_161 = arith.constant 0 : i32
        %dma_start3A_162 = tpu.memref_slice %arg15[%dma_start3A_160, %dma_start3A_161] : memref<10240x64xf32, #tpu.memory_space<vmem_shared>> -> memref<10240x64xf32, #tpu.memory_space<vmem_shared>>
        tpu.enqueue_indirect_dma source(%arg10 : memref<128x64xf32, #tpu.memory_space<vmem>>) target(%dma_start3A_162 : memref<10240x64xf32, #tpu.memory_space<vmem_shared>>) offsets(%dma_start3A_159 : memref<128xi32, #tpu.memory_space<vmem>>) semaphore(%run_scoped3A_156 : memref<!tpu.dma_semaphore, #tpu.memory_space<semaphore_mem>>) {add = true}
        %dma_wait3A_163 = arith.constant 0 : i32
        %dma_wait3A_164 = tpu.memref_slice %arg6[%run_scoped3A, %dma_wait3A_163] : memref<2x128xi32, #tpu.memory_space<vmem>> -> memref<1x128xi32, #tpu.memory_space<vmem>>
        %dma_wait3A_165 = tpu.memref_squeeze %dma_wait3A_164 : memref<1x128xi32, #tpu.memory_space<vmem>> -> memref<128xi32, #tpu.memory_space<vmem>>
        %dma_wait3A_166 = arith.constant 0 : i32
        %dma_wait3A_167 = arith.constant 0 : i32
        %dma_wait3A_168 = tpu.memref_slice %arg15[%dma_wait3A_166, %dma_wait3A_167] : memref<10240x64xf32, #tpu.memory_space<vmem_shared>> -> memref<10240x64xf32, #tpu.memory_space<vmem_shared>>
        tpu.wait_indirect_dma semaphore(%run_scoped3A_156 : memref<!tpu.dma_semaphore, #tpu.memory_space<semaphore_mem>>) src(%arg10 : memref<128x64xf32, #tpu.memory_space<vmem>>) dst(%dma_wait3A_168 : memref<10240x64xf32, #tpu.memory_space<vmem_shared>>)
        tpu.yield
      }) : () -> ()
      %dma_wait3A_124 = arith.constant 0 : i32
      %dma_wait3A_125 = tpu.memref_slice %arg4[%dma_wait3A_124, %mul3A_23] : memref<2x320000xi32, #tpu.memory_space<hbm>> -> memref<2x128xi32, #tpu.memory_space<hbm>>
      %dma_wait3A_126 = arith.constant 0 : i32
      %dma_wait3A_127 = tpu.memref_slice %arg4[%dma_wait3A_126, %mul3A_23] : memref<2x320000xi32, #tpu.memory_space<hbm>> -> memref<2x128xi32, #tpu.memory_space<hbm>>
      tpu.wait_dma2 semaphore(%arg19 : memref<!tpu.dma_semaphore, #tpu.memory_space<semaphore_mem>>) src(%dma_wait3A_127 : memref<2x128xi32, #tpu.memory_space<hbm>>) dst(%arg9 : memref<2x128xi32, #tpu.memory_space<vmem>>)
      %dma_start3A_128 = arith.constant 0 : i32
      %dma_start3A_129 = arith.constant 0 : i32
      %dma_start3A_130 = tpu.memref_slice %arg9[%dma_start3A_128, %dma_start3A_129] : memref<2x128xi32, #tpu.memory_space<vmem>> -> memref<1x128xi32, #tpu.memory_space<vmem>>
      %dma_start3A_131 = tpu.memref_squeeze %dma_start3A_130 : memref<1x128xi32, #tpu.memory_space<vmem>> -> memref<128xi32, #tpu.memory_space<vmem>>
      %dma_start3A_132 = arith.constant 0 : i32
      %dma_start3A_133 = arith.constant 0 : i32
      %dma_start3A_134 = tpu.memref_slice %arg2[%dma_start3A_132, %dma_start3A_133] : memref<10000x64xf32, #tpu.memory_space<hbm>> -> memref<10000x64xf32, #tpu.memory_space<hbm>>
      tpu.enqueue_indirect_dma source(%dma_start3A_134 : memref<10000x64xf32, #tpu.memory_space<hbm>>) target(%arg13 : memref<128x64xf32, #tpu.memory_space<vmem>>) offsets(%dma_start3A_131 : memref<128xi32, #tpu.memory_space<vmem>>) semaphore(%arg23 : memref<!tpu.dma_semaphore, #tpu.memory_space<semaphore_mem>>)
      %dma_wait3A_135 = arith.constant 0 : i32
      %dma_wait3A_136 = arith.constant 0 : i32
      %dma_wait3A_137 = tpu.memref_slice %arg2[%dma_wait3A_135, %dma_wait3A_136] : memref<10000x64xf32, #tpu.memory_space<hbm>> -> memref<128x64xf32, #tpu.memory_space<hbm>>
      %dma_wait3A_138 = arith.constant 0 : i32
      %dma_wait3A_139 = arith.constant 0 : i32
      %dma_wait3A_140 = tpu.memref_slice %arg2[%dma_wait3A_138, %dma_wait3A_139] : memref<10000x64xf32, #tpu.memory_space<hbm>> -> memref<128x64xf32, #tpu.memory_space<hbm>>
      tpu.wait_dma2 semaphore(%arg21 : memref<!tpu.dma_semaphore, #tpu.memory_space<semaphore_mem>>) src(%dma_wait3A_140 : memref<128x64xf32, #tpu.memory_space<hbm>>) dst(%arg11 : memref<128x64xf32, #tpu.memory_space<vmem>>)
      %run_scoped3A_141 = arith.constant 1 : i32
      "tpu.region"() ({
        %run_scoped3A_156 = tpu.sem_alloc : memref<!tpu.dma_semaphore, #tpu.memory_space<semaphore_mem>>
        %dma_start3A_157 = arith.constant 0 : i32
        %dma_start3A_158 = tpu.memref_slice %arg7[%run_scoped3A_141, %dma_start3A_157] : memref<2x128xi32, #tpu.memory_space<vmem>> -> memref<1x128xi32, #tpu.memory_space<vmem>>
        %dma_start3A_159 = tpu.memref_squeeze %dma_start3A_158 : memref<1x128xi32, #tpu.memory_space<vmem>> -> memref<128xi32, #tpu.memory_space<vmem>>
        %dma_start3A_160 = arith.constant 0 : i32
        %dma_start3A_161 = arith.constant 0 : i32
        %dma_start3A_162 = tpu.memref_slice %arg15[%dma_start3A_160, %dma_start3A_161] : memref<10240x64xf32, #tpu.memory_space<vmem_shared>> -> memref<10240x64xf32, #tpu.memory_space<vmem_shared>>
        tpu.enqueue_indirect_dma source(%arg11 : memref<128x64xf32, #tpu.memory_space<vmem>>) target(%dma_start3A_162 : memref<10240x64xf32, #tpu.memory_space<vmem_shared>>) offsets(%dma_start3A_159 : memref<128xi32, #tpu.memory_space<vmem>>) semaphore(%run_scoped3A_156 : memref<!tpu.dma_semaphore, #tpu.memory_space<semaphore_mem>>) {add = true}
        %dma_wait3A_163 = arith.constant 0 : i32
        %dma_wait3A_164 = tpu.memref_slice %arg7[%run_scoped3A_141, %dma_wait3A_163] : memref<2x128xi32, #tpu.memory_space<vmem>> -> memref<1x128xi32, #tpu.memory_space<vmem>>
        %dma_wait3A_165 = tpu.memref_squeeze %dma_wait3A_164 : memref<1x128xi32, #tpu.memory_space<vmem>> -> memref<128xi32, #tpu.memory_space<vmem>>
        %dma_wait3A_166 = arith.constant 0 : i32
        %dma_wait3A_167 = arith.constant 0 : i32
        %dma_wait3A_168 = tpu.memref_slice %arg15[%dma_wait3A_166, %dma_wait3A_167] : memref<10240x64xf32, #tpu.memory_space<vmem_shared>> -> memref<10240x64xf32, #tpu.memory_space<vmem_shared>>
        tpu.wait_indirect_dma semaphore(%run_scoped3A_156 : memref<!tpu.dma_semaphore, #tpu.memory_space<semaphore_mem>>) src(%arg11 : memref<128x64xf32, #tpu.memory_space<vmem>>) dst(%dma_wait3A_168 : memref<10240x64xf32, #tpu.memory_space<vmem_shared>>)
        tpu.yield
      }) : () -> ()
      %dma_wait3A_142 = arith.constant 0 : i32
      %dma_wait3A_143 = arith.constant 0 : i32
      %dma_wait3A_144 = tpu.memref_slice %arg2[%dma_wait3A_142, %dma_wait3A_143] : memref<10000x64xf32, #tpu.memory_space<hbm>> -> memref<128x64xf32, #tpu.memory_space<hbm>>
      %dma_wait3A_145 = arith.constant 0 : i32
      %dma_wait3A_146 = arith.constant 0 : i32
      %dma_wait3A_147 = tpu.memref_slice %arg2[%dma_wait3A_145, %dma_wait3A_146] : memref<10000x64xf32, #tpu.memory_space<hbm>> -> memref<128x64xf32, #tpu.memory_space<hbm>>
      tpu.wait_dma2 semaphore(%arg22 : memref<!tpu.dma_semaphore, #tpu.memory_space<semaphore_mem>>) src(%dma_wait3A_147 : memref<128x64xf32, #tpu.memory_space<hbm>>) dst(%arg12 : memref<128x64xf32, #tpu.memory_space<vmem>>)
      %run_scoped3A_148 = arith.constant 1 : i32
      "tpu.region"() ({
        %run_scoped3A_156 = tpu.sem_alloc : memref<!tpu.dma_semaphore, #tpu.memory_space<semaphore_mem>>
        %dma_start3A_157 = arith.constant 0 : i32
        %dma_start3A_158 = tpu.memref_slice %arg8[%run_scoped3A_148, %dma_start3A_157] : memref<2x128xi32, #tpu.memory_space<vmem>> -> memref<1x128xi32, #tpu.memory_space<vmem>>
        %dma_start3A_159 = tpu.memref_squeeze %dma_start3A_158 : memref<1x128xi32, #tpu.memory_space<vmem>> -> memref<128xi32, #tpu.memory_space<vmem>>
        %dma_start3A_160 = arith.constant 0 : i32
        %dma_start3A_161 = arith.constant 0 : i32
        %dma_start3A_162 = tpu.memref_slice %arg15[%dma_start3A_160, %dma_start3A_161] : memref<10240x64xf32, #tpu.memory_space<vmem_shared>> -> memref<10240x64xf32, #tpu.memory_space<vmem_shared>>
        tpu.enqueue_indirect_dma source(%arg12 : memref<128x64xf32, #tpu.memory_space<vmem>>) target(%dma_start3A_162 : memref<10240x64xf32, #tpu.memory_space<vmem_shared>>) offsets(%dma_start3A_159 : memref<128xi32, #tpu.memory_space<vmem>>) semaphore(%run_scoped3A_156 : memref<!tpu.dma_semaphore, #tpu.memory_space<semaphore_mem>>) {add = true}
        %dma_wait3A_163 = arith.constant 0 : i32
        %dma_wait3A_164 = tpu.memref_slice %arg8[%run_scoped3A_148, %dma_wait3A_163] : memref<2x128xi32, #tpu.memory_space<vmem>> -> memref<1x128xi32, #tpu.memory_space<vmem>>
        %dma_wait3A_165 = tpu.memref_squeeze %dma_wait3A_164 : memref<1x128xi32, #tpu.memory_space<vmem>> -> memref<128xi32, #tpu.memory_space<vmem>>
        %dma_wait3A_166 = arith.constant 0 : i32
        %dma_wait3A_167 = arith.constant 0 : i32
        %dma_wait3A_168 = tpu.memref_slice %arg15[%dma_wait3A_166, %dma_wait3A_167] : memref<10240x64xf32, #tpu.memory_space<vmem_shared>> -> memref<10240x64xf32, #tpu.memory_space<vmem_shared>>
        tpu.wait_indirect_dma semaphore(%run_scoped3A_156 : memref<!tpu.dma_semaphore, #tpu.memory_space<semaphore_mem>>) src(%arg12 : memref<128x64xf32, #tpu.memory_space<vmem>>) dst(%dma_wait3A_168 : memref<10240x64xf32, #tpu.memory_space<vmem_shared>>)
        tpu.yield
      }) : () -> ()
      %dma_wait3A_149 = arith.constant 0 : i32
      %dma_wait3A_150 = arith.constant 0 : i32
      %dma_wait3A_151 = tpu.memref_slice %arg2[%dma_wait3A_149, %dma_wait3A_150] : memref<10000x64xf32, #tpu.memory_space<hbm>> -> memref<128x64xf32, #tpu.memory_space<hbm>>
      %dma_wait3A_152 = arith.constant 0 : i32
      %dma_wait3A_153 = arith.constant 0 : i32
      %dma_wait3A_154 = tpu.memref_slice %arg2[%dma_wait3A_152, %dma_wait3A_153] : memref<10000x64xf32, #tpu.memory_space<hbm>> -> memref<128x64xf32, #tpu.memory_space<hbm>>
      tpu.wait_dma2 semaphore(%arg23 : memref<!tpu.dma_semaphore, #tpu.memory_space<semaphore_mem>>) src(%dma_wait3A_154 : memref<128x64xf32, #tpu.memory_space<hbm>>) dst(%arg13 : memref<128x64xf32, #tpu.memory_space<vmem>>)
      %run_scoped3A_155 = arith.constant 1 : i32
      "tpu.region"() ({
        %run_scoped3A_156 = tpu.sem_alloc : memref<!tpu.dma_semaphore, #tpu.memory_space<semaphore_mem>>
        %dma_start3A_157 = arith.constant 0 : i32
        %dma_start3A_158 = tpu.memref_slice %arg9[%run_scoped3A_155, %dma_start3A_157] : memref<2x128xi32, #tpu.memory_space<vmem>> -> memref<1x128xi32, #tpu.memory_space<vmem>>
        %dma_start3A_159 = tpu.memref_squeeze %dma_start3A_158 : memref<1x128xi32, #tpu.memory_space<vmem>> -> memref<128xi32, #tpu.memory_space<vmem>>
        %dma_start3A_160 = arith.constant 0 : i32
        %dma_start3A_161 = arith.constant 0 : i32
        %dma_start3A_162 = tpu.memref_slice %arg15[%dma_start3A_160, %dma_start3A_161] : memref<10240x64xf32, #tpu.memory_space<vmem_shared>> -> memref<10240x64xf32, #tpu.memory_space<vmem_shared>>
        tpu.enqueue_indirect_dma source(%arg13 : memref<128x64xf32, #tpu.memory_space<vmem>>) target(%dma_start3A_162 : memref<10240x64xf32, #tpu.memory_space<vmem_shared>>) offsets(%dma_start3A_159 : memref<128xi32, #tpu.memory_space<vmem>>) semaphore(%run_scoped3A_156 : memref<!tpu.dma_semaphore, #tpu.memory_space<semaphore_mem>>) {add = true}
        %dma_wait3A_163 = arith.constant 0 : i32
        %dma_wait3A_164 = tpu.memref_slice %arg9[%run_scoped3A_155, %dma_wait3A_163] : memref<2x128xi32, #tpu.memory_space<vmem>> -> memref<1x128xi32, #tpu.memory_space<vmem>>
        %dma_wait3A_165 = tpu.memref_squeeze %dma_wait3A_164 : memref<1x128xi32, #tpu.memory_space<vmem>> -> memref<128xi32, #tpu.memory_space<vmem>>
        %dma_wait3A_166 = arith.constant 0 : i32
        %dma_wait3A_167 = arith.constant 0 : i32
        %dma_wait3A_168 = tpu.memref_slice %arg15[%dma_wait3A_166, %dma_wait3A_167] : memref<10240x64xf32, #tpu.memory_space<vmem_shared>> -> memref<10240x64xf32, #tpu.memory_space<vmem_shared>>
        tpu.wait_indirect_dma semaphore(%run_scoped3A_156 : memref<!tpu.dma_semaphore, #tpu.memory_space<semaphore_mem>>) src(%arg13 : memref<128x64xf32, #tpu.memory_space<vmem>>) dst(%dma_wait3A_168 : memref<10240x64xf32, #tpu.memory_space<vmem_shared>>)
        tpu.yield
      }) : () -> ()
    } else {
    }
    %eq3A_28 = arith.constant 1 : i32
    %eq3A_29 = arith.cmpi eq, %arg0, %eq3A_28 : i32
    %convert_element_type3A_30 = arith.extui %eq3A_29 : i1 to i32
    %cond3A_31 = arith.constant 0 : i32
    %cond3A_32 = arith.cmpi ne, %convert_element_type3A_30, %cond3A_31 : i32
    scf.if %cond3A_32 {
      %add3A_34 = arith.constant 0 : i32
      %add3A_35 = arith.addi %mul3A_23, %add3A_34 : i32
      %dma_start3A = arith.constant 0 : i32
      %dma_start3A_36 = tpu.memref_slice %arg4[%dma_start3A, %add3A_35] : memref<2x320000xi32, #tpu.memory_space<hbm>> -> memref<2x128xi32, #tpu.memory_space<hbm>>
      %dma_start3A_37 = arith.constant 0 : i32
      %dma_start3A_38 = tpu.memref_slice %arg4[%dma_start3A_37, %add3A_35] : memref<2x320000xi32, #tpu.memory_space<hbm>> -> memref<2x128xi32, #tpu.memory_space<hbm>>
      tpu.enqueue_dma source(%dma_start3A_38 : memref<2x128xi32, #tpu.memory_space<hbm>>) target(%arg6 : memref<2x128xi32, #tpu.memory_space<vmem>>) target_semaphore(%arg16 : memref<!tpu.dma_semaphore, #tpu.memory_space<semaphore_mem>>)
      %add3A_39 = arith.constant 128 : i32
      %add3A_40 = arith.addi %mul3A_23, %add3A_39 : i32
      %dma_start3A_41 = arith.constant 0 : i32
      %dma_start3A_42 = tpu.memref_slice %arg4[%dma_start3A_41, %add3A_40] : memref<2x320000xi32, #tpu.memory_space<hbm>> -> memref<2x128xi32, #tpu.memory_space<hbm>>
      %dma_start3A_43 = arith.constant 0 : i32
      %dma_start3A_44 = tpu.memref_slice %arg4[%dma_start3A_43, %add3A_40] : memref<2x320000xi32, #tpu.memory_space<hbm>> -> memref<2x128xi32, #tpu.memory_space<hbm>>
      tpu.enqueue_dma source(%dma_start3A_44 : memref<2x128xi32, #tpu.memory_space<hbm>>) target(%arg7 : memref<2x128xi32, #tpu.memory_space<vmem>>) target_semaphore(%arg17 : memref<!tpu.dma_semaphore, #tpu.memory_space<semaphore_mem>>)
      %add3A_45 = arith.constant 256 : i32
      %add3A_46 = arith.addi %mul3A_23, %add3A_45 : i32
      %dma_start3A_47 = arith.constant 0 : i32
      %dma_start3A_48 = tpu.memref_slice %arg4[%dma_start3A_47, %add3A_46] : memref<2x320000xi32, #tpu.memory_space<hbm>> -> memref<2x128xi32, #tpu.memory_space<hbm>>
      %dma_start3A_49 = arith.constant 0 : i32
      %dma_start3A_50 = tpu.memref_slice %arg4[%dma_start3A_49, %add3A_46] : memref<2x320000xi32, #tpu.memory_space<hbm>> -> memref<2x128xi32, #tpu.memory_space<hbm>>
      tpu.enqueue_dma source(%dma_start3A_50 : memref<2x128xi32, #tpu.memory_space<hbm>>) target(%arg8 : memref<2x128xi32, #tpu.memory_space<vmem>>) target_semaphore(%arg18 : memref<!tpu.dma_semaphore, #tpu.memory_space<semaphore_mem>>)
      %add3A_51 = arith.constant 384 : i32
      %add3A_52 = arith.addi %mul3A_23, %add3A_51 : i32
      %dma_start3A_53 = arith.constant 0 : i32
      %dma_start3A_54 = tpu.memref_slice %arg4[%dma_start3A_53, %add3A_52] : memref<2x320000xi32, #tpu.memory_space<hbm>> -> memref<2x128xi32, #tpu.memory_space<hbm>>
      %dma_start3A_55 = arith.constant 0 : i32
      %dma_start3A_56 = tpu.memref_slice %arg4[%dma_start3A_55, %add3A_52] : memref<2x320000xi32, #tpu.memory_space<hbm>> -> memref<2x128xi32, #tpu.memory_space<hbm>>
      tpu.enqueue_dma source(%dma_start3A_56 : memref<2x128xi32, #tpu.memory_space<hbm>>) target(%arg9 : memref<2x128xi32, #tpu.memory_space<vmem>>) target_semaphore(%arg19 : memref<!tpu.dma_semaphore, #tpu.memory_space<semaphore_mem>>)
      %dma_wait3A = arith.constant 0 : i32
      %dma_wait3A_57 = tpu.memref_slice %arg4[%dma_wait3A, %mul3A_23] : memref<2x320000xi32, #tpu.memory_space<hbm>> -> memref<2x128xi32, #tpu.memory_space<hbm>>
      %dma_wait3A_58 = arith.constant 0 : i32
      %dma_wait3A_59 = tpu.memref_slice %arg4[%dma_wait3A_58, %mul3A_23] : memref<2x320000xi32, #tpu.memory_space<hbm>> -> memref<2x128xi32, #tpu.memory_space<hbm>>
      tpu.wait_dma2 semaphore(%arg16 : memref<!tpu.dma_semaphore, #tpu.memory_space<semaphore_mem>>) src(%dma_wait3A_59 : memref<2x128xi32, #tpu.memory_space<hbm>>) dst(%arg6 : memref<2x128xi32, #tpu.memory_space<vmem>>)
      %dma_start3A_60 = arith.constant 0 : i32
      %dma_start3A_61 = arith.constant 0 : i32
      %dma_start3A_62 = tpu.memref_slice %arg6[%dma_start3A_60, %dma_start3A_61] : memref<2x128xi32, #tpu.memory_space<vmem>> -> memref<1x128xi32, #tpu.memory_space<vmem>>
      %dma_start3A_63 = tpu.memref_squeeze %dma_start3A_62 : memref<1x128xi32, #tpu.memory_space<vmem>> -> memref<128xi32, #tpu.memory_space<vmem>>
      %dma_start3A_64 = arith.constant 0 : i32
      %dma_start3A_65 = arith.constant 0 : i32
      %dma_start3A_66 = tpu.memref_slice %arg3[%dma_start3A_64, %dma_start3A_65] : memref<10000x64xf32, #tpu.memory_space<hbm>> -> memref<10000x64xf32, #tpu.memory_space<hbm>>
      tpu.enqueue_indirect_dma source(%dma_start3A_66 : memref<10000x64xf32, #tpu.memory_space<hbm>>) target(%arg10 : memref<128x64xf32, #tpu.memory_space<vmem>>) offsets(%dma_start3A_63 : memref<128xi32, #tpu.memory_space<vmem>>) semaphore(%arg20 : memref<!tpu.dma_semaphore, #tpu.memory_space<semaphore_mem>>)
      %dma_wait3A_67 = arith.constant 0 : i32
      %dma_wait3A_68 = tpu.memref_slice %arg4[%dma_wait3A_67, %mul3A_23] : memref<2x320000xi32, #tpu.memory_space<hbm>> -> memref<2x128xi32, #tpu.memory_space<hbm>>
      %dma_wait3A_69 = arith.constant 0 : i32
      %dma_wait3A_70 = tpu.memref_slice %arg4[%dma_wait3A_69, %mul3A_23] : memref<2x320000xi32, #tpu.memory_space<hbm>> -> memref<2x128xi32, #tpu.memory_space<hbm>>
      tpu.wait_dma2 semaphore(%arg17 : memref<!tpu.dma_semaphore, #tpu.memory_space<semaphore_mem>>) src(%dma_wait3A_70 : memref<2x128xi32, #tpu.memory_space<hbm>>) dst(%arg7 : memref<2x128xi32, #tpu.memory_space<vmem>>)
      %dma_start3A_71 = arith.constant 0 : i32
      %dma_start3A_72 = arith.constant 0 : i32
      %dma_start3A_73 = tpu.memref_slice %arg7[%dma_start3A_71, %dma_start3A_72] : memref<2x128xi32, #tpu.memory_space<vmem>> -> memref<1x128xi32, #tpu.memory_space<vmem>>
      %dma_start3A_74 = tpu.memref_squeeze %dma_start3A_73 : memref<1x128xi32, #tpu.memory_space<vmem>> -> memref<128xi32, #tpu.memory_space<vmem>>
      %dma_start3A_75 = arith.constant 0 : i32
      %dma_start3A_76 = arith.constant 0 : i32
      %dma_start3A_77 = tpu.memref_slice %arg3[%dma_start3A_75, %dma_start3A_76] : memref<10000x64xf32, #tpu.memory_space<hbm>> -> memref<10000x64xf32, #tpu.memory_space<hbm>>
      tpu.enqueue_indirect_dma source(%dma_start3A_77 : memref<10000x64xf32, #tpu.memory_space<hbm>>) target(%arg11 : memref<128x64xf32, #tpu.memory_space<vmem>>) offsets(%dma_start3A_74 : memref<128xi32, #tpu.memory_space<vmem>>) semaphore(%arg21 : memref<!tpu.dma_semaphore, #tpu.memory_space<semaphore_mem>>)
      %dma_wait3A_78 = arith.constant 0 : i32
      %dma_wait3A_79 = tpu.memref_slice %arg4[%dma_wait3A_78, %mul3A_23] : memref<2x320000xi32, #tpu.memory_space<hbm>> -> memref<2x128xi32, #tpu.memory_space<hbm>>
      %dma_wait3A_80 = arith.constant 0 : i32
      %dma_wait3A_81 = tpu.memref_slice %arg4[%dma_wait3A_80, %mul3A_23] : memref<2x320000xi32, #tpu.memory_space<hbm>> -> memref<2x128xi32, #tpu.memory_space<hbm>>
      tpu.wait_dma2 semaphore(%arg18 : memref<!tpu.dma_semaphore, #tpu.memory_space<semaphore_mem>>) src(%dma_wait3A_81 : memref<2x128xi32, #tpu.memory_space<hbm>>) dst(%arg8 : memref<2x128xi32, #tpu.memory_space<vmem>>)
      %dma_start3A_82 = arith.constant 0 : i32
      %dma_start3A_83 = arith.constant 0 : i32
      %dma_start3A_84 = tpu.memref_slice %arg8[%dma_start3A_82, %dma_start3A_83] : memref<2x128xi32, #tpu.memory_space<vmem>> -> memref<1x128xi32, #tpu.memory_space<vmem>>
      %dma_start3A_85 = tpu.memref_squeeze %dma_start3A_84 : memref<1x128xi32, #tpu.memory_space<vmem>> -> memref<128xi32, #tpu.memory_space<vmem>>
      %dma_start3A_86 = arith.constant 0 : i32
      %dma_start3A_87 = arith.constant 0 : i32
      %dma_start3A_88 = tpu.memref_slice %arg3[%dma_start3A_86, %dma_start3A_87] : memref<10000x64xf32, #tpu.memory_space<hbm>> -> memref<10000x64xf32, #tpu.memory_space<hbm>>
      tpu.enqueue_indirect_dma source(%dma_start3A_88 : memref<10000x64xf32, #tpu.memory_space<hbm>>) target(%arg12 : memref<128x64xf32, #tpu.memory_space<vmem>>) offsets(%dma_start3A_85 : memref<128xi32, #tpu.memory_space<vmem>>) semaphore(%arg22 : memref<!tpu.dma_semaphore, #tpu.memory_space<semaphore_mem>>)
      %jit3A_89 = arith.constant 4 : i32
      %div3A = arith.divsi %mul3A_25, %jit3A_89 : i32
      %sign3A = arith.constant 0 : i32
      %sign3A_90 = arith.cmpi sgt, %mul3A_25, %sign3A : i32
      %sign3A_91 = arith.extui %sign3A_90 : i1 to i32
      %sign3A_92 = arith.constant 0 : i32
      %sign3A_93 = arith.cmpi slt, %mul3A_25, %sign3A_92 : i32
      %sign3A_94 = arith.extui %sign3A_93 : i1 to i32
      %sign3A_95 = arith.subi %sign3A_91, %sign3A_94 : i32
      %sign3A_96 = arith.constant 0 : i32
      %sign3A_97 = arith.cmpi sgt, %jit3A_89, %sign3A_96 : i32
      %sign3A_98 = arith.extui %sign3A_97 : i1 to i32
      %sign3A_99 = arith.constant 0 : i32
      %sign3A_100 = arith.cmpi slt, %jit3A_89, %sign3A_99 : i32
      %sign3A_101 = arith.extui %sign3A_100 : i1 to i32
      %sign3A_102 = arith.subi %sign3A_98, %sign3A_101 : i32
      %ne3A = arith.cmpi ne, %sign3A_95, %sign3A_102 : i32
      %rem3A = arith.remsi %mul3A_25, %jit3A_89 : i32
      %ne3A_103 = arith.constant 0 : i32
      %ne3A_104 = arith.cmpi ne, %rem3A, %ne3A_103 : i32
      %and3A = arith.andi %ne3A, %ne3A_104 : i1
      %sub3A = arith.constant 1 : i32
      %sub3A_105 = arith.subi %div3A, %sub3A : i32
      %select_n3A_106 = arith.select %and3A, %sub3A_105, %div3A : i32
      %sub3A_107 = arith.constant 1 : i32
      %sub3A_108 = arith.subi %select_n3A_106, %sub3A_107 : i32
      %while3A = arith.constant 0 : i32
      %while3A_109 = arith.constant 0 : i32
      %while3A_110 = arith.subi %sub3A_108, %while3A_109 : i32
      %while3A_111 = arith.addi %while3A_109, %while3A_110 : i32
      %while3A_112 = arith.constant 1 : i32
      %while3A_113 = arith.divsi %while3A_110, %while3A_112 : i32
      %while3A_114 = arith.muli %while3A_113, %while3A_112 : i32
      %while3A_115 = arith.addi %while3A_109, %while3A_114 : i32
      %while3A_116 = arith.constant 1 : i32
      scf.for %while3A_156 = %while3A_109 to %while3A_115 step %while3A_116  : i32 {
        %mul3A_157 = arith.constant 4 : i32
        %mul3A_158 = arith.muli %while3A_156, %mul3A_157 : i32
        %dma_wait3A_159 = arith.constant 0 : i32
        %dma_wait3A_160 = arith.constant 0 : i32
        %dma_wait3A_161 = tpu.memref_slice %arg3[%dma_wait3A_159, %dma_wait3A_160] : memref<10000x64xf32, #tpu.memory_space<hbm>> -> memref<128x64xf32, #tpu.memory_space<hbm>>
        %dma_wait3A_162 = arith.constant 0 : i32
        %dma_wait3A_163 = arith.constant 0 : i32
        %dma_wait3A_164 = tpu.memref_slice %arg3[%dma_wait3A_162, %dma_wait3A_163] : memref<10000x64xf32, #tpu.memory_space<hbm>> -> memref<128x64xf32, #tpu.memory_space<hbm>>
        tpu.wait_dma2 semaphore(%arg20 : memref<!tpu.dma_semaphore, #tpu.memory_space<semaphore_mem>>) src(%dma_wait3A_164 : memref<128x64xf32, #tpu.memory_space<hbm>>) dst(%arg10 : memref<128x64xf32, #tpu.memory_space<vmem>>)
        %run_scoped3A_165 = arith.constant 1 : i32
        "tpu.region"() ({
          %run_scoped3A_275 = tpu.sem_alloc : memref<!tpu.dma_semaphore, #tpu.memory_space<semaphore_mem>>
          %dma_start3A_276 = arith.constant 0 : i32
          %dma_start3A_277 = tpu.memref_slice %arg6[%run_scoped3A_165, %dma_start3A_276] : memref<2x128xi32, #tpu.memory_space<vmem>> -> memref<1x128xi32, #tpu.memory_space<vmem>>
          %dma_start3A_278 = tpu.memref_squeeze %dma_start3A_277 : memref<1x128xi32, #tpu.memory_space<vmem>> -> memref<128xi32, #tpu.memory_space<vmem>>
          %dma_start3A_279 = arith.constant 0 : i32
          %dma_start3A_280 = arith.constant 0 : i32
          %dma_start3A_281 = tpu.memref_slice %arg15[%dma_start3A_279, %dma_start3A_280] : memref<10240x64xf32, #tpu.memory_space<vmem_shared>> -> memref<10240x64xf32, #tpu.memory_space<vmem_shared>>
          tpu.enqueue_indirect_dma source(%arg10 : memref<128x64xf32, #tpu.memory_space<vmem>>) target(%dma_start3A_281 : memref<10240x64xf32, #tpu.memory_space<vmem_shared>>) offsets(%dma_start3A_278 : memref<128xi32, #tpu.memory_space<vmem>>) semaphore(%run_scoped3A_275 : memref<!tpu.dma_semaphore, #tpu.memory_space<semaphore_mem>>) {add = true}
          %dma_wait3A_282 = arith.constant 0 : i32
          %dma_wait3A_283 = tpu.memref_slice %arg6[%run_scoped3A_165, %dma_wait3A_282] : memref<2x128xi32, #tpu.memory_space<vmem>> -> memref<1x128xi32, #tpu.memory_space<vmem>>
          %dma_wait3A_284 = tpu.memref_squeeze %dma_wait3A_283 : memref<1x128xi32, #tpu.memory_space<vmem>> -> memref<128xi32, #tpu.memory_space<vmem>>
          %dma_wait3A_285 = arith.constant 0 : i32
          %dma_wait3A_286 = arith.constant 0 : i32
          %dma_wait3A_287 = tpu.memref_slice %arg15[%dma_wait3A_285, %dma_wait3A_286] : memref<10240x64xf32, #tpu.memory_space<vmem_shared>> -> memref<10240x64xf32, #tpu.memory_space<vmem_shared>>
          tpu.wait_indirect_dma semaphore(%run_scoped3A_275 : memref<!tpu.dma_semaphore, #tpu.memory_space<semaphore_mem>>) src(%arg10 : memref<128x64xf32, #tpu.memory_space<vmem>>) dst(%dma_wait3A_287 : memref<10240x64xf32, #tpu.memory_space<vmem_shared>>)
          tpu.yield
        }) : () -> ()
        %dma_wait3A_166 = arith.constant 0 : i32
        %dma_wait3A_167 = tpu.memref_slice %arg4[%dma_wait3A_166, %mul3A_23] : memref<2x320000xi32, #tpu.memory_space<hbm>> -> memref<2x128xi32, #tpu.memory_space<hbm>>
        %dma_wait3A_168 = arith.constant 0 : i32
        %dma_wait3A_169 = tpu.memref_slice %arg4[%dma_wait3A_168, %mul3A_23] : memref<2x320000xi32, #tpu.memory_space<hbm>> -> memref<2x128xi32, #tpu.memory_space<hbm>>
        tpu.wait_dma2 semaphore(%arg19 : memref<!tpu.dma_semaphore, #tpu.memory_space<semaphore_mem>>) src(%dma_wait3A_169 : memref<2x128xi32, #tpu.memory_space<hbm>>) dst(%arg9 : memref<2x128xi32, #tpu.memory_space<vmem>>)
        %dma_start3A_170 = arith.constant 0 : i32
        %dma_start3A_171 = arith.constant 0 : i32
        %dma_start3A_172 = tpu.memref_slice %arg9[%dma_start3A_170, %dma_start3A_171] : memref<2x128xi32, #tpu.memory_space<vmem>> -> memref<1x128xi32, #tpu.memory_space<vmem>>
        %dma_start3A_173 = tpu.memref_squeeze %dma_start3A_172 : memref<1x128xi32, #tpu.memory_space<vmem>> -> memref<128xi32, #tpu.memory_space<vmem>>
        %dma_start3A_174 = arith.constant 0 : i32
        %dma_start3A_175 = arith.constant 0 : i32
        %dma_start3A_176 = tpu.memref_slice %arg3[%dma_start3A_174, %dma_start3A_175] : memref<10000x64xf32, #tpu.memory_space<hbm>> -> memref<10000x64xf32, #tpu.memory_space<hbm>>
        tpu.enqueue_indirect_dma source(%dma_start3A_176 : memref<10000x64xf32, #tpu.memory_space<hbm>>) target(%arg13 : memref<128x64xf32, #tpu.memory_space<vmem>>) offsets(%dma_start3A_173 : memref<128xi32, #tpu.memory_space<vmem>>) semaphore(%arg23 : memref<!tpu.dma_semaphore, #tpu.memory_space<semaphore_mem>>)
        %add3A_177 = arith.constant 0 : i32
        %add3A_178 = arith.addi %mul3A_158, %add3A_177 : i32
        %add3A_179 = arith.constant 4 : i32
        %add3A_180 = arith.addi %add3A_178, %add3A_179 : i32
        %mul3A_181 = arith.constant 128 : i32
        %mul3A_182 = arith.muli %add3A_180, %mul3A_181 : i32
        %add3A_183 = arith.addi %mul3A_23, %mul3A_182 : i32
        %dma_start3A_184 = arith.constant 0 : i32
        %dma_start3A_185 = tpu.memref_slice %arg4[%dma_start3A_184, %add3A_183] : memref<2x320000xi32, #tpu.memory_space<hbm>> -> memref<2x128xi32, #tpu.memory_space<hbm>>
        %dma_start3A_186 = arith.constant 0 : i32
        %dma_start3A_187 = tpu.memref_slice %arg4[%dma_start3A_186, %add3A_183] : memref<2x320000xi32, #tpu.memory_space<hbm>> -> memref<2x128xi32, #tpu.memory_space<hbm>>
        tpu.enqueue_dma source(%dma_start3A_187 : memref<2x128xi32, #tpu.memory_space<hbm>>) target(%arg6 : memref<2x128xi32, #tpu.memory_space<vmem>>) target_semaphore(%arg16 : memref<!tpu.dma_semaphore, #tpu.memory_space<semaphore_mem>>)
        %dma_wait3A_188 = arith.constant 0 : i32
        %dma_wait3A_189 = arith.constant 0 : i32
        %dma_wait3A_190 = tpu.memref_slice %arg3[%dma_wait3A_188, %dma_wait3A_189] : memref<10000x64xf32, #tpu.memory_space<hbm>> -> memref<128x64xf32, #tpu.memory_space<hbm>>
        %dma_wait3A_191 = arith.constant 0 : i32
        %dma_wait3A_192 = arith.constant 0 : i32
        %dma_wait3A_193 = tpu.memref_slice %arg3[%dma_wait3A_191, %dma_wait3A_192] : memref<10000x64xf32, #tpu.memory_space<hbm>> -> memref<128x64xf32, #tpu.memory_space<hbm>>
        tpu.wait_dma2 semaphore(%arg21 : memref<!tpu.dma_semaphore, #tpu.memory_space<semaphore_mem>>) src(%dma_wait3A_193 : memref<128x64xf32, #tpu.memory_space<hbm>>) dst(%arg11 : memref<128x64xf32, #tpu.memory_space<vmem>>)
        %run_scoped3A_194 = arith.constant 1 : i32
        "tpu.region"() ({
          %run_scoped3A_275 = tpu.sem_alloc : memref<!tpu.dma_semaphore, #tpu.memory_space<semaphore_mem>>
          %dma_start3A_276 = arith.constant 0 : i32
          %dma_start3A_277 = tpu.memref_slice %arg7[%run_scoped3A_194, %dma_start3A_276] : memref<2x128xi32, #tpu.memory_space<vmem>> -> memref<1x128xi32, #tpu.memory_space<vmem>>
          %dma_start3A_278 = tpu.memref_squeeze %dma_start3A_277 : memref<1x128xi32, #tpu.memory_space<vmem>> -> memref<128xi32, #tpu.memory_space<vmem>>
          %dma_start3A_279 = arith.constant 0 : i32
          %dma_start3A_280 = arith.constant 0 : i32
          %dma_start3A_281 = tpu.memref_slice %arg15[%dma_start3A_279, %dma_start3A_280] : memref<10240x64xf32, #tpu.memory_space<vmem_shared>> -> memref<10240x64xf32, #tpu.memory_space<vmem_shared>>
          tpu.enqueue_indirect_dma source(%arg11 : memref<128x64xf32, #tpu.memory_space<vmem>>) target(%dma_start3A_281 : memref<10240x64xf32, #tpu.memory_space<vmem_shared>>) offsets(%dma_start3A_278 : memref<128xi32, #tpu.memory_space<vmem>>) semaphore(%run_scoped3A_275 : memref<!tpu.dma_semaphore, #tpu.memory_space<semaphore_mem>>) {add = true}
          %dma_wait3A_282 = arith.constant 0 : i32
          %dma_wait3A_283 = tpu.memref_slice %arg7[%run_scoped3A_194, %dma_wait3A_282] : memref<2x128xi32, #tpu.memory_space<vmem>> -> memref<1x128xi32, #tpu.memory_space<vmem>>
          %dma_wait3A_284 = tpu.memref_squeeze %dma_wait3A_283 : memref<1x128xi32, #tpu.memory_space<vmem>> -> memref<128xi32, #tpu.memory_space<vmem>>
          %dma_wait3A_285 = arith.constant 0 : i32
          %dma_wait3A_286 = arith.constant 0 : i32
          %dma_wait3A_287 = tpu.memref_slice %arg15[%dma_wait3A_285, %dma_wait3A_286] : memref<10240x64xf32, #tpu.memory_space<vmem_shared>> -> memref<10240x64xf32, #tpu.memory_space<vmem_shared>>
          tpu.wait_indirect_dma semaphore(%run_scoped3A_275 : memref<!tpu.dma_semaphore, #tpu.memory_space<semaphore_mem>>) src(%arg11 : memref<128x64xf32, #tpu.memory_space<vmem>>) dst(%dma_wait3A_287 : memref<10240x64xf32, #tpu.memory_space<vmem_shared>>)
          tpu.yield
        }) : () -> ()
        %dma_wait3A_195 = arith.constant 0 : i32
        %dma_wait3A_196 = tpu.memref_slice %arg4[%dma_wait3A_195, %mul3A_23] : memref<2x320000xi32, #tpu.memory_space<hbm>> -> memref<2x128xi32, #tpu.memory_space<hbm>>
        %dma_wait3A_197 = arith.constant 0 : i32
        %dma_wait3A_198 = tpu.memref_slice %arg4[%dma_wait3A_197, %mul3A_23] : memref<2x320000xi32, #tpu.memory_space<hbm>> -> memref<2x128xi32, #tpu.memory_space<hbm>>
        tpu.wait_dma2 semaphore(%arg16 : memref<!tpu.dma_semaphore, #tpu.memory_space<semaphore_mem>>) src(%dma_wait3A_198 : memref<2x128xi32, #tpu.memory_space<hbm>>) dst(%arg6 : memref<2x128xi32, #tpu.memory_space<vmem>>)
        %dma_start3A_199 = arith.constant 0 : i32
        %dma_start3A_200 = arith.constant 0 : i32
        %dma_start3A_201 = tpu.memref_slice %arg6[%dma_start3A_199, %dma_start3A_200] : memref<2x128xi32, #tpu.memory_space<vmem>> -> memref<1x128xi32, #tpu.memory_space<vmem>>
        %dma_start3A_202 = tpu.memref_squeeze %dma_start3A_201 : memref<1x128xi32, #tpu.memory_space<vmem>> -> memref<128xi32, #tpu.memory_space<vmem>>
        %dma_start3A_203 = arith.constant 0 : i32
        %dma_start3A_204 = arith.constant 0 : i32
        %dma_start3A_205 = tpu.memref_slice %arg3[%dma_start3A_203, %dma_start3A_204] : memref<10000x64xf32, #tpu.memory_space<hbm>> -> memref<10000x64xf32, #tpu.memory_space<hbm>>
        tpu.enqueue_indirect_dma source(%dma_start3A_205 : memref<10000x64xf32, #tpu.memory_space<hbm>>) target(%arg10 : memref<128x64xf32, #tpu.memory_space<vmem>>) offsets(%dma_start3A_202 : memref<128xi32, #tpu.memory_space<vmem>>) semaphore(%arg20 : memref<!tpu.dma_semaphore, #tpu.memory_space<semaphore_mem>>)
        %add3A_206 = arith.constant 1 : i32
        %add3A_207 = arith.addi %mul3A_158, %add3A_206 : i32
        %add3A_208 = arith.constant 4 : i32
        %add3A_209 = arith.addi %add3A_207, %add3A_208 : i32
        %mul3A_210 = arith.constant 128 : i32
        %mul3A_211 = arith.muli %add3A_209, %mul3A_210 : i32
        %add3A_212 = arith.addi %mul3A_23, %mul3A_211 : i32
        %dma_start3A_213 = arith.constant 0 : i32
        %dma_start3A_214 = tpu.memref_slice %arg4[%dma_start3A_213, %add3A_212] : memref<2x320000xi32, #tpu.memory_space<hbm>> -> memref<2x128xi32, #tpu.memory_space<hbm>>
        %dma_start3A_215 = arith.constant 0 : i32
        %dma_start3A_216 = tpu.memref_slice %arg4[%dma_start3A_215, %add3A_212] : memref<2x320000xi32, #tpu.memory_space<hbm>> -> memref<2x128xi32, #tpu.memory_space<hbm>>
        tpu.enqueue_dma source(%dma_start3A_216 : memref<2x128xi32, #tpu.memory_space<hbm>>) target(%arg7 : memref<2x128xi32, #tpu.memory_space<vmem>>) target_semaphore(%arg17 : memref<!tpu.dma_semaphore, #tpu.memory_space<semaphore_mem>>)
        %dma_wait3A_217 = arith.constant 0 : i32
        %dma_wait3A_218 = arith.constant 0 : i32
        %dma_wait3A_219 = tpu.memref_slice %arg3[%dma_wait3A_217, %dma_wait3A_218] : memref<10000x64xf32, #tpu.memory_space<hbm>> -> memref<128x64xf32, #tpu.memory_space<hbm>>
        %dma_wait3A_220 = arith.constant 0 : i32
        %dma_wait3A_221 = arith.constant 0 : i32
        %dma_wait3A_222 = tpu.memref_slice %arg3[%dma_wait3A_220, %dma_wait3A_221] : memref<10000x64xf32, #tpu.memory_space<hbm>> -> memref<128x64xf32, #tpu.memory_space<hbm>>
        tpu.wait_dma2 semaphore(%arg22 : memref<!tpu.dma_semaphore, #tpu.memory_space<semaphore_mem>>) src(%dma_wait3A_222 : memref<128x64xf32, #tpu.memory_space<hbm>>) dst(%arg12 : memref<128x64xf32, #tpu.memory_space<vmem>>)
        %run_scoped3A_223 = arith.constant 1 : i32
        "tpu.region"() ({
          %run_scoped3A_275 = tpu.sem_alloc : memref<!tpu.dma_semaphore, #tpu.memory_space<semaphore_mem>>
          %dma_start3A_276 = arith.constant 0 : i32
          %dma_start3A_277 = tpu.memref_slice %arg8[%run_scoped3A_223, %dma_start3A_276] : memref<2x128xi32, #tpu.memory_space<vmem>> -> memref<1x128xi32, #tpu.memory_space<vmem>>
          %dma_start3A_278 = tpu.memref_squeeze %dma_start3A_277 : memref<1x128xi32, #tpu.memory_space<vmem>> -> memref<128xi32, #tpu.memory_space<vmem>>
          %dma_start3A_279 = arith.constant 0 : i32
          %dma_start3A_280 = arith.constant 0 : i32
          %dma_start3A_281 = tpu.memref_slice %arg15[%dma_start3A_279, %dma_start3A_280] : memref<10240x64xf32, #tpu.memory_space<vmem_shared>> -> memref<10240x64xf32, #tpu.memory_space<vmem_shared>>
          tpu.enqueue_indirect_dma source(%arg12 : memref<128x64xf32, #tpu.memory_space<vmem>>) target(%dma_start3A_281 : memref<10240x64xf32, #tpu.memory_space<vmem_shared>>) offsets(%dma_start3A_278 : memref<128xi32, #tpu.memory_space<vmem>>) semaphore(%run_scoped3A_275 : memref<!tpu.dma_semaphore, #tpu.memory_space<semaphore_mem>>) {add = true}
          %dma_wait3A_282 = arith.constant 0 : i32
          %dma_wait3A_283 = tpu.memref_slice %arg8[%run_scoped3A_223, %dma_wait3A_282] : memref<2x128xi32, #tpu.memory_space<vmem>> -> memref<1x128xi32, #tpu.memory_space<vmem>>
          %dma_wait3A_284 = tpu.memref_squeeze %dma_wait3A_283 : memref<1x128xi32, #tpu.memory_space<vmem>> -> memref<128xi32, #tpu.memory_space<vmem>>
          %dma_wait3A_285 = arith.constant 0 : i32
          %dma_wait3A_286 = arith.constant 0 : i32
          %dma_wait3A_287 = tpu.memref_slice %arg15[%dma_wait3A_285, %dma_wait3A_286] : memref<10240x64xf32, #tpu.memory_space<vmem_shared>> -> memref<10240x64xf32, #tpu.memory_space<vmem_shared>>
          tpu.wait_indirect_dma semaphore(%run_scoped3A_275 : memref<!tpu.dma_semaphore, #tpu.memory_space<semaphore_mem>>) src(%arg12 : memref<128x64xf32, #tpu.memory_space<vmem>>) dst(%dma_wait3A_287 : memref<10240x64xf32, #tpu.memory_space<vmem_shared>>)
          tpu.yield
        }) : () -> ()
        %dma_wait3A_224 = arith.constant 0 : i32
        %dma_wait3A_225 = tpu.memref_slice %arg4[%dma_wait3A_224, %mul3A_23] : memref<2x320000xi32, #tpu.memory_space<hbm>> -> memref<2x128xi32, #tpu.memory_space<hbm>>
        %dma_wait3A_226 = arith.constant 0 : i32
        %dma_wait3A_227 = tpu.memref_slice %arg4[%dma_wait3A_226, %mul3A_23] : memref<2x320000xi32, #tpu.memory_space<hbm>> -> memref<2x128xi32, #tpu.memory_space<hbm>>
        tpu.wait_dma2 semaphore(%arg17 : memref<!tpu.dma_semaphore, #tpu.memory_space<semaphore_mem>>) src(%dma_wait3A_227 : memref<2x128xi32, #tpu.memory_space<hbm>>) dst(%arg7 : memref<2x128xi32, #tpu.memory_space<vmem>>)
        %dma_start3A_228 = arith.constant 0 : i32
        %dma_start3A_229 = arith.constant 0 : i32
        %dma_start3A_230 = tpu.memref_slice %arg7[%dma_start3A_228, %dma_start3A_229] : memref<2x128xi32, #tpu.memory_space<vmem>> -> memref<1x128xi32, #tpu.memory_space<vmem>>
        %dma_start3A_231 = tpu.memref_squeeze %dma_start3A_230 : memref<1x128xi32, #tpu.memory_space<vmem>> -> memref<128xi32, #tpu.memory_space<vmem>>
        %dma_start3A_232 = arith.constant 0 : i32
        %dma_start3A_233 = arith.constant 0 : i32
        %dma_start3A_234 = tpu.memref_slice %arg3[%dma_start3A_232, %dma_start3A_233] : memref<10000x64xf32, #tpu.memory_space<hbm>> -> memref<10000x64xf32, #tpu.memory_space<hbm>>
        tpu.enqueue_indirect_dma source(%dma_start3A_234 : memref<10000x64xf32, #tpu.memory_space<hbm>>) target(%arg11 : memref<128x64xf32, #tpu.memory_space<vmem>>) offsets(%dma_start3A_231 : memref<128xi32, #tpu.memory_space<vmem>>) semaphore(%arg21 : memref<!tpu.dma_semaphore, #tpu.memory_space<semaphore_mem>>)
        %add3A_235 = arith.constant 2 : i32
        %add3A_236 = arith.addi %mul3A_158, %add3A_235 : i32
        %add3A_237 = arith.constant 4 : i32
        %add3A_238 = arith.addi %add3A_236, %add3A_237 : i32
        %mul3A_239 = arith.constant 128 : i32
        %mul3A_240 = arith.muli %add3A_238, %mul3A_239 : i32
        %add3A_241 = arith.addi %mul3A_23, %mul3A_240 : i32
        %dma_start3A_242 = arith.constant 0 : i32
        %dma_start3A_243 = tpu.memref_slice %arg4[%dma_start3A_242, %add3A_241] : memref<2x320000xi32, #tpu.memory_space<hbm>> -> memref<2x128xi32, #tpu.memory_space<hbm>>
        %dma_start3A_244 = arith.constant 0 : i32
        %dma_start3A_245 = tpu.memref_slice %arg4[%dma_start3A_244, %add3A_241] : memref<2x320000xi32, #tpu.memory_space<hbm>> -> memref<2x128xi32, #tpu.memory_space<hbm>>
        tpu.enqueue_dma source(%dma_start3A_245 : memref<2x128xi32, #tpu.memory_space<hbm>>) target(%arg8 : memref<2x128xi32, #tpu.memory_space<vmem>>) target_semaphore(%arg18 : memref<!tpu.dma_semaphore, #tpu.memory_space<semaphore_mem>>)
        %dma_wait3A_246 = arith.constant 0 : i32
        %dma_wait3A_247 = arith.constant 0 : i32
        %dma_wait3A_248 = tpu.memref_slice %arg3[%dma_wait3A_246, %dma_wait3A_247] : memref<10000x64xf32, #tpu.memory_space<hbm>> -> memref<128x64xf32, #tpu.memory_space<hbm>>
        %dma_wait3A_249 = arith.constant 0 : i32
        %dma_wait3A_250 = arith.constant 0 : i32
        %dma_wait3A_251 = tpu.memref_slice %arg3[%dma_wait3A_249, %dma_wait3A_250] : memref<10000x64xf32, #tpu.memory_space<hbm>> -> memref<128x64xf32, #tpu.memory_space<hbm>>
        tpu.wait_dma2 semaphore(%arg23 : memref<!tpu.dma_semaphore, #tpu.memory_space<semaphore_mem>>) src(%dma_wait3A_251 : memref<128x64xf32, #tpu.memory_space<hbm>>) dst(%arg13 : memref<128x64xf32, #tpu.memory_space<vmem>>)
        %run_scoped3A_252 = arith.constant 1 : i32
        "tpu.region"() ({
          %run_scoped3A_275 = tpu.sem_alloc : memref<!tpu.dma_semaphore, #tpu.memory_space<semaphore_mem>>
          %dma_start3A_276 = arith.constant 0 : i32
          %dma_start3A_277 = tpu.memref_slice %arg9[%run_scoped3A_252, %dma_start3A_276] : memref<2x128xi32, #tpu.memory_space<vmem>> -> memref<1x128xi32, #tpu.memory_space<vmem>>
          %dma_start3A_278 = tpu.memref_squeeze %dma_start3A_277 : memref<1x128xi32, #tpu.memory_space<vmem>> -> memref<128xi32, #tpu.memory_space<vmem>>
          %dma_start3A_279 = arith.constant 0 : i32
          %dma_start3A_280 = arith.constant 0 : i32
          %dma_start3A_281 = tpu.memref_slice %arg15[%dma_start3A_279, %dma_start3A_280] : memref<10240x64xf32, #tpu.memory_space<vmem_shared>> -> memref<10240x64xf32, #tpu.memory_space<vmem_shared>>
          tpu.enqueue_indirect_dma source(%arg13 : memref<128x64xf32, #tpu.memory_space<vmem>>) target(%dma_start3A_281 : memref<10240x64xf32, #tpu.memory_space<vmem_shared>>) offsets(%dma_start3A_278 : memref<128xi32, #tpu.memory_space<vmem>>) semaphore(%run_scoped3A_275 : memref<!tpu.dma_semaphore, #tpu.memory_space<semaphore_mem>>) {add = true}
          %dma_wait3A_282 = arith.constant 0 : i32
          %dma_wait3A_283 = tpu.memref_slice %arg9[%run_scoped3A_252, %dma_wait3A_282] : memref<2x128xi32, #tpu.memory_space<vmem>> -> memref<1x128xi32, #tpu.memory_space<vmem>>
          %dma_wait3A_284 = tpu.memref_squeeze %dma_wait3A_283 : memref<1x128xi32, #tpu.memory_space<vmem>> -> memref<128xi32, #tpu.memory_space<vmem>>
          %dma_wait3A_285 = arith.constant 0 : i32
          %dma_wait3A_286 = arith.constant 0 : i32
          %dma_wait3A_287 = tpu.memref_slice %arg15[%dma_wait3A_285, %dma_wait3A_286] : memref<10240x64xf32, #tpu.memory_space<vmem_shared>> -> memref<10240x64xf32, #tpu.memory_space<vmem_shared>>
          tpu.wait_indirect_dma semaphore(%run_scoped3A_275 : memref<!tpu.dma_semaphore, #tpu.memory_space<semaphore_mem>>) src(%arg13 : memref<128x64xf32, #tpu.memory_space<vmem>>) dst(%dma_wait3A_287 : memref<10240x64xf32, #tpu.memory_space<vmem_shared>>)
          tpu.yield
        }) : () -> ()
        %dma_wait3A_253 = arith.constant 0 : i32
        %dma_wait3A_254 = tpu.memref_slice %arg4[%dma_wait3A_253, %mul3A_23] : memref<2x320000xi32, #tpu.memory_space<hbm>> -> memref<2x128xi32, #tpu.memory_space<hbm>>
        %dma_wait3A_255 = arith.constant 0 : i32
        %dma_wait3A_256 = tpu.memref_slice %arg4[%dma_wait3A_255, %mul3A_23] : memref<2x320000xi32, #tpu.memory_space<hbm>> -> memref<2x128xi32, #tpu.memory_space<hbm>>
        tpu.wait_dma2 semaphore(%arg18 : memref<!tpu.dma_semaphore, #tpu.memory_space<semaphore_mem>>) src(%dma_wait3A_256 : memref<2x128xi32, #tpu.memory_space<hbm>>) dst(%arg8 : memref<2x128xi32, #tpu.memory_space<vmem>>)
        %dma_start3A_257 = arith.constant 0 : i32
        %dma_start3A_258 = arith.constant 0 : i32
        %dma_start3A_259 = tpu.memref_slice %arg8[%dma_start3A_257, %dma_start3A_258] : memref<2x128xi32, #tpu.memory_space<vmem>> -> memref<1x128xi32, #tpu.memory_space<vmem>>
        %dma_start3A_260 = tpu.memref_squeeze %dma_start3A_259 : memref<1x128xi32, #tpu.memory_space<vmem>> -> memref<128xi32, #tpu.memory_space<vmem>>
        %dma_start3A_261 = arith.constant 0 : i32
        %dma_start3A_262 = arith.constant 0 : i32
        %dma_start3A_263 = tpu.memref_slice %arg3[%dma_start3A_261, %dma_start3A_262] : memref<10000x64xf32, #tpu.memory_space<hbm>> -> memref<10000x64xf32, #tpu.memory_space<hbm>>
        tpu.enqueue_indirect_dma source(%dma_start3A_263 : memref<10000x64xf32, #tpu.memory_space<hbm>>) target(%arg12 : memref<128x64xf32, #tpu.memory_space<vmem>>) offsets(%dma_start3A_260 : memref<128xi32, #tpu.memory_space<vmem>>) semaphore(%arg22 : memref<!tpu.dma_semaphore, #tpu.memory_space<semaphore_mem>>)
        %add3A_264 = arith.constant 3 : i32
        %add3A_265 = arith.addi %mul3A_158, %add3A_264 : i32
        %add3A_266 = arith.constant 4 : i32
        %add3A_267 = arith.addi %add3A_265, %add3A_266 : i32
        %mul3A_268 = arith.constant 128 : i32
        %mul3A_269 = arith.muli %add3A_267, %mul3A_268 : i32
        %add3A_270 = arith.addi %mul3A_23, %mul3A_269 : i32
        %dma_start3A_271 = arith.constant 0 : i32
        %dma_start3A_272 = tpu.memref_slice %arg4[%dma_start3A_271, %add3A_270] : memref<2x320000xi32, #tpu.memory_space<hbm>> -> memref<2x128xi32, #tpu.memory_space<hbm>>
        %dma_start3A_273 = arith.constant 0 : i32
        %dma_start3A_274 = tpu.memref_slice %arg4[%dma_start3A_273, %add3A_270] : memref<2x320000xi32, #tpu.memory_space<hbm>> -> memref<2x128xi32, #tpu.memory_space<hbm>>
        tpu.enqueue_dma source(%dma_start3A_274 : memref<2x128xi32, #tpu.memory_space<hbm>>) target(%arg9 : memref<2x128xi32, #tpu.memory_space<vmem>>) target_semaphore(%arg19 : memref<!tpu.dma_semaphore, #tpu.memory_space<semaphore_mem>>)
      }
      %while3A_117 = arith.constant 1 : i32
      scf.for %while3A_156 = %while3A_115 to %while3A_111 step %while3A_117  : i32 {
        %mul3A_157 = arith.constant 4 : i32
        %mul3A_158 = arith.muli %while3A_156, %mul3A_157 : i32
        %dma_wait3A_159 = arith.constant 0 : i32
        %dma_wait3A_160 = arith.constant 0 : i32
        %dma_wait3A_161 = tpu.memref_slice %arg3[%dma_wait3A_159, %dma_wait3A_160] : memref<10000x64xf32, #tpu.memory_space<hbm>> -> memref<128x64xf32, #tpu.memory_space<hbm>>
        %dma_wait3A_162 = arith.constant 0 : i32
        %dma_wait3A_163 = arith.constant 0 : i32
        %dma_wait3A_164 = tpu.memref_slice %arg3[%dma_wait3A_162, %dma_wait3A_163] : memref<10000x64xf32, #tpu.memory_space<hbm>> -> memref<128x64xf32, #tpu.memory_space<hbm>>
        tpu.wait_dma2 semaphore(%arg20 : memref<!tpu.dma_semaphore, #tpu.memory_space<semaphore_mem>>) src(%dma_wait3A_164 : memref<128x64xf32, #tpu.memory_space<hbm>>) dst(%arg10 : memref<128x64xf32, #tpu.memory_space<vmem>>)
        %run_scoped3A_165 = arith.constant 1 : i32
        "tpu.region"() ({
          %run_scoped3A_275 = tpu.sem_alloc : memref<!tpu.dma_semaphore, #tpu.memory_space<semaphore_mem>>
          %dma_start3A_276 = arith.constant 0 : i32
          %dma_start3A_277 = tpu.memref_slice %arg6[%run_scoped3A_165, %dma_start3A_276] : memref<2x128xi32, #tpu.memory_space<vmem>> -> memref<1x128xi32, #tpu.memory_space<vmem>>
          %dma_start3A_278 = tpu.memref_squeeze %dma_start3A_277 : memref<1x128xi32, #tpu.memory_space<vmem>> -> memref<128xi32, #tpu.memory_space<vmem>>
          %dma_start3A_279 = arith.constant 0 : i32
          %dma_start3A_280 = arith.constant 0 : i32
          %dma_start3A_281 = tpu.memref_slice %arg15[%dma_start3A_279, %dma_start3A_280] : memref<10240x64xf32, #tpu.memory_space<vmem_shared>> -> memref<10240x64xf32, #tpu.memory_space<vmem_shared>>
          tpu.enqueue_indirect_dma source(%arg10 : memref<128x64xf32, #tpu.memory_space<vmem>>) target(%dma_start3A_281 : memref<10240x64xf32, #tpu.memory_space<vmem_shared>>) offsets(%dma_start3A_278 : memref<128xi32, #tpu.memory_space<vmem>>) semaphore(%run_scoped3A_275 : memref<!tpu.dma_semaphore, #tpu.memory_space<semaphore_mem>>) {add = true}
          %dma_wait3A_282 = arith.constant 0 : i32
          %dma_wait3A_283 = tpu.memref_slice %arg6[%run_scoped3A_165, %dma_wait3A_282] : memref<2x128xi32, #tpu.memory_space<vmem>> -> memref<1x128xi32, #tpu.memory_space<vmem>>
          %dma_wait3A_284 = tpu.memref_squeeze %dma_wait3A_283 : memref<1x128xi32, #tpu.memory_space<vmem>> -> memref<128xi32, #tpu.memory_space<vmem>>
          %dma_wait3A_285 = arith.constant 0 : i32
          %dma_wait3A_286 = arith.constant 0 : i32
          %dma_wait3A_287 = tpu.memref_slice %arg15[%dma_wait3A_285, %dma_wait3A_286] : memref<10240x64xf32, #tpu.memory_space<vmem_shared>> -> memref<10240x64xf32, #tpu.memory_space<vmem_shared>>
          tpu.wait_indirect_dma semaphore(%run_scoped3A_275 : memref<!tpu.dma_semaphore, #tpu.memory_space<semaphore_mem>>) src(%arg10 : memref<128x64xf32, #tpu.memory_space<vmem>>) dst(%dma_wait3A_287 : memref<10240x64xf32, #tpu.memory_space<vmem_shared>>)
          tpu.yield
        }) : () -> ()
        %dma_wait3A_166 = arith.constant 0 : i32
        %dma_wait3A_167 = tpu.memref_slice %arg4[%dma_wait3A_166, %mul3A_23] : memref<2x320000xi32, #tpu.memory_space<hbm>> -> memref<2x128xi32, #tpu.memory_space<hbm>>
        %dma_wait3A_168 = arith.constant 0 : i32
        %dma_wait3A_169 = tpu.memref_slice %arg4[%dma_wait3A_168, %mul3A_23] : memref<2x320000xi32, #tpu.memory_space<hbm>> -> memref<2x128xi32, #tpu.memory_space<hbm>>
        tpu.wait_dma2 semaphore(%arg19 : memref<!tpu.dma_semaphore, #tpu.memory_space<semaphore_mem>>) src(%dma_wait3A_169 : memref<2x128xi32, #tpu.memory_space<hbm>>) dst(%arg9 : memref<2x128xi32, #tpu.memory_space<vmem>>)
        %dma_start3A_170 = arith.constant 0 : i32
        %dma_start3A_171 = arith.constant 0 : i32
        %dma_start3A_172 = tpu.memref_slice %arg9[%dma_start3A_170, %dma_start3A_171] : memref<2x128xi32, #tpu.memory_space<vmem>> -> memref<1x128xi32, #tpu.memory_space<vmem>>
        %dma_start3A_173 = tpu.memref_squeeze %dma_start3A_172 : memref<1x128xi32, #tpu.memory_space<vmem>> -> memref<128xi32, #tpu.memory_space<vmem>>
        %dma_start3A_174 = arith.constant 0 : i32
        %dma_start3A_175 = arith.constant 0 : i32
        %dma_start3A_176 = tpu.memref_slice %arg3[%dma_start3A_174, %dma_start3A_175] : memref<10000x64xf32, #tpu.memory_space<hbm>> -> memref<10000x64xf32, #tpu.memory_space<hbm>>
        tpu.enqueue_indirect_dma source(%dma_start3A_176 : memref<10000x64xf32, #tpu.memory_space<hbm>>) target(%arg13 : memref<128x64xf32, #tpu.memory_space<vmem>>) offsets(%dma_start3A_173 : memref<128xi32, #tpu.memory_space<vmem>>) semaphore(%arg23 : memref<!tpu.dma_semaphore, #tpu.memory_space<semaphore_mem>>)
        %add3A_177 = arith.constant 0 : i32
        %add3A_178 = arith.addi %mul3A_158, %add3A_177 : i32
        %add3A_179 = arith.constant 4 : i32
        %add3A_180 = arith.addi %add3A_178, %add3A_179 : i32
        %mul3A_181 = arith.constant 128 : i32
        %mul3A_182 = arith.muli %add3A_180, %mul3A_181 : i32
        %add3A_183 = arith.addi %mul3A_23, %mul3A_182 : i32
        %dma_start3A_184 = arith.constant 0 : i32
        %dma_start3A_185 = tpu.memref_slice %arg4[%dma_start3A_184, %add3A_183] : memref<2x320000xi32, #tpu.memory_space<hbm>> -> memref<2x128xi32, #tpu.memory_space<hbm>>
        %dma_start3A_186 = arith.constant 0 : i32
        %dma_start3A_187 = tpu.memref_slice %arg4[%dma_start3A_186, %add3A_183] : memref<2x320000xi32, #tpu.memory_space<hbm>> -> memref<2x128xi32, #tpu.memory_space<hbm>>
        tpu.enqueue_dma source(%dma_start3A_187 : memref<2x128xi32, #tpu.memory_space<hbm>>) target(%arg6 : memref<2x128xi32, #tpu.memory_space<vmem>>) target_semaphore(%arg16 : memref<!tpu.dma_semaphore, #tpu.memory_space<semaphore_mem>>)
        %dma_wait3A_188 = arith.constant 0 : i32
        %dma_wait3A_189 = arith.constant 0 : i32
        %dma_wait3A_190 = tpu.memref_slice %arg3[%dma_wait3A_188, %dma_wait3A_189] : memref<10000x64xf32, #tpu.memory_space<hbm>> -> memref<128x64xf32, #tpu.memory_space<hbm>>
        %dma_wait3A_191 = arith.constant 0 : i32
        %dma_wait3A_192 = arith.constant 0 : i32
        %dma_wait3A_193 = tpu.memref_slice %arg3[%dma_wait3A_191, %dma_wait3A_192] : memref<10000x64xf32, #tpu.memory_space<hbm>> -> memref<128x64xf32, #tpu.memory_space<hbm>>
        tpu.wait_dma2 semaphore(%arg21 : memref<!tpu.dma_semaphore, #tpu.memory_space<semaphore_mem>>) src(%dma_wait3A_193 : memref<128x64xf32, #tpu.memory_space<hbm>>) dst(%arg11 : memref<128x64xf32, #tpu.memory_space<vmem>>)
        %run_scoped3A_194 = arith.constant 1 : i32
        "tpu.region"() ({
          %run_scoped3A_275 = tpu.sem_alloc : memref<!tpu.dma_semaphore, #tpu.memory_space<semaphore_mem>>
          %dma_start3A_276 = arith.constant 0 : i32
          %dma_start3A_277 = tpu.memref_slice %arg7[%run_scoped3A_194, %dma_start3A_276] : memref<2x128xi32, #tpu.memory_space<vmem>> -> memref<1x128xi32, #tpu.memory_space<vmem>>
          %dma_start3A_278 = tpu.memref_squeeze %dma_start3A_277 : memref<1x128xi32, #tpu.memory_space<vmem>> -> memref<128xi32, #tpu.memory_space<vmem>>
          %dma_start3A_279 = arith.constant 0 : i32
          %dma_start3A_280 = arith.constant 0 : i32
          %dma_start3A_281 = tpu.memref_slice %arg15[%dma_start3A_279, %dma_start3A_280] : memref<10240x64xf32, #tpu.memory_space<vmem_shared>> -> memref<10240x64xf32, #tpu.memory_space<vmem_shared>>
          tpu.enqueue_indirect_dma source(%arg11 : memref<128x64xf32, #tpu.memory_space<vmem>>) target(%dma_start3A_281 : memref<10240x64xf32, #tpu.memory_space<vmem_shared>>) offsets(%dma_start3A_278 : memref<128xi32, #tpu.memory_space<vmem>>) semaphore(%run_scoped3A_275 : memref<!tpu.dma_semaphore, #tpu.memory_space<semaphore_mem>>) {add = true}
          %dma_wait3A_282 = arith.constant 0 : i32
          %dma_wait3A_283 = tpu.memref_slice %arg7[%run_scoped3A_194, %dma_wait3A_282] : memref<2x128xi32, #tpu.memory_space<vmem>> -> memref<1x128xi32, #tpu.memory_space<vmem>>
          %dma_wait3A_284 = tpu.memref_squeeze %dma_wait3A_283 : memref<1x128xi32, #tpu.memory_space<vmem>> -> memref<128xi32, #tpu.memory_space<vmem>>
          %dma_wait3A_285 = arith.constant 0 : i32
          %dma_wait3A_286 = arith.constant 0 : i32
          %dma_wait3A_287 = tpu.memref_slice %arg15[%dma_wait3A_285, %dma_wait3A_286] : memref<10240x64xf32, #tpu.memory_space<vmem_shared>> -> memref<10240x64xf32, #tpu.memory_space<vmem_shared>>
          tpu.wait_indirect_dma semaphore(%run_scoped3A_275 : memref<!tpu.dma_semaphore, #tpu.memory_space<semaphore_mem>>) src(%arg11 : memref<128x64xf32, #tpu.memory_space<vmem>>) dst(%dma_wait3A_287 : memref<10240x64xf32, #tpu.memory_space<vmem_shared>>)
          tpu.yield
        }) : () -> ()
        %dma_wait3A_195 = arith.constant 0 : i32
        %dma_wait3A_196 = tpu.memref_slice %arg4[%dma_wait3A_195, %mul3A_23] : memref<2x320000xi32, #tpu.memory_space<hbm>> -> memref<2x128xi32, #tpu.memory_space<hbm>>
        %dma_wait3A_197 = arith.constant 0 : i32
        %dma_wait3A_198 = tpu.memref_slice %arg4[%dma_wait3A_197, %mul3A_23] : memref<2x320000xi32, #tpu.memory_space<hbm>> -> memref<2x128xi32, #tpu.memory_space<hbm>>
        tpu.wait_dma2 semaphore(%arg16 : memref<!tpu.dma_semaphore, #tpu.memory_space<semaphore_mem>>) src(%dma_wait3A_198 : memref<2x128xi32, #tpu.memory_space<hbm>>) dst(%arg6 : memref<2x128xi32, #tpu.memory_space<vmem>>)
        %dma_start3A_199 = arith.constant 0 : i32
        %dma_start3A_200 = arith.constant 0 : i32
        %dma_start3A_201 = tpu.memref_slice %arg6[%dma_start3A_199, %dma_start3A_200] : memref<2x128xi32, #tpu.memory_space<vmem>> -> memref<1x128xi32, #tpu.memory_space<vmem>>
        %dma_start3A_202 = tpu.memref_squeeze %dma_start3A_201 : memref<1x128xi32, #tpu.memory_space<vmem>> -> memref<128xi32, #tpu.memory_space<vmem>>
        %dma_start3A_203 = arith.constant 0 : i32
        %dma_start3A_204 = arith.constant 0 : i32
        %dma_start3A_205 = tpu.memref_slice %arg3[%dma_start3A_203, %dma_start3A_204] : memref<10000x64xf32, #tpu.memory_space<hbm>> -> memref<10000x64xf32, #tpu.memory_space<hbm>>
        tpu.enqueue_indirect_dma source(%dma_start3A_205 : memref<10000x64xf32, #tpu.memory_space<hbm>>) target(%arg10 : memref<128x64xf32, #tpu.memory_space<vmem>>) offsets(%dma_start3A_202 : memref<128xi32, #tpu.memory_space<vmem>>) semaphore(%arg20 : memref<!tpu.dma_semaphore, #tpu.memory_space<semaphore_mem>>)
        %add3A_206 = arith.constant 1 : i32
        %add3A_207 = arith.addi %mul3A_158, %add3A_206 : i32
        %add3A_208 = arith.constant 4 : i32
        %add3A_209 = arith.addi %add3A_207, %add3A_208 : i32
        %mul3A_210 = arith.constant 128 : i32
        %mul3A_211 = arith.muli %add3A_209, %mul3A_210 : i32
        %add3A_212 = arith.addi %mul3A_23, %mul3A_211 : i32
        %dma_start3A_213 = arith.constant 0 : i32
        %dma_start3A_214 = tpu.memref_slice %arg4[%dma_start3A_213, %add3A_212] : memref<2x320000xi32, #tpu.memory_space<hbm>> -> memref<2x128xi32, #tpu.memory_space<hbm>>
        %dma_start3A_215 = arith.constant 0 : i32
        %dma_start3A_216 = tpu.memref_slice %arg4[%dma_start3A_215, %add3A_212] : memref<2x320000xi32, #tpu.memory_space<hbm>> -> memref<2x128xi32, #tpu.memory_space<hbm>>
        tpu.enqueue_dma source(%dma_start3A_216 : memref<2x128xi32, #tpu.memory_space<hbm>>) target(%arg7 : memref<2x128xi32, #tpu.memory_space<vmem>>) target_semaphore(%arg17 : memref<!tpu.dma_semaphore, #tpu.memory_space<semaphore_mem>>)
        %dma_wait3A_217 = arith.constant 0 : i32
        %dma_wait3A_218 = arith.constant 0 : i32
        %dma_wait3A_219 = tpu.memref_slice %arg3[%dma_wait3A_217, %dma_wait3A_218] : memref<10000x64xf32, #tpu.memory_space<hbm>> -> memref<128x64xf32, #tpu.memory_space<hbm>>
        %dma_wait3A_220 = arith.constant 0 : i32
        %dma_wait3A_221 = arith.constant 0 : i32
        %dma_wait3A_222 = tpu.memref_slice %arg3[%dma_wait3A_220, %dma_wait3A_221] : memref<10000x64xf32, #tpu.memory_space<hbm>> -> memref<128x64xf32, #tpu.memory_space<hbm>>
        tpu.wait_dma2 semaphore(%arg22 : memref<!tpu.dma_semaphore, #tpu.memory_space<semaphore_mem>>) src(%dma_wait3A_222 : memref<128x64xf32, #tpu.memory_space<hbm>>) dst(%arg12 : memref<128x64xf32, #tpu.memory_space<vmem>>)
        %run_scoped3A_223 = arith.constant 1 : i32
        "tpu.region"() ({
          %run_scoped3A_275 = tpu.sem_alloc : memref<!tpu.dma_semaphore, #tpu.memory_space<semaphore_mem>>
          %dma_start3A_276 = arith.constant 0 : i32
          %dma_start3A_277 = tpu.memref_slice %arg8[%run_scoped3A_223, %dma_start3A_276] : memref<2x128xi32, #tpu.memory_space<vmem>> -> memref<1x128xi32, #tpu.memory_space<vmem>>
          %dma_start3A_278 = tpu.memref_squeeze %dma_start3A_277 : memref<1x128xi32, #tpu.memory_space<vmem>> -> memref<128xi32, #tpu.memory_space<vmem>>
          %dma_start3A_279 = arith.constant 0 : i32
          %dma_start3A_280 = arith.constant 0 : i32
          %dma_start3A_281 = tpu.memref_slice %arg15[%dma_start3A_279, %dma_start3A_280] : memref<10240x64xf32, #tpu.memory_space<vmem_shared>> -> memref<10240x64xf32, #tpu.memory_space<vmem_shared>>
          tpu.enqueue_indirect_dma source(%arg12 : memref<128x64xf32, #tpu.memory_space<vmem>>) target(%dma_start3A_281 : memref<10240x64xf32, #tpu.memory_space<vmem_shared>>) offsets(%dma_start3A_278 : memref<128xi32, #tpu.memory_space<vmem>>) semaphore(%run_scoped3A_275 : memref<!tpu.dma_semaphore, #tpu.memory_space<semaphore_mem>>) {add = true}
          %dma_wait3A_282 = arith.constant 0 : i32
          %dma_wait3A_283 = tpu.memref_slice %arg8[%run_scoped3A_223, %dma_wait3A_282] : memref<2x128xi32, #tpu.memory_space<vmem>> -> memref<1x128xi32, #tpu.memory_space<vmem>>
          %dma_wait3A_284 = tpu.memref_squeeze %dma_wait3A_283 : memref<1x128xi32, #tpu.memory_space<vmem>> -> memref<128xi32, #tpu.memory_space<vmem>>
          %dma_wait3A_285 = arith.constant 0 : i32
          %dma_wait3A_286 = arith.constant 0 : i32
          %dma_wait3A_287 = tpu.memref_slice %arg15[%dma_wait3A_285, %dma_wait3A_286] : memref<10240x64xf32, #tpu.memory_space<vmem_shared>> -> memref<10240x64xf32, #tpu.memory_space<vmem_shared>>
          tpu.wait_indirect_dma semaphore(%run_scoped3A_275 : memref<!tpu.dma_semaphore, #tpu.memory_space<semaphore_mem>>) src(%arg12 : memref<128x64xf32, #tpu.memory_space<vmem>>) dst(%dma_wait3A_287 : memref<10240x64xf32, #tpu.memory_space<vmem_shared>>)
          tpu.yield
        }) : () -> ()
        %dma_wait3A_224 = arith.constant 0 : i32
        %dma_wait3A_225 = tpu.memref_slice %arg4[%dma_wait3A_224, %mul3A_23] : memref<2x320000xi32, #tpu.memory_space<hbm>> -> memref<2x128xi32, #tpu.memory_space<hbm>>
        %dma_wait3A_226 = arith.constant 0 : i32
        %dma_wait3A_227 = tpu.memref_slice %arg4[%dma_wait3A_226, %mul3A_23] : memref<2x320000xi32, #tpu.memory_space<hbm>> -> memref<2x128xi32, #tpu.memory_space<hbm>>
        tpu.wait_dma2 semaphore(%arg17 : memref<!tpu.dma_semaphore, #tpu.memory_space<semaphore_mem>>) src(%dma_wait3A_227 : memref<2x128xi32, #tpu.memory_space<hbm>>) dst(%arg7 : memref<2x128xi32, #tpu.memory_space<vmem>>)
        %dma_start3A_228 = arith.constant 0 : i32
        %dma_start3A_229 = arith.constant 0 : i32
        %dma_start3A_230 = tpu.memref_slice %arg7[%dma_start3A_228, %dma_start3A_229] : memref<2x128xi32, #tpu.memory_space<vmem>> -> memref<1x128xi32, #tpu.memory_space<vmem>>
        %dma_start3A_231 = tpu.memref_squeeze %dma_start3A_230 : memref<1x128xi32, #tpu.memory_space<vmem>> -> memref<128xi32, #tpu.memory_space<vmem>>
        %dma_start3A_232 = arith.constant 0 : i32
        %dma_start3A_233 = arith.constant 0 : i32
        %dma_start3A_234 = tpu.memref_slice %arg3[%dma_start3A_232, %dma_start3A_233] : memref<10000x64xf32, #tpu.memory_space<hbm>> -> memref<10000x64xf32, #tpu.memory_space<hbm>>
        tpu.enqueue_indirect_dma source(%dma_start3A_234 : memref<10000x64xf32, #tpu.memory_space<hbm>>) target(%arg11 : memref<128x64xf32, #tpu.memory_space<vmem>>) offsets(%dma_start3A_231 : memref<128xi32, #tpu.memory_space<vmem>>) semaphore(%arg21 : memref<!tpu.dma_semaphore, #tpu.memory_space<semaphore_mem>>)
        %add3A_235 = arith.constant 2 : i32
        %add3A_236 = arith.addi %mul3A_158, %add3A_235 : i32
        %add3A_237 = arith.constant 4 : i32
        %add3A_238 = arith.addi %add3A_236, %add3A_237 : i32
        %mul3A_239 = arith.constant 128 : i32
        %mul3A_240 = arith.muli %add3A_238, %mul3A_239 : i32
        %add3A_241 = arith.addi %mul3A_23, %mul3A_240 : i32
        %dma_start3A_242 = arith.constant 0 : i32
        %dma_start3A_243 = tpu.memref_slice %arg4[%dma_start3A_242, %add3A_241] : memref<2x320000xi32, #tpu.memory_space<hbm>> -> memref<2x128xi32, #tpu.memory_space<hbm>>
        %dma_start3A_244 = arith.constant 0 : i32
        %dma_start3A_245 = tpu.memref_slice %arg4[%dma_start3A_244, %add3A_241] : memref<2x320000xi32, #tpu.memory_space<hbm>> -> memref<2x128xi32, #tpu.memory_space<hbm>>
        tpu.enqueue_dma source(%dma_start3A_245 : memref<2x128xi32, #tpu.memory_space<hbm>>) target(%arg8 : memref<2x128xi32, #tpu.memory_space<vmem>>) target_semaphore(%arg18 : memref<!tpu.dma_semaphore, #tpu.memory_space<semaphore_mem>>)
        %dma_wait3A_246 = arith.constant 0 : i32
        %dma_wait3A_247 = arith.constant 0 : i32
        %dma_wait3A_248 = tpu.memref_slice %arg3[%dma_wait3A_246, %dma_wait3A_247] : memref<10000x64xf32, #tpu.memory_space<hbm>> -> memref<128x64xf32, #tpu.memory_space<hbm>>
        %dma_wait3A_249 = arith.constant 0 : i32
        %dma_wait3A_250 = arith.constant 0 : i32
        %dma_wait3A_251 = tpu.memref_slice %arg3[%dma_wait3A_249, %dma_wait3A_250] : memref<10000x64xf32, #tpu.memory_space<hbm>> -> memref<128x64xf32, #tpu.memory_space<hbm>>
        tpu.wait_dma2 semaphore(%arg23 : memref<!tpu.dma_semaphore, #tpu.memory_space<semaphore_mem>>) src(%dma_wait3A_251 : memref<128x64xf32, #tpu.memory_space<hbm>>) dst(%arg13 : memref<128x64xf32, #tpu.memory_space<vmem>>)
        %run_scoped3A_252 = arith.constant 1 : i32
        "tpu.region"() ({
          %run_scoped3A_275 = tpu.sem_alloc : memref<!tpu.dma_semaphore, #tpu.memory_space<semaphore_mem>>
          %dma_start3A_276 = arith.constant 0 : i32
          %dma_start3A_277 = tpu.memref_slice %arg9[%run_scoped3A_252, %dma_start3A_276] : memref<2x128xi32, #tpu.memory_space<vmem>> -> memref<1x128xi32, #tpu.memory_space<vmem>>
          %dma_start3A_278 = tpu.memref_squeeze %dma_start3A_277 : memref<1x128xi32, #tpu.memory_space<vmem>> -> memref<128xi32, #tpu.memory_space<vmem>>
          %dma_start3A_279 = arith.constant 0 : i32
          %dma_start3A_280 = arith.constant 0 : i32
          %dma_start3A_281 = tpu.memref_slice %arg15[%dma_start3A_279, %dma_start3A_280] : memref<10240x64xf32, #tpu.memory_space<vmem_shared>> -> memref<10240x64xf32, #tpu.memory_space<vmem_shared>>
          tpu.enqueue_indirect_dma source(%arg13 : memref<128x64xf32, #tpu.memory_space<vmem>>) target(%dma_start3A_281 : memref<10240x64xf32, #tpu.memory_space<vmem_shared>>) offsets(%dma_start3A_278 : memref<128xi32, #tpu.memory_space<vmem>>) semaphore(%run_scoped3A_275 : memref<!tpu.dma_semaphore, #tpu.memory_space<semaphore_mem>>) {add = true}
          %dma_wait3A_282 = arith.constant 0 : i32
          %dma_wait3A_283 = tpu.memref_slice %arg9[%run_scoped3A_252, %dma_wait3A_282] : memref<2x128xi32, #tpu.memory_space<vmem>> -> memref<1x128xi32, #tpu.memory_space<vmem>>
          %dma_wait3A_284 = tpu.memref_squeeze %dma_wait3A_283 : memref<1x128xi32, #tpu.memory_space<vmem>> -> memref<128xi32, #tpu.memory_space<vmem>>
          %dma_wait3A_285 = arith.constant 0 : i32
          %dma_wait3A_286 = arith.constant 0 : i32
          %dma_wait3A_287 = tpu.memref_slice %arg15[%dma_wait3A_285, %dma_wait3A_286] : memref<10240x64xf32, #tpu.memory_space<vmem_shared>> -> memref<10240x64xf32, #tpu.memory_space<vmem_shared>>
          tpu.wait_indirect_dma semaphore(%run_scoped3A_275 : memref<!tpu.dma_semaphore, #tpu.memory_space<semaphore_mem>>) src(%arg13 : memref<128x64xf32, #tpu.memory_space<vmem>>) dst(%dma_wait3A_287 : memref<10240x64xf32, #tpu.memory_space<vmem_shared>>)
          tpu.yield
        }) : () -> ()
        %dma_wait3A_253 = arith.constant 0 : i32
        %dma_wait3A_254 = tpu.memref_slice %arg4[%dma_wait3A_253, %mul3A_23] : memref<2x320000xi32, #tpu.memory_space<hbm>> -> memref<2x128xi32, #tpu.memory_space<hbm>>
        %dma_wait3A_255 = arith.constant 0 : i32
        %dma_wait3A_256 = tpu.memref_slice %arg4[%dma_wait3A_255, %mul3A_23] : memref<2x320000xi32, #tpu.memory_space<hbm>> -> memref<2x128xi32, #tpu.memory_space<hbm>>
        tpu.wait_dma2 semaphore(%arg18 : memref<!tpu.dma_semaphore, #tpu.memory_space<semaphore_mem>>) src(%dma_wait3A_256 : memref<2x128xi32, #tpu.memory_space<hbm>>) dst(%arg8 : memref<2x128xi32, #tpu.memory_space<vmem>>)
        %dma_start3A_257 = arith.constant 0 : i32
        %dma_start3A_258 = arith.constant 0 : i32
        %dma_start3A_259 = tpu.memref_slice %arg8[%dma_start3A_257, %dma_start3A_258] : memref<2x128xi32, #tpu.memory_space<vmem>> -> memref<1x128xi32, #tpu.memory_space<vmem>>
        %dma_start3A_260 = tpu.memref_squeeze %dma_start3A_259 : memref<1x128xi32, #tpu.memory_space<vmem>> -> memref<128xi32, #tpu.memory_space<vmem>>
        %dma_start3A_261 = arith.constant 0 : i32
        %dma_start3A_262 = arith.constant 0 : i32
        %dma_start3A_263 = tpu.memref_slice %arg3[%dma_start3A_261, %dma_start3A_262] : memref<10000x64xf32, #tpu.memory_space<hbm>> -> memref<10000x64xf32, #tpu.memory_space<hbm>>
        tpu.enqueue_indirect_dma source(%dma_start3A_263 : memref<10000x64xf32, #tpu.memory_space<hbm>>) target(%arg12 : memref<128x64xf32, #tpu.memory_space<vmem>>) offsets(%dma_start3A_260 : memref<128xi32, #tpu.memory_space<vmem>>) semaphore(%arg22 : memref<!tpu.dma_semaphore, #tpu.memory_space<semaphore_mem>>)
        %add3A_264 = arith.constant 3 : i32
        %add3A_265 = arith.addi %mul3A_158, %add3A_264 : i32
        %add3A_266 = arith.constant 4 : i32
        %add3A_267 = arith.addi %add3A_265, %add3A_266 : i32
        %mul3A_268 = arith.constant 128 : i32
        %mul3A_269 = arith.muli %add3A_267, %mul3A_268 : i32
        %add3A_270 = arith.addi %mul3A_23, %mul3A_269 : i32
        %dma_start3A_271 = arith.constant 0 : i32
        %dma_start3A_272 = tpu.memref_slice %arg4[%dma_start3A_271, %add3A_270] : memref<2x320000xi32, #tpu.memory_space<hbm>> -> memref<2x128xi32, #tpu.memory_space<hbm>>
        %dma_start3A_273 = arith.constant 0 : i32
        %dma_start3A_274 = tpu.memref_slice %arg4[%dma_start3A_273, %add3A_270] : memref<2x320000xi32, #tpu.memory_space<hbm>> -> memref<2x128xi32, #tpu.memory_space<hbm>>
        tpu.enqueue_dma source(%dma_start3A_274 : memref<2x128xi32, #tpu.memory_space<hbm>>) target(%arg9 : memref<2x128xi32, #tpu.memory_space<vmem>>) target_semaphore(%arg19 : memref<!tpu.dma_semaphore, #tpu.memory_space<semaphore_mem>>)
      }
      %dma_wait3A_118 = arith.constant 0 : i32
      %dma_wait3A_119 = arith.constant 0 : i32
      %dma_wait3A_120 = tpu.memref_slice %arg3[%dma_wait3A_118, %dma_wait3A_119] : memref<10000x64xf32, #tpu.memory_space<hbm>> -> memref<128x64xf32, #tpu.memory_space<hbm>>
      %dma_wait3A_121 = arith.constant 0 : i32
      %dma_wait3A_122 = arith.constant 0 : i32
      %dma_wait3A_123 = tpu.memref_slice %arg3[%dma_wait3A_121, %dma_wait3A_122] : memref<10000x64xf32, #tpu.memory_space<hbm>> -> memref<128x64xf32, #tpu.memory_space<hbm>>
      tpu.wait_dma2 semaphore(%arg20 : memref<!tpu.dma_semaphore, #tpu.memory_space<semaphore_mem>>) src(%dma_wait3A_123 : memref<128x64xf32, #tpu.memory_space<hbm>>) dst(%arg10 : memref<128x64xf32, #tpu.memory_space<vmem>>)
      %run_scoped3A = arith.constant 1 : i32
      "tpu.region"() ({
        %run_scoped3A_156 = tpu.sem_alloc : memref<!tpu.dma_semaphore, #tpu.memory_space<semaphore_mem>>
        %dma_start3A_157 = arith.constant 0 : i32
        %dma_start3A_158 = tpu.memref_slice %arg6[%run_scoped3A, %dma_start3A_157] : memref<2x128xi32, #tpu.memory_space<vmem>> -> memref<1x128xi32, #tpu.memory_space<vmem>>
        %dma_start3A_159 = tpu.memref_squeeze %dma_start3A_158 : memref<1x128xi32, #tpu.memory_space<vmem>> -> memref<128xi32, #tpu.memory_space<vmem>>
        %dma_start3A_160 = arith.constant 0 : i32
        %dma_start3A_161 = arith.constant 0 : i32
        %dma_start3A_162 = tpu.memref_slice %arg15[%dma_start3A_160, %dma_start3A_161] : memref<10240x64xf32, #tpu.memory_space<vmem_shared>> -> memref<10240x64xf32, #tpu.memory_space<vmem_shared>>
        tpu.enqueue_indirect_dma source(%arg10 : memref<128x64xf32, #tpu.memory_space<vmem>>) target(%dma_start3A_162 : memref<10240x64xf32, #tpu.memory_space<vmem_shared>>) offsets(%dma_start3A_159 : memref<128xi32, #tpu.memory_space<vmem>>) semaphore(%run_scoped3A_156 : memref<!tpu.dma_semaphore, #tpu.memory_space<semaphore_mem>>) {add = true}
        %dma_wait3A_163 = arith.constant 0 : i32
        %dma_wait3A_164 = tpu.memref_slice %arg6[%run_scoped3A, %dma_wait3A_163] : memref<2x128xi32, #tpu.memory_space<vmem>> -> memref<1x128xi32, #tpu.memory_space<vmem>>
        %dma_wait3A_165 = tpu.memref_squeeze %dma_wait3A_164 : memref<1x128xi32, #tpu.memory_space<vmem>> -> memref<128xi32, #tpu.memory_space<vmem>>
        %dma_wait3A_166 = arith.constant 0 : i32
        %dma_wait3A_167 = arith.constant 0 : i32
        %dma_wait3A_168 = tpu.memref_slice %arg15[%dma_wait3A_166, %dma_wait3A_167] : memref<10240x64xf32, #tpu.memory_space<vmem_shared>> -> memref<10240x64xf32, #tpu.memory_space<vmem_shared>>
        tpu.wait_indirect_dma semaphore(%run_scoped3A_156 : memref<!tpu.dma_semaphore, #tpu.memory_space<semaphore_mem>>) src(%arg10 : memref<128x64xf32, #tpu.memory_space<vmem>>) dst(%dma_wait3A_168 : memref<10240x64xf32, #tpu.memory_space<vmem_shared>>)
        tpu.yield
      }) : () -> ()
      %dma_wait3A_124 = arith.constant 0 : i32
      %dma_wait3A_125 = tpu.memref_slice %arg4[%dma_wait3A_124, %mul3A_23] : memref<2x320000xi32, #tpu.memory_space<hbm>> -> memref<2x128xi32, #tpu.memory_space<hbm>>
      %dma_wait3A_126 = arith.constant 0 : i32
      %dma_wait3A_127 = tpu.memref_slice %arg4[%dma_wait3A_126, %mul3A_23] : memref<2x320000xi32, #tpu.memory_space<hbm>> -> memref<2x128xi32, #tpu.memory_space<hbm>>
      tpu.wait_dma2 semaphore(%arg19 : memref<!tpu.dma_semaphore, #tpu.memory_space<semaphore_mem>>) src(%dma_wait3A_127 : memref<2x128xi32, #tpu.memory_space<hbm>>) dst(%arg9 : memref<2x128xi32, #tpu.memory_space<vmem>>)
      %dma_start3A_128 = arith.constant 0 : i32
      %dma_start3A_129 = arith.constant 0 : i32
      %dma_start3A_130 = tpu.memref_slice %arg9[%dma_start3A_128, %dma_start3A_129] : memref<2x128xi32, #tpu.memory_space<vmem>> -> memref<1x128xi32, #tpu.memory_space<vmem>>
      %dma_start3A_131 = tpu.memref_squeeze %dma_start3A_130 : memref<1x128xi32, #tpu.memory_space<vmem>> -> memref<128xi32, #tpu.memory_space<vmem>>
      %dma_start3A_132 = arith.constant 0 : i32
      %dma_start3A_133 = arith.constant 0 : i32
      %dma_start3A_134 = tpu.memref_slice %arg3[%dma_start3A_132, %dma_start3A_133] : memref<10000x64xf32, #tpu.memory_space<hbm>> -> memref<10000x64xf32, #tpu.memory_space<hbm>>
      tpu.enqueue_indirect_dma source(%dma_start3A_134 : memref<10000x64xf32, #tpu.memory_space<hbm>>) target(%arg13 : memref<128x64xf32, #tpu.memory_space<vmem>>) offsets(%dma_start3A_131 : memref<128xi32, #tpu.memory_space<vmem>>) semaphore(%arg23 : memref<!tpu.dma_semaphore, #tpu.memory_space<semaphore_mem>>)
      %dma_wait3A_135 = arith.constant 0 : i32
      %dma_wait3A_136 = arith.constant 0 : i32
      %dma_wait3A_137 = tpu.memref_slice %arg3[%dma_wait3A_135, %dma_wait3A_136] : memref<10000x64xf32, #tpu.memory_space<hbm>> -> memref<128x64xf32, #tpu.memory_space<hbm>>
      %dma_wait3A_138 = arith.constant 0 : i32
      %dma_wait3A_139 = arith.constant 0 : i32
      %dma_wait3A_140 = tpu.memref_slice %arg3[%dma_wait3A_138, %dma_wait3A_139] : memref<10000x64xf32, #tpu.memory_space<hbm>> -> memref<128x64xf32, #tpu.memory_space<hbm>>
      tpu.wait_dma2 semaphore(%arg21 : memref<!tpu.dma_semaphore, #tpu.memory_space<semaphore_mem>>) src(%dma_wait3A_140 : memref<128x64xf32, #tpu.memory_space<hbm>>) dst(%arg11 : memref<128x64xf32, #tpu.memory_space<vmem>>)
      %run_scoped3A_141 = arith.constant 1 : i32
      "tpu.region"() ({
        %run_scoped3A_156 = tpu.sem_alloc : memref<!tpu.dma_semaphore, #tpu.memory_space<semaphore_mem>>
        %dma_start3A_157 = arith.constant 0 : i32
        %dma_start3A_158 = tpu.memref_slice %arg7[%run_scoped3A_141, %dma_start3A_157] : memref<2x128xi32, #tpu.memory_space<vmem>> -> memref<1x128xi32, #tpu.memory_space<vmem>>
        %dma_start3A_159 = tpu.memref_squeeze %dma_start3A_158 : memref<1x128xi32, #tpu.memory_space<vmem>> -> memref<128xi32, #tpu.memory_space<vmem>>
        %dma_start3A_160 = arith.constant 0 : i32
        %dma_start3A_161 = arith.constant 0 : i32
        %dma_start3A_162 = tpu.memref_slice %arg15[%dma_start3A_160, %dma_start3A_161] : memref<10240x64xf32, #tpu.memory_space<vmem_shared>> -> memref<10240x64xf32, #tpu.memory_space<vmem_shared>>
        tpu.enqueue_indirect_dma source(%arg11 : memref<128x64xf32, #tpu.memory_space<vmem>>) target(%dma_start3A_162 : memref<10240x64xf32, #tpu.memory_space<vmem_shared>>) offsets(%dma_start3A_159 : memref<128xi32, #tpu.memory_space<vmem>>) semaphore(%run_scoped3A_156 : memref<!tpu.dma_semaphore, #tpu.memory_space<semaphore_mem>>) {add = true}
        %dma_wait3A_163 = arith.constant 0 : i32
        %dma_wait3A_164 = tpu.memref_slice %arg7[%run_scoped3A_141, %dma_wait3A_163] : memref<2x128xi32, #tpu.memory_space<vmem>> -> memref<1x128xi32, #tpu.memory_space<vmem>>
        %dma_wait3A_165 = tpu.memref_squeeze %dma_wait3A_164 : memref<1x128xi32, #tpu.memory_space<vmem>> -> memref<128xi32, #tpu.memory_space<vmem>>
        %dma_wait3A_166 = arith.constant 0 : i32
        %dma_wait3A_167 = arith.constant 0 : i32
        %dma_wait3A_168 = tpu.memref_slice %arg15[%dma_wait3A_166, %dma_wait3A_167] : memref<10240x64xf32, #tpu.memory_space<vmem_shared>> -> memref<10240x64xf32, #tpu.memory_space<vmem_shared>>
        tpu.wait_indirect_dma semaphore(%run_scoped3A_156 : memref<!tpu.dma_semaphore, #tpu.memory_space<semaphore_mem>>) src(%arg11 : memref<128x64xf32, #tpu.memory_space<vmem>>) dst(%dma_wait3A_168 : memref<10240x64xf32, #tpu.memory_space<vmem_shared>>)
        tpu.yield
      }) : () -> ()
      %dma_wait3A_142 = arith.constant 0 : i32
      %dma_wait3A_143 = arith.constant 0 : i32
      %dma_wait3A_144 = tpu.memref_slice %arg3[%dma_wait3A_142, %dma_wait3A_143] : memref<10000x64xf32, #tpu.memory_space<hbm>> -> memref<128x64xf32, #tpu.memory_space<hbm>>
      %dma_wait3A_145 = arith.constant 0 : i32
      %dma_wait3A_146 = arith.constant 0 : i32
      %dma_wait3A_147 = tpu.memref_slice %arg3[%dma_wait3A_145, %dma_wait3A_146] : memref<10000x64xf32, #tpu.memory_space<hbm>> -> memref<128x64xf32, #tpu.memory_space<hbm>>
      tpu.wait_dma2 semaphore(%arg22 : memref<!tpu.dma_semaphore, #tpu.memory_space<semaphore_mem>>) src(%dma_wait3A_147 : memref<128x64xf32, #tpu.memory_space<hbm>>) dst(%arg12 : memref<128x64xf32, #tpu.memory_space<vmem>>)
      %run_scoped3A_148 = arith.constant 1 : i32
      "tpu.region"() ({
        %run_scoped3A_156 = tpu.sem_alloc : memref<!tpu.dma_semaphore, #tpu.memory_space<semaphore_mem>>
        %dma_start3A_157 = arith.constant 0 : i32
        %dma_start3A_158 = tpu.memref_slice %arg8[%run_scoped3A_148, %dma_start3A_157] : memref<2x128xi32, #tpu.memory_space<vmem>> -> memref<1x128xi32, #tpu.memory_space<vmem>>
        %dma_start3A_159 = tpu.memref_squeeze %dma_start3A_158 : memref<1x128xi32, #tpu.memory_space<vmem>> -> memref<128xi32, #tpu.memory_space<vmem>>
        %dma_start3A_160 = arith.constant 0 : i32
        %dma_start3A_161 = arith.constant 0 : i32
        %dma_start3A_162 = tpu.memref_slice %arg15[%dma_start3A_160, %dma_start3A_161] : memref<10240x64xf32, #tpu.memory_space<vmem_shared>> -> memref<10240x64xf32, #tpu.memory_space<vmem_shared>>
        tpu.enqueue_indirect_dma source(%arg12 : memref<128x64xf32, #tpu.memory_space<vmem>>) target(%dma_start3A_162 : memref<10240x64xf32, #tpu.memory_space<vmem_shared>>) offsets(%dma_start3A_159 : memref<128xi32, #tpu.memory_space<vmem>>) semaphore(%run_scoped3A_156 : memref<!tpu.dma_semaphore, #tpu.memory_space<semaphore_mem>>) {add = true}
        %dma_wait3A_163 = arith.constant 0 : i32
        %dma_wait3A_164 = tpu.memref_slice %arg8[%run_scoped3A_148, %dma_wait3A_163] : memref<2x128xi32, #tpu.memory_space<vmem>> -> memref<1x128xi32, #tpu.memory_space<vmem>>
        %dma_wait3A_165 = tpu.memref_squeeze %dma_wait3A_164 : memref<1x128xi32, #tpu.memory_space<vmem>> -> memref<128xi32, #tpu.memory_space<vmem>>
        %dma_wait3A_166 = arith.constant 0 : i32
        %dma_wait3A_167 = arith.constant 0 : i32
        %dma_wait3A_168 = tpu.memref_slice %arg15[%dma_wait3A_166, %dma_wait3A_167] : memref<10240x64xf32, #tpu.memory_space<vmem_shared>> -> memref<10240x64xf32, #tpu.memory_space<vmem_shared>>
        tpu.wait_indirect_dma semaphore(%run_scoped3A_156 : memref<!tpu.dma_semaphore, #tpu.memory_space<semaphore_mem>>) src(%arg12 : memref<128x64xf32, #tpu.memory_space<vmem>>) dst(%dma_wait3A_168 : memref<10240x64xf32, #tpu.memory_space<vmem_shared>>)
        tpu.yield
      }) : () -> ()
      %dma_wait3A_149 = arith.constant 0 : i32
      %dma_wait3A_150 = arith.constant 0 : i32
      %dma_wait3A_151 = tpu.memref_slice %arg3[%dma_wait3A_149, %dma_wait3A_150] : memref<10000x64xf32, #tpu.memory_space<hbm>> -> memref<128x64xf32, #tpu.memory_space<hbm>>
      %dma_wait3A_152 = arith.constant 0 : i32
      %dma_wait3A_153 = arith.constant 0 : i32
      %dma_wait3A_154 = tpu.memref_slice %arg3[%dma_wait3A_152, %dma_wait3A_153] : memref<10000x64xf32, #tpu.memory_space<hbm>> -> memref<128x64xf32, #tpu.memory_space<hbm>>
      tpu.wait_dma2 semaphore(%arg23 : memref<!tpu.dma_semaphore, #tpu.memory_space<semaphore_mem>>) src(%dma_wait3A_154 : memref<128x64xf32, #tpu.memory_space<hbm>>) dst(%arg13 : memref<128x64xf32, #tpu.memory_space<vmem>>)
      %run_scoped3A_155 = arith.constant 1 : i32
      "tpu.region"() ({
        %run_scoped3A_156 = tpu.sem_alloc : memref<!tpu.dma_semaphore, #tpu.memory_space<semaphore_mem>>
        %dma_start3A_157 = arith.constant 0 : i32
        %dma_start3A_158 = tpu.memref_slice %arg9[%run_scoped3A_155, %dma_start3A_157] : memref<2x128xi32, #tpu.memory_space<vmem>> -> memref<1x128xi32, #tpu.memory_space<vmem>>
        %dma_start3A_159 = tpu.memref_squeeze %dma_start3A_158 : memref<1x128xi32, #tpu.memory_space<vmem>> -> memref<128xi32, #tpu.memory_space<vmem>>
        %dma_start3A_160 = arith.constant 0 : i32
        %dma_start3A_161 = arith.constant 0 : i32
        %dma_start3A_162 = tpu.memref_slice %arg15[%dma_start3A_160, %dma_start3A_161] : memref<10240x64xf32, #tpu.memory_space<vmem_shared>> -> memref<10240x64xf32, #tpu.memory_space<vmem_shared>>
        tpu.enqueue_indirect_dma source(%arg13 : memref<128x64xf32, #tpu.memory_space<vmem>>) target(%dma_start3A_162 : memref<10240x64xf32, #tpu.memory_space<vmem_shared>>) offsets(%dma_start3A_159 : memref<128xi32, #tpu.memory_space<vmem>>) semaphore(%run_scoped3A_156 : memref<!tpu.dma_semaphore, #tpu.memory_space<semaphore_mem>>) {add = true}
        %dma_wait3A_163 = arith.constant 0 : i32
        %dma_wait3A_164 = tpu.memref_slice %arg9[%run_scoped3A_155, %dma_wait3A_163] : memref<2x128xi32, #tpu.memory_space<vmem>> -> memref<1x128xi32, #tpu.memory_space<vmem>>
        %dma_wait3A_165 = tpu.memref_squeeze %dma_wait3A_164 : memref<1x128xi32, #tpu.memory_space<vmem>> -> memref<128xi32, #tpu.memory_space<vmem>>
        %dma_wait3A_166 = arith.constant 0 : i32
        %dma_wait3A_167 = arith.constant 0 : i32
        %dma_wait3A_168 = tpu.memref_slice %arg15[%dma_wait3A_166, %dma_wait3A_167] : memref<10240x64xf32, #tpu.memory_space<vmem_shared>> -> memref<10240x64xf32, #tpu.memory_space<vmem_shared>>
        tpu.wait_indirect_dma semaphore(%run_scoped3A_156 : memref<!tpu.dma_semaphore, #tpu.memory_space<semaphore_mem>>) src(%arg13 : memref<128x64xf32, #tpu.memory_space<vmem>>) dst(%dma_wait3A_168 : memref<10240x64xf32, #tpu.memory_space<vmem_shared>>)
        tpu.yield
      }) : () -> ()
    } else {
    }
    %barrier3A_33 = arith.constant 0 : index
    tpu.barrier barrier_id(%barrier3A_33)
    "tpu.region"() ({
      %run_scoped3A = tpu.sem_alloc : memref<!tpu.dma_semaphore, #tpu.memory_space<semaphore_mem>>
      %dma_start3A = arith.constant 0 : i32
      %dma_start3A_34 = tpu.memref_slice %arg5[%arg0, %mul3A_6, %dma_start3A] : memref<2x10240x64xf32, #tpu.memory_space<hbm>> -> memref<1x640x64xf32, #tpu.memory_space<hbm>>
      %dma_start3A_35 = tpu.memref_squeeze %dma_start3A_34 : memref<1x640x64xf32, #tpu.memory_space<hbm>> -> memref<640x64xf32, #tpu.memory_space<hbm>>
      %dma_start3A_36 = arith.constant 0 : i32
      %dma_start3A_37 = tpu.memref_slice %arg15[%mul3A_6, %dma_start3A_36] : memref<10240x64xf32, #tpu.memory_space<vmem_shared>> -> memref<640x64xf32, #tpu.memory_space<vmem_shared>>
      tpu.enqueue_dma source(%dma_start3A_37 : memref<640x64xf32, #tpu.memory_space<vmem_shared>>) target(%dma_start3A_35 : memref<640x64xf32, #tpu.memory_space<hbm>>) target_semaphore(%run_scoped3A : memref<!tpu.dma_semaphore, #tpu.memory_space<semaphore_mem>>)
      %dma_wait3A = arith.constant 0 : i32
      %dma_wait3A_38 = tpu.memref_slice %arg5[%arg0, %mul3A_6, %dma_wait3A] : memref<2x10240x64xf32, #tpu.memory_space<hbm>> -> memref<1x640x64xf32, #tpu.memory_space<hbm>>
      %dma_wait3A_39 = tpu.memref_squeeze %dma_wait3A_38 : memref<1x640x64xf32, #tpu.memory_space<hbm>> -> memref<640x64xf32, #tpu.memory_space<hbm>>
      %dma_wait3A_40 = arith.constant 0 : i32
      %dma_wait3A_41 = tpu.memref_slice %arg15[%mul3A_6, %dma_wait3A_40] : memref<10240x64xf32, #tpu.memory_space<vmem_shared>> -> memref<640x64xf32, #tpu.memory_space<vmem_shared>>
      tpu.wait_dma2 semaphore(%run_scoped3A : memref<!tpu.dma_semaphore, #tpu.memory_space<semaphore_mem>>) src(%dma_wait3A_41 : memref<640x64xf32, #tpu.memory_space<vmem_shared>>) dst(%dma_wait3A_39 : memref<640x64xf32, #tpu.memory_space<hbm>>)
      tpu.yield
    }) : () -> ()
    return
  }
}

#map = affine_map<(d0, d1) -> (0, 0)>
#map1 = affine_map<(d0, d1) -> (0, 0, 0)>
module attributes {stable_mosaic.version = 14 : i64} {
  func.func @_sc_qd(%arg0: i32, %arg1: i32, %arg2: memref<2x320000xi32, #tpu.memory_space<hbm>>, %arg3: memref<320000x32xf32, #tpu.memory_space<hbm>>, %arg4: memref<2x10240x32xf32, #tpu.memory_space<hbm>>, %arg5: memref<2560xi32, #tpu.memory_space<vmem>>, %arg6: memref<1280x32xf32, #tpu.memory_space<vmem>>, %arg7: memref<1280x32xf32, #tpu.memory_space<vmem>>, %arg8: memref<20x128xi32, #tpu.memory_space<vmem>>, %arg9: memref<80x32xf32, #tpu.memory_space<vmem>>, %arg10: memref<10240x32xf32, #tpu.memory_space<vmem_shared>>, %arg11: memref<!tpu.dma_semaphore, #tpu.memory_space<semaphore_mem>>, %arg12: memref<!tpu.dma_semaphore, #tpu.memory_space<semaphore_mem>>, %arg13: memref<!tpu.dma_semaphore, #tpu.memory_space<semaphore_mem>>, %arg14: memref<!tpu.dma_semaphore, #tpu.memory_space<semaphore_mem>>) attributes {dimension_semantics = [#tpu.dimension_semantics<core_parallel>, #tpu.dimension_semantics<subcore_parallel>], iteration_bounds = array<i64: 2, 16>, scalar_prefetch = 0 : i64, scratch_operands = 10 : i64, tpu.core_type = #tpu.core_type<sc_vector_subcore>, window_params = [{transform_indices = #map}, {transform_indices = #map}, {transform_indices = #map1}]} {
    %broadcast_in_dim3A = arith.constant 0.000000e+00 : f32
    %broadcast_in_dim3A_0 = vector.broadcast %broadcast_in_dim3A : f32 to vector<16xf32>
    %scan3A = arith.constant 0 : i32
    %scan3A_1 = arith.constant 0 : i32
    %scan3A_2 = arith.constant 80 : i32
    %scan3A_3 = arith.addi %scan3A_1, %scan3A_2 : i32
    %scan3A_4 = arith.constant 1 : i32
    scf.for %scan3A_75 = %scan3A_1 to %scan3A_3 step %scan3A_4  : i32 {
      %swap3A = arith.index_cast %scan3A_75 : i32 to index
      %swap3A_76 = arith.constant 0 : index
      %swap3A_77 = tpu.vector_load %arg9[%swap3A, %swap3A_76] {strides = array<i32>} : memref<80x32xf32, #tpu.memory_space<vmem>>, vector<16xf32>,
      tpu.vector_store %arg9[%swap3A, %swap3A_76], %broadcast_in_dim3A_0 {strides = array<i32>} : memref<80x32xf32, #tpu.memory_space<vmem>>, vector<16xf32>,
      %swap3A_78 = arith.index_cast %scan3A_75 : i32 to index
      %swap3A_79 = arith.constant 16 : index
      %swap3A_80 = tpu.vector_load %arg9[%swap3A_78, %swap3A_79] {strides = array<i32>} : memref<80x32xf32, #tpu.memory_space<vmem>>, vector<16xf32>,
      tpu.vector_store %arg9[%swap3A_78, %swap3A_79], %broadcast_in_dim3A_0 {strides = array<i32>} : memref<80x32xf32, #tpu.memory_space<vmem>>, vector<16xf32>,
    }
    %scan3A_5 = arith.constant 80 : i32
    %mul3A = arith.constant 640 : i32
    %mul3A_6 = arith.muli %arg1, %mul3A : i32
    %add3A = arith.constant 0 : i32
    %add3A_7 = arith.addi %mul3A_6, %add3A : i32
    "tpu.region"() ({
      %run_scoped3A = tpu.sem_alloc : memref<!tpu.dma_semaphore, #tpu.memory_space<semaphore_mem>>
      %dma_start3A = arith.constant 0 : i32
      %dma_start3A_75 = tpu.memref_slice %arg10[%add3A_7, %dma_start3A] : memref<10240x32xf32, #tpu.memory_space<vmem_shared>> -> memref<80x32xf32, #tpu.memory_space<vmem_shared>>
      %dma_start3A_76 = arith.constant 0 : i32
      %dma_start3A_77 = tpu.memref_slice %arg10[%add3A_7, %dma_start3A_76] : memref<10240x32xf32, #tpu.memory_space<vmem_shared>> -> memref<80x32xf32, #tpu.memory_space<vmem_shared>>
      tpu.enqueue_dma source(%arg9 : memref<80x32xf32, #tpu.memory_space<vmem>>) target(%dma_start3A_77 : memref<80x32xf32, #tpu.memory_space<vmem_shared>>) target_semaphore(%run_scoped3A : memref<!tpu.dma_semaphore, #tpu.memory_space<semaphore_mem>>)
      %dma_wait3A = arith.constant 0 : i32
      %dma_wait3A_78 = tpu.memref_slice %arg10[%add3A_7, %dma_wait3A] : memref<10240x32xf32, #tpu.memory_space<vmem_shared>> -> memref<80x32xf32, #tpu.memory_space<vmem_shared>>
      %dma_wait3A_79 = arith.constant 0 : i32
      %dma_wait3A_80 = tpu.memref_slice %arg10[%add3A_7, %dma_wait3A_79] : memref<10240x32xf32, #tpu.memory_space<vmem_shared>> -> memref<80x32xf32, #tpu.memory_space<vmem_shared>>
      tpu.wait_dma2 semaphore(%run_scoped3A : memref<!tpu.dma_semaphore, #tpu.memory_space<semaphore_mem>>) src(%arg9 : memref<80x32xf32, #tpu.memory_space<vmem>>) dst(%dma_wait3A_80 : memref<80x32xf32, #tpu.memory_space<vmem_shared>>)
      tpu.yield
    }) : () -> ()
    %add3A_8 = arith.constant 80 : i32
    %add3A_9 = arith.addi %mul3A_6, %add3A_8 : i32
    "tpu.region"() ({
      %run_scoped3A = tpu.sem_alloc : memref<!tpu.dma_semaphore, #tpu.memory_space<semaphore_mem>>
      %dma_start3A = arith.constant 0 : i32
      %dma_start3A_75 = tpu.memref_slice %arg10[%add3A_9, %dma_start3A] : memref<10240x32xf32, #tpu.memory_space<vmem_shared>> -> memref<80x32xf32, #tpu.memory_space<vmem_shared>>
      %dma_start3A_76 = arith.constant 0 : i32
      %dma_start3A_77 = tpu.memref_slice %arg10[%add3A_9, %dma_start3A_76] : memref<10240x32xf32, #tpu.memory_space<vmem_shared>> -> memref<80x32xf32, #tpu.memory_space<vmem_shared>>
      tpu.enqueue_dma source(%arg9 : memref<80x32xf32, #tpu.memory_space<vmem>>) target(%dma_start3A_77 : memref<80x32xf32, #tpu.memory_space<vmem_shared>>) target_semaphore(%run_scoped3A : memref<!tpu.dma_semaphore, #tpu.memory_space<semaphore_mem>>)
      %dma_wait3A = arith.constant 0 : i32
      %dma_wait3A_78 = tpu.memref_slice %arg10[%add3A_9, %dma_wait3A] : memref<10240x32xf32, #tpu.memory_space<vmem_shared>> -> memref<80x32xf32, #tpu.memory_space<vmem_shared>>
      %dma_wait3A_79 = arith.constant 0 : i32
      %dma_wait3A_80 = tpu.memref_slice %arg10[%add3A_9, %dma_wait3A_79] : memref<10240x32xf32, #tpu.memory_space<vmem_shared>> -> memref<80x32xf32, #tpu.memory_space<vmem_shared>>
      tpu.wait_dma2 semaphore(%run_scoped3A : memref<!tpu.dma_semaphore, #tpu.memory_space<semaphore_mem>>) src(%arg9 : memref<80x32xf32, #tpu.memory_space<vmem>>) dst(%dma_wait3A_80 : memref<80x32xf32, #tpu.memory_space<vmem_shared>>)
      tpu.yield
    }) : () -> ()
    %add3A_10 = arith.constant 160 : i32
    %add3A_11 = arith.addi %mul3A_6, %add3A_10 : i32
    "tpu.region"() ({
      %run_scoped3A = tpu.sem_alloc : memref<!tpu.dma_semaphore, #tpu.memory_space<semaphore_mem>>
      %dma_start3A = arith.constant 0 : i32
      %dma_start3A_75 = tpu.memref_slice %arg10[%add3A_11, %dma_start3A] : memref<10240x32xf32, #tpu.memory_space<vmem_shared>> -> memref<80x32xf32, #tpu.memory_space<vmem_shared>>
      %dma_start3A_76 = arith.constant 0 : i32
      %dma_start3A_77 = tpu.memref_slice %arg10[%add3A_11, %dma_start3A_76] : memref<10240x32xf32, #tpu.memory_space<vmem_shared>> -> memref<80x32xf32, #tpu.memory_space<vmem_shared>>
      tpu.enqueue_dma source(%arg9 : memref<80x32xf32, #tpu.memory_space<vmem>>) target(%dma_start3A_77 : memref<80x32xf32, #tpu.memory_space<vmem_shared>>) target_semaphore(%run_scoped3A : memref<!tpu.dma_semaphore, #tpu.memory_space<semaphore_mem>>)
      %dma_wait3A = arith.constant 0 : i32
      %dma_wait3A_78 = tpu.memref_slice %arg10[%add3A_11, %dma_wait3A] : memref<10240x32xf32, #tpu.memory_space<vmem_shared>> -> memref<80x32xf32, #tpu.memory_space<vmem_shared>>
      %dma_wait3A_79 = arith.constant 0 : i32
      %dma_wait3A_80 = tpu.memref_slice %arg10[%add3A_11, %dma_wait3A_79] : memref<10240x32xf32, #tpu.memory_space<vmem_shared>> -> memref<80x32xf32, #tpu.memory_space<vmem_shared>>
      tpu.wait_dma2 semaphore(%run_scoped3A : memref<!tpu.dma_semaphore, #tpu.memory_space<semaphore_mem>>) src(%arg9 : memref<80x32xf32, #tpu.memory_space<vmem>>) dst(%dma_wait3A_80 : memref<80x32xf32, #tpu.memory_space<vmem_shared>>)
      tpu.yield
    }) : () -> ()
    %add3A_12 = arith.constant 240 : i32
    %add3A_13 = arith.addi %mul3A_6, %add3A_12 : i32
    "tpu.region"() ({
      %run_scoped3A = tpu.sem_alloc : memref<!tpu.dma_semaphore, #tpu.memory_space<semaphore_mem>>
      %dma_start3A = arith.constant 0 : i32
      %dma_start3A_75 = tpu.memref_slice %arg10[%add3A_13, %dma_start3A] : memref<10240x32xf32, #tpu.memory_space<vmem_shared>> -> memref<80x32xf32, #tpu.memory_space<vmem_shared>>
      %dma_start3A_76 = arith.constant 0 : i32
      %dma_start3A_77 = tpu.memref_slice %arg10[%add3A_13, %dma_start3A_76] : memref<10240x32xf32, #tpu.memory_space<vmem_shared>> -> memref<80x32xf32, #tpu.memory_space<vmem_shared>>
      tpu.enqueue_dma source(%arg9 : memref<80x32xf32, #tpu.memory_space<vmem>>) target(%dma_start3A_77 : memref<80x32xf32, #tpu.memory_space<vmem_shared>>) target_semaphore(%run_scoped3A : memref<!tpu.dma_semaphore, #tpu.memory_space<semaphore_mem>>)
      %dma_wait3A = arith.constant 0 : i32
      %dma_wait3A_78 = tpu.memref_slice %arg10[%add3A_13, %dma_wait3A] : memref<10240x32xf32, #tpu.memory_space<vmem_shared>> -> memref<80x32xf32, #tpu.memory_space<vmem_shared>>
      %dma_wait3A_79 = arith.constant 0 : i32
      %dma_wait3A_80 = tpu.memref_slice %arg10[%add3A_13, %dma_wait3A_79] : memref<10240x32xf32, #tpu.memory_space<vmem_shared>> -> memref<80x32xf32, #tpu.memory_space<vmem_shared>>
      tpu.wait_dma2 semaphore(%run_scoped3A : memref<!tpu.dma_semaphore, #tpu.memory_space<semaphore_mem>>) src(%arg9 : memref<80x32xf32, #tpu.memory_space<vmem>>) dst(%dma_wait3A_80 : memref<80x32xf32, #tpu.memory_space<vmem_shared>>)
      tpu.yield
    }) : () -> ()
    %add3A_14 = arith.constant 320 : i32
    %add3A_15 = arith.addi %mul3A_6, %add3A_14 : i32
    "tpu.region"() ({
      %run_scoped3A = tpu.sem_alloc : memref<!tpu.dma_semaphore, #tpu.memory_space<semaphore_mem>>
      %dma_start3A = arith.constant 0 : i32
      %dma_start3A_75 = tpu.memref_slice %arg10[%add3A_15, %dma_start3A] : memref<10240x32xf32, #tpu.memory_space<vmem_shared>> -> memref<80x32xf32, #tpu.memory_space<vmem_shared>>
      %dma_start3A_76 = arith.constant 0 : i32
      %dma_start3A_77 = tpu.memref_slice %arg10[%add3A_15, %dma_start3A_76] : memref<10240x32xf32, #tpu.memory_space<vmem_shared>> -> memref<80x32xf32, #tpu.memory_space<vmem_shared>>
      tpu.enqueue_dma source(%arg9 : memref<80x32xf32, #tpu.memory_space<vmem>>) target(%dma_start3A_77 : memref<80x32xf32, #tpu.memory_space<vmem_shared>>) target_semaphore(%run_scoped3A : memref<!tpu.dma_semaphore, #tpu.memory_space<semaphore_mem>>)
      %dma_wait3A = arith.constant 0 : i32
      %dma_wait3A_78 = tpu.memref_slice %arg10[%add3A_15, %dma_wait3A] : memref<10240x32xf32, #tpu.memory_space<vmem_shared>> -> memref<80x32xf32, #tpu.memory_space<vmem_shared>>
      %dma_wait3A_79 = arith.constant 0 : i32
      %dma_wait3A_80 = tpu.memref_slice %arg10[%add3A_15, %dma_wait3A_79] : memref<10240x32xf32, #tpu.memory_space<vmem_shared>> -> memref<80x32xf32, #tpu.memory_space<vmem_shared>>
      tpu.wait_dma2 semaphore(%run_scoped3A : memref<!tpu.dma_semaphore, #tpu.memory_space<semaphore_mem>>) src(%arg9 : memref<80x32xf32, #tpu.memory_space<vmem>>) dst(%dma_wait3A_80 : memref<80x32xf32, #tpu.memory_space<vmem_shared>>)
      tpu.yield
    }) : () -> ()
    %add3A_16 = arith.constant 400 : i32
    %add3A_17 = arith.addi %mul3A_6, %add3A_16 : i32
    "tpu.region"() ({
      %run_scoped3A = tpu.sem_alloc : memref<!tpu.dma_semaphore, #tpu.memory_space<semaphore_mem>>
      %dma_start3A = arith.constant 0 : i32
      %dma_start3A_75 = tpu.memref_slice %arg10[%add3A_17, %dma_start3A] : memref<10240x32xf32, #tpu.memory_space<vmem_shared>> -> memref<80x32xf32, #tpu.memory_space<vmem_shared>>
      %dma_start3A_76 = arith.constant 0 : i32
      %dma_start3A_77 = tpu.memref_slice %arg10[%add3A_17, %dma_start3A_76] : memref<10240x32xf32, #tpu.memory_space<vmem_shared>> -> memref<80x32xf32, #tpu.memory_space<vmem_shared>>
      tpu.enqueue_dma source(%arg9 : memref<80x32xf32, #tpu.memory_space<vmem>>) target(%dma_start3A_77 : memref<80x32xf32, #tpu.memory_space<vmem_shared>>) target_semaphore(%run_scoped3A : memref<!tpu.dma_semaphore, #tpu.memory_space<semaphore_mem>>)
      %dma_wait3A = arith.constant 0 : i32
      %dma_wait3A_78 = tpu.memref_slice %arg10[%add3A_17, %dma_wait3A] : memref<10240x32xf32, #tpu.memory_space<vmem_shared>> -> memref<80x32xf32, #tpu.memory_space<vmem_shared>>
      %dma_wait3A_79 = arith.constant 0 : i32
      %dma_wait3A_80 = tpu.memref_slice %arg10[%add3A_17, %dma_wait3A_79] : memref<10240x32xf32, #tpu.memory_space<vmem_shared>> -> memref<80x32xf32, #tpu.memory_space<vmem_shared>>
      tpu.wait_dma2 semaphore(%run_scoped3A : memref<!tpu.dma_semaphore, #tpu.memory_space<semaphore_mem>>) src(%arg9 : memref<80x32xf32, #tpu.memory_space<vmem>>) dst(%dma_wait3A_80 : memref<80x32xf32, #tpu.memory_space<vmem_shared>>)
      tpu.yield
    }) : () -> ()
    %add3A_18 = arith.constant 480 : i32
    %add3A_19 = arith.addi %mul3A_6, %add3A_18 : i32
    "tpu.region"() ({
      %run_scoped3A = tpu.sem_alloc : memref<!tpu.dma_semaphore, #tpu.memory_space<semaphore_mem>>
      %dma_start3A = arith.constant 0 : i32
      %dma_start3A_75 = tpu.memref_slice %arg10[%add3A_19, %dma_start3A] : memref<10240x32xf32, #tpu.memory_space<vmem_shared>> -> memref<80x32xf32, #tpu.memory_space<vmem_shared>>
      %dma_start3A_76 = arith.constant 0 : i32
      %dma_start3A_77 = tpu.memref_slice %arg10[%add3A_19, %dma_start3A_76] : memref<10240x32xf32, #tpu.memory_space<vmem_shared>> -> memref<80x32xf32, #tpu.memory_space<vmem_shared>>
      tpu.enqueue_dma source(%arg9 : memref<80x32xf32, #tpu.memory_space<vmem>>) target(%dma_start3A_77 : memref<80x32xf32, #tpu.memory_space<vmem_shared>>) target_semaphore(%run_scoped3A : memref<!tpu.dma_semaphore, #tpu.memory_space<semaphore_mem>>)
      %dma_wait3A = arith.constant 0 : i32
      %dma_wait3A_78 = tpu.memref_slice %arg10[%add3A_19, %dma_wait3A] : memref<10240x32xf32, #tpu.memory_space<vmem_shared>> -> memref<80x32xf32, #tpu.memory_space<vmem_shared>>
      %dma_wait3A_79 = arith.constant 0 : i32
      %dma_wait3A_80 = tpu.memref_slice %arg10[%add3A_19, %dma_wait3A_79] : memref<10240x32xf32, #tpu.memory_space<vmem_shared>> -> memref<80x32xf32, #tpu.memory_space<vmem_shared>>
      tpu.wait_dma2 semaphore(%run_scoped3A : memref<!tpu.dma_semaphore, #tpu.memory_space<semaphore_mem>>) src(%arg9 : memref<80x32xf32, #tpu.memory_space<vmem>>) dst(%dma_wait3A_80 : memref<80x32xf32, #tpu.memory_space<vmem_shared>>)
      tpu.yield
    }) : () -> ()
    %add3A_20 = arith.constant 560 : i32
    %add3A_21 = arith.addi %mul3A_6, %add3A_20 : i32
    "tpu.region"() ({
      %run_scoped3A = tpu.sem_alloc : memref<!tpu.dma_semaphore, #tpu.memory_space<semaphore_mem>>
      %dma_start3A = arith.constant 0 : i32
      %dma_start3A_75 = tpu.memref_slice %arg10[%add3A_21, %dma_start3A] : memref<10240x32xf32, #tpu.memory_space<vmem_shared>> -> memref<80x32xf32, #tpu.memory_space<vmem_shared>>
      %dma_start3A_76 = arith.constant 0 : i32
      %dma_start3A_77 = tpu.memref_slice %arg10[%add3A_21, %dma_start3A_76] : memref<10240x32xf32, #tpu.memory_space<vmem_shared>> -> memref<80x32xf32, #tpu.memory_space<vmem_shared>>
      tpu.enqueue_dma source(%arg9 : memref<80x32xf32, #tpu.memory_space<vmem>>) target(%dma_start3A_77 : memref<80x32xf32, #tpu.memory_space<vmem_shared>>) target_semaphore(%run_scoped3A : memref<!tpu.dma_semaphore, #tpu.memory_space<semaphore_mem>>)
      %dma_wait3A = arith.constant 0 : i32
      %dma_wait3A_78 = tpu.memref_slice %arg10[%add3A_21, %dma_wait3A] : memref<10240x32xf32, #tpu.memory_space<vmem_shared>> -> memref<80x32xf32, #tpu.memory_space<vmem_shared>>
      %dma_wait3A_79 = arith.constant 0 : i32
      %dma_wait3A_80 = tpu.memref_slice %arg10[%add3A_21, %dma_wait3A_79] : memref<10240x32xf32, #tpu.memory_space<vmem_shared>> -> memref<80x32xf32, #tpu.memory_space<vmem_shared>>
      tpu.wait_dma2 semaphore(%run_scoped3A : memref<!tpu.dma_semaphore, #tpu.memory_space<semaphore_mem>>) src(%arg9 : memref<80x32xf32, #tpu.memory_space<vmem>>) dst(%dma_wait3A_80 : memref<80x32xf32, #tpu.memory_space<vmem_shared>>)
      tpu.yield
    }) : () -> ()
    %barrier3A = arith.constant 0 : index
    tpu.barrier barrier_id(%barrier3A)
    %lt3A = arith.constant 13 : i32
    %lt3A_22 = arith.cmpi slt, %arg1, %lt3A : i32
    %jit3A = arith.constant 1 : i32
    %jit3A_23 = arith.constant 0 : i32
    %select_n3A = arith.select %lt3A_22, %jit3A, %jit3A_23 : i32
    %add3A_24 = arith.constant 7 : i32
    %add3A_25 = arith.addi %add3A_24, %select_n3A : i32
    %mul3A_26 = arith.constant 7 : i32
    %mul3A_27 = arith.muli %mul3A_26, %arg1 : i32
    %min3A = arith.constant 13 : i32
    %min3A_28 = arith.minsi %arg1, %min3A : i32
    %add3A_29 = arith.addi %mul3A_27, %min3A_28 : i32
    %jit3A_30 = arith.constant 2 : i32
    %div3A = arith.divsi %add3A_25, %jit3A_30 : i32
    %sign3A = arith.constant 0 : i32
    %sign3A_31 = arith.cmpi sgt, %add3A_25, %sign3A : i32
    %sign3A_32 = arith.extui %sign3A_31 : i1 to i32
    %sign3A_33 = arith.constant 0 : i32
    %sign3A_34 = arith.cmpi slt, %add3A_25, %sign3A_33 : i32
    %sign3A_35 = arith.extui %sign3A_34 : i1 to i32
    %sign3A_36 = arith.subi %sign3A_32, %sign3A_35 : i32
    %sign3A_37 = arith.constant 0 : i32
    %sign3A_38 = arith.cmpi sgt, %jit3A_30, %sign3A_37 : i32
    %sign3A_39 = arith.extui %sign3A_38 : i1 to i32
    %sign3A_40 = arith.constant 0 : i32
    %sign3A_41 = arith.cmpi slt, %jit3A_30, %sign3A_40 : i32
    %sign3A_42 = arith.extui %sign3A_41 : i1 to i32
    %sign3A_43 = arith.subi %sign3A_39, %sign3A_42 : i32
    %ne3A = arith.cmpi ne, %sign3A_36, %sign3A_43 : i32
    %rem3A = arith.remsi %add3A_25, %jit3A_30 : i32
    %ne3A_44 = arith.constant 0 : i32
    %ne3A_45 = arith.cmpi ne, %rem3A, %ne3A_44 : i32
    %and3A = arith.andi %ne3A, %ne3A_45 : i1
    %sub3A = arith.constant 1 : i32
    %sub3A_46 = arith.subi %div3A, %sub3A : i32
    %select_n3A_47 = arith.select %and3A, %sub3A_46, %div3A : i32
    %eq3A = arith.constant 0 : i32
    %eq3A_48 = arith.cmpi eq, %arg0, %eq3A : i32
    %sub3A_49 = arith.subi %add3A_25, %select_n3A_47 : i32
    %select_n3A_50 = arith.select %eq3A_48, %select_n3A_47, %sub3A_49 : i32
    %eq3A_51 = arith.constant 0 : i32
    %eq3A_52 = arith.cmpi eq, %arg0, %eq3A_51 : i32
    %jit3A_53 = arith.constant 0 : i32
    %select_n3A_54 = arith.select %eq3A_52, %jit3A_53, %select_n3A_47 : i32
    %add3A_55 = arith.addi %add3A_29, %select_n3A_54 : i32
    %iota3A = tpu.iota {dimensions = array<i32: 0>} : vector<16xi32>
    %and3A_56 = arith.constant 3 : i32
    %and3A_57 = vector.broadcast %and3A_56 : i32 to vector<16xi32>
    %and3A_58 = arith.andi %iota3A, %and3A_57 : vector<16xi32>
    %mul3A_59 = arith.constant 640 : i32
    %mul3A_60 = vector.broadcast %mul3A_59 : i32 to vector<16xi32>
    %mul3A_61 = arith.muli %and3A_58, %mul3A_60 : vector<16xi32>
    %shift_right_arithmetic3A = arith.constant 2 : i32
    %shift_right_arithmetic3A_62 = vector.broadcast %shift_right_arithmetic3A : i32 to vector<16xi32>
    %shift_right_arithmetic3A_63 = arith.shrsi %iota3A, %shift_right_arithmetic3A_62 : vector<16xi32>
    %add3A_64 = arith.addi %mul3A_61, %shift_right_arithmetic3A_63 : vector<16xi32>
    %while3A = arith.constant 0 : i32
    %while3A_65 = arith.constant 0 : i32
    %while3A_66 = arith.subi %select_n3A_50, %while3A_65 : i32
    %while3A_67 = arith.addi %while3A_65, %while3A_66 : i32
    %while3A_68 = arith.constant 1 : i32
    %while3A_69 = arith.divsi %while3A_66, %while3A_68 : i32
    %while3A_70 = arith.muli %while3A_69, %while3A_68 : i32
    %while3A_71 = arith.addi %while3A_65, %while3A_70 : i32
    %while3A_72 = arith.constant 1 : i32
    scf.for %while3A_75 = %while3A_65 to %while3A_71 step %while3A_72  : i32 {
      %add3A_76 = arith.addi %add3A_55, %while3A_75 : i32
      %mul3A_77 = arith.constant 2560 : i32
      %mul3A_78 = arith.muli %add3A_76, %mul3A_77 : i32
      %dma_start3A = arith.constant 0 : i32
      %dma_start3A_79 = tpu.memref_slice %arg3[%mul3A_78, %dma_start3A] : memref<320000x32xf32, #tpu.memory_space<hbm>> -> memref<1280x32xf32, #tpu.memory_space<hbm>>
      %dma_start3A_80 = arith.constant 0 : i32
      %dma_start3A_81 = tpu.memref_slice %arg3[%mul3A_78, %dma_start3A_80] : memref<320000x32xf32, #tpu.memory_space<hbm>> -> memref<1280x32xf32, #tpu.memory_space<hbm>>
      tpu.enqueue_dma source(%dma_start3A_81 : memref<1280x32xf32, #tpu.memory_space<hbm>>) target(%arg6 : memref<1280x32xf32, #tpu.memory_space<vmem>>) target_semaphore(%arg11 : memref<!tpu.dma_semaphore, #tpu.memory_space<semaphore_mem>>)
      %add3A_82 = arith.constant 1280 : i32
      %add3A_83 = arith.addi %mul3A_78, %add3A_82 : i32
      %dma_start3A_84 = arith.constant 0 : i32
      %dma_start3A_85 = tpu.memref_slice %arg3[%add3A_83, %dma_start3A_84] : memref<320000x32xf32, #tpu.memory_space<hbm>> -> memref<1280x32xf32, #tpu.memory_space<hbm>>
      %dma_start3A_86 = arith.constant 0 : i32
      %dma_start3A_87 = tpu.memref_slice %arg3[%add3A_83, %dma_start3A_86] : memref<320000x32xf32, #tpu.memory_space<hbm>> -> memref<1280x32xf32, #tpu.memory_space<hbm>>
      tpu.enqueue_dma source(%dma_start3A_87 : memref<1280x32xf32, #tpu.memory_space<hbm>>) target(%arg7 : memref<1280x32xf32, #tpu.memory_space<vmem>>) target_semaphore(%arg12 : memref<!tpu.dma_semaphore, #tpu.memory_space<semaphore_mem>>)
      %run_scoped3A = arith.constant 1 : i32
      "tpu.region"() ({
        %run_scoped3A_113 = tpu.sem_alloc : memref<!tpu.dma_semaphore, #tpu.memory_space<semaphore_mem>>
        %dma_start3A_114 = tpu.memref_slice %arg2[%run_scoped3A, %mul3A_78] : memref<2x320000xi32, #tpu.memory_space<hbm>> -> memref<1x2560xi32, #tpu.memory_space<hbm>>
        %dma_start3A_115 = tpu.memref_squeeze %dma_start3A_114 : memref<1x2560xi32, #tpu.memory_space<hbm>> -> memref<2560xi32, #tpu.memory_space<hbm>>
        %dma_start3A_116 = tpu.memref_slice %arg2[%run_scoped3A, %mul3A_78] : memref<2x320000xi32, #tpu.memory_space<hbm>> -> memref<1x2560xi32, #tpu.memory_space<hbm>>
        %dma_start3A_117 = tpu.memref_squeeze %dma_start3A_116 : memref<1x2560xi32, #tpu.memory_space<hbm>> -> memref<2560xi32, #tpu.memory_space<hbm>>
        tpu.enqueue_dma source(%dma_start3A_117 : memref<2560xi32, #tpu.memory_space<hbm>>) target(%arg5 : memref<2560xi32, #tpu.memory_space<vmem>>) target_semaphore(%run_scoped3A_113 : memref<!tpu.dma_semaphore, #tpu.memory_space<semaphore_mem>>)
        %dma_wait3A_118 = tpu.memref_slice %arg2[%run_scoped3A, %mul3A_78] : memref<2x320000xi32, #tpu.memory_space<hbm>> -> memref<1x2560xi32, #tpu.memory_space<hbm>>
        %dma_wait3A_119 = tpu.memref_squeeze %dma_wait3A_118 : memref<1x2560xi32, #tpu.memory_space<hbm>> -> memref<2560xi32, #tpu.memory_space<hbm>>
        %dma_wait3A_120 = tpu.memref_slice %arg2[%run_scoped3A, %mul3A_78] : memref<2x320000xi32, #tpu.memory_space<hbm>> -> memref<1x2560xi32, #tpu.memory_space<hbm>>
        %dma_wait3A_121 = tpu.memref_squeeze %dma_wait3A_120 : memref<1x2560xi32, #tpu.memory_space<hbm>> -> memref<2560xi32, #tpu.memory_space<hbm>>
        tpu.wait_dma2 semaphore(%run_scoped3A_113 : memref<!tpu.dma_semaphore, #tpu.memory_space<semaphore_mem>>) src(%dma_wait3A_121 : memref<2560xi32, #tpu.memory_space<hbm>>) dst(%arg5 : memref<2560xi32, #tpu.memory_space<vmem>>)
        tpu.yield
      }) : () -> ()
      %dma_wait3A = arith.constant 0 : i32
      %dma_wait3A_88 = tpu.memref_slice %arg3[%mul3A_78, %dma_wait3A] : memref<320000x32xf32, #tpu.memory_space<hbm>> -> memref<1280x32xf32, #tpu.memory_space<hbm>>
      %dma_wait3A_89 = arith.constant 0 : i32
      %dma_wait3A_90 = tpu.memref_slice %arg3[%mul3A_78, %dma_wait3A_89] : memref<320000x32xf32, #tpu.memory_space<hbm>> -> memref<1280x32xf32, #tpu.memory_space<hbm>>
      tpu.wait_dma2 semaphore(%arg11 : memref<!tpu.dma_semaphore, #tpu.memory_space<semaphore_mem>>) src(%dma_wait3A_90 : memref<1280x32xf32, #tpu.memory_space<hbm>>) dst(%arg6 : memref<1280x32xf32, #tpu.memory_space<vmem>>)
      %scan3A_91 = arith.constant 0 : i32
      %scan3A_92 = arith.constant 0 : i32
      %scan3A_93 = arith.constant 10 : i32
      %scan3A_94 = arith.addi %scan3A_92, %scan3A_93 : i32
      %scan3A_95 = arith.constant 1 : i32
      scf.for %scan3A_113 = %scan3A_92 to %scan3A_94 step %scan3A_95  : i32 {
        %add3A_114 = arith.constant 0 : i32
        %add3A_115 = arith.addi %scan3A_113, %add3A_114 : i32
        %add3A_116 = arith.constant 0 : i32
        %add3A_117 = vector.broadcast %add3A_116 : i32 to vector<16xi32>
        %add3A_118 = arith.addi %add3A_64, %add3A_117 : vector<16xi32>
        %mul3A_119 = arith.constant 32 : i32
        %mul3A_120 = arith.muli %add3A_115, %mul3A_119 : i32
        %add3A_121 = vector.broadcast %mul3A_120 : i32 to vector<16xi32>
        %add3A_122 = arith.addi %add3A_118, %add3A_121 : vector<16xi32>
        %gather3A = tpu.vector_load_idx %arg5[%add3A_122] : memref<2560xi32, #tpu.memory_space<vmem>>[vector<16xi32>], vector<16xi32>,
        %swap3A = arith.index_cast %add3A_115 : i32 to index
        %swap3A_123 = arith.constant 0 : index
        %swap3A_124 = tpu.vector_load %arg8[%swap3A, %swap3A_123] {strides = array<i32>} : memref<20x128xi32, #tpu.memory_space<vmem>>, vector<16xi32>,
        tpu.vector_store %arg8[%swap3A, %swap3A_123], %gather3A {strides = array<i32>} : memref<20x128xi32, #tpu.memory_space<vmem>>, vector<16xi32>,
        %add3A_125 = arith.constant 4 : i32
        %add3A_126 = vector.broadcast %add3A_125 : i32 to vector<16xi32>
        %add3A_127 = arith.addi %add3A_64, %add3A_126 : vector<16xi32>
        %mul3A_128 = arith.constant 32 : i32
        %mul3A_129 = arith.muli %add3A_115, %mul3A_128 : i32
        %add3A_130 = vector.broadcast %mul3A_129 : i32 to vector<16xi32>
        %add3A_131 = arith.addi %add3A_127, %add3A_130 : vector<16xi32>
        %gather3A_132 = tpu.vector_load_idx %arg5[%add3A_131] : memref<2560xi32, #tpu.memory_space<vmem>>[vector<16xi32>], vector<16xi32>,
        %swap3A_133 = arith.index_cast %add3A_115 : i32 to index
        %swap3A_134 = arith.constant 16 : index
        %swap3A_135 = tpu.vector_load %arg8[%swap3A_133, %swap3A_134] {strides = array<i32>} : memref<20x128xi32, #tpu.memory_space<vmem>>, vector<16xi32>,
        tpu.vector_store %arg8[%swap3A_133, %swap3A_134], %gather3A_132 {strides = array<i32>} : memref<20x128xi32, #tpu.memory_space<vmem>>, vector<16xi32>,
        %add3A_136 = arith.constant 8 : i32
        %add3A_137 = vector.broadcast %add3A_136 : i32 to vector<16xi32>
        %add3A_138 = arith.addi %add3A_64, %add3A_137 : vector<16xi32>
        %mul3A_139 = arith.constant 32 : i32
        %mul3A_140 = arith.muli %add3A_115, %mul3A_139 : i32
        %add3A_141 = vector.broadcast %mul3A_140 : i32 to vector<16xi32>
        %add3A_142 = arith.addi %add3A_138, %add3A_141 : vector<16xi32>
        %gather3A_143 = tpu.vector_load_idx %arg5[%add3A_142] : memref<2560xi32, #tpu.memory_space<vmem>>[vector<16xi32>], vector<16xi32>,
        %swap3A_144 = arith.index_cast %add3A_115 : i32 to index
        %swap3A_145 = arith.constant 32 : index
        %swap3A_146 = tpu.vector_load %arg8[%swap3A_144, %swap3A_145] {strides = array<i32>} : memref<20x128xi32, #tpu.memory_space<vmem>>, vector<16xi32>,
        tpu.vector_store %arg8[%swap3A_144, %swap3A_145], %gather3A_143 {strides = array<i32>} : memref<20x128xi32, #tpu.memory_space<vmem>>, vector<16xi32>,
        %add3A_147 = arith.constant 12 : i32
        %add3A_148 = vector.broadcast %add3A_147 : i32 to vector<16xi32>
        %add3A_149 = arith.addi %add3A_64, %add3A_148 : vector<16xi32>
        %mul3A_150 = arith.constant 32 : i32
        %mul3A_151 = arith.muli %add3A_115, %mul3A_150 : i32
        %add3A_152 = vector.broadcast %mul3A_151 : i32 to vector<16xi32>
        %add3A_153 = arith.addi %add3A_149, %add3A_152 : vector<16xi32>
        %gather3A_154 = tpu.vector_load_idx %arg5[%add3A_153] : memref<2560xi32, #tpu.memory_space<vmem>>[vector<16xi32>], vector<16xi32>,
        %swap3A_155 = arith.index_cast %add3A_115 : i32 to index
        %swap3A_156 = arith.constant 48 : index
        %swap3A_157 = tpu.vector_load %arg8[%swap3A_155, %swap3A_156] {strides = array<i32>} : memref<20x128xi32, #tpu.memory_space<vmem>>, vector<16xi32>,
        tpu.vector_store %arg8[%swap3A_155, %swap3A_156], %gather3A_154 {strides = array<i32>} : memref<20x128xi32, #tpu.memory_space<vmem>>, vector<16xi32>,
        %add3A_158 = arith.constant 16 : i32
        %add3A_159 = vector.broadcast %add3A_158 : i32 to vector<16xi32>
        %add3A_160 = arith.addi %add3A_64, %add3A_159 : vector<16xi32>
        %mul3A_161 = arith.constant 32 : i32
        %mul3A_162 = arith.muli %add3A_115, %mul3A_161 : i32
        %add3A_163 = vector.broadcast %mul3A_162 : i32 to vector<16xi32>
        %add3A_164 = arith.addi %add3A_160, %add3A_163 : vector<16xi32>
        %gather3A_165 = tpu.vector_load_idx %arg5[%add3A_164] : memref<2560xi32, #tpu.memory_space<vmem>>[vector<16xi32>], vector<16xi32>,
        %swap3A_166 = arith.index_cast %add3A_115 : i32 to index
        %swap3A_167 = arith.constant 64 : index
        %swap3A_168 = tpu.vector_load %arg8[%swap3A_166, %swap3A_167] {strides = array<i32>} : memref<20x128xi32, #tpu.memory_space<vmem>>, vector<16xi32>,
        tpu.vector_store %arg8[%swap3A_166, %swap3A_167], %gather3A_165 {strides = array<i32>} : memref<20x128xi32, #tpu.memory_space<vmem>>, vector<16xi32>,
        %add3A_169 = arith.constant 20 : i32
        %add3A_170 = vector.broadcast %add3A_169 : i32 to vector<16xi32>
        %add3A_171 = arith.addi %add3A_64, %add3A_170 : vector<16xi32>
        %mul3A_172 = arith.constant 32 : i32
        %mul3A_173 = arith.muli %add3A_115, %mul3A_172 : i32
        %add3A_174 = vector.broadcast %mul3A_173 : i32 to vector<16xi32>
        %add3A_175 = arith.addi %add3A_171, %add3A_174 : vector<16xi32>
        %gather3A_176 = tpu.vector_load_idx %arg5[%add3A_175] : memref<2560xi32, #tpu.memory_space<vmem>>[vector<16xi32>], vector<16xi32>,
        %swap3A_177 = arith.index_cast %add3A_115 : i32 to index
        %swap3A_178 = arith.constant 80 : index
        %swap3A_179 = tpu.vector_load %arg8[%swap3A_177, %swap3A_178] {strides = array<i32>} : memref<20x128xi32, #tpu.memory_space<vmem>>, vector<16xi32>,
        tpu.vector_store %arg8[%swap3A_177, %swap3A_178], %gather3A_176 {strides = array<i32>} : memref<20x128xi32, #tpu.memory_space<vmem>>, vector<16xi32>,
        %add3A_180 = arith.constant 24 : i32
        %add3A_181 = vector.broadcast %add3A_180 : i32 to vector<16xi32>
        %add3A_182 = arith.addi %add3A_64, %add3A_181 : vector<16xi32>
        %mul3A_183 = arith.constant 32 : i32
        %mul3A_184 = arith.muli %add3A_115, %mul3A_183 : i32
        %add3A_185 = vector.broadcast %mul3A_184 : i32 to vector<16xi32>
        %add3A_186 = arith.addi %add3A_182, %add3A_185 : vector<16xi32>
        %gather3A_187 = tpu.vector_load_idx %arg5[%add3A_186] : memref<2560xi32, #tpu.memory_space<vmem>>[vector<16xi32>], vector<16xi32>,
        %swap3A_188 = arith.index_cast %add3A_115 : i32 to index
        %swap3A_189 = arith.constant 96 : index
        %swap3A_190 = tpu.vector_load %arg8[%swap3A_188, %swap3A_189] {strides = array<i32>} : memref<20x128xi32, #tpu.memory_space<vmem>>, vector<16xi32>,
        tpu.vector_store %arg8[%swap3A_188, %swap3A_189], %gather3A_187 {strides = array<i32>} : memref<20x128xi32, #tpu.memory_space<vmem>>, vector<16xi32>,
        %add3A_191 = arith.constant 28 : i32
        %add3A_192 = vector.broadcast %add3A_191 : i32 to vector<16xi32>
        %add3A_193 = arith.addi %add3A_64, %add3A_192 : vector<16xi32>
        %mul3A_194 = arith.constant 32 : i32
        %mul3A_195 = arith.muli %add3A_115, %mul3A_194 : i32
        %add3A_196 = vector.broadcast %mul3A_195 : i32 to vector<16xi32>
        %add3A_197 = arith.addi %add3A_193, %add3A_196 : vector<16xi32>
        %gather3A_198 = tpu.vector_load_idx %arg5[%add3A_197] : memref<2560xi32, #tpu.memory_space<vmem>>[vector<16xi32>], vector<16xi32>,
        %swap3A_199 = arith.index_cast %add3A_115 : i32 to index
        %swap3A_200 = arith.constant 112 : index
        %swap3A_201 = tpu.vector_load %arg8[%swap3A_199, %swap3A_200] {strides = array<i32>} : memref<20x128xi32, #tpu.memory_space<vmem>>, vector<16xi32>,
        tpu.vector_store %arg8[%swap3A_199, %swap3A_200], %gather3A_198 {strides = array<i32>} : memref<20x128xi32, #tpu.memory_space<vmem>>, vector<16xi32>,
        %mul3A_202 = arith.constant 128 : i32
        %mul3A_203 = arith.muli %scan3A_113, %mul3A_202 : i32
        %dma_start3A_204 = arith.constant 0 : i32
        %dma_start3A_205 = tpu.memref_slice %arg6[%mul3A_203, %dma_start3A_204] : memref<1280x32xf32, #tpu.memory_space<vmem>> -> memref<128x32xf32, #tpu.memory_space<vmem>>
        %dma_start3A_206 = arith.constant 0 : i32
        %dma_start3A_207 = tpu.memref_slice %arg8[%add3A_115, %dma_start3A_206] : memref<20x128xi32, #tpu.memory_space<vmem>> -> memref<1x128xi32, #tpu.memory_space<vmem>>
        %dma_start3A_208 = tpu.memref_squeeze %dma_start3A_207 : memref<1x128xi32, #tpu.memory_space<vmem>> -> memref<128xi32, #tpu.memory_space<vmem>>
        %dma_start3A_209 = arith.constant 0 : i32
        %dma_start3A_210 = arith.constant 0 : i32
        %dma_start3A_211 = tpu.memref_slice %arg10[%dma_start3A_209, %dma_start3A_210] : memref<10240x32xf32, #tpu.memory_space<vmem_shared>> -> memref<10240x32xf32, #tpu.memory_space<vmem_shared>>
        tpu.enqueue_indirect_dma source(%dma_start3A_205 : memref<128x32xf32, #tpu.memory_space<vmem>>) target(%dma_start3A_211 : memref<10240x32xf32, #tpu.memory_space<vmem_shared>>) offsets(%dma_start3A_208 : memref<128xi32, #tpu.memory_space<vmem>>) semaphore(%arg13 : memref<!tpu.dma_semaphore, #tpu.memory_space<semaphore_mem>>) {add = true}
      }
      %scan3A_96 = arith.constant 10 : i32
      %dma_wait3A_97 = arith.constant 0 : i32
      %dma_wait3A_98 = tpu.memref_slice %arg3[%mul3A_78, %dma_wait3A_97] : memref<320000x32xf32, #tpu.memory_space<hbm>> -> memref<1280x32xf32, #tpu.memory_space<hbm>>
      %dma_wait3A_99 = arith.constant 0 : i32
      %dma_wait3A_100 = tpu.memref_slice %arg3[%mul3A_78, %dma_wait3A_99] : memref<320000x32xf32, #tpu.memory_space<hbm>> -> memref<1280x32xf32, #tpu.memory_space<hbm>>
      tpu.wait_dma2 semaphore(%arg12 : memref<!tpu.dma_semaphore, #tpu.memory_space<semaphore_mem>>) src(%dma_wait3A_100 : memref<1280x32xf32, #tpu.memory_space<hbm>>) dst(%arg7 : memref<1280x32xf32, #tpu.memory_space<vmem>>)
      %scan3A_101 = arith.constant 0 : i32
      %scan3A_102 = arith.constant 0 : i32
      %scan3A_103 = arith.constant 10 : i32
      %scan3A_104 = arith.addi %scan3A_102, %scan3A_103 : i32
      %scan3A_105 = arith.constant 1 : i32
      scf.for %scan3A_113 = %scan3A_102 to %scan3A_104 step %scan3A_105  : i32 {
        %add3A_114 = arith.constant 10 : i32
        %add3A_115 = arith.addi %scan3A_113, %add3A_114 : i32
        %add3A_116 = arith.constant 0 : i32
        %add3A_117 = vector.broadcast %add3A_116 : i32 to vector<16xi32>
        %add3A_118 = arith.addi %add3A_64, %add3A_117 : vector<16xi32>
        %mul3A_119 = arith.constant 32 : i32
        %mul3A_120 = arith.muli %add3A_115, %mul3A_119 : i32
        %add3A_121 = vector.broadcast %mul3A_120 : i32 to vector<16xi32>
        %add3A_122 = arith.addi %add3A_118, %add3A_121 : vector<16xi32>
        %gather3A = tpu.vector_load_idx %arg5[%add3A_122] : memref<2560xi32, #tpu.memory_space<vmem>>[vector<16xi32>], vector<16xi32>,
        %swap3A = arith.index_cast %add3A_115 : i32 to index
        %swap3A_123 = arith.constant 0 : index
        %swap3A_124 = tpu.vector_load %arg8[%swap3A, %swap3A_123] {strides = array<i32>} : memref<20x128xi32, #tpu.memory_space<vmem>>, vector<16xi32>,
        tpu.vector_store %arg8[%swap3A, %swap3A_123], %gather3A {strides = array<i32>} : memref<20x128xi32, #tpu.memory_space<vmem>>, vector<16xi32>,
        %add3A_125 = arith.constant 4 : i32
        %add3A_126 = vector.broadcast %add3A_125 : i32 to vector<16xi32>
        %add3A_127 = arith.addi %add3A_64, %add3A_126 : vector<16xi32>
        %mul3A_128 = arith.constant 32 : i32
        %mul3A_129 = arith.muli %add3A_115, %mul3A_128 : i32
        %add3A_130 = vector.broadcast %mul3A_129 : i32 to vector<16xi32>
        %add3A_131 = arith.addi %add3A_127, %add3A_130 : vector<16xi32>
        %gather3A_132 = tpu.vector_load_idx %arg5[%add3A_131] : memref<2560xi32, #tpu.memory_space<vmem>>[vector<16xi32>], vector<16xi32>,
        %swap3A_133 = arith.index_cast %add3A_115 : i32 to index
        %swap3A_134 = arith.constant 16 : index
        %swap3A_135 = tpu.vector_load %arg8[%swap3A_133, %swap3A_134] {strides = array<i32>} : memref<20x128xi32, #tpu.memory_space<vmem>>, vector<16xi32>,
        tpu.vector_store %arg8[%swap3A_133, %swap3A_134], %gather3A_132 {strides = array<i32>} : memref<20x128xi32, #tpu.memory_space<vmem>>, vector<16xi32>,
        %add3A_136 = arith.constant 8 : i32
        %add3A_137 = vector.broadcast %add3A_136 : i32 to vector<16xi32>
        %add3A_138 = arith.addi %add3A_64, %add3A_137 : vector<16xi32>
        %mul3A_139 = arith.constant 32 : i32
        %mul3A_140 = arith.muli %add3A_115, %mul3A_139 : i32
        %add3A_141 = vector.broadcast %mul3A_140 : i32 to vector<16xi32>
        %add3A_142 = arith.addi %add3A_138, %add3A_141 : vector<16xi32>
        %gather3A_143 = tpu.vector_load_idx %arg5[%add3A_142] : memref<2560xi32, #tpu.memory_space<vmem>>[vector<16xi32>], vector<16xi32>,
        %swap3A_144 = arith.index_cast %add3A_115 : i32 to index
        %swap3A_145 = arith.constant 32 : index
        %swap3A_146 = tpu.vector_load %arg8[%swap3A_144, %swap3A_145] {strides = array<i32>} : memref<20x128xi32, #tpu.memory_space<vmem>>, vector<16xi32>,
        tpu.vector_store %arg8[%swap3A_144, %swap3A_145], %gather3A_143 {strides = array<i32>} : memref<20x128xi32, #tpu.memory_space<vmem>>, vector<16xi32>,
        %add3A_147 = arith.constant 12 : i32
        %add3A_148 = vector.broadcast %add3A_147 : i32 to vector<16xi32>
        %add3A_149 = arith.addi %add3A_64, %add3A_148 : vector<16xi32>
        %mul3A_150 = arith.constant 32 : i32
        %mul3A_151 = arith.muli %add3A_115, %mul3A_150 : i32
        %add3A_152 = vector.broadcast %mul3A_151 : i32 to vector<16xi32>
        %add3A_153 = arith.addi %add3A_149, %add3A_152 : vector<16xi32>
        %gather3A_154 = tpu.vector_load_idx %arg5[%add3A_153] : memref<2560xi32, #tpu.memory_space<vmem>>[vector<16xi32>], vector<16xi32>,
        %swap3A_155 = arith.index_cast %add3A_115 : i32 to index
        %swap3A_156 = arith.constant 48 : index
        %swap3A_157 = tpu.vector_load %arg8[%swap3A_155, %swap3A_156] {strides = array<i32>} : memref<20x128xi32, #tpu.memory_space<vmem>>, vector<16xi32>,
        tpu.vector_store %arg8[%swap3A_155, %swap3A_156], %gather3A_154 {strides = array<i32>} : memref<20x128xi32, #tpu.memory_space<vmem>>, vector<16xi32>,
        %add3A_158 = arith.constant 16 : i32
        %add3A_159 = vector.broadcast %add3A_158 : i32 to vector<16xi32>
        %add3A_160 = arith.addi %add3A_64, %add3A_159 : vector<16xi32>
        %mul3A_161 = arith.constant 32 : i32
        %mul3A_162 = arith.muli %add3A_115, %mul3A_161 : i32
        %add3A_163 = vector.broadcast %mul3A_162 : i32 to vector<16xi32>
        %add3A_164 = arith.addi %add3A_160, %add3A_163 : vector<16xi32>
        %gather3A_165 = tpu.vector_load_idx %arg5[%add3A_164] : memref<2560xi32, #tpu.memory_space<vmem>>[vector<16xi32>], vector<16xi32>,
        %swap3A_166 = arith.index_cast %add3A_115 : i32 to index
        %swap3A_167 = arith.constant 64 : index
        %swap3A_168 = tpu.vector_load %arg8[%swap3A_166, %swap3A_167] {strides = array<i32>} : memref<20x128xi32, #tpu.memory_space<vmem>>, vector<16xi32>,
        tpu.vector_store %arg8[%swap3A_166, %swap3A_167], %gather3A_165 {strides = array<i32>} : memref<20x128xi32, #tpu.memory_space<vmem>>, vector<16xi32>,
        %add3A_169 = arith.constant 20 : i32
        %add3A_170 = vector.broadcast %add3A_169 : i32 to vector<16xi32>
        %add3A_171 = arith.addi %add3A_64, %add3A_170 : vector<16xi32>
        %mul3A_172 = arith.constant 32 : i32
        %mul3A_173 = arith.muli %add3A_115, %mul3A_172 : i32
        %add3A_174 = vector.broadcast %mul3A_173 : i32 to vector<16xi32>
        %add3A_175 = arith.addi %add3A_171, %add3A_174 : vector<16xi32>
        %gather3A_176 = tpu.vector_load_idx %arg5[%add3A_175] : memref<2560xi32, #tpu.memory_space<vmem>>[vector<16xi32>], vector<16xi32>,
        %swap3A_177 = arith.index_cast %add3A_115 : i32 to index
        %swap3A_178 = arith.constant 80 : index
        %swap3A_179 = tpu.vector_load %arg8[%swap3A_177, %swap3A_178] {strides = array<i32>} : memref<20x128xi32, #tpu.memory_space<vmem>>, vector<16xi32>,
        tpu.vector_store %arg8[%swap3A_177, %swap3A_178], %gather3A_176 {strides = array<i32>} : memref<20x128xi32, #tpu.memory_space<vmem>>, vector<16xi32>,
        %add3A_180 = arith.constant 24 : i32
        %add3A_181 = vector.broadcast %add3A_180 : i32 to vector<16xi32>
        %add3A_182 = arith.addi %add3A_64, %add3A_181 : vector<16xi32>
        %mul3A_183 = arith.constant 32 : i32
        %mul3A_184 = arith.muli %add3A_115, %mul3A_183 : i32
        %add3A_185 = vector.broadcast %mul3A_184 : i32 to vector<16xi32>
        %add3A_186 = arith.addi %add3A_182, %add3A_185 : vector<16xi32>
        %gather3A_187 = tpu.vector_load_idx %arg5[%add3A_186] : memref<2560xi32, #tpu.memory_space<vmem>>[vector<16xi32>], vector<16xi32>,
        %swap3A_188 = arith.index_cast %add3A_115 : i32 to index
        %swap3A_189 = arith.constant 96 : index
        %swap3A_190 = tpu.vector_load %arg8[%swap3A_188, %swap3A_189] {strides = array<i32>} : memref<20x128xi32, #tpu.memory_space<vmem>>, vector<16xi32>,
        tpu.vector_store %arg8[%swap3A_188, %swap3A_189], %gather3A_187 {strides = array<i32>} : memref<20x128xi32, #tpu.memory_space<vmem>>, vector<16xi32>,
        %add3A_191 = arith.constant 28 : i32
        %add3A_192 = vector.broadcast %add3A_191 : i32 to vector<16xi32>
        %add3A_193 = arith.addi %add3A_64, %add3A_192 : vector<16xi32>
        %mul3A_194 = arith.constant 32 : i32
        %mul3A_195 = arith.muli %add3A_115, %mul3A_194 : i32
        %add3A_196 = vector.broadcast %mul3A_195 : i32 to vector<16xi32>
        %add3A_197 = arith.addi %add3A_193, %add3A_196 : vector<16xi32>
        %gather3A_198 = tpu.vector_load_idx %arg5[%add3A_197] : memref<2560xi32, #tpu.memory_space<vmem>>[vector<16xi32>], vector<16xi32>,
        %swap3A_199 = arith.index_cast %add3A_115 : i32 to index
        %swap3A_200 = arith.constant 112 : index
        %swap3A_201 = tpu.vector_load %arg8[%swap3A_199, %swap3A_200] {strides = array<i32>} : memref<20x128xi32, #tpu.memory_space<vmem>>, vector<16xi32>,
        tpu.vector_store %arg8[%swap3A_199, %swap3A_200], %gather3A_198 {strides = array<i32>} : memref<20x128xi32, #tpu.memory_space<vmem>>, vector<16xi32>,
        %mul3A_202 = arith.constant 128 : i32
        %mul3A_203 = arith.muli %scan3A_113, %mul3A_202 : i32
        %dma_start3A_204 = arith.constant 0 : i32
        %dma_start3A_205 = tpu.memref_slice %arg7[%mul3A_203, %dma_start3A_204] : memref<1280x32xf32, #tpu.memory_space<vmem>> -> memref<128x32xf32, #tpu.memory_space<vmem>>
        %dma_start3A_206 = arith.constant 0 : i32
        %dma_start3A_207 = tpu.memref_slice %arg8[%add3A_115, %dma_start3A_206] : memref<20x128xi32, #tpu.memory_space<vmem>> -> memref<1x128xi32, #tpu.memory_space<vmem>>
        %dma_start3A_208 = tpu.memref_squeeze %dma_start3A_207 : memref<1x128xi32, #tpu.memory_space<vmem>> -> memref<128xi32, #tpu.memory_space<vmem>>
        %dma_start3A_209 = arith.constant 0 : i32
        %dma_start3A_210 = arith.constant 0 : i32
        %dma_start3A_211 = tpu.memref_slice %arg10[%dma_start3A_209, %dma_start3A_210] : memref<10240x32xf32, #tpu.memory_space<vmem_shared>> -> memref<10240x32xf32, #tpu.memory_space<vmem_shared>>
        tpu.enqueue_indirect_dma source(%dma_start3A_205 : memref<128x32xf32, #tpu.memory_space<vmem>>) target(%dma_start3A_211 : memref<10240x32xf32, #tpu.memory_space<vmem_shared>>) offsets(%dma_start3A_208 : memref<128xi32, #tpu.memory_space<vmem>>) semaphore(%arg14 : memref<!tpu.dma_semaphore, #tpu.memory_space<semaphore_mem>>) {add = true}
      }
      %scan3A_106 = arith.constant 10 : i32
      %scan3A_107 = arith.constant 0 : i32
      %scan3A_108 = arith.constant 0 : i32
      %scan3A_109 = arith.constant 10 : i32
      %scan3A_110 = arith.addi %scan3A_108, %scan3A_109 : i32
      %scan3A_111 = arith.constant 1 : i32
      scf.for %scan3A_113 = %scan3A_108 to %scan3A_110 step %scan3A_111  : i32 {
        %dma_wait3A_114 = arith.constant 0 : i32
        %dma_wait3A_115 = arith.constant 0 : i32
        %dma_wait3A_116 = arith.constant 0 : i32
        %dma_wait3A_117 = tpu.memref_slice %arg6[%dma_wait3A_115, %dma_wait3A_116] : memref<1280x32xf32, #tpu.memory_space<vmem>> -> memref<128x32xf32, #tpu.memory_space<vmem>>
        %dma_wait3A_118 = arith.constant 0 : i32
        %dma_wait3A_119 = tpu.memref_slice %arg8[%dma_wait3A_114, %dma_wait3A_118] : memref<20x128xi32, #tpu.memory_space<vmem>> -> memref<1x128xi32, #tpu.memory_space<vmem>>
        %dma_wait3A_120 = tpu.memref_squeeze %dma_wait3A_119 : memref<1x128xi32, #tpu.memory_space<vmem>> -> memref<128xi32, #tpu.memory_space<vmem>>
        %dma_wait3A_121 = arith.constant 0 : i32
        %dma_wait3A_122 = arith.constant 0 : i32
        %dma_wait3A_123 = tpu.memref_slice %arg10[%dma_wait3A_121, %dma_wait3A_122] : memref<10240x32xf32, #tpu.memory_space<vmem_shared>> -> memref<10240x32xf32, #tpu.memory_space<vmem_shared>>
        tpu.wait_indirect_dma semaphore(%arg13 : memref<!tpu.dma_semaphore, #tpu.memory_space<semaphore_mem>>) src(%dma_wait3A_117 : memref<128x32xf32, #tpu.memory_space<vmem>>) dst(%dma_wait3A_123 : memref<10240x32xf32, #tpu.memory_space<vmem_shared>>)
        %dma_wait3A_124 = arith.constant 0 : i32
        %dma_wait3A_125 = arith.constant 0 : i32
        %dma_wait3A_126 = arith.constant 0 : i32
        %dma_wait3A_127 = tpu.memref_slice %arg7[%dma_wait3A_125, %dma_wait3A_126] : memref<1280x32xf32, #tpu.memory_space<vmem>> -> memref<128x32xf32, #tpu.memory_space<vmem>>
        %dma_wait3A_128 = arith.constant 0 : i32
        %dma_wait3A_129 = tpu.memref_slice %arg8[%dma_wait3A_124, %dma_wait3A_128] : memref<20x128xi32, #tpu.memory_space<vmem>> -> memref<1x128xi32, #tpu.memory_space<vmem>>
        %dma_wait3A_130 = tpu.memref_squeeze %dma_wait3A_129 : memref<1x128xi32, #tpu.memory_space<vmem>> -> memref<128xi32, #tpu.memory_space<vmem>>
        %dma_wait3A_131 = arith.constant 0 : i32
        %dma_wait3A_132 = arith.constant 0 : i32
        %dma_wait3A_133 = tpu.memref_slice %arg10[%dma_wait3A_131, %dma_wait3A_132] : memref<10240x32xf32, #tpu.memory_space<vmem_shared>> -> memref<10240x32xf32, #tpu.memory_space<vmem_shared>>
        tpu.wait_indirect_dma semaphore(%arg14 : memref<!tpu.dma_semaphore, #tpu.memory_space<semaphore_mem>>) src(%dma_wait3A_127 : memref<128x32xf32, #tpu.memory_space<vmem>>) dst(%dma_wait3A_133 : memref<10240x32xf32, #tpu.memory_space<vmem_shared>>)
      }
      %scan3A_112 = arith.constant 10 : i32
    }
    %while3A_73 = arith.constant 1 : i32
    scf.for %while3A_75 = %while3A_71 to %while3A_67 step %while3A_73  : i32 {
      %add3A_76 = arith.addi %add3A_55, %while3A_75 : i32
      %mul3A_77 = arith.constant 2560 : i32
      %mul3A_78 = arith.muli %add3A_76, %mul3A_77 : i32
      %dma_start3A = arith.constant 0 : i32
      %dma_start3A_79 = tpu.memref_slice %arg3[%mul3A_78, %dma_start3A] : memref<320000x32xf32, #tpu.memory_space<hbm>> -> memref<1280x32xf32, #tpu.memory_space<hbm>>
      %dma_start3A_80 = arith.constant 0 : i32
      %dma_start3A_81 = tpu.memref_slice %arg3[%mul3A_78, %dma_start3A_80] : memref<320000x32xf32, #tpu.memory_space<hbm>> -> memref<1280x32xf32, #tpu.memory_space<hbm>>
      tpu.enqueue_dma source(%dma_start3A_81 : memref<1280x32xf32, #tpu.memory_space<hbm>>) target(%arg6 : memref<1280x32xf32, #tpu.memory_space<vmem>>) target_semaphore(%arg11 : memref<!tpu.dma_semaphore, #tpu.memory_space<semaphore_mem>>)
      %add3A_82 = arith.constant 1280 : i32
      %add3A_83 = arith.addi %mul3A_78, %add3A_82 : i32
      %dma_start3A_84 = arith.constant 0 : i32
      %dma_start3A_85 = tpu.memref_slice %arg3[%add3A_83, %dma_start3A_84] : memref<320000x32xf32, #tpu.memory_space<hbm>> -> memref<1280x32xf32, #tpu.memory_space<hbm>>
      %dma_start3A_86 = arith.constant 0 : i32
      %dma_start3A_87 = tpu.memref_slice %arg3[%add3A_83, %dma_start3A_86] : memref<320000x32xf32, #tpu.memory_space<hbm>> -> memref<1280x32xf32, #tpu.memory_space<hbm>>
      tpu.enqueue_dma source(%dma_start3A_87 : memref<1280x32xf32, #tpu.memory_space<hbm>>) target(%arg7 : memref<1280x32xf32, #tpu.memory_space<vmem>>) target_semaphore(%arg12 : memref<!tpu.dma_semaphore, #tpu.memory_space<semaphore_mem>>)
      %run_scoped3A = arith.constant 1 : i32
      "tpu.region"() ({
        %run_scoped3A_113 = tpu.sem_alloc : memref<!tpu.dma_semaphore, #tpu.memory_space<semaphore_mem>>
        %dma_start3A_114 = tpu.memref_slice %arg2[%run_scoped3A, %mul3A_78] : memref<2x320000xi32, #tpu.memory_space<hbm>> -> memref<1x2560xi32, #tpu.memory_space<hbm>>
        %dma_start3A_115 = tpu.memref_squeeze %dma_start3A_114 : memref<1x2560xi32, #tpu.memory_space<hbm>> -> memref<2560xi32, #tpu.memory_space<hbm>>
        %dma_start3A_116 = tpu.memref_slice %arg2[%run_scoped3A, %mul3A_78] : memref<2x320000xi32, #tpu.memory_space<hbm>> -> memref<1x2560xi32, #tpu.memory_space<hbm>>
        %dma_start3A_117 = tpu.memref_squeeze %dma_start3A_116 : memref<1x2560xi32, #tpu.memory_space<hbm>> -> memref<2560xi32, #tpu.memory_space<hbm>>
        tpu.enqueue_dma source(%dma_start3A_117 : memref<2560xi32, #tpu.memory_space<hbm>>) target(%arg5 : memref<2560xi32, #tpu.memory_space<vmem>>) target_semaphore(%run_scoped3A_113 : memref<!tpu.dma_semaphore, #tpu.memory_space<semaphore_mem>>)
        %dma_wait3A_118 = tpu.memref_slice %arg2[%run_scoped3A, %mul3A_78] : memref<2x320000xi32, #tpu.memory_space<hbm>> -> memref<1x2560xi32, #tpu.memory_space<hbm>>
        %dma_wait3A_119 = tpu.memref_squeeze %dma_wait3A_118 : memref<1x2560xi32, #tpu.memory_space<hbm>> -> memref<2560xi32, #tpu.memory_space<hbm>>
        %dma_wait3A_120 = tpu.memref_slice %arg2[%run_scoped3A, %mul3A_78] : memref<2x320000xi32, #tpu.memory_space<hbm>> -> memref<1x2560xi32, #tpu.memory_space<hbm>>
        %dma_wait3A_121 = tpu.memref_squeeze %dma_wait3A_120 : memref<1x2560xi32, #tpu.memory_space<hbm>> -> memref<2560xi32, #tpu.memory_space<hbm>>
        tpu.wait_dma2 semaphore(%run_scoped3A_113 : memref<!tpu.dma_semaphore, #tpu.memory_space<semaphore_mem>>) src(%dma_wait3A_121 : memref<2560xi32, #tpu.memory_space<hbm>>) dst(%arg5 : memref<2560xi32, #tpu.memory_space<vmem>>)
        tpu.yield
      }) : () -> ()
      %dma_wait3A = arith.constant 0 : i32
      %dma_wait3A_88 = tpu.memref_slice %arg3[%mul3A_78, %dma_wait3A] : memref<320000x32xf32, #tpu.memory_space<hbm>> -> memref<1280x32xf32, #tpu.memory_space<hbm>>
      %dma_wait3A_89 = arith.constant 0 : i32
      %dma_wait3A_90 = tpu.memref_slice %arg3[%mul3A_78, %dma_wait3A_89] : memref<320000x32xf32, #tpu.memory_space<hbm>> -> memref<1280x32xf32, #tpu.memory_space<hbm>>
      tpu.wait_dma2 semaphore(%arg11 : memref<!tpu.dma_semaphore, #tpu.memory_space<semaphore_mem>>) src(%dma_wait3A_90 : memref<1280x32xf32, #tpu.memory_space<hbm>>) dst(%arg6 : memref<1280x32xf32, #tpu.memory_space<vmem>>)
      %scan3A_91 = arith.constant 0 : i32
      %scan3A_92 = arith.constant 0 : i32
      %scan3A_93 = arith.constant 10 : i32
      %scan3A_94 = arith.addi %scan3A_92, %scan3A_93 : i32
      %scan3A_95 = arith.constant 1 : i32
      scf.for %scan3A_113 = %scan3A_92 to %scan3A_94 step %scan3A_95  : i32 {
        %add3A_114 = arith.constant 0 : i32
        %add3A_115 = arith.addi %scan3A_113, %add3A_114 : i32
        %add3A_116 = arith.constant 0 : i32
        %add3A_117 = vector.broadcast %add3A_116 : i32 to vector<16xi32>
        %add3A_118 = arith.addi %add3A_64, %add3A_117 : vector<16xi32>
        %mul3A_119 = arith.constant 32 : i32
        %mul3A_120 = arith.muli %add3A_115, %mul3A_119 : i32
        %add3A_121 = vector.broadcast %mul3A_120 : i32 to vector<16xi32>
        %add3A_122 = arith.addi %add3A_118, %add3A_121 : vector<16xi32>
        %gather3A = tpu.vector_load_idx %arg5[%add3A_122] : memref<2560xi32, #tpu.memory_space<vmem>>[vector<16xi32>], vector<16xi32>,
        %swap3A = arith.index_cast %add3A_115 : i32 to index
        %swap3A_123 = arith.constant 0 : index
        %swap3A_124 = tpu.vector_load %arg8[%swap3A, %swap3A_123] {strides = array<i32>} : memref<20x128xi32, #tpu.memory_space<vmem>>, vector<16xi32>,
        tpu.vector_store %arg8[%swap3A, %swap3A_123], %gather3A {strides = array<i32>} : memref<20x128xi32, #tpu.memory_space<vmem>>, vector<16xi32>,
        %add3A_125 = arith.constant 4 : i32
        %add3A_126 = vector.broadcast %add3A_125 : i32 to vector<16xi32>
        %add3A_127 = arith.addi %add3A_64, %add3A_126 : vector<16xi32>
        %mul3A_128 = arith.constant 32 : i32
        %mul3A_129 = arith.muli %add3A_115, %mul3A_128 : i32
        %add3A_130 = vector.broadcast %mul3A_129 : i32 to vector<16xi32>
        %add3A_131 = arith.addi %add3A_127, %add3A_130 : vector<16xi32>
        %gather3A_132 = tpu.vector_load_idx %arg5[%add3A_131] : memref<2560xi32, #tpu.memory_space<vmem>>[vector<16xi32>], vector<16xi32>,
        %swap3A_133 = arith.index_cast %add3A_115 : i32 to index
        %swap3A_134 = arith.constant 16 : index
        %swap3A_135 = tpu.vector_load %arg8[%swap3A_133, %swap3A_134] {strides = array<i32>} : memref<20x128xi32, #tpu.memory_space<vmem>>, vector<16xi32>,
        tpu.vector_store %arg8[%swap3A_133, %swap3A_134], %gather3A_132 {strides = array<i32>} : memref<20x128xi32, #tpu.memory_space<vmem>>, vector<16xi32>,
        %add3A_136 = arith.constant 8 : i32
        %add3A_137 = vector.broadcast %add3A_136 : i32 to vector<16xi32>
        %add3A_138 = arith.addi %add3A_64, %add3A_137 : vector<16xi32>
        %mul3A_139 = arith.constant 32 : i32
        %mul3A_140 = arith.muli %add3A_115, %mul3A_139 : i32
        %add3A_141 = vector.broadcast %mul3A_140 : i32 to vector<16xi32>
        %add3A_142 = arith.addi %add3A_138, %add3A_141 : vector<16xi32>
        %gather3A_143 = tpu.vector_load_idx %arg5[%add3A_142] : memref<2560xi32, #tpu.memory_space<vmem>>[vector<16xi32>], vector<16xi32>,
        %swap3A_144 = arith.index_cast %add3A_115 : i32 to index
        %swap3A_145 = arith.constant 32 : index
        %swap3A_146 = tpu.vector_load %arg8[%swap3A_144, %swap3A_145] {strides = array<i32>} : memref<20x128xi32, #tpu.memory_space<vmem>>, vector<16xi32>,
        tpu.vector_store %arg8[%swap3A_144, %swap3A_145], %gather3A_143 {strides = array<i32>} : memref<20x128xi32, #tpu.memory_space<vmem>>, vector<16xi32>,
        %add3A_147 = arith.constant 12 : i32
        %add3A_148 = vector.broadcast %add3A_147 : i32 to vector<16xi32>
        %add3A_149 = arith.addi %add3A_64, %add3A_148 : vector<16xi32>
        %mul3A_150 = arith.constant 32 : i32
        %mul3A_151 = arith.muli %add3A_115, %mul3A_150 : i32
        %add3A_152 = vector.broadcast %mul3A_151 : i32 to vector<16xi32>
        %add3A_153 = arith.addi %add3A_149, %add3A_152 : vector<16xi32>
        %gather3A_154 = tpu.vector_load_idx %arg5[%add3A_153] : memref<2560xi32, #tpu.memory_space<vmem>>[vector<16xi32>], vector<16xi32>,
        %swap3A_155 = arith.index_cast %add3A_115 : i32 to index
        %swap3A_156 = arith.constant 48 : index
        %swap3A_157 = tpu.vector_load %arg8[%swap3A_155, %swap3A_156] {strides = array<i32>} : memref<20x128xi32, #tpu.memory_space<vmem>>, vector<16xi32>,
        tpu.vector_store %arg8[%swap3A_155, %swap3A_156], %gather3A_154 {strides = array<i32>} : memref<20x128xi32, #tpu.memory_space<vmem>>, vector<16xi32>,
        %add3A_158 = arith.constant 16 : i32
        %add3A_159 = vector.broadcast %add3A_158 : i32 to vector<16xi32>
        %add3A_160 = arith.addi %add3A_64, %add3A_159 : vector<16xi32>
        %mul3A_161 = arith.constant 32 : i32
        %mul3A_162 = arith.muli %add3A_115, %mul3A_161 : i32
        %add3A_163 = vector.broadcast %mul3A_162 : i32 to vector<16xi32>
        %add3A_164 = arith.addi %add3A_160, %add3A_163 : vector<16xi32>
        %gather3A_165 = tpu.vector_load_idx %arg5[%add3A_164] : memref<2560xi32, #tpu.memory_space<vmem>>[vector<16xi32>], vector<16xi32>,
        %swap3A_166 = arith.index_cast %add3A_115 : i32 to index
        %swap3A_167 = arith.constant 64 : index
        %swap3A_168 = tpu.vector_load %arg8[%swap3A_166, %swap3A_167] {strides = array<i32>} : memref<20x128xi32, #tpu.memory_space<vmem>>, vector<16xi32>,
        tpu.vector_store %arg8[%swap3A_166, %swap3A_167], %gather3A_165 {strides = array<i32>} : memref<20x128xi32, #tpu.memory_space<vmem>>, vector<16xi32>,
        %add3A_169 = arith.constant 20 : i32
        %add3A_170 = vector.broadcast %add3A_169 : i32 to vector<16xi32>
        %add3A_171 = arith.addi %add3A_64, %add3A_170 : vector<16xi32>
        %mul3A_172 = arith.constant 32 : i32
        %mul3A_173 = arith.muli %add3A_115, %mul3A_172 : i32
        %add3A_174 = vector.broadcast %mul3A_173 : i32 to vector<16xi32>
        %add3A_175 = arith.addi %add3A_171, %add3A_174 : vector<16xi32>
        %gather3A_176 = tpu.vector_load_idx %arg5[%add3A_175] : memref<2560xi32, #tpu.memory_space<vmem>>[vector<16xi32>], vector<16xi32>,
        %swap3A_177 = arith.index_cast %add3A_115 : i32 to index
        %swap3A_178 = arith.constant 80 : index
        %swap3A_179 = tpu.vector_load %arg8[%swap3A_177, %swap3A_178] {strides = array<i32>} : memref<20x128xi32, #tpu.memory_space<vmem>>, vector<16xi32>,
        tpu.vector_store %arg8[%swap3A_177, %swap3A_178], %gather3A_176 {strides = array<i32>} : memref<20x128xi32, #tpu.memory_space<vmem>>, vector<16xi32>,
        %add3A_180 = arith.constant 24 : i32
        %add3A_181 = vector.broadcast %add3A_180 : i32 to vector<16xi32>
        %add3A_182 = arith.addi %add3A_64, %add3A_181 : vector<16xi32>
        %mul3A_183 = arith.constant 32 : i32
        %mul3A_184 = arith.muli %add3A_115, %mul3A_183 : i32
        %add3A_185 = vector.broadcast %mul3A_184 : i32 to vector<16xi32>
        %add3A_186 = arith.addi %add3A_182, %add3A_185 : vector<16xi32>
        %gather3A_187 = tpu.vector_load_idx %arg5[%add3A_186] : memref<2560xi32, #tpu.memory_space<vmem>>[vector<16xi32>], vector<16xi32>,
        %swap3A_188 = arith.index_cast %add3A_115 : i32 to index
        %swap3A_189 = arith.constant 96 : index
        %swap3A_190 = tpu.vector_load %arg8[%swap3A_188, %swap3A_189] {strides = array<i32>} : memref<20x128xi32, #tpu.memory_space<vmem>>, vector<16xi32>,
        tpu.vector_store %arg8[%swap3A_188, %swap3A_189], %gather3A_187 {strides = array<i32>} : memref<20x128xi32, #tpu.memory_space<vmem>>, vector<16xi32>,
        %add3A_191 = arith.constant 28 : i32
        %add3A_192 = vector.broadcast %add3A_191 : i32 to vector<16xi32>
        %add3A_193 = arith.addi %add3A_64, %add3A_192 : vector<16xi32>
        %mul3A_194 = arith.constant 32 : i32
        %mul3A_195 = arith.muli %add3A_115, %mul3A_194 : i32
        %add3A_196 = vector.broadcast %mul3A_195 : i32 to vector<16xi32>
        %add3A_197 = arith.addi %add3A_193, %add3A_196 : vector<16xi32>
        %gather3A_198 = tpu.vector_load_idx %arg5[%add3A_197] : memref<2560xi32, #tpu.memory_space<vmem>>[vector<16xi32>], vector<16xi32>,
        %swap3A_199 = arith.index_cast %add3A_115 : i32 to index
        %swap3A_200 = arith.constant 112 : index
        %swap3A_201 = tpu.vector_load %arg8[%swap3A_199, %swap3A_200] {strides = array<i32>} : memref<20x128xi32, #tpu.memory_space<vmem>>, vector<16xi32>,
        tpu.vector_store %arg8[%swap3A_199, %swap3A_200], %gather3A_198 {strides = array<i32>} : memref<20x128xi32, #tpu.memory_space<vmem>>, vector<16xi32>,
        %mul3A_202 = arith.constant 128 : i32
        %mul3A_203 = arith.muli %scan3A_113, %mul3A_202 : i32
        %dma_start3A_204 = arith.constant 0 : i32
        %dma_start3A_205 = tpu.memref_slice %arg6[%mul3A_203, %dma_start3A_204] : memref<1280x32xf32, #tpu.memory_space<vmem>> -> memref<128x32xf32, #tpu.memory_space<vmem>>
        %dma_start3A_206 = arith.constant 0 : i32
        %dma_start3A_207 = tpu.memref_slice %arg8[%add3A_115, %dma_start3A_206] : memref<20x128xi32, #tpu.memory_space<vmem>> -> memref<1x128xi32, #tpu.memory_space<vmem>>
        %dma_start3A_208 = tpu.memref_squeeze %dma_start3A_207 : memref<1x128xi32, #tpu.memory_space<vmem>> -> memref<128xi32, #tpu.memory_space<vmem>>
        %dma_start3A_209 = arith.constant 0 : i32
        %dma_start3A_210 = arith.constant 0 : i32
        %dma_start3A_211 = tpu.memref_slice %arg10[%dma_start3A_209, %dma_start3A_210] : memref<10240x32xf32, #tpu.memory_space<vmem_shared>> -> memref<10240x32xf32, #tpu.memory_space<vmem_shared>>
        tpu.enqueue_indirect_dma source(%dma_start3A_205 : memref<128x32xf32, #tpu.memory_space<vmem>>) target(%dma_start3A_211 : memref<10240x32xf32, #tpu.memory_space<vmem_shared>>) offsets(%dma_start3A_208 : memref<128xi32, #tpu.memory_space<vmem>>) semaphore(%arg13 : memref<!tpu.dma_semaphore, #tpu.memory_space<semaphore_mem>>) {add = true}
      }
      %scan3A_96 = arith.constant 10 : i32
      %dma_wait3A_97 = arith.constant 0 : i32
      %dma_wait3A_98 = tpu.memref_slice %arg3[%mul3A_78, %dma_wait3A_97] : memref<320000x32xf32, #tpu.memory_space<hbm>> -> memref<1280x32xf32, #tpu.memory_space<hbm>>
      %dma_wait3A_99 = arith.constant 0 : i32
      %dma_wait3A_100 = tpu.memref_slice %arg3[%mul3A_78, %dma_wait3A_99] : memref<320000x32xf32, #tpu.memory_space<hbm>> -> memref<1280x32xf32, #tpu.memory_space<hbm>>
      tpu.wait_dma2 semaphore(%arg12 : memref<!tpu.dma_semaphore, #tpu.memory_space<semaphore_mem>>) src(%dma_wait3A_100 : memref<1280x32xf32, #tpu.memory_space<hbm>>) dst(%arg7 : memref<1280x32xf32, #tpu.memory_space<vmem>>)
      %scan3A_101 = arith.constant 0 : i32
      %scan3A_102 = arith.constant 0 : i32
      %scan3A_103 = arith.constant 10 : i32
      %scan3A_104 = arith.addi %scan3A_102, %scan3A_103 : i32
      %scan3A_105 = arith.constant 1 : i32
      scf.for %scan3A_113 = %scan3A_102 to %scan3A_104 step %scan3A_105  : i32 {
        %add3A_114 = arith.constant 10 : i32
        %add3A_115 = arith.addi %scan3A_113, %add3A_114 : i32
        %add3A_116 = arith.constant 0 : i32
        %add3A_117 = vector.broadcast %add3A_116 : i32 to vector<16xi32>
        %add3A_118 = arith.addi %add3A_64, %add3A_117 : vector<16xi32>
        %mul3A_119 = arith.constant 32 : i32
        %mul3A_120 = arith.muli %add3A_115, %mul3A_119 : i32
        %add3A_121 = vector.broadcast %mul3A_120 : i32 to vector<16xi32>
        %add3A_122 = arith.addi %add3A_118, %add3A_121 : vector<16xi32>
        %gather3A = tpu.vector_load_idx %arg5[%add3A_122] : memref<2560xi32, #tpu.memory_space<vmem>>[vector<16xi32>], vector<16xi32>,
        %swap3A = arith.index_cast %add3A_115 : i32 to index
        %swap3A_123 = arith.constant 0 : index
        %swap3A_124 = tpu.vector_load %arg8[%swap3A, %swap3A_123] {strides = array<i32>} : memref<20x128xi32, #tpu.memory_space<vmem>>, vector<16xi32>,
        tpu.vector_store %arg8[%swap3A, %swap3A_123], %gather3A {strides = array<i32>} : memref<20x128xi32, #tpu.memory_space<vmem>>, vector<16xi32>,
        %add3A_125 = arith.constant 4 : i32
        %add3A_126 = vector.broadcast %add3A_125 : i32 to vector<16xi32>
        %add3A_127 = arith.addi %add3A_64, %add3A_126 : vector<16xi32>
        %mul3A_128 = arith.constant 32 : i32
        %mul3A_129 = arith.muli %add3A_115, %mul3A_128 : i32
        %add3A_130 = vector.broadcast %mul3A_129 : i32 to vector<16xi32>
        %add3A_131 = arith.addi %add3A_127, %add3A_130 : vector<16xi32>
        %gather3A_132 = tpu.vector_load_idx %arg5[%add3A_131] : memref<2560xi32, #tpu.memory_space<vmem>>[vector<16xi32>], vector<16xi32>,
        %swap3A_133 = arith.index_cast %add3A_115 : i32 to index
        %swap3A_134 = arith.constant 16 : index
        %swap3A_135 = tpu.vector_load %arg8[%swap3A_133, %swap3A_134] {strides = array<i32>} : memref<20x128xi32, #tpu.memory_space<vmem>>, vector<16xi32>,
        tpu.vector_store %arg8[%swap3A_133, %swap3A_134], %gather3A_132 {strides = array<i32>} : memref<20x128xi32, #tpu.memory_space<vmem>>, vector<16xi32>,
        %add3A_136 = arith.constant 8 : i32
        %add3A_137 = vector.broadcast %add3A_136 : i32 to vector<16xi32>
        %add3A_138 = arith.addi %add3A_64, %add3A_137 : vector<16xi32>
        %mul3A_139 = arith.constant 32 : i32
        %mul3A_140 = arith.muli %add3A_115, %mul3A_139 : i32
        %add3A_141 = vector.broadcast %mul3A_140 : i32 to vector<16xi32>
        %add3A_142 = arith.addi %add3A_138, %add3A_141 : vector<16xi32>
        %gather3A_143 = tpu.vector_load_idx %arg5[%add3A_142] : memref<2560xi32, #tpu.memory_space<vmem>>[vector<16xi32>], vector<16xi32>,
        %swap3A_144 = arith.index_cast %add3A_115 : i32 to index
        %swap3A_145 = arith.constant 32 : index
        %swap3A_146 = tpu.vector_load %arg8[%swap3A_144, %swap3A_145] {strides = array<i32>} : memref<20x128xi32, #tpu.memory_space<vmem>>, vector<16xi32>,
        tpu.vector_store %arg8[%swap3A_144, %swap3A_145], %gather3A_143 {strides = array<i32>} : memref<20x128xi32, #tpu.memory_space<vmem>>, vector<16xi32>,
        %add3A_147 = arith.constant 12 : i32
        %add3A_148 = vector.broadcast %add3A_147 : i32 to vector<16xi32>
        %add3A_149 = arith.addi %add3A_64, %add3A_148 : vector<16xi32>
        %mul3A_150 = arith.constant 32 : i32
        %mul3A_151 = arith.muli %add3A_115, %mul3A_150 : i32
        %add3A_152 = vector.broadcast %mul3A_151 : i32 to vector<16xi32>
        %add3A_153 = arith.addi %add3A_149, %add3A_152 : vector<16xi32>
        %gather3A_154 = tpu.vector_load_idx %arg5[%add3A_153] : memref<2560xi32, #tpu.memory_space<vmem>>[vector<16xi32>], vector<16xi32>,
        %swap3A_155 = arith.index_cast %add3A_115 : i32 to index
        %swap3A_156 = arith.constant 48 : index
        %swap3A_157 = tpu.vector_load %arg8[%swap3A_155, %swap3A_156] {strides = array<i32>} : memref<20x128xi32, #tpu.memory_space<vmem>>, vector<16xi32>,
        tpu.vector_store %arg8[%swap3A_155, %swap3A_156], %gather3A_154 {strides = array<i32>} : memref<20x128xi32, #tpu.memory_space<vmem>>, vector<16xi32>,
        %add3A_158 = arith.constant 16 : i32
        %add3A_159 = vector.broadcast %add3A_158 : i32 to vector<16xi32>
        %add3A_160 = arith.addi %add3A_64, %add3A_159 : vector<16xi32>
        %mul3A_161 = arith.constant 32 : i32
        %mul3A_162 = arith.muli %add3A_115, %mul3A_161 : i32
        %add3A_163 = vector.broadcast %mul3A_162 : i32 to vector<16xi32>
        %add3A_164 = arith.addi %add3A_160, %add3A_163 : vector<16xi32>
        %gather3A_165 = tpu.vector_load_idx %arg5[%add3A_164] : memref<2560xi32, #tpu.memory_space<vmem>>[vector<16xi32>], vector<16xi32>,
        %swap3A_166 = arith.index_cast %add3A_115 : i32 to index
        %swap3A_167 = arith.constant 64 : index
        %swap3A_168 = tpu.vector_load %arg8[%swap3A_166, %swap3A_167] {strides = array<i32>} : memref<20x128xi32, #tpu.memory_space<vmem>>, vector<16xi32>,
        tpu.vector_store %arg8[%swap3A_166, %swap3A_167], %gather3A_165 {strides = array<i32>} : memref<20x128xi32, #tpu.memory_space<vmem>>, vector<16xi32>,
        %add3A_169 = arith.constant 20 : i32
        %add3A_170 = vector.broadcast %add3A_169 : i32 to vector<16xi32>
        %add3A_171 = arith.addi %add3A_64, %add3A_170 : vector<16xi32>
        %mul3A_172 = arith.constant 32 : i32
        %mul3A_173 = arith.muli %add3A_115, %mul3A_172 : i32
        %add3A_174 = vector.broadcast %mul3A_173 : i32 to vector<16xi32>
        %add3A_175 = arith.addi %add3A_171, %add3A_174 : vector<16xi32>
        %gather3A_176 = tpu.vector_load_idx %arg5[%add3A_175] : memref<2560xi32, #tpu.memory_space<vmem>>[vector<16xi32>], vector<16xi32>,
        %swap3A_177 = arith.index_cast %add3A_115 : i32 to index
        %swap3A_178 = arith.constant 80 : index
        %swap3A_179 = tpu.vector_load %arg8[%swap3A_177, %swap3A_178] {strides = array<i32>} : memref<20x128xi32, #tpu.memory_space<vmem>>, vector<16xi32>,
        tpu.vector_store %arg8[%swap3A_177, %swap3A_178], %gather3A_176 {strides = array<i32>} : memref<20x128xi32, #tpu.memory_space<vmem>>, vector<16xi32>,
        %add3A_180 = arith.constant 24 : i32
        %add3A_181 = vector.broadcast %add3A_180 : i32 to vector<16xi32>
        %add3A_182 = arith.addi %add3A_64, %add3A_181 : vector<16xi32>
        %mul3A_183 = arith.constant 32 : i32
        %mul3A_184 = arith.muli %add3A_115, %mul3A_183 : i32
        %add3A_185 = vector.broadcast %mul3A_184 : i32 to vector<16xi32>
        %add3A_186 = arith.addi %add3A_182, %add3A_185 : vector<16xi32>
        %gather3A_187 = tpu.vector_load_idx %arg5[%add3A_186] : memref<2560xi32, #tpu.memory_space<vmem>>[vector<16xi32>], vector<16xi32>,
        %swap3A_188 = arith.index_cast %add3A_115 : i32 to index
        %swap3A_189 = arith.constant 96 : index
        %swap3A_190 = tpu.vector_load %arg8[%swap3A_188, %swap3A_189] {strides = array<i32>} : memref<20x128xi32, #tpu.memory_space<vmem>>, vector<16xi32>,
        tpu.vector_store %arg8[%swap3A_188, %swap3A_189], %gather3A_187 {strides = array<i32>} : memref<20x128xi32, #tpu.memory_space<vmem>>, vector<16xi32>,
        %add3A_191 = arith.constant 28 : i32
        %add3A_192 = vector.broadcast %add3A_191 : i32 to vector<16xi32>
        %add3A_193 = arith.addi %add3A_64, %add3A_192 : vector<16xi32>
        %mul3A_194 = arith.constant 32 : i32
        %mul3A_195 = arith.muli %add3A_115, %mul3A_194 : i32
        %add3A_196 = vector.broadcast %mul3A_195 : i32 to vector<16xi32>
        %add3A_197 = arith.addi %add3A_193, %add3A_196 : vector<16xi32>
        %gather3A_198 = tpu.vector_load_idx %arg5[%add3A_197] : memref<2560xi32, #tpu.memory_space<vmem>>[vector<16xi32>], vector<16xi32>,
        %swap3A_199 = arith.index_cast %add3A_115 : i32 to index
        %swap3A_200 = arith.constant 112 : index
        %swap3A_201 = tpu.vector_load %arg8[%swap3A_199, %swap3A_200] {strides = array<i32>} : memref<20x128xi32, #tpu.memory_space<vmem>>, vector<16xi32>,
        tpu.vector_store %arg8[%swap3A_199, %swap3A_200], %gather3A_198 {strides = array<i32>} : memref<20x128xi32, #tpu.memory_space<vmem>>, vector<16xi32>,
        %mul3A_202 = arith.constant 128 : i32
        %mul3A_203 = arith.muli %scan3A_113, %mul3A_202 : i32
        %dma_start3A_204 = arith.constant 0 : i32
        %dma_start3A_205 = tpu.memref_slice %arg7[%mul3A_203, %dma_start3A_204] : memref<1280x32xf32, #tpu.memory_space<vmem>> -> memref<128x32xf32, #tpu.memory_space<vmem>>
        %dma_start3A_206 = arith.constant 0 : i32
        %dma_start3A_207 = tpu.memref_slice %arg8[%add3A_115, %dma_start3A_206] : memref<20x128xi32, #tpu.memory_space<vmem>> -> memref<1x128xi32, #tpu.memory_space<vmem>>
        %dma_start3A_208 = tpu.memref_squeeze %dma_start3A_207 : memref<1x128xi32, #tpu.memory_space<vmem>> -> memref<128xi32, #tpu.memory_space<vmem>>
        %dma_start3A_209 = arith.constant 0 : i32
        %dma_start3A_210 = arith.constant 0 : i32
        %dma_start3A_211 = tpu.memref_slice %arg10[%dma_start3A_209, %dma_start3A_210] : memref<10240x32xf32, #tpu.memory_space<vmem_shared>> -> memref<10240x32xf32, #tpu.memory_space<vmem_shared>>
        tpu.enqueue_indirect_dma source(%dma_start3A_205 : memref<128x32xf32, #tpu.memory_space<vmem>>) target(%dma_start3A_211 : memref<10240x32xf32, #tpu.memory_space<vmem_shared>>) offsets(%dma_start3A_208 : memref<128xi32, #tpu.memory_space<vmem>>) semaphore(%arg14 : memref<!tpu.dma_semaphore, #tpu.memory_space<semaphore_mem>>) {add = true}
      }
      %scan3A_106 = arith.constant 10 : i32
      %scan3A_107 = arith.constant 0 : i32
      %scan3A_108 = arith.constant 0 : i32
      %scan3A_109 = arith.constant 10 : i32
      %scan3A_110 = arith.addi %scan3A_108, %scan3A_109 : i32
      %scan3A_111 = arith.constant 1 : i32
      scf.for %scan3A_113 = %scan3A_108 to %scan3A_110 step %scan3A_111  : i32 {
        %dma_wait3A_114 = arith.constant 0 : i32
        %dma_wait3A_115 = arith.constant 0 : i32
        %dma_wait3A_116 = arith.constant 0 : i32
        %dma_wait3A_117 = tpu.memref_slice %arg6[%dma_wait3A_115, %dma_wait3A_116] : memref<1280x32xf32, #tpu.memory_space<vmem>> -> memref<128x32xf32, #tpu.memory_space<vmem>>
        %dma_wait3A_118 = arith.constant 0 : i32
        %dma_wait3A_119 = tpu.memref_slice %arg8[%dma_wait3A_114, %dma_wait3A_118] : memref<20x128xi32, #tpu.memory_space<vmem>> -> memref<1x128xi32, #tpu.memory_space<vmem>>
        %dma_wait3A_120 = tpu.memref_squeeze %dma_wait3A_119 : memref<1x128xi32, #tpu.memory_space<vmem>> -> memref<128xi32, #tpu.memory_space<vmem>>
        %dma_wait3A_121 = arith.constant 0 : i32
        %dma_wait3A_122 = arith.constant 0 : i32
        %dma_wait3A_123 = tpu.memref_slice %arg10[%dma_wait3A_121, %dma_wait3A_122] : memref<10240x32xf32, #tpu.memory_space<vmem_shared>> -> memref<10240x32xf32, #tpu.memory_space<vmem_shared>>
        tpu.wait_indirect_dma semaphore(%arg13 : memref<!tpu.dma_semaphore, #tpu.memory_space<semaphore_mem>>) src(%dma_wait3A_117 : memref<128x32xf32, #tpu.memory_space<vmem>>) dst(%dma_wait3A_123 : memref<10240x32xf32, #tpu.memory_space<vmem_shared>>)
        %dma_wait3A_124 = arith.constant 0 : i32
        %dma_wait3A_125 = arith.constant 0 : i32
        %dma_wait3A_126 = arith.constant 0 : i32
        %dma_wait3A_127 = tpu.memref_slice %arg7[%dma_wait3A_125, %dma_wait3A_126] : memref<1280x32xf32, #tpu.memory_space<vmem>> -> memref<128x32xf32, #tpu.memory_space<vmem>>
        %dma_wait3A_128 = arith.constant 0 : i32
        %dma_wait3A_129 = tpu.memref_slice %arg8[%dma_wait3A_124, %dma_wait3A_128] : memref<20x128xi32, #tpu.memory_space<vmem>> -> memref<1x128xi32, #tpu.memory_space<vmem>>
        %dma_wait3A_130 = tpu.memref_squeeze %dma_wait3A_129 : memref<1x128xi32, #tpu.memory_space<vmem>> -> memref<128xi32, #tpu.memory_space<vmem>>
        %dma_wait3A_131 = arith.constant 0 : i32
        %dma_wait3A_132 = arith.constant 0 : i32
        %dma_wait3A_133 = tpu.memref_slice %arg10[%dma_wait3A_131, %dma_wait3A_132] : memref<10240x32xf32, #tpu.memory_space<vmem_shared>> -> memref<10240x32xf32, #tpu.memory_space<vmem_shared>>
        tpu.wait_indirect_dma semaphore(%arg14 : memref<!tpu.dma_semaphore, #tpu.memory_space<semaphore_mem>>) src(%dma_wait3A_127 : memref<128x32xf32, #tpu.memory_space<vmem>>) dst(%dma_wait3A_133 : memref<10240x32xf32, #tpu.memory_space<vmem_shared>>)
      }
      %scan3A_112 = arith.constant 10 : i32
    }
    %barrier3A_74 = arith.constant 0 : index
    tpu.barrier barrier_id(%barrier3A_74)
    "tpu.region"() ({
      %run_scoped3A = tpu.sem_alloc : memref<!tpu.dma_semaphore, #tpu.memory_space<semaphore_mem>>
      %dma_start3A = arith.constant 0 : i32
      %dma_start3A_75 = tpu.memref_slice %arg4[%arg0, %mul3A_6, %dma_start3A] : memref<2x10240x32xf32, #tpu.memory_space<hbm>> -> memref<1x640x32xf32, #tpu.memory_space<hbm>>
      %dma_start3A_76 = tpu.memref_squeeze %dma_start3A_75 : memref<1x640x32xf32, #tpu.memory_space<hbm>> -> memref<640x32xf32, #tpu.memory_space<hbm>>
      %dma_start3A_77 = arith.constant 0 : i32
      %dma_start3A_78 = tpu.memref_slice %arg10[%mul3A_6, %dma_start3A_77] : memref<10240x32xf32, #tpu.memory_space<vmem_shared>> -> memref<640x32xf32, #tpu.memory_space<vmem_shared>>
      tpu.enqueue_dma source(%dma_start3A_78 : memref<640x32xf32, #tpu.memory_space<vmem_shared>>) target(%dma_start3A_76 : memref<640x32xf32, #tpu.memory_space<hbm>>) target_semaphore(%run_scoped3A : memref<!tpu.dma_semaphore, #tpu.memory_space<semaphore_mem>>)
      %dma_wait3A = arith.constant 0 : i32
      %dma_wait3A_79 = tpu.memref_slice %arg4[%arg0, %mul3A_6, %dma_wait3A] : memref<2x10240x32xf32, #tpu.memory_space<hbm>> -> memref<1x640x32xf32, #tpu.memory_space<hbm>>
      %dma_wait3A_80 = tpu.memref_squeeze %dma_wait3A_79 : memref<1x640x32xf32, #tpu.memory_space<hbm>> -> memref<640x32xf32, #tpu.memory_space<hbm>>
      %dma_wait3A_81 = arith.constant 0 : i32
      %dma_wait3A_82 = tpu.memref_slice %arg10[%mul3A_6, %dma_wait3A_81] : memref<10240x32xf32, #tpu.memory_space<vmem_shared>> -> memref<640x32xf32, #tpu.memory_space<vmem_shared>>
      tpu.wait_dma2 semaphore(%run_scoped3A : memref<!tpu.dma_semaphore, #tpu.memory_space<semaphore_mem>>) src(%dma_wait3A_82 : memref<640x32xf32, #tpu.memory_space<vmem_shared>>) dst(%dma_wait3A_80 : memref<640x32xf32, #tpu.memory_space<hbm>>)
      tpu.yield
    }) : () -> ()
    return
  }
}

module attributes {stable_mosaic.version = 14 : i64} {
  func.func @_node_pre_body(%arg0: i32, %arg1: memref<1000x128xf32, #tpu.memory_space<vmem>>, %arg2: memref<1000x1xf32, #tpu.memory_space<vmem>>, %arg3: memref<128x128xf32, #tpu.memory_space<vmem>>, %arg4: memref<1x128xf32, #tpu.memory_space<vmem>>, %arg5: memref<1000x128xf32, #tpu.memory_space<vmem>>, %arg6: memref<1000x64xf32, #tpu.memory_space<vmem>>, %arg7: memref<1000x64xf32, #tpu.memory_space<vmem>>) attributes {dimension_semantics = [#tpu.dimension_semantics<arbitrary>], iteration_bounds = array<i64: 10>, scalar_prefetch = 0 : i64, scratch_operands = 0 : i64, tpu.core_type = #tpu.core_type<tc>, window_params = [{transform_indices = @transform_0, window_bounds = array<i64: 1000, 128>}, {transform_indices = @transform_1, window_bounds = array<i64: 1000, 1>}, {pipeline_mode = #tpu.pipeline_mode<synchronous>, transform_indices = @transform_2, window_bounds = array<i64: 128, 128>}, {pipeline_mode = #tpu.pipeline_mode<synchronous>, transform_indices = @transform_3, window_bounds = array<i64: 1, 128>}, {transform_indices = @transform_4, window_bounds = array<i64: 1000, 128>}, {transform_indices = @transform_5, window_bounds = array<i64: 1000, 64>}, {transform_indices = @transform_6, window_bounds = array<i64: 1000, 64>}]} {
    %get3A = arith.constant 0 : index
    %get3A_0 = arith.constant 0 : index
    %get3A_1 = vector.load %arg1[%get3A, %get3A_0] : memref<1000x128xf32, #tpu.memory_space<vmem>>, vector<1000x128xf32>
    %get3A_2 = arith.constant 0 : index
    %get3A_3 = arith.constant 0 : index
    %get3A_4 = vector.load %arg3[%get3A_2, %get3A_3] : memref<128x128xf32, #tpu.memory_space<vmem>>, vector<128x128xf32>
    %dot_general3A = arith.constant dense<0.000000e+00> : vector<1000x128xf32>
    %dot_general3A_5 = tpu.matmul %get3A_1, %get3A_4, %dot_general3A {dimension_numbers = #tpu.dot_dimension_numbers<[1], [0], [0], [1], [0, 0, 1, 1], [], []>, transpose_lhs_hint = false} : vector<1000x128xf32>, vector<128x128xf32>, vector<1000x128xf32> -> vector<1000x128xf32>
    %get3A_6 = arith.constant 0 : index
    %get3A_7 = arith.constant 0 : index
    %get3A_8 = vector.load %arg4[%get3A_6, %get3A_7] : memref<1x128xf32, #tpu.memory_space<vmem>>, vector<1x128xf32>
    %add3A = vector.broadcast %get3A_8 : vector<1x128xf32> to vector<1000x128xf32>
    %add3A_9 = arith.addf %dot_general3A_5, %add3A : vector<1000x128xf32>
    %swap3A = arith.constant 0 : index
    %swap3A_10 = arith.constant 0 : index
    %swap3A_11 = vector.load %arg5[%swap3A, %swap3A_10] : memref<1000x128xf32, #tpu.memory_space<vmem>>, vector<1000x128xf32>
    tpu.vector_store %arg5[%swap3A, %swap3A_10], %add3A_9 {strides = array<i32>} : memref<1000x128xf32, #tpu.memory_space<vmem>>, vector<1000x128xf32>,
    %get3A_12 = arith.constant 0 : index
    %get3A_13 = arith.constant 0 : index
    %get3A_14 = vector.load %arg2[%get3A_12, %get3A_13] : memref<1000x1xf32, #tpu.memory_space<vmem>>, vector<1000x1xf32>
    %mul3A = vector.broadcast %get3A_14 : vector<1000x1xf32> to vector<1000x128xf32>
    %mul3A_15 = arith.mulf %mul3A, %add3A_9 : vector<1000x128xf32>
    %slice3A = vector.extract_strided_slice %mul3A_15 {offsets = [0, 0], sizes = [1000, 64], strides = [1, 1]} : vector<1000x128xf32> to vector<1000x64xf32>
    %swap3A_16 = arith.constant 0 : index
    %swap3A_17 = arith.constant 0 : index
    %swap3A_18 = vector.load %arg6[%swap3A_16, %swap3A_17] : memref<1000x64xf32, #tpu.memory_space<vmem>>, vector<1000x64xf32>
    tpu.vector_store %arg6[%swap3A_16, %swap3A_17], %slice3A {strides = array<i32>} : memref<1000x64xf32, #tpu.memory_space<vmem>>, vector<1000x64xf32>,
    %slice3A_19 = vector.extract_strided_slice %mul3A_15 {offsets = [0, 64], sizes = [1000, 64], strides = [1, 1]} : vector<1000x128xf32> to vector<1000x64xf32>
    %swap3A_20 = arith.constant 0 : index
    %swap3A_21 = arith.constant 0 : index
    %swap3A_22 = vector.load %arg7[%swap3A_20, %swap3A_21] : memref<1000x64xf32, #tpu.memory_space<vmem>>, vector<1000x64xf32>
    tpu.vector_store %arg7[%swap3A_20, %swap3A_21], %slice3A_19 {strides = array<i32>} : memref<1000x64xf32, #tpu.memory_space<vmem>>, vector<1000x64xf32>,
    return
  }
  func.func @transform_0(%arg0: i32) -> (i32, i32) {
    %c0_i32 = arith.constant 0 : i32
    %c0_i32_0 = arith.constant 0 : i32
    return %arg0, %c0_i32 : i32, i32
  }
  func.func @transform_1(%arg0: i32) -> (i32, i32) {
    %c0_i32 = arith.constant 0 : i32
    %c0_i32_0 = arith.constant 0 : i32
    return %arg0, %c0_i32 : i32, i32
  }
  func.func @transform_2(%arg0: i32) -> (i32, i32) {
    %c0_i32 = arith.constant 0 : i32
    %c0_i32_0 = arith.constant 0 : i32
    %c0_i32_1 = arith.constant 0 : i32
    return %c0_i32, %c0_i32_0 : i32, i32
  }
  func.func @transform_3(%arg0: i32) -> (i32, i32) {
    %c0_i32 = arith.constant 0 : i32
    %c0_i32_0 = arith.constant 0 : i32
    %c0_i32_1 = arith.constant 0 : i32
    return %c0_i32, %c0_i32_0 : i32, i32
  }
  func.func @transform_4(%arg0: i32) -> (i32, i32) {
    %c0_i32 = arith.constant 0 : i32
    %c0_i32_0 = arith.constant 0 : i32
    return %arg0, %c0_i32 : i32, i32
  }
  func.func @transform_5(%arg0: i32) -> (i32, i32) {
    %c0_i32 = arith.constant 0 : i32
    %c0_i32_0 = arith.constant 0 : i32
    return %arg0, %c0_i32 : i32, i32
  }
  func.func @transform_6(%arg0: i32) -> (i32, i32) {
    %c0_i32 = arith.constant 0 : i32
    %c0_i32_0 = arith.constant 0 : i32
    return %arg0, %c0_i32 : i32, i32
  }
}

module attributes {stable_mosaic.version = 14 : i64} {
  func.func @_edge_pre_body(%arg0: i32, %arg1: memref<16x2560xf32, #tpu.memory_space<vmem>>, %arg2: memref<1x2560xf32, #tpu.memory_space<vmem>>, %arg3: memref<17x16xf32, #tpu.memory_space<vmem>>, %arg4: memref<640x128xf32, #tpu.memory_space<vmem>>) attributes {dimension_semantics = [#tpu.dimension_semantics<arbitrary>], iteration_bounds = array<i64: 125>, scalar_prefetch = 0 : i64, scratch_operands = 0 : i64, tpu.core_type = #tpu.core_type<tc>, window_params = [{transform_indices = @transform_0, window_bounds = array<i64: 16, 2560>}, {transform_indices = @transform_1, window_bounds = array<i64: 1, 2560>}, {pipeline_mode = #tpu.pipeline_mode<synchronous>, transform_indices = @transform_2, window_bounds = array<i64: 17, 16>}, {transform_indices = @transform_3, window_bounds = array<i64: 640, 128>}]} {
    %get3A = arith.constant 0 : index
    %get3A_0 = arith.constant 0 : index
    %get3A_1 = vector.load %arg2[%get3A, %get3A_0] : memref<1x2560xf32, #tpu.memory_space<vmem>>, vector<1x2560xf32>
    %get3A_2 = arith.constant 0 : index
    %get3A_3 = arith.constant 0 : index
    %get3A_4 = vector.load %arg1[%get3A_2, %get3A_3] : memref<16x2560xf32, #tpu.memory_space<vmem>>, vector<16x2560xf32>
    %mul3A = vector.broadcast %get3A_1 : vector<1x2560xf32> to vector<16x2560xf32>
    %mul3A_5 = arith.mulf %get3A_4, %mul3A : vector<16x2560xf32>
    %concatenate3A = tpu.concatenate %mul3A_5, %get3A_1 in 0 : vector<16x2560xf32>, vector<1x2560xf32> -> vector<17x2560xf32>
    %get3A_6 = arith.constant 0 : index
    %get3A_7 = arith.constant 0 : index
    %get3A_8 = vector.load %arg3[%get3A_6, %get3A_7] : memref<17x16xf32, #tpu.memory_space<vmem>>, vector<17x16xf32>
    %dot_general3A = arith.constant dense<0.000000e+00> : vector<2560x16xf32>
    %dot_general3A_9 = tpu.matmul %concatenate3A, %get3A_8, %dot_general3A {dimension_numbers = #tpu.dot_dimension_numbers<[0], [0], [1], [1], [0, 1, 1, 1], [], []>, transpose_lhs_hint = false} : vector<17x2560xf32>, vector<17x16xf32>, vector<2560x16xf32> -> vector<2560x16xf32>
    %iota3A = tpu.iota {dimensions = array<i32: 1>} : vector<640x16xi32>
    %eq3A = arith.constant 0 : i32
    %eq3A_10 = vector.broadcast %eq3A : i32 to vector<640x16xi32>
    %eq3A_11 = arith.cmpi eq, %iota3A, %eq3A_10 : vector<640x16xi32>
    %convert_element_type3A = arith.extui %eq3A_11 : vector<640x16xi1> to vector<640x16xi32>
    %convert_element_type3A_12 = arith.sitofp %convert_element_type3A : vector<640x16xi32> to vector<640x16xf32>
    %slice3A = vector.extract_strided_slice %dot_general3A_9 {offsets = [0, 0], sizes = [640, 16], strides = [1, 1]} : vector<2560x16xf32> to vector<640x16xf32>
    %slice3A_13 = vector.extract_strided_slice %dot_general3A_9 {offsets = [640, 0], sizes = [640, 16], strides = [1, 1]} : vector<2560x16xf32> to vector<640x16xf32>
    %slice3A_14 = vector.extract_strided_slice %dot_general3A_9 {offsets = [1280, 0], sizes = [640, 16], strides = [1, 1]} : vector<2560x16xf32> to vector<640x16xf32>
    %slice3A_15 = vector.extract_strided_slice %dot_general3A_9 {offsets = [1920, 0], sizes = [640, 16], strides = [1, 1]} : vector<2560x16xf32> to vector<640x16xf32>
    %concatenate3A_16 = tpu.concatenate %slice3A, %convert_element_type3A_12, %slice3A_13, %convert_element_type3A_12, %slice3A_14, %convert_element_type3A_12, %slice3A_15, %convert_element_type3A_12 in 1 : vector<640x16xf32>, vector<640x16xf32>, vector<640x16xf32>, vector<640x16xf32>, vector<640x16xf32>, vector<640x16xf32>, vector<640x16xf32>, vector<640x16xf32> -> vector<640x128xf32>
    %swap3A = arith.constant 0 : index
    %swap3A_17 = arith.constant 0 : index
    %swap3A_18 = vector.load %arg4[%swap3A, %swap3A_17] : memref<640x128xf32, #tpu.memory_space<vmem>>, vector<640x128xf32>
    tpu.vector_store %arg4[%swap3A, %swap3A_17], %concatenate3A_16 {strides = array<i32>} : memref<640x128xf32, #tpu.memory_space<vmem>>, vector<640x128xf32>,
    return
  }
  func.func @transform_0(%arg0: i32) -> (i32, i32) {
    %c0_i32 = arith.constant 0 : i32
    %c0_i32_0 = arith.constant 0 : i32
    return %c0_i32, %arg0 : i32, i32
  }
  func.func @transform_1(%arg0: i32) -> (i32, i32) {
    %c0_i32 = arith.constant 0 : i32
    %c0_i32_0 = arith.constant 0 : i32
    return %c0_i32, %arg0 : i32, i32
  }
  func.func @transform_2(%arg0: i32) -> (i32, i32) {
    %c0_i32 = arith.constant 0 : i32
    %c0_i32_0 = arith.constant 0 : i32
    %c0_i32_1 = arith.constant 0 : i32
    return %c0_i32, %c0_i32_0 : i32, i32
  }
  func.func @transform_3(%arg0: i32) -> (i32, i32) {
    %c0_i32 = arith.constant 0 : i32
    %c0_i32_0 = arith.constant 0 : i32
    return %arg0, %c0_i32 : i32, i32
  }
}

module attributes {stable_mosaic.version = 14 : i64} {
  func.func @_post_body(%arg0: i32, %arg1: memref<1000x128xf32, #tpu.memory_space<vmem>>, %arg2: memref<1000x64xf32, #tpu.memory_space<vmem>>, %arg3: memref<1000x64xf32, #tpu.memory_space<vmem>>, %arg4: memref<2x1000x64xf32, #tpu.memory_space<vmem>>, %arg5: memref<2x1000x32xf32, #tpu.memory_space<vmem>>, %arg6: memref<128x128xf32, #tpu.memory_space<vmem>>, %arg7: memref<128x128xf32, #tpu.memory_space<vmem>>, %arg8: memref<16x128xf32, #tpu.memory_space<vmem>>, %arg9: memref<1x128xf32, #tpu.memory_space<vmem>>, %arg10: memref<1000x128xf32, #tpu.memory_space<vmem>>) attributes {dimension_semantics = [#tpu.dimension_semantics<arbitrary>], iteration_bounds = array<i64: 10>, scalar_prefetch = 0 : i64, scratch_operands = 0 : i64, tpu.core_type = #tpu.core_type<tc>, window_params = [{transform_indices = @transform_0, window_bounds = array<i64: 1000, 128>}, {transform_indices = @transform_1, window_bounds = array<i64: 1000, 64>}, {transform_indices = @transform_2, window_bounds = array<i64: 1000, 64>}, {transform_indices = @transform_3, window_bounds = array<i64: 2, 1000, 64>}, {transform_indices = @transform_4, window_bounds = array<i64: 2, 1000, 32>}, {pipeline_mode = #tpu.pipeline_mode<synchronous>, transform_indices = @transform_5, window_bounds = array<i64: 128, 128>}, {pipeline_mode = #tpu.pipeline_mode<synchronous>, transform_indices = @transform_6, window_bounds = array<i64: 128, 128>}, {pipeline_mode = #tpu.pipeline_mode<synchronous>, transform_indices = @transform_7, window_bounds = array<i64: 16, 128>}, {pipeline_mode = #tpu.pipeline_mode<synchronous>, transform_indices = @transform_8, window_bounds = array<i64: 1, 128>}, {transform_indices = @transform_9, window_bounds = array<i64: 1000, 128>}]} {
    %get3A = arith.constant 0 : index
    %get3A_0 = arith.constant 0 : index
    %get3A_1 = arith.constant 0 : index
    %get3A_2 = vector.load %arg4[%get3A, %get3A_0, %get3A_1] : memref<2x1000x64xf32, #tpu.memory_space<vmem>>, vector<1x1000x64xf32>
    %get3A_3 = vector.shape_cast %get3A_2 : vector<1x1000x64xf32> to vector<1000x64xf32>
    %get3A_4 = arith.constant 1 : index
    %get3A_5 = arith.constant 0 : index
    %get3A_6 = arith.constant 0 : index
    %get3A_7 = vector.load %arg4[%get3A_4, %get3A_5, %get3A_6] : memref<2x1000x64xf32, #tpu.memory_space<vmem>>, vector<1x1000x64xf32>
    %get3A_8 = vector.shape_cast %get3A_7 : vector<1x1000x64xf32> to vector<1000x64xf32>
    %concatenate3A = tpu.concatenate %get3A_3, %get3A_8 in 1 : vector<1000x64xf32>, vector<1000x64xf32> -> vector<1000x128xf32>
    %get3A_9 = arith.constant 0 : index
    %get3A_10 = arith.constant 0 : index
    %get3A_11 = arith.constant 0 : index
    %get3A_12 = vector.load %arg5[%get3A_9, %get3A_10, %get3A_11] : memref<2x1000x32xf32, #tpu.memory_space<vmem>>, vector<1x1000x32xf32>
    %get3A_13 = vector.shape_cast %get3A_12 : vector<1x1000x32xf32> to vector<1000x32xf32>
    %get3A_14 = arith.constant 1 : index
    %get3A_15 = arith.constant 0 : index
    %get3A_16 = arith.constant 0 : index
    %get3A_17 = vector.load %arg5[%get3A_14, %get3A_15, %get3A_16] : memref<2x1000x32xf32, #tpu.memory_space<vmem>>, vector<1x1000x32xf32>
    %get3A_18 = vector.shape_cast %get3A_17 : vector<1x1000x32xf32> to vector<1000x32xf32>
    %add3A = arith.addf %get3A_13, %get3A_18 : vector<1000x32xf32>
    %slice3A = vector.extract_strided_slice %add3A {offsets = [0, 16], sizes = [1000, 1], strides = [1, 1]} : vector<1000x32xf32> to vector<1000x1xf32>
    %slice3A_19 = vector.extract_strided_slice %add3A {offsets = [0, 0], sizes = [1000, 16], strides = [1, 1]} : vector<1000x32xf32> to vector<1000x16xf32>
    %get3A_20 = arith.constant 0 : index
    %get3A_21 = arith.constant 0 : index
    %get3A_22 = vector.load %arg2[%get3A_20, %get3A_21] : memref<1000x64xf32, #tpu.memory_space<vmem>>, vector<1000x64xf32>
    %get3A_23 = arith.constant 0 : index
    %get3A_24 = arith.constant 0 : index
    %get3A_25 = vector.load %arg3[%get3A_23, %get3A_24] : memref<1000x64xf32, #tpu.memory_space<vmem>>, vector<1000x64xf32>
    %concatenate3A_26 = tpu.concatenate %get3A_22, %get3A_25 in 1 : vector<1000x64xf32>, vector<1000x64xf32> -> vector<1000x128xf32>
    %mul3A = vector.broadcast %slice3A : vector<1000x1xf32> to vector<1000x128xf32>
    %mul3A_27 = arith.mulf %mul3A, %concatenate3A_26 : vector<1000x128xf32>
    %add3A_28 = arith.addf %concatenate3A, %mul3A_27 : vector<1000x128xf32>
    %get3A_29 = arith.constant 0 : index
    %get3A_30 = arith.constant 0 : index
    %get3A_31 = vector.load %arg1[%get3A_29, %get3A_30] : memref<1000x128xf32, #tpu.memory_space<vmem>>, vector<1000x128xf32>
    %get3A_32 = arith.constant 0 : index
    %get3A_33 = arith.constant 0 : index
    %get3A_34 = vector.load %arg6[%get3A_32, %get3A_33] : memref<128x128xf32, #tpu.memory_space<vmem>>, vector<128x128xf32>
    %dot_general3A = arith.constant dense<0.000000e+00> : vector<1000x128xf32>
    %dot_general3A_35 = tpu.matmul %get3A_31, %get3A_34, %dot_general3A {dimension_numbers = #tpu.dot_dimension_numbers<[1], [0], [0], [1], [0, 0, 1, 1], [], []>, transpose_lhs_hint = false} : vector<1000x128xf32>, vector<128x128xf32>, vector<1000x128xf32> -> vector<1000x128xf32>
    %get3A_36 = arith.constant 0 : index
    %get3A_37 = arith.constant 0 : index
    %get3A_38 = vector.load %arg7[%get3A_36, %get3A_37] : memref<128x128xf32, #tpu.memory_space<vmem>>, vector<128x128xf32>
    %dot_general3A_39 = arith.constant dense<0.000000e+00> : vector<1000x128xf32>
    %dot_general3A_40 = tpu.matmul %add3A_28, %get3A_38, %dot_general3A_39 {dimension_numbers = #tpu.dot_dimension_numbers<[1], [0], [0], [1], [0, 0, 1, 1], [], []>, transpose_lhs_hint = false} : vector<1000x128xf32>, vector<128x128xf32>, vector<1000x128xf32> -> vector<1000x128xf32>
    %add3A_41 = arith.addf %dot_general3A_35, %dot_general3A_40 : vector<1000x128xf32>
    %get3A_42 = arith.constant 0 : index
    %get3A_43 = arith.constant 0 : index
    %get3A_44 = vector.load %arg8[%get3A_42, %get3A_43] : memref<16x128xf32, #tpu.memory_space<vmem>>, vector<16x128xf32>
    %dot_general3A_45 = arith.constant dense<0.000000e+00> : vector<1000x128xf32>
    %dot_general3A_46 = tpu.matmul %slice3A_19, %get3A_44, %dot_general3A_45 {dimension_numbers = #tpu.dot_dimension_numbers<[1], [0], [0], [1], [0, 0, 1, 1], [], []>, transpose_lhs_hint = false} : vector<1000x16xf32>, vector<16x128xf32>, vector<1000x128xf32> -> vector<1000x128xf32>
    %add3A_47 = arith.addf %add3A_41, %dot_general3A_46 : vector<1000x128xf32>
    %get3A_48 = arith.constant 0 : index
    %get3A_49 = arith.constant 0 : index
    %get3A_50 = vector.load %arg9[%get3A_48, %get3A_49] : memref<1x128xf32, #tpu.memory_space<vmem>>, vector<1x128xf32>
    %add3A_51 = vector.broadcast %get3A_50 : vector<1x128xf32> to vector<1000x128xf32>
    %add3A_52 = arith.addf %add3A_47, %add3A_51 : vector<1000x128xf32>
    %max3A = arith.constant 0.000000e+00 : f32
    %max3A_53 = vector.broadcast %max3A : f32 to vector<1000x128xf32>
    %max3A_54 = arith.maximumf %add3A_52, %max3A_53 : vector<1000x128xf32>
    %swap3A = arith.constant 0 : index
    %swap3A_55 = arith.constant 0 : index
    %swap3A_56 = vector.load %arg10[%swap3A, %swap3A_55] : memref<1000x128xf32, #tpu.memory_space<vmem>>, vector<1000x128xf32>
    tpu.vector_store %arg10[%swap3A, %swap3A_55], %max3A_54 {strides = array<i32>} : memref<1000x128xf32, #tpu.memory_space<vmem>>, vector<1000x128xf32>,
    return
  }
  func.func @transform_0(%arg0: i32) -> (i32, i32) {
    %c0_i32 = arith.constant 0 : i32
    %c0_i32_0 = arith.constant 0 : i32
    return %arg0, %c0_i32 : i32, i32
  }
  func.func @transform_1(%arg0: i32) -> (i32, i32) {
    %c0_i32 = arith.constant 0 : i32
    %c0_i32_0 = arith.constant 0 : i32
    return %arg0, %c0_i32 : i32, i32
  }
  func.func @transform_2(%arg0: i32) -> (i32, i32) {
    %c0_i32 = arith.constant 0 : i32
    %c0_i32_0 = arith.constant 0 : i32
    return %arg0, %c0_i32 : i32, i32
  }
  func.func @transform_3(%arg0: i32) -> (i32, i32, i32) {
    %c0_i32 = arith.constant 0 : i32
    %c0_i32_0 = arith.constant 0 : i32
    %c0_i32_1 = arith.constant 0 : i32
    return %c0_i32, %arg0, %c0_i32_0 : i32, i32, i32
  }
  func.func @transform_4(%arg0: i32) -> (i32, i32, i32) {
    %c0_i32 = arith.constant 0 : i32
    %c0_i32_0 = arith.constant 0 : i32
    %c0_i32_1 = arith.constant 0 : i32
    return %c0_i32, %arg0, %c0_i32_0 : i32, i32, i32
  }
  func.func @transform_5(%arg0: i32) -> (i32, i32) {
    %c0_i32 = arith.constant 0 : i32
    %c0_i32_0 = arith.constant 0 : i32
    %c0_i32_1 = arith.constant 0 : i32
    return %c0_i32, %c0_i32_0 : i32, i32
  }
  func.func @transform_6(%arg0: i32) -> (i32, i32) {
    %c0_i32 = arith.constant 0 : i32
    %c0_i32_0 = arith.constant 0 : i32
    %c0_i32_1 = arith.constant 0 : i32
    return %c0_i32, %c0_i32_0 : i32, i32
  }
  func.func @transform_7(%arg0: i32) -> (i32, i32) {
    %c0_i32 = arith.constant 0 : i32
    %c0_i32_0 = arith.constant 0 : i32
    %c0_i32_1 = arith.constant 0 : i32
    return %c0_i32, %c0_i32_0 : i32, i32
  }
  func.func @transform_8(%arg0: i32) -> (i32, i32) {
    %c0_i32 = arith.constant 0 : i32
    %c0_i32_0 = arith.constant 0 : i32
    %c0_i32_1 = arith.constant 0 : i32
    return %c0_i32, %c0_i32_0 : i32, i32
  }
  func.func @transform_9(%arg0: i32) -> (i32, i32) {
    %c0_i32 = arith.constant 0 : i32
    %c0_i32_0 = arith.constant 0 : i32
    return %arg0, %c0_i32 : i32, i32
  }
}

</mosaic_0001>

<sc_bundles>
// kernel: kernel.10.cloned.1.call-start
scs
__scs_entry_jumppad:
0x0: {  	(pc) =	sbr.rel $0x88, $3  }
0x1: {  	(tag) =	ssettag $0x0;
	lr =	simm.s32 $0x1  }
0x2: {  	[smem:$0x3F96] =	sst lr;
	_ =	strace $0xD0000000  }
0x3: {  	_ = 	snop  }
0x4: {  	_ = 	snop  }
0x5: {  	_ = 	snop  }
0x6: {  	_ = 	snop  }
0x7: {  	_ = 	snop  }
__scs_overlays_trampoline_lowered:
0x8: {  	[smem:$0x3FA5] =	sst s0  }
0x9: {  	[smem:$0x3FA6] =	sst s1  }
0xa: {  	[smem:$0x3FA7] =	sst s2  }
0xb: {  	[smem:$0x3FA8] =	sst s3  }
0xc: {  	[smem:$0x3FA9] =	sst s4  }
0xd: {  	[smem:$0x3FAA] =	sst s5  }
0xe: {  	[smem:$0x3FAB] =	sst s6  }
0xf: {  	[smem:$0x3FAC] =	sst s7  }
0x10: {  	[smem:$0x3FAD] =	sst s8  }
0x11: {  	[smem:$0x3FAE] =	sst s9;
	s0 =	simm.s32 @!p0 $0x0  }
0x12: {  	s1 =	sld [smem:$0x3F94];
	s0 =	simm.s32 @p0 $0x1  }
0x13: {  	[smem:$0x3FAF] =	sst s0;
	s0 =	simm.s32 @!p1 $0x0  }
0x14: {  	s2 =	sld [smem:$0x3F93];
	s0 =	simm.s32 @p1 $0x1  }
0x15: {  	[smem:$0x3FB0] =	sst s0;
	s0 =	simm.s32 @!p2 $0x0  }
0x16: {  	s3 =	sld [smem:$0x3FDB];
	s0 =	simm.s32 @p2 $0x1  }
0x17: {  	s4 =	simm.s32 $0x1BF5;
	[smem:$0x3FB2] =	sst s0  }
0x18: {  	s0 =	sld [smem:$0x3F95];
	_ =	swait.ge [sflag:s4], $0x0  }
0x19: {  	s7 =	sld [smem:$0x3F96]  }
0x1a: {  	s8 =	sadd.s32 $0xFFFFE003, lr  }
0x1b: {  	s9 =	sadd.s32 $0xFFFFFEF7, lr;
	s5 =	simm.s32 $0xFFFFFFFF;
	p2 =	slt.u32 s8, $0xFFFFF086  }
0x1c: {  	p1 =	slt.u32 s9, $0xF7A;
	s5 =	simm.s32 @!p2 $0x0  }
0x1d: {  	s5 =	simm.s32 @p1 $0x1;
	p0 =	seq.s32 s7, s2  }
0x1e: {  	s7 =	smul.u32 @!p0 $0xF7A, s2;
	p2 =	seq.s32 @!p0 s5, $0x0  }
0x1f: {  	s9 =	smul.u32 $0xF7A, s1;
	s8 =	simm.s32 @!p0 $0x1BF5;
	p2 =	por !p2, p0  }
0x20: {  	[sflag:s8] =	ssyncset.s32 @!p0 $0xFFFFF086;
	s6 =	sadd.s32 @!p0 s3, s7;
	s7 =	simm.s32 @!p0 $0x108  }
0x21: {  	s3 =	sadd.s32 s3, s9;
	s6 =	sadd.s32 @!p0 $0x88, s6;
	s7 =	simm.s32 @p2 $0x1082  }
0x22: {  	[simem:s7], [sflag:s8] =	dma.local @!p0 [hbm:s6], $0xF7A  }
0x23: {  	s9 =	sor.u32 $0xD0000000, s2;
	s6 =	simm.s32 $0x108;
	_ =	swait.ge @!p0 [sflag:s8], $0x0  }
0x24: {  	s3 =	sadd.s32 $0x88, s3;
	s6 =	simm.s32 @!p1 $0x1082;
	[sflag:s4] =	ssyncset.s32 $0xFFFFF086  }
0x25: {  	[simem:s6], [sflag:s4] =	dma.local [hbm:s3], $0xF7A  }
0x26: {  	[smem:$0x3F96] =	sst s1;
	(tag) =	ssettag s2;
	_ =	strace s9  }
0x27: {  	s1 =	sld [smem:$0x3FA6]  }
0x28: {  	s2 =	sld [smem:$0x3FA7]  }
0x29: {  	s4 =	sld [smem:$0x3FA9]  }
0x2a: {  	p0 =	seq.s32 s5, $0x0;
	s5 =	sld [smem:$0x3FAA]  }
0x2b: {  	s6 =	sld [smem:$0x3FAB]  }
0x2c: {  	s7 =	sld [smem:$0x3FAC]  }
0x2d: {  	s3 =	simm.s32 $0x108;
	s8 =	sld [smem:$0x3FAD]  }
0x2e: {  	s3 =	simm.s32 @!p0 $0x1082;
	s9 =	sld [smem:$0x3FAE]  }
0x2f: {  	lr =	sadd.s32 s0, s3;
	s0 =	sld [smem:$0x3FA5]  }
0x30: {  	s3 =	sld [smem:$0x3FA8]  }
0x31: {  	[smem:$0x3FB1] =	sst s10  }
0x32: {  	s10 =	sld [smem:$0x3FAF];
	_ =	sdelay $0x3  }
0x33: {  	p0 =	seq.s32 s10, $0x1;
	s10 =	sld [smem:$0x3FB1];
	_ =	sdelay $0x3  }
0x34: {  	[smem:$0x3FB1] =	sst s10  }
0x35: {  	s10 =	sld [smem:$0x3FB0];
	_ =	sdelay $0x3  }
0x36: {  	p1 =	seq.s32 s10, $0x1;
	s10 =	sld [smem:$0x3FB1];
	_ =	sdelay $0x3  }
0x37: {  	[smem:$0x3FB1] =	sst s10  }
0x38: {  	s10 =	sld [smem:$0x3FB2]  }
0x39: {  	_ = 	snop;
	(pc) =	sbr.ind lr, $3  }
0x3a: {  	_ = 	snop  }
0x3b: {  	_ = 	snop  }
0x3c: {  	p2 =	seq.s32 s10, $0x1;
	s10 =	sld [smem:$0x3FB1]  }
0x3d: {  	_ =	shalt  }
0x3e: {  	_ =	shalt  }
0x3f: {  	_ =	shalt  }
0x40: {  	_ =	shalt  }
0x41: {  	_ =	shalt  }
0x42: {  	_ =	shalt  }
0x43: {  	_ =	shalt  }
0x44: {  	_ =	shalt  }
0x45: {  	_ =	shalt  }
0x46: {  	_ =	shalt  }
0x47: {  	_ =	shalt  }
0x48: {  	_ =	shalt  }
0x49: {  	_ =	shalt  }
0x4a: {  	_ =	shalt  }
0x4b: {  	_ =	shalt  }
0x4c: {  	_ =	shalt  }
0x4d: {  	_ =	shalt  }
0x4e: {  	_ =	shalt  }
0x4f: {  	_ =	shalt  }
0x50: {  	_ =	shalt  }
0x51: {  	_ =	shalt  }
0x52: {  	_ =	shalt  }
0x53: {  	_ =	shalt  }
0x54: {  	_ =	shalt  }
0x55: {  	_ =	shalt  }
0x56: {  	_ =	shalt  }
0x57: {  	_ =	shalt  }
0x58: {  	_ =	shalt  }
0x59: {  	_ =	shalt  }
0x5a: {  	_ =	shalt  }
0x5b: {  	_ =	shalt  }
0x5c: {  	_ =	shalt  }
0x5d: {  	_ =	shalt  }
0x5e: {  	_ =	shalt  }
0x5f: {  	_ =	shalt  }
0x60: {  	_ =	shalt  }
0x61: {  	_ =	shalt  }
0x62: {  	_ =	shalt  }
0x63: {  	_ =	shalt  }
0x64: {  	_ =	shalt  }
0x65: {  	_ =	shalt  }
0x66: {  	_ =	shalt  }
0x67: {  	_ =	shalt  }
0x68: {  	_ =	shalt  }
0x69: {  	_ =	shalt  }
0x6a: {  	_ =	shalt  }
0x6b: {  	_ =	shalt  }
0x6c: {  	_ =	shalt  }
0x6d: {  	_ =	shalt  }
0x6e: {  	_ =	shalt  }
0x6f: {  	_ =	shalt  }
0x70: {  	_ =	shalt  }
0x71: {  	_ =	shalt  }
0x72: {  	_ =	shalt  }
0x73: {  	_ =	shalt  }
0x74: {  	_ =	shalt  }
0x75: {  	_ =	shalt  }
0x76: {  	_ =	shalt  }
0x77: {  	_ =	shalt  }
0x78: {  	_ =	shalt  }
0x79: {  	_ =	shalt  }
0x7a: {  	_ =	shalt  }
0x7b: {  	_ =	shalt  }
0x7c: {  	_ =	shalt  }
0x7d: {  	_ =	shalt  }
0x7e: {  	_ =	shalt  }
0x7f: {  	_ =	shalt  }
0x80: {  	_ =	shalt  }
0x81: {  	_ =	shalt  }
0x82: {  	_ =	shalt  }
0x83: {  	_ =	shalt  }
0x84: {  	_ =	shalt  }
0x85: {  	_ =	shalt  }
0x86: {  	_ =	shalt  }
0x87: {  	_ =	shalt  }
.Lfunc_end0:
.L_simem_size_0:
called_computation.1_lowered:
.L_overlay_start_0:
0x88: {  	s2 =	sld [smem:$0x3FD9]  }
0x89: {  	s3 =	sld [smem:$0x3FFE];
	_ =	sdelay $0x1  }
0x8a: {  	s1 =	srdreg.scid  }
0x8b: {  	s0 =	sand.u32 $0x1, s1  }
0x8c: {  	s17 =	sshll.u32 s0, $0xA;
	s2 =	sadd.s32 s3, s2  }
0x8d: {  	s2 =	sadd.s32 s2, s17  }
0x8e: {  	[smem:$0x3FBD] =	sst s2  }
0x8f: {  	_ = 	snop  }
0x90: {  	(tm) =	ssettm $0x1  }
0x91: {  	s18 =	sld [smem:$0x3FFB];
	_ =	sdelay $0x3  }
0x92: {  	_ =	strace s18  }
0x93: {  	s2 =	sld [smem:$0x3FFC];
	_ =	sdelay $0x3  }
0x94: {  	_ =	strace s2  }
0x95: {  	s2 =	sld [smem:$0x3FFD];
	_ =	sdelay $0x3  }
0x96: {  	_ =	strace s2  }
0x97: {  	_ =	strace $0x8FFFFFFF  }
0x98: {  	s19 =	sld [smem:$0x3FDB];
	_ =	sdelay $0x1  }
0x99: {  	s20 =	simm.s32 $_scs_section_size  }
0x9a: {  	s4 =	simm.s32 $_size__tile_overlayer_lowered;
	s5 =	simm.s32 $_tile_overlayer_lowered  }
0x9b: {  	s6 =	simm.s32 $0x1BFF;
	s21 =	sshll.u32 s5, $0x1;
	s3 =	sadd.s32 s20, s19  }
0x9c: {  	s22 =	simm.s32 $0x0;
	s4 =	sshll.u32 s4, $0x1;
	s5 =	sadd.s32 s21, s3  }
0x9d: {  	[timem:s22], [sflag:s6] =	dma.local [hbm:s5], s4  }
0x9e: {  	_ =	swait.ge [sflag:s6], s4  }
0x9f: {  	s4 =	ssub.s32 $0x0, s4;
	[sflag:s6] =	ssyncset.done $0x0  }
0xa0: {  	[sflag:s6] =	ssyncadd.s32 s4;
	_ =	sdelay $0x1  }
0xa1: {  	s23 =	simm.s32 $0x1B8B  }
0xa2: {  	_ =	swait.ge [sflag:s23], $0x1  }
0xa3: {  	[sflag:s23] =	ssyncset.done $0x0  }
0xa4: {  	[sflag:s23] =	ssyncadd.s32 $0xFFFFFFFF  }
0xa5: {  	s4 =	sld [smem:$0x0]  }
0xa6: {  	s5 =	sand.u32 $0xFFFFFFFE, s1  }
0xa7: {  	p0 =	sne.s32 s1, s5  }
0xa8: {  	s5 =	sshll.u32 @p0 s5, $0xE  }
0xa9: {  	s5 =	sadd.s32 @p0 $0x11B8D, s5;
	s6 =	sshll.u32 @p0 s4, $0x11  }
0xaa: {  	s5 =	sor.u32 @p0 s6, s5  }
0xab: {  	[sflag:s5] =	ssyncadd.remote.s32 @p0 $0x1;
	_ =	sdelay $0x1  }
0xac: {  	s5 =	simm.s32 @p0 $0x1B8D  }
0xad: {  	_ =	swait.eq @p0 [sflag:s5], $0x1  }
0xae: {  	[sflag:s5] =	ssyncadd.s32 @p0 $0xFFFFFFFF  }
0xaf: {  	s6 =	sshll.u32 @!p0 s1, $0xE  }
0xb0: {  	s6 =	sor.u32 @!p0 $0x4000, s6;
	s5 =	simm.s32 @!p0 $0x1B8D  }
0xb1: {  	s4 =	sshll.u32 @!p0 s4, $0x11;
	s6 =	sadd.s32 @!p0 $0x11B8D, s6;
	_ =	swait.eq @!p0 [sflag:s5], $0x1  }
0xb2: {  	s4 =	sor.u32 @!p0 s4, s6;
	[sflag:s5] =	ssyncadd.s32 @!p0 $0xFFFFFFFF  }
0xb3: {  	s25 =	simm.s32 $0x1B8E;
	s24 =	sld [smem:$0x3FFE];
	[sflag:s4] =	ssyncadd.remote.s32 @!p0 $0x1  }
0xb4: {  	s26 =	simm.s32 $execute0_lowered;
	[smem:$0x3FD2] =	sst s25  }
0xb5: {  	s5 =	sshll.u32 s26, $0x1;
	_ =	strace $0x80000049;
	[dreg:$0x1] =	wrdreg $0xFFFFFFFF  }
0xb6: {  	s28 =	simm.s32 $_size_execute0_lowered;
	s3 =	sadd.s32 s3, s5;
	[dreg:$0x0] =	wrdreg $0x0  }
0xb7: {  	s5 =	sshll.u32 s28, $0x1;
	[dreg:$0x2] =	wrdreg s3  }
0xb8: {  	[dreg:$0x3] =	wrdreg s5  }
0xb9: {  	[dreg:$0x4] =	wrdreg $0xC0  }
0xba: {  	_ =	task [dreg:s22], $0x5FFFF  }
0xbb: {  	[dreg:$0x1] =	wrdreg $0xFFFFFFFF  }
0xbc: {  	[dreg:$0x0] =	wrdreg $0x60  }
0xbd: {  	[dreg:$0x2] =	wrdreg s24  }
0xbe: {  	[dreg:$0x3] =	wrdreg $0x15E000  }
0xbf: {  	[dreg:$0x4] =	wrdreg $0xA  }
0xc0: {  	_ =	task.clear_ibuf [dreg:s22], $0x5FFFF;
	_ =	strace $0x90000049  }
0xc1: {  	s29 =	simm.s32 $0xA;
	_ =	strace $0x8000004B  }
0xc2: {  	_ =	swait.ge [sflag:s29], $0x1  }
0xc3: {  	[sflag:s29] =	ssyncadd.s32 $0xFFFFFFFF  }
0xc4: {  	_ =	strace $0x9000004B  }
0xc5: {  	_ =	sfence  }
0xc6: {  	s30 =	sld [smem:$0x0];
	_ =	sdelay $0x2  }
0xc7: {  	s31 =	sshll.u32 s1, $0xD;
	s1 =	sshrl.u32 s1, $0x2  }
0xc8: {  	s4 =	sand.u32 $0x4000, s31;
	s1 =	sadd.s32 s1, s30  }
0xc9: {  	s0 =	sor.u32 s4, s0;
	s1 =	sshll.u32 s1, $0x11  }
0xca: {  	s0 =	sor.u32 s1, s0  }
0xcb: {  	s0 =	sadd.s32 $0x8F2B, s0  }
0xcc: {  	[sflag:s0] =	ssyncadd.remote.s32 $0x1  }
0xcd: {  	_ =	sfence.sel $0xFFFF  }
0xce: {  	[dreg:$0x0] =	wrdreg $0xFFFFFFFF;
	(pc) =	sbr.abs _section_cstart, $3  }
0xcf: {  	[dreg:$0x1] =	wrdreg $0xFFFFFFFF  }
0xd0: {  	_ =	task.clear_ibuf [dreg:s22], $0x2FFFF;
	_ =	strace $0x9FFFFFFF  }
0xd1: {  	(tm) =	ssettm $0x7FFFFFFF  }
tec
execute0_lowered:
.L_overlay_start_1:
0x0: {  	(tag) =	ssettag $0x1  }
0x1: {  	v0 =	vimm.f32 $0.0e+00;
	v1 =	vimm.s32 $0x783;
	vm14 =	vcmask $0x300  }
0x2: {  	vm13 =	vcmask $0x704;
	v2 =	vimm.s32 $0x787;
	vm12 =	vcmask $0xB08  }
0x3: {  	vm11 =	vcmask $0xF0C;
	vm10 =	vcmask $0x1310;
	vm9 =	vcmask $0x1714  }
0x4: {  	vm8 =	vcmask $0x1B18;
	vm7 =	vcmask $0x1F1C;
	vm6 =	vcmask $0x2320  }
0x5: {  	vm5 =	vcmask $0x2724;
	vm4 =	vcmask $0x2B28;
	vm3 =	vcmask $0x2F2C  }
0x6: {  	vm2 =	vcmask $0x3330;
	vm0 =	vcmask $0x3734;
	vm1 =	vcmask $0x3B38  }
0x7: {  	v5 =	vimm.s32 $0x78B;
	v6 =	vimm.s32 $0x78F;
	v7 =	vimm.s32 $0x793  }
0x8: {  	v8 =	vimm.s32 $0x797;
	v9 =	vimm.s32 $0x79B;
	v10 =	vimm.s32 $0x79F  }
0x9: {  	v1 =	vsel vm14, $0x0, v1;
	v2 =	vsel vm14, $0x4, v2;
	v5 =	vsel vm14, $0x8, v5  }
0xa: {  	v6 =	vsel vm14, $0xC, v6;
	v7 =	vsel vm14, $0x10, v7;
	v8 =	vsel vm14, $0x14, v8  }
0xb: {  	v9 =	vsel vm14, $0x18, v9;
	v10 =	vsel vm14, $0x1C, v10;
	v1 =	vsel vm13, $0x280, v1  }
0xc: {  	v2 =	vsel vm13, $0x284, v2;
	v5 =	vsel vm13, $0x288, v5;
	v6 =	vsel vm13, $0x28C, v6  }
0xd: {  	v7 =	vsel vm13, $0x290, v7;
	v8 =	vsel vm13, $0x294, v8;
	v9 =	vsel vm13, $0x298, v9  }
0xe: {  	v10 =	vsel vm13, $0x29C, v10;
	v1 =	vsel vm12, $0x500, v1;
	v2 =	vsel vm12, $0x504, v2  }
0xf: {  	v5 =	vsel vm12, $0x508, v5;
	v6 =	vsel vm12, $0x50C, v6;
	v7 =	vsel vm12, $0x510, v7  }
0x10: {  	v8 =	vsel vm12, $0x514, v8;
	v9 =	vsel vm12, $0x518, v9;
	v10 =	vsel vm12, $0x51C, v10  }
0x11: {  	v1 =	vsel vm11, $0x780, v1;
	v2 =	vsel vm11, $0x784, v2;
	v5 =	vsel vm11, $0x788, v5  }
0x12: {  	v6 =	vsel vm11, $0x78C, v6;
	v7 =	vsel vm11, $0x790, v7;
	v8 =	vsel vm11, $0x794, v8  }
0x13: {  	v9 =	vsel vm11, $0x798, v9;
	v10 =	vsel vm11, $0x79C, v10;
	v1 =	vsel vm10, $0x1, v1  }
0x14: {  	v2 =	vsel vm10, $0x5, v2;
	v5 =	vsel vm10, $0x9, v5;
	v6 =	vsel vm10, $0xD, v6  }
0x15: {  	v7 =	vsel vm10, $0x11, v7;
	v8 =	vsel vm10, $0x15, v8;
	v9 =	vsel vm10, $0x19, v9  }
0x16: {  	v10 =	vsel vm10, $0x1D, v10;
	v1 =	vsel vm9, $0x281, v1;
	v2 =	vsel vm9, $0x285, v2  }
0x17: {  	v5 =	vsel vm9, $0x289, v5;
	v6 =	vsel vm9, $0x28D, v6;
	v7 =	vsel vm9, $0x291, v7  }
0x18: {  	v8 =	vsel vm9, $0x295, v8;
	v9 =	vsel vm9, $0x299, v9;
	v10 =	vsel vm9, $0x29D, v10  }
0x19: {  	v1 =	vsel vm8, $0x501, v1;
	v2 =	vsel vm8, $0x505, v2;
	v5 =	vsel vm8, $0x509, v5  }
0x1a: {  	v6 =	vsel vm8, $0x50D, v6;
	v7 =	vsel vm8, $0x511, v7;
	v8 =	vsel vm8, $0x515, v8  }
0x1b: {  	v9 =	vsel vm8, $0x519, v9;
	v10 =	vsel vm8, $0x51D, v10;
	v1 =	vsel vm7, $0x781, v1  }
0x1c: {  	v2 =	vsel vm7, $0x785, v2;
	v5 =	vsel vm7, $0x789, v5;
	v6 =	vsel vm7, $0x78D, v6  }
0x1d: {  	v7 =	vsel vm7, $0x791, v7;
	v8 =	vsel vm7, $0x795, v8;
	v9 =	vsel vm7, $0x799, v9  }
0x1e: {  	v10 =	vsel vm7, $0x79D, v10;
	v1 =	vsel vm6, $0x2, v1;
	v2 =	vsel vm6, $0x6, v2  }
0x1f: {  	v5 =	vsel vm6, $0xA, v5;
	v6 =	vsel vm6, $0xE, v6;
	v7 =	vsel vm6, $0x12, v7  }
0x20: {  	s1 =	rddreg [dreg:$0x0];
	s0 =	srdreg.scid;
	v8 =	vsel vm6, $0x16, v8;
	v9 =	vsel vm6, $0x1A, v9;
	v10 =	vsel vm6, $0x1E, v10  }
0x21: {  	s19 =	stileid.u32;
	s2 =	rddreg [dreg:$0x1];
	s3 =	simm.s32 $0x0;
	v1 =	vsel vm5, $0x282, v1;
	v2 =	vsel vm5, $0x286, v2;
	v5 =	vsel vm5, $0x28A, v5  }
0x22: {  	s14 =	simm.s32 $0x8;
	s20 =	simm.s32 $0xAA00;
	s21 =	simm.s32 $0x1;
	v6 =	vsel vm5, $0x28E, v6;
	v7 =	vsel vm5, $0x292, v7;
	v8 =	vsel vm5, $0x296, v8  }
0x23: {  	s22 =	simm.s32 $0x80;
	s23 =	simm.s32 $0x2;
	s24 =	simm.s32 $0x3;
	v9 =	vsel vm5, $0x29A, v9;
	v10 =	vsel vm5, $0x29E, v10;
	v1 =	vsel vm4, $0x502, v1  }
0x24: {  	s25 =	simm.s32 $0x4;
	s26 =	simm.s32 $0x0;
	s6 =	smul.u32 $0x5000, s19;
	v2 =	vsel vm4, $0x506, v2;
	v5 =	vsel vm4, $0x50A, v5;
	v6 =	vsel vm4, $0x50E, v6  }
0x25: {  	s0 =	sand.u32 $0x1, s0;
	[smem:$0x7FF] =	sst s3;
	s8 =	smul.u32 $0x14000, s19;
	v7 =	vsel vm4, $0x512, v7;
	v8 =	vsel vm4, $0x516, v8;
	v9 =	vsel vm4, $0x51A, v9  }
0x26: {  	p0 =	slt.u32 s19, $0xD;
	s16 =	smul.u32 $0x7, s19;
	s19 =	smin.u32 s19, $0xD;
	v10 =	vsel vm4, $0x51E, v10;
	v1 =	vsel vm3, $0x782, v1;
	v2 =	vsel vm3, $0x786, v2  }
0x27: {  	s4 =	smul.u32 $0x50000, s0;
	_ =	strace $0x8000004A;
	s30 =	ssub.s32 $0x2, s0;
	v5 =	vsel vm3, $0x78A, v5;
	v6 =	vsel vm3, $0x78E, v6;
	v7 =	vsel vm3, $0x792, v7  }
0x28: {  	s15 =	ssub.s32 $0x0, s0;
	s14 =	simm.s32 @!p0 $0x7;
	p0 =	seq.s32 s0, $0x0;
	v8 =	vsel vm3, $0x796, v8;
	v9 =	vsel vm3, $0x79A, v9;
	v10 =	vsel vm3, $0x79E, v10  }
0x29: {  	s9 =	sshrl.u32 s30, $0x1;
	s8 =	sshrl.u32 s8, $0x2;
	s18 =	sshrl.u32 s14, $0x1;
	v1 =	vsel vm2, $0x3, v1;
	v2 =	vsel vm2, $0x7, v2;
	v5 =	vsel vm2, $0xB, v5  }
0x2a: {  	s31 =	sadd.s32 s19, s16;
	s19 =	simm.s32 $0x5;
	s5 =	sadd.s32 s6, s4;
	v6 =	vsel vm2, $0xF, v6;
	v7 =	vsel vm2, $0x13, v7;
	v8 =	vsel vm2, $0x17, v8  }
0x2b: {  	s4 =	sadd.s32 $0x2AA00, s1;
	s17 =	ssub.s32 s30, s9;
	s6 =	sadd.s32 s6, s2;
	v9 =	vsel vm2, $0x1B, v9;
	v10 =	vsel vm2, $0x1F, v10;
	v3 =	vsel vm0, $0x283, v1  }
0x2c: {  	s13 =	sadd.s32 s8, s2;
	s14 =	ssub.s32 s14, s18;
	s15 =	sand.u32 s18, s15;
	v1 =	vlaneseq.u32;
	v4 =	vsel vm0, $0x287, v2;
	v5 =	vsel vm0, $0x28B, v5  }
0x2d: {  	s7 =	sshrl.u32 s5, $0x3;
	s5 =	sadd.s32 $0x66400, s1;
	s8 =	sadd.s32 $0x1400, s13;
	v6 =	vsel vm0, $0x28F, v6;
	v7 =	vsel vm0, $0x293, v7;
	v8 =	vsel vm0, $0x297, v8  }
0x2e: {  	s9 =	sadd.s32 $0x1E00, s13;
	s10 =	sadd.s32 $0x2800, s13;
	s11 =	sadd.s32 $0x3200, s13;
	v9 =	vsel vm0, $0x29B, v9;
	v10 =	vsel vm0, $0x29F, v10;
	v1 =	vshrl.u32 v1, $0x2  }
0x2f: {  	s12 =	sadd.s32 $0x3C00, s13;
	s14 =	smov.u32 @p0 s18;
	s15 =	sadd.s32 s15, s31;
	v2 =	vsel vm1, $0x503, v3;
	v3 =	vsel vm1, $0x507, v4;
	v5 =	vsel vm1, $0x50B, v5  }
0x30: {  	s17 =	smax.u32 s17, $0x1;
	s18 =	simm.s32 $0x15400;
	s1 =	sadd.s32 s7, s1;
	v6 =	vsel vm1, $0x50F, v6;
	v7 =	vsel vm1, $0x513, v7;
	v8 =	vsel vm1, $0x517, v8  }
0x31: {  	s7 =	sadd.s32 $0xA00, s13;
	s13 =	sadd.s32 $0x4600, s13;
	s16 =	sadd.s32 $0x19EC00, s1;
	v9 =	vsel vm1, $0x51B, v9;
	v10 =	vsel vm1, $0x51F, v10;
	v4 =	vor.u32 $0x4, v1  }
.LBB2_1:
0x32: {  	s0 =	simm.s32 $0x80;
	s1 =	simm.s32 $0x0  }
.LBB2_2:
0x33: {  	p0 =	sne.s32 s0, $0x2780;
	[tilespmem:s1+$0x15400] =	vst v0;
	s28 =	smov.u32 s0;
	s0 =	sadd.s32 $0x80, s0  }
.Ltmp0:
0x34: {  	[tilespmem:s1+$0x15410] =	vst v0;
	(pc) =	sbr.rel @p0 .LBB2_2-.Ltmp0, $2  }
0x35: {  	_ =	sdelay $0x2  }
0x36: {  	s1 =	sshra.s32 s28, $0x2  }
0x37: {  	[tilespmem:s1+$0x15400] =	vst v0  }
0x38: {  	[tilespmem:s1+$0x15410] =	vst v0  }
0x39: {  	[spmem:s6] =	stream.linear.scatter [tilespmem:s18], [sflag:$0x5], $0xA00, $0x38;
	[tilespmem:$0x1AE00] =	vst v63  }
0x3a: {  	_ =	swait.ge [sflag:s19], $0xA00  }
0x3b: {  	[sflag:s19] =	ssyncset.done $0x0  }
0x3c: {  	[sflag:s19] =	ssyncadd.s32 $0xFFFFF600  }
0x3d: {  	[spmem:s7] =	stream.linear.scatter [tilespmem:s18], [sflag:$0x5], $0xA00, $0x38;
	[tilespmem:$0x1AE00] =	vst v63  }
0x3e: {  	_ =	swait.ge [sflag:s19], $0xA00  }
0x3f: {  	[sflag:s19] =	ssyncset.done $0x0  }
0x40: {  	[sflag:s19] =	ssyncadd.s32 $0xFFFFF600  }
0x41: {  	[spmem:s8] =	stream.linear.scatter [tilespmem:s18], [sflag:$0x5], $0xA00, $0x38;
	[tilespmem:$0x1AE00] =	vst v63  }
0x42: {  	_ =	swait.ge [sflag:s19], $0xA00  }
0x43: {  	[sflag:s19] =	ssyncset.done $0x0  }
0x44: {  	[sflag:s19] =	ssyncadd.s32 $0xFFFFF600  }
0x45: {  	[spmem:s9] =	stream.linear.scatter [tilespmem:s18], [sflag:$0x5], $0xA00, $0x38;
	[tilespmem:$0x1AE00] =	vst v63  }
0x46: {  	_ =	swait.ge [sflag:s19], $0xA00  }
0x47: {  	[sflag:s19] =	ssyncset.done $0x0  }
0x48: {  	[sflag:s19] =	ssyncadd.s32 $0xFFFFF600  }
0x49: {  	[spmem:s10] =	stream.linear.scatter [tilespmem:s18], [sflag:$0x5], $0xA00, $0x38;
	[tilespmem:$0x1AE00] =	vst v63  }
0x4a: {  	_ =	swait.ge [sflag:s19], $0xA00  }
0x4b: {  	[sflag:s19] =	ssyncset.done $0x0  }
0x4c: {  	[sflag:s19] =	ssyncadd.s32 $0xFFFFF600  }
0x4d: {  	[spmem:s11] =	stream.linear.scatter [tilespmem:s18], [sflag:$0x5], $0xA00, $0x38;
	[tilespmem:$0x1AE00] =	vst v63  }
0x4e: {  	_ =	swait.ge [sflag:s19], $0xA00  }
0x4f: {  	[sflag:s19] =	ssyncset.done $0x0  }
0x50: {  	[sflag:s19] =	ssyncadd.s32 $0xFFFFF600  }
0x51: {  	[spmem:s12] =	stream.linear.scatter [tilespmem:s18], [sflag:$0x5], $0xA00, $0x38;
	[tilespmem:$0x1AE00] =	vst v63  }
0x52: {  	_ =	swait.ge [sflag:s19], $0xA00  }
0x53: {  	[sflag:s19] =	ssyncset.done $0x0  }
0x54: {  	[sflag:s19] =	ssyncadd.s32 $0xFFFFF600  }
0x55: {  	[spmem:s13] =	stream.linear.scatter [tilespmem:s18], [sflag:$0x5], $0xA00, $0x38;
	[tilespmem:$0x1AE00] =	vst v63  }
0x56: {  	_ =	swait.ge [sflag:s19], $0xA00  }
0x57: {  	[sflag:s19] =	ssyncset.done $0x0  }
0x58: {  	[sflag:s19] =	ssyncadd.s32 $0xFFFFF600  }
0x59: {  	s28 =	simm.s32 $0x0;
	s29 =	simm.s32 $0x0;
	[bflag:$0x0] =	sbarrier.arrive $0xFFFF  }
.LBB2_4:
0x5a: {  	s0 =	sadd.s32 s29, s15  }
0x5b: {  	s1 =	smul.u32 $0x14000, s0  }
0x5c: {  	s0 =	smul.u32 $0xA00, s0  }
0x5d: {  	s1 =	sshrl.u32 s1, $0x3  }
0x5e: {  	s30 =	simm.s32 $0xA00;
	s0 =	sshrl.u32 s0, $0x3;
	s1 =	sadd.s32 s5, s1  }
0x5f: {  	[tilespmem:s30], [sflag:$0x1] =	stream.linear.gather [hbm4b:s1+s28], $0xA000, $0x38;
	[tilespmem:$0x1AE00] =	vst v63  }
0x60: {  	s0 =	sadd.s32 s4, s0;
	s1 =	sadd.s32 $0x1400, s1  }
0x61: {  	[tilespmem:s20], [sflag:$0x2] =	stream.linear.gather [hbm4b:s1+s28], $0xA000, $0x38;
	[tilespmem:$0x1AE00] =	vst v63  }
0x62: {  	s0 =	sadd.s32 $0x9C40, s0  }
0x63: {  	v11 =	vadd.s32 s28, v2;
	[tilespmem:s28], [sflag:$0x5] =	stream.linear.gather [hbm4b:s0+s28], $0xA00, $0x38;
	[tilespmem:$0x1AE00] =	vst v63  }
0x64: {  	v11 =	vand.u32 $0xFE0, v11;
	_ =	swait.ge [sflag:s19], $0xA00  }
0x65: {  	v11 =	vor.u32 v1, v11;
	[sflag:s19] =	ssyncset.done $0x0  }
0x66: {  	[sflag:s19] =	ssyncadd.s32 $0xFFFFF600  }
0x67: {  	_ =	swait.ge [sflag:s21], $0xA000  }
0x68: {  	[sflag:s21] =	ssyncset.done $0x0  }
0x69: {  	v12 =	vadd.s32 s28, v3;
	[sflag:s21] =	ssyncadd.s32 $0xFFFF6000  }
0x6a: {  	v12 =	vand.u32 $0xFE0, v12;
	v11 =	vld.idx.msk [tilespmem:v11+s3+$0x0], $0xffff  }
0x6b: {  	v12 =	vor.u32 v4, v12;
	_ =	sdelay $0x2  }
0x6c: {  	s0 =	simm.s32 $0x14A00  }
0x6d: {  	[tilespmem:s0+$0x0] =	vst v11;
	v11 =	vadd.s32 s28, v5  }
0x6e: {  	v12 =	vld.idx.msk [tilespmem:v12+s3+$0x0], $0xffff;
	v11 =	vand.u32 $0xFE8, v11  }
0x6f: {  	v11 =	vor.u32 v1, v11;
	_ =	sdelay $0x3  }
0x70: {  	[tilespmem:s0+$0x10] =	vst v12;
	v12 =	vadd.s32 s28, v6  }
0x71: {  	v11 =	vld.idx.msk [tilespmem:v11+s3+$0x0], $0xffff;
	v12 =	vand.u32 $0xFE8, v12  }
0x72: {  	v12 =	vor.u32 v4, v12;
	_ =	sdelay $0x3  }
0x73: {  	[tilespmem:s0+$0x20] =	vst v11;
	v11 =	vadd.s32 s28, v7  }
0x74: {  	v12 =	vld.idx.msk [tilespmem:v12+s3+$0x0], $0xffff;
	v11 =	vand.u32 $0xFF0, v11  }
0x75: {  	v11 =	vor.u32 v1, v11;
	_ =	sdelay $0x3  }
0x76: {  	[tilespmem:s0+$0x30] =	vst v12;
	v12 =	vadd.s32 s28, v8  }
0x77: {  	v11 =	vld.idx.msk [tilespmem:v11+s3+$0x0], $0xffff;
	v12 =	vand.u32 $0xFF0, v12  }
0x78: {  	v12 =	vor.u32 v4, v12;
	_ =	sdelay $0x3  }
0x79: {  	[tilespmem:s0+$0x40] =	vst v11;
	v11 =	vadd.s32 s28, v9  }
0x7a: {  	v12 =	vld.idx.msk [tilespmem:v12+s3+$0x0], $0xffff;
	v11 =	vand.u32 $0xFF8, v11  }
0x7b: {  	v11 =	vor.u32 v1, v11;
	_ =	sdelay $0x3  }
0x7c: {  	[tilespmem:s0+$0x50] =	vst v12;
	v12 =	vadd.s32 s28, v10  }
0x7d: {  	v11 =	vld.idx.msk [tilespmem:v11+s3+$0x0], $0xffff;
	v12 =	vand.u32 $0xFF8, v12  }
0x7e: {  	v12 =	vor.u32 v4, v12;
	_ =	sdelay $0x3  }
0x7f: {  	s1 =	simm.s32 $0x20;
	[tilespmem:s0+$0x60] =	vst v11  }
0x80: {  	v11 =	vadd.s32 s1, v2;
	v12 =	vld.idx.msk [tilespmem:v12+s3+$0x0], $0xffff  }
0x81: {  	v11 =	vand.u32 $0xFE0, v11  }
0x82: {  	v11 =	vor.u32 v1, v11;
	_ =	sdelay $0x2  }
0x83: {  	[tilespmem:s0+$0x70] =	vst v12  }
0x84: {  	v12 =	vadd.s32 s1, v3;
	[spmem:s2] =	stream.indirect.scatter.add.f32 [tilespmem:s30], [sflag:$0x3], $0x20, s0, s22, $0xb8;
	[tilespmem:$0x1AE00] =	vst v63  }
0x85: {  	v12 =	vand.u32 $0xFE0, v12;
	v11 =	vld.idx.msk [tilespmem:v11+s3+$0x0], $0xffff  }
0x86: {  	v12 =	vor.u32 v4, v12;
	_ =	sdelay $0x2  }
0x87: {  	s31 =	simm.s32 $0x14A80  }
0x88: {  	[tilespmem:s31+$0x0] =	vst v11;
	v11 =	vadd.s32 s1, v5  }
0x89: {  	v12 =	vld.idx.msk [tilespmem:v12+s3+$0x0], $0xffff;
	v11 =	vand.u32 $0xFE8, v11  }
0x8a: {  	v11 =	vor.u32 v1, v11;
	_ =	sdelay $0x3  }
0x8b: {  	[tilespmem:s31+$0x10] =	vst v12;
	v12 =	vadd.s32 s1, v6  }
0x8c: {  	v11 =	vld.idx.msk [tilespmem:v11+s3+$0x0], $0xffff;
	v12 =	vand.u32 $0xFE8, v12  }
0x8d: {  	v12 =	vor.u32 v4, v12;
	_ =	sdelay $0x3  }
0x8e: {  	[tilespmem:s31+$0x20] =	vst v11;
	v11 =	vadd.s32 s1, v7  }
0x8f: {  	v12 =	vld.idx.msk [tilespmem:v12+s3+$0x0], $0xffff;
	v11 =	vand.u32 $0xFF0, v11  }
0x90: {  	v11 =	vor.u32 v1, v11;
	_ =	sdelay $0x3  }
0x91: {  	[tilespmem:s31+$0x30] =	vst v12;
	v12 =	vadd.s32 s1, v8  }
0x92: {  	v11 =	vld.idx.msk [tilespmem:v11+s3+$0x0], $0xffff;
	v12 =	vand.u32 $0xFF0, v12  }
0x93: {  	v12 =	vor.u32 v4, v12;
	_ =	sdelay $0x3  }
0x94: {  	[tilespmem:s31+$0x40] =	vst v11;
	v11 =	vadd.s32 s1, v9  }
0x95: {  	v12 =	vld.idx.msk [tilespmem:v12+s3+$0x0], $0xffff;
	v11 =	vand.u32 $0xFF8, v11  }
0x96: {  	v11 =	vor.u32 v1, v11;
	_ =	sdelay $0x3  }
0x97: {  	[tilespmem:s31+$0x50] =	vst v12;
	v12 =	vadd.s32 s1, v10  }
0x98: {  	v11 =	vld.idx.msk [tilespmem:v11+s3+$0x0], $0xffff;
	v12 =	vand.u32 $0xFF8, v12  }
0x99: {  	v13 =	vor.u32 v4, v12;
	_ =	sdelay $0x3  }
0x9a: {  	s1 =	simm.s32 $0x40;
	[tilespmem:s31+$0x60] =	vst v11  }
0x9b: {  	s0 =	simm.s32 $0x60;
	v12 =	vadd.s32 s1, v2;
	v11 =	vld.idx.msk [tilespmem:v13+s3+$0x0], $0xffff  }
.LBB2_5:
0x9c: {  	p0 =	sne.s32 s0, $0x120;
	v12 =	vand.u32 $0xFE0, v12  }
0x9d: {  	v12 =	vor.u32 v1, v12;
	_ =	sdelay $0x2  }
0x9e: {  	s30 =	sadd.s32 $0x1000, s30  }
0x9f: {  	[tilespmem:s31+$0x70] =	vst v11;
	[spmem:s2] =	stream.indirect.scatter.add.f32 [tilespmem:s30], [sflag:$0x3], $0x20, s31, s22, $0xb8  }
0xa0: {  	v11 =	vld.idx.msk [tilespmem:v12+s3+$0x0], $0xffff;
	v12 =	vadd.s32 s1, v3  }
0xa1: {  	v12 =	vand.u32 $0xFE0, v12  }
0xa2: {  	v12 =	vor.u32 v4, v12;
	_ =	sdelay $0x2  }
0xa3: {  	s31 =	sadd.s32 $0x80, s31  }
0xa4: {  	[tilespmem:s31+$0x0] =	vst v11  }
0xa5: {  	v11 =	vld.idx.msk [tilespmem:v12+s3+$0x0], $0xffff;
	v12 =	vadd.s32 s1, v5  }
0xa6: {  	v12 =	vand.u32 $0xFE8, v12  }
0xa7: {  	v12 =	vor.u32 v1, v12;
	_ =	sdelay $0x3  }
0xa8: {  	[tilespmem:s31+$0x10] =	vst v11  }
0xa9: {  	v11 =	vld.idx.msk [tilespmem:v12+s3+$0x0], $0xffff;
	v12 =	vadd.s32 s1, v6  }
0xaa: {  	v12 =	vand.u32 $0xFE8, v12  }
0xab: {  	v12 =	vor.u32 v4, v12;
	_ =	sdelay $0x3  }
0xac: {  	[tilespmem:s31+$0x20] =	vst v11  }
0xad: {  	v11 =	vld.idx.msk [tilespmem:v12+s3+$0x0], $0xffff;
	v12 =	vadd.s32 s1, v7  }
0xae: {  	v12 =	vand.u32 $0xFF0, v12  }
0xaf: {  	v12 =	vor.u32 v1, v12;
	_ =	sdelay $0x3  }
0xb0: {  	[tilespmem:s31+$0x30] =	vst v11  }
0xb1: {  	v11 =	vld.idx.msk [tilespmem:v12+s3+$0x0], $0xffff;
	v12 =	vadd.s32 s1, v8  }
0xb2: {  	v12 =	vand.u32 $0xFF0, v12  }
0xb3: {  	v12 =	vor.u32 v4, v12;
	_ =	sdelay $0x3  }
0xb4: {  	[tilespmem:s31+$0x40] =	vst v11  }
0xb5: {  	v11 =	vld.idx.msk [tilespmem:v12+s3+$0x0], $0xffff;
	v12 =	vadd.s32 s1, v9  }
0xb6: {  	v12 =	vand.u32 $0xFF8, v12  }
0xb7: {  	v12 =	vor.u32 v1, v12;
	_ =	sdelay $0x3  }
0xb8: {  	[tilespmem:s31+$0x50] =	vst v11  }
0xb9: {  	v11 =	vld.idx.msk [tilespmem:v12+s3+$0x0], $0xffff;
	v12 =	vadd.s32 s1, v10;
	s1 =	smov.u32 s0  }
0xba: {  	v12 =	vand.u32 $0xFF8, v12  }
0xbb: {  	v13 =	vor.u32 v4, v12  }
.Ltmp1:
0xbc: {  	(pc) =	sbr.rel @p0 .LBB2_5-.Ltmp1, $3  }
0xbd: {  	_ =	sdelay $0x1  }
0xbe: {  	[tilespmem:s31+$0x60] =	vst v11  }
0xbf: {  	s0 =	sadd.s32 $0x20, s0;
	v12 =	vadd.s32 s1, v2;
	v11 =	vld.idx.msk [tilespmem:v13+s3+$0x0], $0xffff  }
0xc0: {  	v12 =	vand.u32 $0xFE0, v12  }
0xc1: {  	v12 =	vor.u32 v1, v12;
	_ =	sdelay $0x2  }
0xc2: {  	s0 =	sadd.s32 $0x1000, s30;
	[tilespmem:s31+$0x70] =	vst v11  }
0xc3: {  	v11 =	vadd.s32 s1, v3;
	[spmem:s2] =	stream.indirect.scatter.add.f32 [tilespmem:s0], [sflag:$0x3], $0x20, s31, s22, $0xb8;
	[tilespmem:$0x1AE00] =	vst v63  }
0xc4: {  	v11 =	vand.u32 $0xFE0, v11;
	v12 =	vld.idx.msk [tilespmem:v12+s3+$0x0], $0xffff  }
0xc5: {  	v11 =	vor.u32 v4, v11;
	_ =	sdelay $0x2  }
0xc6: {  	s30 =	sadd.s32 $0x80, s31  }
0xc7: {  	[tilespmem:s30+$0x0] =	vst v12;
	v12 =	vadd.s32 s1, v5  }
0xc8: {  	v11 =	vld.idx.msk [tilespmem:v11+s3+$0x0], $0xffff;
	v12 =	vand.u32 $0xFE8, v12  }
0xc9: {  	v12 =	vor.u32 v1, v12;
	_ =	sdelay $0x3  }
0xca: {  	[tilespmem:s30+$0x10] =	vst v11;
	v11 =	vadd.s32 s1, v6  }
0xcb: {  	v12 =	vld.idx.msk [tilespmem:v12+s3+$0x0], $0xffff;
	v11 =	vand.u32 $0xFE8, v11  }
0xcc: {  	v11 =	vor.u32 v4, v11;
	_ =	sdelay $0x3  }
0xcd: {  	[tilespmem:s30+$0x20] =	vst v12;
	v12 =	vadd.s32 s1, v7  }
0xce: {  	v11 =	vld.idx.msk [tilespmem:v11+s3+$0x0], $0xffff;
	v12 =	vand.u32 $0xFF0, v12  }
0xcf: {  	v12 =	vor.u32 v1, v12;
	_ =	sdelay $0x3  }
0xd0: {  	[tilespmem:s30+$0x30] =	vst v11;
	v11 =	vadd.s32 s1, v8  }
0xd1: {  	v12 =	vld.idx.msk [tilespmem:v12+s3+$0x0], $0xffff;
	v11 =	vand.u32 $0xFF0, v11  }
0xd2: {  	v11 =	vor.u32 v4, v11;
	_ =	sdelay $0x3  }
0xd3: {  	[tilespmem:s30+$0x40] =	vst v12;
	v12 =	vadd.s32 s1, v9  }
0xd4: {  	v11 =	vld.idx.msk [tilespmem:v11+s3+$0x0], $0xffff;
	v12 =	vand.u32 $0xFF8, v12  }
0xd5: {  	v12 =	vor.u32 v1, v12;
	_ =	sdelay $0x3  }
0xd6: {  	[tilespmem:s30+$0x50] =	vst v11;
	v11 =	vadd.s32 s1, v10  }
0xd7: {  	v12 =	vld.idx.msk [tilespmem:v12+s3+$0x0], $0xffff;
	v11 =	vand.u32 $0xFF8, v11  }
0xd8: {  	v11 =	vor.u32 v4, v11;
	_ =	sdelay $0x3  }
0xd9: {  	[tilespmem:s30+$0x60] =	vst v12  }
0xda: {  	v11 =	vld.idx.msk [tilespmem:v11+s3+$0x0], $0xffff;
	_ =	sdelay $0x1  }
0xdb: {  	s1 =	simm.s32 $0x140  }
0xdc: {  	v12 =	vadd.s32 s1, v2  }
0xdd: {  	v12 =	vand.u32 $0xFE0, v12  }
0xde: {  	s0 =	sadd.s32 $0x1000, s0;
	[tilespmem:s30+$0x70] =	vst v11;
	v11 =	vor.u32 v1, v12  }
0xdf: {  	[spmem:s2] =	stream.indirect.scatter.add.f32 [tilespmem:s0], [sflag:$0x3], $0x20, s30, s22, $0xb8;
	[tilespmem:$0x1AE00] =	vst v63  }
0xe0: {  	_ =	swait.ge [sflag:s23], $0xA000  }
0xe1: {  	[sflag:s23] =	ssyncset.done $0x0  }
0xe2: {  	v12 =	vadd.s32 s1, v3;
	[sflag:s23] =	ssyncadd.s32 $0xFFFF6000  }
0xe3: {  	v12 =	vand.u32 $0xFE0, v12;
	v11 =	vld.idx.msk [tilespmem:v11+s3+$0x0], $0xffff  }
0xe4: {  	v12 =	vor.u32 v4, v12;
	_ =	sdelay $0x2  }
0xe5: {  	s0 =	simm.s32 $0x14F00  }
0xe6: {  	[tilespmem:s0+$0x0] =	vst v11;
	v11 =	vadd.s32 s1, v5  }
0xe7: {  	v12 =	vld.idx.msk [tilespmem:v12+s3+$0x0], $0xffff;
	v11 =	vand.u32 $0xFE8, v11  }
0xe8: {  	v11 =	vor.u32 v1, v11;
	_ =	sdelay $0x3  }
0xe9: {  	[tilespmem:s0+$0x10] =	vst v12;
	v12 =	vadd.s32 s1, v6  }
0xea: {  	v11 =	vld.idx.msk [tilespmem:v11+s3+$0x0], $0xffff;
	v12 =	vand.u32 $0xFE8, v12  }
0xeb: {  	v12 =	vor.u32 v4, v12;
	_ =	sdelay $0x3  }
0xec: {  	[tilespmem:s0+$0x20] =	vst v11;
	v11 =	vadd.s32 s1, v7  }
0xed: {  	v12 =	vld.idx.msk [tilespmem:v12+s3+$0x0], $0xffff;
	v11 =	vand.u32 $0xFF0, v11  }
0xee: {  	v11 =	vor.u32 v1, v11;
	_ =	sdelay $0x3  }
0xef: {  	[tilespmem:s0+$0x30] =	vst v12;
	v12 =	vadd.s32 s1, v8  }
0xf0: {  	v11 =	vld.idx.msk [tilespmem:v11+s3+$0x0], $0xffff;
	v12 =	vand.u32 $0xFF0, v12  }
0xf1: {  	v12 =	vor.u32 v4, v12;
	_ =	sdelay $0x3  }
0xf2: {  	[tilespmem:s0+$0x40] =	vst v11;
	v11 =	vadd.s32 s1, v9  }
0xf3: {  	v12 =	vld.idx.msk [tilespmem:v12+s3+$0x0], $0xffff;
	v11 =	vand.u32 $0xFF8, v11  }
0xf4: {  	v11 =	vor.u32 v1, v11;
	_ =	sdelay $0x3  }
0xf5: {  	[tilespmem:s0+$0x50] =	vst v12;
	v12 =	vadd.s32 s1, v10  }
0xf6: {  	v11 =	vld.idx.msk [tilespmem:v11+s3+$0x0], $0xffff;
	v12 =	vand.u32 $0xFF8, v12  }
0xf7: {  	v12 =	vor.u32 v4, v12;
	_ =	sdelay $0x3  }
0xf8: {  	s1 =	simm.s32 $0x160;
	[tilespmem:s0+$0x60] =	vst v11  }
0xf9: {  	v11 =	vadd.s32 s1, v2;
	v12 =	vld.idx.msk [tilespmem:v12+s3+$0x0], $0xffff  }
0xfa: {  	v11 =	vand.u32 $0xFE0, v11  }
0xfb: {  	v11 =	vor.u32 v1, v11;
	_ =	sdelay $0x2  }
0xfc: {  	s30 =	simm.s32 $0xAA00;
	[tilespmem:s0+$0x70] =	vst v12  }
0xfd: {  	v12 =	vadd.s32 s1, v3;
	[spmem:s2] =	stream.indirect.scatter.add.f32 [tilespmem:s30], [sflag:$0x4], $0x20, s0, s22, $0xb8;
	[tilespmem:$0x1AE00] =	vst v63  }
0xfe: {  	v12 =	vand.u32 $0xFE0, v12;
	v11 =	vld.idx.msk [tilespmem:v11+s3+$0x0], $0xffff  }
0xff: {  	v12 =	vor.u32 v4, v12;
	_ =	sdelay $0x2  }
0x100: {  	s31 =	simm.s32 $0x14F80  }
0x101: {  	[tilespmem:s31+$0x0] =	vst v11;
	v11 =	vadd.s32 s1, v5  }
0x102: {  	v12 =	vld.idx.msk [tilespmem:v12+s3+$0x0], $0xffff;
	v11 =	vand.u32 $0xFE8, v11  }
0x103: {  	v11 =	vor.u32 v1, v11;
	_ =	sdelay $0x3  }
0x104: {  	[tilespmem:s31+$0x10] =	vst v12;
	v12 =	vadd.s32 s1, v6  }
0x105: {  	v11 =	vld.idx.msk [tilespmem:v11+s3+$0x0], $0xffff;
	v12 =	vand.u32 $0xFE8, v12  }
0x106: {  	v12 =	vor.u32 v4, v12;
	_ =	sdelay $0x3  }
0x107: {  	[tilespmem:s31+$0x20] =	vst v11;
	v11 =	vadd.s32 s1, v7  }
0x108: {  	v12 =	vld.idx.msk [tilespmem:v12+s3+$0x0], $0xffff;
	v11 =	vand.u32 $0xFF0, v11  }
0x109: {  	v11 =	vor.u32 v1, v11;
	_ =	sdelay $0x3  }
0x10a: {  	[tilespmem:s31+$0x30] =	vst v12;
	v12 =	vadd.s32 s1, v8  }
0x10b: {  	v11 =	vld.idx.msk [tilespmem:v11+s3+$0x0], $0xffff;
	v12 =	vand.u32 $0xFF0, v12  }
0x10c: {  	v12 =	vor.u32 v4, v12;
	_ =	sdelay $0x3  }
0x10d: {  	[tilespmem:s31+$0x40] =	vst v11;
	v11 =	vadd.s32 s1, v9  }
0x10e: {  	v12 =	vld.idx.msk [tilespmem:v12+s3+$0x0], $0xffff;
	v11 =	vand.u32 $0xFF8, v11  }
0x10f: {  	v11 =	vor.u32 v1, v11;
	_ =	sdelay $0x3  }
0x110: {  	[tilespmem:s31+$0x50] =	vst v12;
	v12 =	vadd.s32 s1, v10  }
0x111: {  	v11 =	vld.idx.msk [tilespmem:v11+s3+$0x0], $0xffff;
	v12 =	vand.u32 $0xFF8, v12  }
0x112: {  	v13 =	vor.u32 v4, v12;
	_ =	sdelay $0x3  }
0x113: {  	s1 =	simm.s32 $0x180;
	[tilespmem:s31+$0x60] =	vst v11  }
0x114: {  	s0 =	simm.s32 $0x1A0;
	v12 =	vadd.s32 s1, v2;
	v11 =	vld.idx.msk [tilespmem:v13+s3+$0x0], $0xffff  }
.LBB2_7:
0x115: {  	p0 =	sne.s32 s0, $0x260;
	v12 =	vand.u32 $0xFE0, v12  }
0x116: {  	v12 =	vor.u32 v1, v12;
	_ =	sdelay $0x2  }
0x117: {  	s30 =	sadd.s32 $0x1000, s30  }
0x118: {  	[tilespmem:s31+$0x70] =	vst v11;
	[spmem:s2] =	stream.indirect.scatter.add.f32 [tilespmem:s30], [sflag:$0x4], $0x20, s31, s22, $0xb8  }
0x119: {  	v11 =	vld.idx.msk [tilespmem:v12+s3+$0x0], $0xffff;
	v12 =	vadd.s32 s1, v3  }
0x11a: {  	v12 =	vand.u32 $0xFE0, v12  }
0x11b: {  	v12 =	vor.u32 v4, v12;
	_ =	sdelay $0x2  }
0x11c: {  	s31 =	sadd.s32 $0x80, s31  }
0x11d: {  	[tilespmem:s31+$0x0] =	vst v11  }
0x11e: {  	v11 =	vld.idx.msk [tilespmem:v12+s3+$0x0], $0xffff;
	v12 =	vadd.s32 s1, v5  }
0x11f: {  	v12 =	vand.u32 $0xFE8, v12  }
0x120: {  	v12 =	vor.u32 v1, v12;
	_ =	sdelay $0x3  }
0x121: {  	[tilespmem:s31+$0x10] =	vst v11  }
0x122: {  	v11 =	vld.idx.msk [tilespmem:v12+s3+$0x0], $0xffff;
	v12 =	vadd.s32 s1, v6  }
0x123: {  	v12 =	vand.u32 $0xFE8, v12  }
0x124: {  	v12 =	vor.u32 v4, v12;
	_ =	sdelay $0x3  }
0x125: {  	[tilespmem:s31+$0x20] =	vst v11  }
0x126: {  	v11 =	vld.idx.msk [tilespmem:v12+s3+$0x0], $0xffff;
	v12 =	vadd.s32 s1, v7  }
0x127: {  	v12 =	vand.u32 $0xFF0, v12  }
0x128: {  	v12 =	vor.u32 v1, v12;
	_ =	sdelay $0x3  }
0x129: {  	[tilespmem:s31+$0x30] =	vst v11  }
0x12a: {  	v11 =	vld.idx.msk [tilespmem:v12+s3+$0x0], $0xffff;
	v12 =	vadd.s32 s1, v8  }
0x12b: {  	v12 =	vand.u32 $0xFF0, v12  }
0x12c: {  	v12 =	vor.u32 v4, v12;
	_ =	sdelay $0x3  }
0x12d: {  	[tilespmem:s31+$0x40] =	vst v11  }
0x12e: {  	v11 =	vld.idx.msk [tilespmem:v12+s3+$0x0], $0xffff;
	v12 =	vadd.s32 s1, v9  }
0x12f: {  	v12 =	vand.u32 $0xFF8, v12  }
0x130: {  	v12 =	vor.u32 v1, v12;
	_ =	sdelay $0x3  }
0x131: {  	[tilespmem:s31+$0x50] =	vst v11  }
0x132: {  	v11 =	vld.idx.msk [tilespmem:v12+s3+$0x0], $0xffff;
	v12 =	vadd.s32 s1, v10;
	s1 =	smov.u32 s0  }
0x133: {  	v12 =	vand.u32 $0xFF8, v12  }
0x134: {  	v13 =	vor.u32 v4, v12  }
.Ltmp2:
0x135: {  	(pc) =	sbr.rel @p0 .LBB2_7-.Ltmp2, $3  }
0x136: {  	_ =	sdelay $0x1  }
0x137: {  	[tilespmem:s31+$0x60] =	vst v11  }
0x138: {  	s0 =	sadd.s32 $0x20, s0;
	v12 =	vadd.s32 s1, v2;
	v11 =	vld.idx.msk [tilespmem:v13+s3+$0x0], $0xffff  }
0x139: {  	v12 =	vand.u32 $0xFE0, v12  }
0x13a: {  	v12 =	vor.u32 v1, v12;
	_ =	sdelay $0x2  }
0x13b: {  	s0 =	sadd.s32 $0x1000, s30;
	[tilespmem:s31+$0x70] =	vst v11  }
0x13c: {  	v11 =	vadd.s32 s1, v3;
	[spmem:s2] =	stream.indirect.scatter.add.f32 [tilespmem:s0], [sflag:$0x4], $0x20, s31, s22, $0xb8;
	[tilespmem:$0x1AE00] =	vst v63  }
0x13d: {  	v11 =	vand.u32 $0xFE0, v11;
	v12 =	vld.idx.msk [tilespmem:v12+s3+$0x0], $0xffff  }
0x13e: {  	v11 =	vor.u32 v4, v11;
	_ =	sdelay $0x2  }
0x13f: {  	s31 =	sadd.s32 $0x80, s31  }
0x140: {  	v61 =	vadd.s32 s1, v5;
	[tilespmem:s31+$0x0] =	vst v12  }
0x141: {  	v12 =	vand.u32 $0xFE8, v61;
	v11 =	vld.idx.msk [tilespmem:v11+s3+$0x0], $0xffff  }
0x142: {  	v12 =	vor.u32 v1, v12;
	_ =	sdelay $0x3  }
0x143: {  	[tilespmem:s31+$0x10] =	vst v11;
	v11 =	vadd.s32 s1, v6  }
0x144: {  	v12 =	vld.idx.msk [tilespmem:v12+s3+$0x0], $0xffff;
	v11 =	vand.u32 $0xFE8, v11  }
0x145: {  	v11 =	vor.u32 v4, v11;
	_ =	sdelay $0x3  }
0x146: {  	v62 =	vadd.s32 s1, v7;
	[tilespmem:s31+$0x20] =	vst v12  }
0x147: {  	v12 =	vand.u32 $0xFF0, v62;
	v11 =	vld.idx.msk [tilespmem:v11+s3+$0x0], $0xffff  }
0x148: {  	v12 =	vor.u32 v1, v12;
	_ =	sdelay $0x3  }
0x149: {  	[tilespmem:s31+$0x30] =	vst v11;
	v11 =	vadd.s32 s1, v8  }
0x14a: {  	v12 =	vld.idx.msk [tilespmem:v12+s3+$0x0], $0xffff;
	v11 =	vand.u32 $0xFF0, v11  }
0x14b: {  	v11 =	vor.u32 v4, v11;
	_ =	sdelay $0x3  }
0x14c: {  	v63 =	vadd.s32 s1, v9;
	[tilespmem:s31+$0x40] =	vst v12  }
0x14d: {  	v12 =	vand.u32 $0xFF8, v63;
	v11 =	vld.idx.msk [tilespmem:v11+s3+$0x0], $0xffff  }
0x14e: {  	v12 =	vor.u32 v1, v12;
	_ =	sdelay $0x3  }
0x14f: {  	[tilespmem:s31+$0x50] =	vst v11;
	v11 =	vadd.s32 s1, v10  }
0x150: {  	v12 =	vld.idx.msk [tilespmem:v12+s3+$0x0], $0xffff;
	v11 =	vand.u32 $0xFF8, v11  }
0x151: {  	v11 =	vor.u32 v4, v11;
	_ =	sdelay $0x3  }
0x152: {  	[tilespmem:s31+$0x60] =	vst v12  }
0x153: {  	v11 =	vld.idx.msk [tilespmem:v11+s3+$0x0], $0xffff;
	_ =	sdelay $0x4  }
0x154: {  	s0 =	sadd.s32 $0x1000, s0;
	[tilespmem:s31+$0x70] =	vst v11  }
0x155: {  	[spmem:s2] =	stream.indirect.scatter.add.f32 [tilespmem:s0], [sflag:$0x4], $0x20, s31, s22, $0xb8;
	[tilespmem:$0x1AE00] =	vst v63  }
0x156: {  	_ =	swait.ge [sflag:s24], $0x1000  }
0x157: {  	[sflag:s24] =	ssyncset.done $0x0  }
0x158: {  	[sflag:s24] =	ssyncadd.s32 $0xFFFFF000  }
0x159: {  	_ =	swait.ge [sflag:s25], $0x1000  }
0x15a: {  	[sflag:s25] =	ssyncset.done $0x0  }
0x15b: {  	[sflag:s25] =	ssyncadd.s32 $0xFFFFF000  }
0x15c: {  	_ =	swait.ge [sflag:s24], $0x1000  }
0x15d: {  	[sflag:s24] =	ssyncset.done $0x0  }
0x15e: {  	[sflag:s24] =	ssyncadd.s32 $0xFFFFF000  }
0x15f: {  	_ =	swait.ge [sflag:s25], $0x1000  }
0x160: {  	[sflag:s25] =	ssyncset.done $0x0  }
0x161: {  	[sflag:s25] =	ssyncadd.s32 $0xFFFFF000  }
0x162: {  	_ =	swait.ge [sflag:s24], $0x1000  }
0x163: {  	[sflag:s24] =	ssyncset.done $0x0  }
0x164: {  	[sflag:s24] =	ssyncadd.s32 $0xFFFFF000  }
0x165: {  	_ =	swait.ge [sflag:s25], $0x1000  }
0x166: {  	[sflag:s25] =	ssyncset.done $0x0  }
0x167: {  	[sflag:s25] =	ssyncadd.s32 $0xFFFFF000  }
0x168: {  	_ =	swait.ge [sflag:s24], $0x1000  }
0x169: {  	[sflag:s24] =	ssyncset.done $0x0  }
0x16a: {  	[sflag:s24] =	ssyncadd.s32 $0xFFFFF000  }
0x16b: {  	_ =	swait.ge [sflag:s25], $0x1000  }
0x16c: {  	[sflag:s25] =	ssyncset.done $0x0  }
0x16d: {  	[sflag:s25] =	ssyncadd.s32 $0xFFFFF000  }
0x16e: {  	_ =	swait.ge [sflag:s24], $0x1000  }
0x16f: {  	[sflag:s24] =	ssyncset.done $0x0  }
0x170: {  	[sflag:s24] =	ssyncadd.s32 $0xFFFFF000  }
0x171: {  	_ =	swait.ge [sflag:s25], $0x1000  }
0x172: {  	[sflag:s25] =	ssyncset.done $0x0  }
0x173: {  	[sflag:s25] =	ssyncadd.s32 $0xFFFFF000  }
0x174: {  	_ =	swait.ge [sflag:s24], $0x1000  }
0x175: {  	[sflag:s24] =	ssyncset.done $0x0  }
0x176: {  	[sflag:s24] =	ssyncadd.s32 $0xFFFFF000  }
0x177: {  	_ =	swait.ge [sflag:s25], $0x1000  }
0x178: {  	[sflag:s25] =	ssyncset.done $0x0  }
0x179: {  	[sflag:s25] =	ssyncadd.s32 $0xFFFFF000  }
0x17a: {  	_ =	swait.ge [sflag:s24], $0x1000  }
0x17b: {  	[sflag:s24] =	ssyncset.done $0x0  }
0x17c: {  	[sflag:s24] =	ssyncadd.s32 $0xFFFFF000  }
0x17d: {  	_ =	swait.ge [sflag:s25], $0x1000  }
0x17e: {  	[sflag:s25] =	ssyncset.done $0x0  }
0x17f: {  	[sflag:s25] =	ssyncadd.s32 $0xFFFFF000  }
0x180: {  	_ =	swait.ge [sflag:s24], $0x1000  }
0x181: {  	[sflag:s24] =	ssyncset.done $0x0  }
0x182: {  	[sflag:s24] =	ssyncadd.s32 $0xFFFFF000  }
0x183: {  	_ =	swait.ge [sflag:s25], $0x1000  }
0x184: {  	[sflag:s25] =	ssyncset.done $0x0  }
0x185: {  	[sflag:s25] =	ssyncadd.s32 $0xFFFFF000  }
0x186: {  	_ =	swait.ge [sflag:s24], $0x1000  }
0x187: {  	[sflag:s24] =	ssyncset.done $0x0  }
0x188: {  	[sflag:s24] =	ssyncadd.s32 $0xFFFFF000  }
0x189: {  	_ =	swait.ge [sflag:s25], $0x1000  }
0x18a: {  	[sflag:s25] =	ssyncset.done $0x0  }
0x18b: {  	s29 =	sadd.s32 $0x1, s29;
	[sflag:s25] =	ssyncadd.s32 $0xFFFFF000  }
0x18c: {  	p0 =	sne.s32 s29, s14;
	_ =	swait.ge [sflag:s24], $0x1000  }
.Ltmp3:
0x18d: {  	[sflag:s24] =	ssyncset.done $0x0;
	(pc) =	sbr.rel @p0 .LBB2_4-.Ltmp3, $4  }
0x18e: {  	[sflag:s24] =	ssyncadd.s32 $0xFFFFF000  }
0x18f: {  	_ =	swait.ge [sflag:s25], $0x1000  }
0x190: {  	[sflag:s25] =	ssyncset.done $0x0  }
0x191: {  	[sflag:s25] =	ssyncadd.s32 $0xFFFFF000  }
0x192: {  	s0 =	stileid.u32;
	s26 =	sadd.s32 $0x1, s26  }
0x193: {  	[bflag:$0x0] =	sbarrier.arrive $0xFFFF;
	s0 =	sshll.u32 s0, $0x6;
	p0 =	sne.s32 s26, s17  }
.Ltmp4:
0x194: {  	s1 =	sshrl.u32 s6, $0x3;
	s0 =	sor.u32 $0x1C05, s0;
	(pc) =	sbr.rel @p0 .LBB2_1-.Ltmp4, $4  }
0x195: {  	[hbm:s16], [sflag:s0] =	dma.local [spmem:s1], $0xA00  }
0x196: {  	_ =	swait.ge [sflag:s19], $0xA00  }
0x197: {  	[sflag:s19] =	ssyncset.done $0x0  }
0x198: {  	[sflag:s19] =	ssyncadd.s32 $0xFFFFF600  }
0x199: {  	_ =	sfence.sel $0x180000  }
0x19a: {  	[bflag:$0x0] =	sbarrier.arrive $0xFFFF  }
0x19b: {  	_ =	strace $0x9000004A  }
0x19c: {  	s0 =	stileid.u32;
	[bflag:$0x2] =	sbarrier.arrive $0xFFFF  }
0x19d: {  	p0 =	sne.s32 s0, $0x0;
	s0 =	rddreg [dreg:$0x2]  }
0x19e: {  	s0 =	sadd.s32 @!p0 $0x100000, s0  }
0x19f: {  	[sflag:s0] =	ssyncadd.tile.s32 @!p0 $0x1;
	_ =	shalt  }
.Lfunc_end2:
_tile_overlayer_lowered:
.L_overlay_start_2:
0x1a0: {  	(tag) =	ssettag $0x2  }
0x1a1: {  	s0 =	rddreg [dreg:$0x0];
	s2 =	stileid.u32  }
0x1a2: {  	s1 =	rddreg [dreg:$0x1];
	p0 =	sne.s32 s2, $0x0  }
0x1a3: {  	s3 =	rddreg [dreg:$0x2];
	[bflag:$0x3] =	sbarrier.arrive $0xFFFF;
	s2 =	simm.s32 @!p0 $0x1C05  }
0x1a4: {  	[timem:s3], [sflag:s2] =	dma.local @!p0 [hbm:s0], s1  }
0x1a5: {  	s0 =	simm.s32 @!p0 $0x5  }
0x1a6: {  	_ =	swait.ge @!p0 [sflag:s0], s1  }
0x1a7: {  	s1 =	ssub.s32 @!p0 $0x0, s1;
	[sflag:s0] =	ssyncset.done @!p0 $0x0  }
0x1a8: {  	[sflag:s0] =	ssyncadd.s32 @!p0 s1  }
0x1a9: {  	[bflag:$0x3] =	sbarrier.arrive $0xFFFF  }
0x1aa: {  	_ =	shalt  }

// kernel: kernel.7.cloned.1.call-start
scs
__scs_entry_jumppad:
0x0: {  	(pc) =	sbr.rel $0x88, $3  }
0x1: {  	(tag) =	ssettag $0x0;
	lr =	simm.s32 $0x1  }
0x2: {  	[smem:$0x3F96] =	sst lr;
	_ =	strace $0xD0000000  }
0x3: {  	_ = 	snop  }
0x4: {  	_ = 	snop  }
0x5: {  	_ = 	snop  }
0x6: {  	_ = 	snop  }
0x7: {  	_ = 	snop  }
__scs_overlays_trampoline_lowered:
0x8: {  	[smem:$0x3FA5] =	sst s0  }
0x9: {  	[smem:$0x3FA6] =	sst s1  }
0xa: {  	[smem:$0x3FA7] =	sst s2  }
0xb: {  	[smem:$0x3FA8] =	sst s3  }
0xc: {  	[smem:$0x3FA9] =	sst s4  }
0xd: {  	[smem:$0x3FAA] =	sst s5  }
0xe: {  	[smem:$0x3FAB] =	sst s6  }
0xf: {  	[smem:$0x3FAC] =	sst s7  }
0x10: {  	[smem:$0x3FAD] =	sst s8  }
0x11: {  	[smem:$0x3FAE] =	sst s9;
	s0 =	simm.s32 @!p0 $0x0  }
0x12: {  	s1 =	sld [smem:$0x3F94];
	s0 =	simm.s32 @p0 $0x1  }
0x13: {  	[smem:$0x3FAF] =	sst s0;
	s0 =	simm.s32 @!p1 $0x0  }
0x14: {  	s2 =	sld [smem:$0x3F93];
	s0 =	simm.s32 @p1 $0x1  }
0x15: {  	[smem:$0x3FB0] =	sst s0;
	s0 =	simm.s32 @!p2 $0x0  }
0x16: {  	s3 =	sld [smem:$0x3FDB];
	s0 =	simm.s32 @p2 $0x1  }
0x17: {  	s4 =	simm.s32 $0x1BF5;
	[smem:$0x3FB2] =	sst s0  }
0x18: {  	s0 =	sld [smem:$0x3F95];
	_ =	swait.ge [sflag:s4], $0x0  }
0x19: {  	s7 =	sld [smem:$0x3F96]  }
0x1a: {  	s8 =	sadd.s32 $0xFFFFE003, lr  }
0x1b: {  	s9 =	sadd.s32 $0xFFFFFEF7, lr;
	s5 =	simm.s32 $0xFFFFFFFF;
	p2 =	slt.u32 s8, $0xFFFFF086  }
0x1c: {  	p1 =	slt.u32 s9, $0xF7A;
	s5 =	simm.s32 @!p2 $0x0  }
0x1d: {  	s5 =	simm.s32 @p1 $0x1;
	p0 =	seq.s32 s7, s2  }
0x1e: {  	s7 =	smul.u32 @!p0 $0xF7A, s2;
	p2 =	seq.s32 @!p0 s5, $0x0  }
0x1f: {  	s9 =	smul.u32 $0xF7A, s1;
	s8 =	simm.s32 @!p0 $0x1BF5;
	p2 =	por !p2, p0  }
0x20: {  	[sflag:s8] =	ssyncset.s32 @!p0 $0xFFFFF086;
	s6 =	sadd.s32 @!p0 s3, s7;
	s7 =	simm.s32 @!p0 $0x108  }
0x21: {  	s3 =	sadd.s32 s3, s9;
	s6 =	sadd.s32 @!p0 $0x88, s6;
	s7 =	simm.s32 @p2 $0x1082  }
0x22: {  	[simem:s7], [sflag:s8] =	dma.local @!p0 [hbm:s6], $0xF7A  }
0x23: {  	s9 =	sor.u32 $0xD0000000, s2;
	s6 =	simm.s32 $0x108;
	_ =	swait.ge @!p0 [sflag:s8], $0x0  }
0x24: {  	s3 =	sadd.s32 $0x88, s3;
	s6 =	simm.s32 @!p1 $0x1082;
	[sflag:s4] =	ssyncset.s32 $0xFFFFF086  }
0x25: {  	[simem:s6], [sflag:s4] =	dma.local [hbm:s3], $0xF7A  }
0x26: {  	[smem:$0x3F96] =	sst s1;
	(tag) =	ssettag s2;
	_ =	strace s9  }
0x27: {  	s1 =	sld [smem:$0x3FA6]  }
0x28: {  	s2 =	sld [smem:$0x3FA7]  }
0x29: {  	s4 =	sld [smem:$0x3FA9]  }
0x2a: {  	p0 =	seq.s32 s5, $0x0;
	s5 =	sld [smem:$0x3FAA]  }
0x2b: {  	s6 =	sld [smem:$0x3FAB]  }
0x2c: {  	s7 =	sld [smem:$0x3FAC]  }
0x2d: {  	s3 =	simm.s32 $0x108;
	s8 =	sld [smem:$0x3FAD]  }
0x2e: {  	s3 =	simm.s32 @!p0 $0x1082;
	s9 =	sld [smem:$0x3FAE]  }
0x2f: {  	lr =	sadd.s32 s0, s3;
	s0 =	sld [smem:$0x3FA5]  }
0x30: {  	s3 =	sld [smem:$0x3FA8]  }
0x31: {  	[smem:$0x3FB1] =	sst s10  }
0x32: {  	s10 =	sld [smem:$0x3FAF];
	_ =	sdelay $0x3  }
0x33: {  	p0 =	seq.s32 s10, $0x1;
	s10 =	sld [smem:$0x3FB1];
	_ =	sdelay $0x3  }
0x34: {  	[smem:$0x3FB1] =	sst s10  }
0x35: {  	s10 =	sld [smem:$0x3FB0];
	_ =	sdelay $0x3  }
0x36: {  	p1 =	seq.s32 s10, $0x1;
	s10 =	sld [smem:$0x3FB1];
	_ =	sdelay $0x3  }
0x37: {  	[smem:$0x3FB1] =	sst s10  }
0x38: {  	s10 =	sld [smem:$0x3FB2]  }
0x39: {  	_ = 	snop;
	(pc) =	sbr.ind lr, $3  }
0x3a: {  	_ = 	snop  }
0x3b: {  	_ = 	snop  }
0x3c: {  	p2 =	seq.s32 s10, $0x1;
	s10 =	sld [smem:$0x3FB1]  }
0x3d: {  	_ =	shalt  }
0x3e: {  	_ =	shalt  }
0x3f: {  	_ =	shalt  }
0x40: {  	_ =	shalt  }
0x41: {  	_ =	shalt  }
0x42: {  	_ =	shalt  }
0x43: {  	_ =	shalt  }
0x44: {  	_ =	shalt  }
0x45: {  	_ =	shalt  }
0x46: {  	_ =	shalt  }
0x47: {  	_ =	shalt  }
0x48: {  	_ =	shalt  }
0x49: {  	_ =	shalt  }
0x4a: {  	_ =	shalt  }
0x4b: {  	_ =	shalt  }
0x4c: {  	_ =	shalt  }
0x4d: {  	_ =	shalt  }
0x4e: {  	_ =	shalt  }
0x4f: {  	_ =	shalt  }
0x50: {  	_ =	shalt  }
0x51: {  	_ =	shalt  }
0x52: {  	_ =	shalt  }
0x53: {  	_ =	shalt  }
0x54: {  	_ =	shalt  }
0x55: {  	_ =	shalt  }
0x56: {  	_ =	shalt  }
0x57: {  	_ =	shalt  }
0x58: {  	_ =	shalt  }
0x59: {  	_ =	shalt  }
0x5a: {  	_ =	shalt  }
0x5b: {  	_ =	shalt  }
0x5c: {  	_ =	shalt  }
0x5d: {  	_ =	shalt  }
0x5e: {  	_ =	shalt  }
0x5f: {  	_ =	shalt  }
0x60: {  	_ =	shalt  }
0x61: {  	_ =	shalt  }
0x62: {  	_ =	shalt  }
0x63: {  	_ =	shalt  }
0x64: {  	_ =	shalt  }
0x65: {  	_ =	shalt  }
0x66: {  	_ =	shalt  }
0x67: {  	_ =	shalt  }
0x68: {  	_ =	shalt  }
0x69: {  	_ =	shalt  }
0x6a: {  	_ =	shalt  }
0x6b: {  	_ =	shalt  }
0x6c: {  	_ =	shalt  }
0x6d: {  	_ =	shalt  }
0x6e: {  	_ =	shalt  }
0x6f: {  	_ =	shalt  }
0x70: {  	_ =	shalt  }
0x71: {  	_ =	shalt  }
0x72: {  	_ =	shalt  }
0x73: {  	_ =	shalt  }
0x74: {  	_ =	shalt  }
0x75: {  	_ =	shalt  }
0x76: {  	_ =	shalt  }
0x77: {  	_ =	shalt  }
0x78: {  	_ =	shalt  }
0x79: {  	_ =	shalt  }
0x7a: {  	_ =	shalt  }
0x7b: {  	_ =	shalt  }
0x7c: {  	_ =	shalt  }
0x7d: {  	_ =	shalt  }
0x7e: {  	_ =	shalt  }
0x7f: {  	_ =	shalt  }
0x80: {  	_ =	shalt  }
0x81: {  	_ =	shalt  }
0x82: {  	_ =	shalt  }
0x83: {  	_ =	shalt  }
0x84: {  	_ =	shalt  }
0x85: {  	_ =	shalt  }
0x86: {  	_ =	shalt  }
0x87: {  	_ =	shalt  }
.Lfunc_end0:
.L_simem_size_0:
called_computation_lowered:
.L_overlay_start_0:
0x88: {  	s2 =	sld [smem:$0x3FD9]  }
0x89: {  	s3 =	sld [smem:$0x3FFE];
	_ =	sdelay $0x1  }
0x8a: {  	s1 =	srdreg.scid  }
0x8b: {  	s0 =	sand.u32 $0x1, s1  }
0x8c: {  	s16 =	sshll.u32 s0, $0xA;
	s2 =	sadd.s32 s3, s2  }
0x8d: {  	s2 =	sadd.s32 s2, s16  }
0x8e: {  	[smem:$0x3FBD] =	sst s2  }
0x8f: {  	_ = 	snop  }
0x90: {  	(tm) =	ssettm $0x1  }
0x91: {  	s17 =	sld [smem:$0x3FFB];
	_ =	sdelay $0x3  }
0x92: {  	_ =	strace s17  }
0x93: {  	s2 =	sld [smem:$0x3FFC];
	_ =	sdelay $0x3  }
0x94: {  	_ =	strace s2  }
0x95: {  	s2 =	sld [smem:$0x3FFD];
	_ =	sdelay $0x3  }
0x96: {  	_ =	strace s2  }
0x97: {  	_ =	strace $0x8FFFFFFF  }
0x98: {  	s18 =	sld [smem:$0x3FDB];
	_ =	sdelay $0x1  }
0x99: {  	s19 =	simm.s32 $_scs_section_size  }
0x9a: {  	s4 =	simm.s32 $_size__tile_overlayer_lowered;
	s5 =	simm.s32 $_tile_overlayer_lowered  }
0x9b: {  	s22 =	simm.s32 $0x1BFF;
	s21 =	sshll.u32 s5, $0x1;
	s2 =	sadd.s32 s19, s18  }
0x9c: {  	s6 =	simm.s32 $0x0;
	s20 =	sshll.u32 s4, $0x1;
	s4 =	sadd.s32 s21, s2  }
0x9d: {  	[timem:s6], [sflag:s22] =	dma.local [hbm:s4], s20  }
0x9e: {  	_ =	swait.ge [sflag:s22], s20  }
0x9f: {  	s3 =	ssub.s32 $0x0, s20;
	[sflag:s22] =	ssyncset.done $0x0  }
0xa0: {  	[sflag:s22] =	ssyncadd.s32 s3;
	_ =	sdelay $0x1  }
0xa1: {  	s23 =	simm.s32 $0x1B8B  }
0xa2: {  	_ =	swait.ge [sflag:s23], $0x1  }
0xa3: {  	[sflag:s23] =	ssyncset.done $0x0  }
0xa4: {  	s25 =	simm.s32 $0x1B8E;
	s24 =	sld [smem:$0x3FFE];
	[sflag:s23] =	ssyncadd.s32 $0xFFFFFFFF  }
0xa5: {  	s26 =	simm.s32 $execute0_lowered;
	[smem:$0x3FD2] =	sst s25  }
0xa6: {  	s4 =	sshll.u32 s26, $0x1;
	_ =	strace $0x80000046;
	[dreg:$0x1] =	wrdreg $0xFFFFFFFF  }
0xa7: {  	s28 =	simm.s32 $_size_execute0_lowered;
	s2 =	sadd.s32 s2, s4;
	[dreg:$0x0] =	wrdreg $0x0  }
0xa8: {  	s4 =	sshll.u32 s28, $0x1;
	[dreg:$0x2] =	wrdreg s2  }
0xa9: {  	[dreg:$0x3] =	wrdreg s4  }
0xaa: {  	[dreg:$0x4] =	wrdreg $0xC0  }
0xab: {  	_ =	task [dreg:s6], $0x5FFFF  }
0xac: {  	[dreg:$0x1] =	wrdreg $0xFFFFFFFF  }
0xad: {  	[dreg:$0x0] =	wrdreg $0x60  }
0xae: {  	[dreg:$0x2] =	wrdreg s24  }
0xaf: {  	[dreg:$0x3] =	wrdreg $0xAC000  }
0xb0: {  	[dreg:$0x4] =	wrdreg $0x9  }
0xb1: {  	_ =	task.clear_ibuf [dreg:s6], $0x5FFFF;
	_ =	strace $0x90000046  }
0xb2: {  	s29 =	simm.s32 $0x9;
	_ =	strace $0x80000048  }
0xb3: {  	_ =	swait.ge [sflag:s29], $0x1  }
0xb4: {  	[sflag:s29] =	ssyncadd.s32 $0xFFFFFFFF  }
0xb5: {  	_ =	strace $0x90000048  }
0xb6: {  	_ =	sfence  }
0xb7: {  	s30 =	sld [smem:$0x0];
	_ =	sdelay $0x2  }
0xb8: {  	s31 =	sshll.u32 s1, $0xD;
	s1 =	sshrl.u32 s1, $0x2  }
0xb9: {  	s3 =	sand.u32 $0x4000, s31;
	s1 =	sadd.s32 s1, s30  }
0xba: {  	s0 =	sor.u32 s3, s0;
	s1 =	sshll.u32 s1, $0x11  }
0xbb: {  	s0 =	sor.u32 s1, s0  }
0xbc: {  	s0 =	sadd.s32 $0x8F2B, s0  }
0xbd: {  	[sflag:s0] =	ssyncadd.remote.s32 $0x1  }
0xbe: {  	_ =	sfence.sel $0xFFFF  }
0xbf: {  	[dreg:$0x0] =	wrdreg $0xFFFFFFFF;
	(pc) =	sbr.abs _section_cstart, $3  }
0xc0: {  	[dreg:$0x1] =	wrdreg $0xFFFFFFFF  }
0xc1: {  	_ =	task.clear_ibuf [dreg:s6], $0x2FFFF;
	_ =	strace $0x9FFFFFFF  }
0xc2: {  	(tm) =	ssettm $0x7FFFFFFF  }
0xc3: {  	_ =	shalt  }
tec
execute0_lowered:
.L_overlay_start_1:
0x0: {  	(tag) =	ssettag $0x1  }
0x1: {  	s0 =	rddreg [dreg:$0x0]  }
0x2: {  	s2 =	rddreg [dreg:$0x1]  }
0x3: {  	s1 =	srdreg.scid;
	s13 =	stileid.u32;
	s3 =	simm.s32 $0x0  }
0x4: {  	s28 =	simm.s32 $0x200;
	s29 =	simm.s32 $0x300;
	s7 =	smul.u32 $0xA000, s13  }
0x5: {  	s30 =	simm.s32 $0x1;
	s31 =	simm.s32 $0x400;
	s9 =	smul.u32 $0x28000, s13  }
0x6: {  	s1 =	sand.u32 $0x1, s1;
	[smem:$0x7FF] =	sst s3;
	s10 =	smul.u32 $0x7, s13  }
0x7: {  	s4 =	sadd.s32 $0x17000, s0;
	s5 =	sadd.s32 $0x3600, s0;
	s18 =	smul.u32 $0x4600, s13  }
0x8: {  	s11 =	smin.u32 s13, $0xD;
	p1 =	slt.u32 s13, $0xD;
	s6 =	smul.u32 $0xA0000, s1  }
0x9: {  	_ =	strace $0x80000047;
	s26 =	ssub.s32 $0x2, s1;
	p0 =	seq.s32 s1, $0x1  }
0xa: {  	s20 =	smul.u32 $0xA00, s11;
	s12 =	sshrl.u32 s26, $0x1;
	s9 =	sshrl.u32 s9, $0x2  }
0xb: {  	s10 =	sadd.s32 s11, s10;
	s19 =	sadd.s32 s7, s2;
	s8 =	sadd.s32 s7, s6  }
0xc: {  	s6 =	sadd.s32 $0x2AA00, s0;
	s9 =	sadd.s32 s9, s2;
	s10 =	smul.u32 $0xA00, s10  }
0xd: {  	s23 =	sadd.s32 s20, s18;
	s20 =	simm.s32 $0x180;
	s18 =	simm.s32 $0x0  }
0xe: {  	[dreg:$0x3] =	wrdreg s19;
	s8 =	sshrl.u32 s8, $0x3;
	s14 =	sadd.s32 $0x5000, s9  }
0xf: {  	s15 =	sadd.s32 $0x7800, s9;
	s1 =	sadd.s32 $0x380, s23;
	s24 =	sadd.s32 $0x280, s23  }
0x10: {  	s0 =	sadd.s32 s8, s0;
	s8 =	ssub.s32 s26, s12;
	[dreg:$0x5] =	wrdreg s14  }
0x11: {  	s12 =	sadd.s32 $0x2800, s9;
	[dreg:$0x6] =	wrdreg s15;
	s16 =	sshrl.u32 s10, $0x3  }
0x12: {  	s10 =	simm.s32 $0x27;
	s1 =	sshrl.u32 s1, $0x3;
	s14 =	simm.s32 $0x6400  }
0x13: {  	s15 =	simm.s32 $0x6;
	[dreg:$0x4] =	wrdreg s12;
	s17 =	sadd.s32 s6, s16  }
0x14: {  	s10 =	simm.s32 @!p1 $0x22;
	s0 =	sadd.s32 $0x3E400, s0;
	[dreg:$0x7] =	wrdreg s17  }
0x15: {  	s22 =	smax.u32 s8, $0x1;
	s8 =	sshrl.u32 s24, $0x3;
	[dreg:$0x9] =	wrdreg s10  }
0x16: {  	s1 =	sadd.s32 s1, s6;
	s24 =	simm.s32 $0x80;
	[dreg:$0xc] =	wrdreg s0  }
0x17: {  	s12 =	simm.s32 $0x4;
	s7 =	sadd.s32 $0x10, s17;
	[dreg:$0xd] =	wrdreg s22  }
0x18: {  	s21 =	sadd.s32 $0x20, s17;
	s9 =	sadd.s32 $0x30, s17;
	[dreg:$0xe] =	wrdreg s1  }
0x19: {  	s26 =	sadd.s32 s8, s6;
	s0 =	sadd.s32 $0x200, s23;
	[dreg:$0x8] =	wrdreg s7  }
0x1a: {  	s1 =	simm.s32 $0x2400;
	s8 =	simm.s32 $0x3;
	[dreg:$0xa] =	wrdreg s21  }
0x1b: {  	s10 =	simm.s32 $0x5;
	s17 =	simm.s32 $0x7;
	[dreg:$0xb] =	wrdreg s9  }
.Ltmp0:
0x1c: {  	s22 =	simm.s32 $0x380;
	[dreg:$0x10] =	wrdreg s26;
	(pc) =	sbr.rel .LBB2_1-.Ltmp0, $4  }
0x1d: {  	s7 =	sadd.s32 $0x300, s23;
	[dreg:$0x11] =	wrdreg s0;
	s23 =	simm.s32 $0x9  }
0x1e: {  	s26 =	simm.s32 $0x100;
	s0 =	simm.s32 $0x2;
	s7 =	sshrl.u32 s7, $0x3  }
0x1f: {  	s9 =	simm.s32 $0x4400;
	s21 =	simm.s32 $0x280;
	s25 =	sadd.s32 s7, s6  }
0x20: {  	v0 =	vimm.f32 $0.0e+00;
	s7 =	simm.s32 $0x8;
	[dreg:$0xf] =	wrdreg s25;
	s25 =	simm.s32 $0x4E200  }
.LBB2_9:
0x21: {  	[tilespmem:s29], [sflag:$0x4] =	stream.strided.gather [hbm4b:s16+s24], $0x100, s25, s24, $0x38;
	[tilespmem:$0x14C00] =	vst v63  }
0x22: {  	s13 =	smov.u32 s5;
	s18 =	rddreg [dreg:$0x12]  }
.LBB2_10:
0x23: {  	_ =	swait.ge [sflag:s10], $0x2000  }
0x24: {  	[sflag:s10] =	ssyncset.done $0x0  }
0x25: {  	[sflag:s10] =	ssyncadd.s32 $0xFFFFE000  }
0x26: {  	[spmem:s2] =	stream.indirect.scatter.add.f32 [tilespmem:s31], [sflag:$0x9], $0x40, s24, s24, $0xb8;
	[tilespmem:$0x14C00] =	vst v63  }
0x27: {  	_ =	swait.ge [sflag:s23], $0x2000  }
0x28: {  	[sflag:s23] =	ssyncset.done $0x0  }
0x29: {  	[sflag:s23] =	ssyncadd.s32 $0xFFFFE000  }
0x2a: {  	_ =	swait.ge [sflag:s12], $0x100  }
0x2b: {  	[sflag:s12] =	ssyncset.done $0x0  }
0x2c: {  	[sflag:s12] =	ssyncadd.s32 $0xFFFFFF00  }
0x2d: {  	[tilespmem:s14], [sflag:$0x8] =	stream.indirect.gather [hbm4b:s13+s24], $0x40, s29, s24, $0xb8;
	[tilespmem:$0x14C00] =	vst v63  }
0x2e: {  	_ =	swait.ge [sflag:s15], $0x2000  }
0x2f: {  	[sflag:s15] =	ssyncset.done $0x0  }
0x30: {  	s20 =	simm.s32 $0x180;
	[sflag:s15] =	ssyncadd.s32 $0xFFFFE000  }
0x31: {  	[spmem:s2] =	stream.indirect.scatter.add.f32 [tilespmem:s1], [sflag:$0x9], $0x40, s20, s24, $0xb8;
	[tilespmem:$0x14C00] =	vst v63  }
0x32: {  	_ =	swait.ge [sflag:s23], $0x2000  }
0x33: {  	[sflag:s23] =	ssyncset.done $0x0  }
0x34: {  	[sflag:s23] =	ssyncadd.s32 $0xFFFFE000  }
0x35: {  	_ =	swait.ge [sflag:s17], $0x2000  }
0x36: {  	[sflag:s17] =	ssyncset.done $0x0  }
0x37: {  	s21 =	simm.s32 $0x280;
	[sflag:s17] =	ssyncadd.s32 $0xFFFFE000  }
0x38: {  	[spmem:s2] =	stream.indirect.scatter.add.f32 [tilespmem:s9], [sflag:$0x9], $0x40, s21, s24, $0xb8;
	[tilespmem:$0x14C00] =	vst v63  }
0x39: {  	_ =	swait.ge [sflag:s23], $0x2000  }
0x3a: {  	[sflag:s23] =	ssyncset.done $0x0  }
0x3b: {  	[sflag:s23] =	ssyncadd.s32 $0xFFFFE000  }
0x3c: {  	_ =	swait.ge [sflag:s7], $0x2000  }
0x3d: {  	[sflag:s7] =	ssyncset.done $0x0  }
0x3e: {  	s22 =	simm.s32 $0x380;
	[sflag:s7] =	ssyncadd.s32 $0xFFFFE000  }
0x3f: {  	[spmem:s2] =	stream.indirect.scatter.add.f32 [tilespmem:s14], [sflag:$0x9], $0x40, s22, s24, $0xb8;
	[tilespmem:$0x14C00] =	vst v63  }
0x40: {  	_ =	swait.ge [sflag:s23], $0x2000  }
0x41: {  	[sflag:s23] =	ssyncset.done $0x0  }
0x42: {  	[sflag:s23] =	ssyncadd.s32 $0xFFFFE000  }
0x43: {  	s11 =	stileid.u32;
	[bflag:$0x0] =	sbarrier.arrive $0xFFFF  }
0x44: {  	s11 =	sshll.u32 s11, $0x6;
	s19 =	rddreg [dreg:$0x3]  }
0x45: {  	s11 =	sor.u32 $0x1C09, s11;
	s16 =	rddreg [dreg:$0xc];
	s13 =	sshrl.u32 s19, $0x3  }
0x46: {  	[hbm:s16], [sflag:s11] =	dma.local [spmem:s13], $0x1400  }
0x47: {  	_ =	swait.ge [sflag:s23], $0x1400  }
0x48: {  	s18 =	sadd.s32 $0x1, s18;
	s16 =	rddreg [dreg:$0xd]  }
0x49: {  	p1 =	sne.s32 s18, s16  }
.Ltmp1:
0x4a: {  	_ = 	snop;
	(pc) =	sbr.rel @!p1 .LBB2_11-.Ltmp1, $3  }
0x4b: {  	_ =	sdelay $0x1  }
0x4c: {  	[sflag:s23] =	ssyncset.done $0x0  }
0x4d: {  	[sflag:s23] =	ssyncadd.s32 $0xFFFFEC00  }
.LBB2_1:
0x4e: {  	[dreg:$0x12] =	wrdreg s18;
	s16 =	simm.s32 $0x100;
	s13 =	simm.s32 $0x0  }
.LBB2_2:
0x4f: {  	p1 =	sne.s32 s16, $0x9F00;
	[tilespmem:s13+$0x8430] =	vst v0;
	s18 =	smov.u32 s16;
	s16 =	sadd.s32 $0x100, s16  }
.Ltmp2:
0x50: {  	[tilespmem:s13+$0x8420] =	vst v0;
	(pc) =	sbr.rel @p1 .LBB2_2-.Ltmp2, $3  }
0x51: {  	[tilespmem:s13+$0x8400] =	vst v0  }
0x52: {  	[tilespmem:s13+$0x8410] =	vst v0;
	_ =	sdelay $0x1  }
0x53: {  	s13 =	sshra.s32 s18, $0x2  }
0x54: {  	[tilespmem:s13+$0x8430] =	vst v0  }
0x55: {  	[tilespmem:s13+$0x8420] =	vst v0  }
0x56: {  	[tilespmem:s13+$0x8400] =	vst v0  }
0x57: {  	[tilespmem:s13+$0x8410] =	vst v0;
	s16 =	simm.s32 $0x8400  }
0x58: {  	[spmem:s19] =	stream.linear.scatter [tilespmem:s16], [sflag:$0x9], $0x2800, $0x38;
	[tilespmem:$0x14C00] =	vst v63  }
0x59: {  	_ =	swait.ge [sflag:s23], $0x2800  }
0x5a: {  	[sflag:s23] =	ssyncset.done $0x0  }
0x5b: {  	s11 =	rddreg [dreg:$0x4];
	[sflag:s23] =	ssyncadd.s32 $0xFFFFD800  }
0x5c: {  	[spmem:s11] =	stream.linear.scatter [tilespmem:s16], [sflag:$0x9], $0x2800, $0x38;
	[tilespmem:$0x14C00] =	vst v63  }
0x5d: {  	_ =	swait.ge [sflag:s23], $0x2800  }
0x5e: {  	[sflag:s23] =	ssyncset.done $0x0  }
0x5f: {  	s18 =	rddreg [dreg:$0x5];
	[sflag:s23] =	ssyncadd.s32 $0xFFFFD800  }
0x60: {  	[spmem:s18] =	stream.linear.scatter [tilespmem:s16], [sflag:$0x9], $0x2800, $0x38;
	[tilespmem:$0x14C00] =	vst v63  }
0x61: {  	_ =	swait.ge [sflag:s23], $0x2800  }
0x62: {  	[sflag:s23] =	ssyncset.done $0x0  }
0x63: {  	s19 =	rddreg [dreg:$0x6];
	[sflag:s23] =	ssyncadd.s32 $0xFFFFD800  }
0x64: {  	[spmem:s19] =	stream.linear.scatter [tilespmem:s16], [sflag:$0x9], $0x2800, $0x38;
	[tilespmem:$0x14C00] =	vst v63  }
0x65: {  	_ =	swait.ge [sflag:s23], $0x2800  }
0x66: {  	[sflag:s23] =	ssyncset.done $0x0  }
0x67: {  	[sflag:s23] =	ssyncadd.s32 $0xFFFFD800  }
0x68: {  	[bflag:$0x0] =	sbarrier.arrive $0xFFFF  }
0x69: {  	s13 =	rddreg [dreg:$0x7]  }
0x6a: {  	[tilespmem:s3], [sflag:$0x1] =	stream.strided.gather [hbm4b:s13+s24], $0x100, s25, s24, $0x38;
	[tilespmem:$0x14C00] =	vst v63  }
0x6b: {  	s16 =	rddreg [dreg:$0x8]  }
0x6c: {  	[tilespmem:s26], [sflag:$0x2] =	stream.strided.gather [hbm4b:s16+s24], $0x100, s25, s24, $0x38;
	[tilespmem:$0x14C00] =	vst v63  }
0x6d: {  	s18 =	rddreg [dreg:$0xa]  }
0x6e: {  	[tilespmem:s28], [sflag:$0x3] =	stream.strided.gather [hbm4b:s18+s24], $0x100, s25, s24, $0x38;
	[tilespmem:$0x14C00] =	vst v63  }
.Ltmp3:
0x6f: {  	s19 =	rddreg [dreg:$0xb];
	(pc) =	sbr.rel @!p0 .LBB2_4-.Ltmp3, $4  }
0x70: {  	[tilespmem:s29], [sflag:$0x4] =	stream.strided.gather [hbm4b:s19+s24], $0x100, s25, s24, $0x38;
	[tilespmem:$0x14C00] =	vst v63  }
0x71: {  	_ =	swait.ge [sflag:s30], $0x100  }
0x72: {  	[sflag:s30] =	ssyncset.done $0x0  }
0x73: {  	[sflag:s30] =	ssyncadd.s32 $0xFFFFFF00  }
0x74: {  	[tilespmem:s31], [sflag:$0x5] =	stream.indirect.gather [hbm4b:s5+s24], $0x40, s3, s24, $0xb8;
	[tilespmem:$0x14C00] =	vst v63  }
0x75: {  	_ =	swait.ge [sflag:s0], $0x100  }
0x76: {  	[sflag:s0] =	ssyncset.done $0x0  }
0x77: {  	[sflag:s0] =	ssyncadd.s32 $0xFFFFFF00  }
0x78: {  	[tilespmem:s1], [sflag:$0x6] =	stream.indirect.gather [hbm4b:s5+s24], $0x40, s26, s24, $0xb8;
	[tilespmem:$0x14C00] =	vst v63  }
0x79: {  	_ =	swait.ge [sflag:s8], $0x100  }
0x7a: {  	[sflag:s8] =	ssyncset.done $0x0  }
0x7b: {  	[sflag:s8] =	ssyncadd.s32 $0xFFFFFF00  }
0x7c: {  	[tilespmem:s9], [sflag:$0x7] =	stream.indirect.gather [hbm4b:s5+s24], $0x40, s28, s24, $0xb8;
	[tilespmem:$0x14C00] =	vst v63  }
0x7d: {  	_ =	swait.ge [sflag:s10], $0x2000  }
0x7e: {  	[sflag:s10] =	ssyncset.done $0x0  }
0x7f: {  	[sflag:s10] =	ssyncadd.s32 $0xFFFFE000  }
0x80: {  	[spmem:s2] =	stream.indirect.scatter.add.f32 [tilespmem:s31], [sflag:$0x9], $0x40, s24, s24, $0xb8;
	[tilespmem:$0x14C00] =	vst v63  }
0x81: {  	_ =	swait.ge [sflag:s23], $0x2000  }
0x82: {  	[sflag:s23] =	ssyncset.done $0x0  }
0x83: {  	[sflag:s23] =	ssyncadd.s32 $0xFFFFE000  }
0x84: {  	_ =	swait.ge [sflag:s12], $0x100  }
0x85: {  	[sflag:s12] =	ssyncset.done $0x0;
	s16 =	rddreg [dreg:$0x11]  }
0x86: {  	[sflag:s12] =	ssyncadd.s32 $0xFFFFFF00;
	s11 =	sshrl.u32 s16, $0x3  }
0x87: {  	[tilespmem:s14], [sflag:$0x8] =	stream.indirect.gather [hbm4b:s5+s24], $0x40, s29, s24, $0xb8;
	[tilespmem:$0x14C00] =	vst v63  }
0x88: {  	s11 =	sadd.s32 s6, s11  }
0x89: {  	[tilespmem:s3], [sflag:$0x1] =	stream.strided.gather [hbm4b:s11+s24], $0x100, s25, s24, $0x38;
	[tilespmem:$0x14C00] =	vst v63  }
0x8a: {  	_ =	swait.ge [sflag:s15], $0x2000  }
0x8b: {  	[sflag:s15] =	ssyncset.done $0x0  }
0x8c: {  	[sflag:s15] =	ssyncadd.s32 $0xFFFFE000  }
0x8d: {  	[spmem:s2] =	stream.indirect.scatter.add.f32 [tilespmem:s1], [sflag:$0x9], $0x40, s20, s24, $0xb8;
	[tilespmem:$0x14C00] =	vst v63  }
0x8e: {  	_ =	swait.ge [sflag:s23], $0x2000  }
0x8f: {  	[sflag:s23] =	ssyncset.done $0x0  }
0x90: {  	[sflag:s23] =	ssyncadd.s32 $0xFFFFE000  }
0x91: {  	_ =	swait.ge [sflag:s30], $0x100  }
0x92: {  	[sflag:s30] =	ssyncset.done $0x0  }
0x93: {  	[sflag:s30] =	ssyncadd.s32 $0xFFFFFF00  }
0x94: {  	[tilespmem:s31], [sflag:$0x5] =	stream.indirect.gather [hbm4b:s5+s24], $0x40, s3, s24, $0xb8;
	[tilespmem:$0x14C00] =	vst v63  }
0x95: {  	s19 =	rddreg [dreg:$0x10]  }
0x96: {  	[tilespmem:s26], [sflag:$0x2] =	stream.strided.gather [hbm4b:s19+s24], $0x100, s25, s24, $0x38;
	[tilespmem:$0x14C00] =	vst v63  }
0x97: {  	_ =	swait.ge [sflag:s17], $0x2000  }
0x98: {  	[sflag:s17] =	ssyncset.done $0x0  }
0x99: {  	[sflag:s17] =	ssyncadd.s32 $0xFFFFE000  }
0x9a: {  	[spmem:s2] =	stream.indirect.scatter.add.f32 [tilespmem:s9], [sflag:$0x9], $0x40, s21, s24, $0xb8;
	[tilespmem:$0x14C00] =	vst v63  }
0x9b: {  	_ =	swait.ge [sflag:s23], $0x2000  }
0x9c: {  	[sflag:s23] =	ssyncset.done $0x0  }
0x9d: {  	[sflag:s23] =	ssyncadd.s32 $0xFFFFE000  }
0x9e: {  	_ =	swait.ge [sflag:s0], $0x100  }
0x9f: {  	[sflag:s0] =	ssyncset.done $0x0  }
0xa0: {  	[sflag:s0] =	ssyncadd.s32 $0xFFFFFF00  }
0xa1: {  	[tilespmem:s1], [sflag:$0x6] =	stream.indirect.gather [hbm4b:s5+s24], $0x40, s26, s24, $0xb8;
	[tilespmem:$0x14C00] =	vst v63  }
0xa2: {  	s18 =	rddreg [dreg:$0xf]  }
0xa3: {  	[tilespmem:s28], [sflag:$0x3] =	stream.strided.gather [hbm4b:s18+s24], $0x100, s25, s24, $0x38;
	[tilespmem:$0x14C00] =	vst v63  }
0xa4: {  	_ =	swait.ge [sflag:s7], $0x2000  }
0xa5: {  	[sflag:s7] =	ssyncset.done $0x0  }
0xa6: {  	[sflag:s7] =	ssyncadd.s32 $0xFFFFE000  }
0xa7: {  	[spmem:s2] =	stream.indirect.scatter.add.f32 [tilespmem:s14], [sflag:$0x9], $0x40, s22, s24, $0xb8;
	[tilespmem:$0x14C00] =	vst v63  }
0xa8: {  	_ =	swait.ge [sflag:s23], $0x2000  }
0xa9: {  	[sflag:s23] =	ssyncset.done $0x0  }
0xaa: {  	[sflag:s23] =	ssyncadd.s32 $0xFFFFE000  }
0xab: {  	_ =	swait.ge [sflag:s8], $0x100  }
0xac: {  	s22 =	rddreg [dreg:$0x9]  }
0xad: {  	p1 =	sne.s32 s22, $0x1  }
.Ltmp4:
0xae: {  	_ = 	snop;
	(pc) =	sbr.rel @!p1 .LBB2_9-.Ltmp4, $4  }
0xaf: {  	s20 =	sadd.s32 $0x200, s16;
	s19 =	sadd.s32 $0x40, s19;
	[sflag:s8] =	ssyncset.done $0x0  }
0xb0: {  	s18 =	sadd.s32 $0x40, s18;
	s16 =	rddreg [dreg:$0xe];
	[sflag:s8] =	ssyncadd.s32 $0xFFFFFF00  }
0xb1: {  	s13 =	sadd.s32 $0xFFFFFFFF, s22;
	s22 =	simm.s32 $0x380;
	s21 =	sadd.s32 $0x40, s16  }
0xb2: {  	[tilespmem:s9], [sflag:$0x7] =	stream.indirect.gather [hbm4b:s5+s24], $0x40, s28, s24, $0xb8;
	[tilespmem:$0x14C00] =	vst v63  }
.LBB2_8:
0xb3: {  	[tilespmem:s29], [sflag:$0x4] =	stream.strided.gather [hbm4b:s16+s24], $0x100, s25, s24, $0x38;
	[tilespmem:$0x14C00] =	vst v63  }
0xb4: {  	p1 =	sne.s32 s13, $0x1;
	s13 =	sadd.s32 $0xFFFFFFFF, s13;
	_ =	swait.ge [sflag:s10], $0x2000  }
0xb5: {  	s16 =	smov.u32 s21;
	[sflag:s10] =	ssyncset.done $0x0  }
0xb6: {  	[sflag:s10] =	ssyncadd.s32 $0xFFFFE000  }
0xb7: {  	[spmem:s2] =	stream.indirect.scatter.add.f32 [tilespmem:s31], [sflag:$0x9], $0x40, s24, s24, $0xb8;
	[tilespmem:$0x14C00] =	vst v63  }
0xb8: {  	_ =	swait.ge [sflag:s23], $0x2000  }
0xb9: {  	[sflag:s23] =	ssyncset.done $0x0  }
0xba: {  	[sflag:s23] =	ssyncadd.s32 $0xFFFFE000  }
0xbb: {  	_ =	swait.ge [sflag:s12], $0x100  }
0xbc: {  	[sflag:s12] =	ssyncset.done $0x0  }
0xbd: {  	s11 =	sshrl.u32 s20, $0x3;
	[sflag:s12] =	ssyncadd.s32 $0xFFFFFF00  }
0xbe: {  	[tilespmem:s14], [sflag:$0x8] =	stream.indirect.gather [hbm4b:s5+s24], $0x40, s29, s24, $0xb8;
	[tilespmem:$0x14C00] =	vst v63  }
0xbf: {  	s11 =	sadd.s32 s6, s11  }
0xc0: {  	[tilespmem:s3], [sflag:$0x1] =	stream.strided.gather [hbm4b:s11+s24], $0x100, s25, s24, $0x38;
	[tilespmem:$0x14C00] =	vst v63  }
0xc1: {  	_ =	swait.ge [sflag:s15], $0x2000  }
0xc2: {  	[sflag:s15] =	ssyncset.done $0x0  }
0xc3: {  	s11 =	simm.s32 $0x180;
	[sflag:s15] =	ssyncadd.s32 $0xFFFFE000  }
0xc4: {  	[spmem:s2] =	stream.indirect.scatter.add.f32 [tilespmem:s1], [sflag:$0x9], $0x40, s11, s24, $0xb8;
	[tilespmem:$0x14C00] =	vst v63  }
0xc5: {  	_ =	swait.ge [sflag:s23], $0x2000  }
0xc6: {  	[sflag:s23] =	ssyncset.done $0x0  }
0xc7: {  	[sflag:s23] =	ssyncadd.s32 $0xFFFFE000  }
0xc8: {  	_ =	swait.ge [sflag:s30], $0x100  }
0xc9: {  	[sflag:s30] =	ssyncset.done $0x0  }
0xca: {  	[sflag:s30] =	ssyncadd.s32 $0xFFFFFF00  }
0xcb: {  	[tilespmem:s31], [sflag:$0x5] =	stream.indirect.gather [hbm4b:s5+s24], $0x40, s3, s24, $0xb8;
	[tilespmem:$0x14C00] =	vst v63  }
0xcc: {  	_ = 	snop  }
0xcd: {  	[tilespmem:s26], [sflag:$0x2] =	stream.strided.gather [hbm4b:s19+s24], $0x100, s25, s24, $0x38;
	[tilespmem:$0x14C00] =	vst v63  }
0xce: {  	_ =	swait.ge [sflag:s17], $0x2000  }
0xcf: {  	[sflag:s17] =	ssyncset.done $0x0  }
0xd0: {  	s11 =	simm.s32 $0x280;
	[sflag:s17] =	ssyncadd.s32 $0xFFFFE000  }
0xd1: {  	[spmem:s2] =	stream.indirect.scatter.add.f32 [tilespmem:s9], [sflag:$0x9], $0x40, s11, s24, $0xb8;
	[tilespmem:$0x14C00] =	vst v63  }
0xd2: {  	_ =	swait.ge [sflag:s23], $0x2000  }
0xd3: {  	[sflag:s23] =	ssyncset.done $0x0  }
0xd4: {  	[sflag:s23] =	ssyncadd.s32 $0xFFFFE000  }
0xd5: {  	_ =	swait.ge [sflag:s0], $0x100  }
0xd6: {  	[sflag:s0] =	ssyncset.done $0x0  }
0xd7: {  	[sflag:s0] =	ssyncadd.s32 $0xFFFFFF00  }
0xd8: {  	[tilespmem:s1], [sflag:$0x6] =	stream.indirect.gather [hbm4b:s5+s24], $0x40, s26, s24, $0xb8;
	[tilespmem:$0x14C00] =	vst v63  }
0xd9: {  	_ = 	snop  }
0xda: {  	[tilespmem:s28], [sflag:$0x3] =	stream.strided.gather [hbm4b:s18+s24], $0x100, s25, s24, $0x38;
	[tilespmem:$0x14C00] =	vst v63  }
0xdb: {  	_ =	swait.ge [sflag:s7], $0x2000  }
0xdc: {  	[sflag:s7] =	ssyncset.done $0x0  }
0xdd: {  	[sflag:s7] =	ssyncadd.s32 $0xFFFFE000  }
0xde: {  	[spmem:s2] =	stream.indirect.scatter.add.f32 [tilespmem:s14], [sflag:$0x9], $0x40, s22, s24, $0xb8;
	[tilespmem:$0x14C00] =	vst v63  }
0xdf: {  	_ =	swait.ge [sflag:s23], $0x2000  }
0xe0: {  	[sflag:s23] =	ssyncset.done $0x0  }
0xe1: {  	[sflag:s23] =	ssyncadd.s32 $0xFFFFE000  }
.Ltmp5:
0xe2: {  	_ =	swait.ge [sflag:s8], $0x100;
	(pc) =	sbr.rel @p1 .LBB2_8-.Ltmp5, $4  }
0xe3: {  	[sflag:s8] =	ssyncset.done $0x0  }
0xe4: {  	s20 =	sadd.s32 $0x200, s20;
	[sflag:s8] =	ssyncadd.s32 $0xFFFFFF00  }
0xe5: {  	[tilespmem:s9], [sflag:$0x7] =	stream.indirect.gather [hbm4b:s5+s24], $0x40, s28, s24, $0xb8;
	[tilespmem:$0x14C00] =	vst v63  }
0xe6: {  	s21 =	sadd.s32 $0x40, s21;
	s19 =	sadd.s32 $0x40, s19;
	s18 =	sadd.s32 $0x40, s18  }
.Ltmp6:
0xe7: {  	_ = 	snop;
	(pc) =	sbr.rel .LBB2_9-.Ltmp6, $1  }
0xe8: {  	_ =	sdelay $0x3  }
.LBB2_4:
0xe9: {  	[tilespmem:s31], [sflag:$0x5] =	stream.indirect.gather [hbm4b:s4+s24], $0x40, s3, s24, $0xb8;
	[tilespmem:$0x14C00] =	vst v63  }
0xea: {  	_ =	swait.ge [sflag:s0], $0x100  }
0xeb: {  	[sflag:s0] =	ssyncset.done $0x0  }
0xec: {  	[sflag:s0] =	ssyncadd.s32 $0xFFFFFF00  }
0xed: {  	[tilespmem:s1], [sflag:$0x6] =	stream.indirect.gather [hbm4b:s4+s24], $0x40, s26, s24, $0xb8;
	[tilespmem:$0x14C00] =	vst v63  }
0xee: {  	_ =	swait.ge [sflag:s8], $0x100  }
0xef: {  	[sflag:s8] =	ssyncset.done $0x0  }
0xf0: {  	[sflag:s8] =	ssyncadd.s32 $0xFFFFFF00  }
0xf1: {  	[tilespmem:s9], [sflag:$0x7] =	stream.indirect.gather [hbm4b:s4+s24], $0x40, s28, s24, $0xb8;
	[tilespmem:$0x14C00] =	vst v63  }
0xf2: {  	_ =	swait.ge [sflag:s10], $0x2000  }
0xf3: {  	[sflag:s10] =	ssyncset.done $0x0  }
0xf4: {  	[sflag:s10] =	ssyncadd.s32 $0xFFFFE000  }
0xf5: {  	[spmem:s2] =	stream.indirect.scatter.add.f32 [tilespmem:s31], [sflag:$0x9], $0x40, s24, s24, $0xb8;
	[tilespmem:$0x14C00] =	vst v63  }
0xf6: {  	_ =	swait.ge [sflag:s23], $0x2000  }
0xf7: {  	[sflag:s23] =	ssyncset.done $0x0  }
0xf8: {  	[sflag:s23] =	ssyncadd.s32 $0xFFFFE000  }
0xf9: {  	_ =	swait.ge [sflag:s12], $0x100  }
0xfa: {  	[sflag:s12] =	ssyncset.done $0x0;
	s16 =	rddreg [dreg:$0x11]  }
0xfb: {  	[sflag:s12] =	ssyncadd.s32 $0xFFFFFF00;
	s13 =	sshrl.u32 s16, $0x3  }
0xfc: {  	[tilespmem:s14], [sflag:$0x8] =	stream.indirect.gather [hbm4b:s4+s24], $0x40, s29, s24, $0xb8;
	[tilespmem:$0x14C00] =	vst v63  }
0xfd: {  	s13 =	sadd.s32 s6, s13  }
0xfe: {  	[tilespmem:s3], [sflag:$0x1] =	stream.strided.gather [hbm4b:s13+s24], $0x100, s25, s24, $0x38;
	[tilespmem:$0x14C00] =	vst v63  }
0xff: {  	_ =	swait.ge [sflag:s15], $0x2000  }
0x100: {  	[sflag:s15] =	ssyncset.done $0x0  }
0x101: {  	[sflag:s15] =	ssyncadd.s32 $0xFFFFE000  }
0x102: {  	[spmem:s2] =	stream.indirect.scatter.add.f32 [tilespmem:s1], [sflag:$0x9], $0x40, s20, s24, $0xb8;
	[tilespmem:$0x14C00] =	vst v63  }
0x103: {  	_ =	swait.ge [sflag:s23], $0x2000  }
0x104: {  	[sflag:s23] =	ssyncset.done $0x0  }
0x105: {  	[sflag:s23] =	ssyncadd.s32 $0xFFFFE000  }
0x106: {  	_ =	swait.ge [sflag:s30], $0x100  }
0x107: {  	[sflag:s30] =	ssyncset.done $0x0  }
0x108: {  	[sflag:s30] =	ssyncadd.s32 $0xFFFFFF00  }
0x109: {  	[tilespmem:s31], [sflag:$0x5] =	stream.indirect.gather [hbm4b:s4+s24], $0x40, s3, s24, $0xb8;
	[tilespmem:$0x14C00] =	vst v63  }
0x10a: {  	s19 =	rddreg [dreg:$0x10]  }
0x10b: {  	[tilespmem:s26], [sflag:$0x2] =	stream.strided.gather [hbm4b:s19+s24], $0x100, s25, s24, $0x38;
	[tilespmem:$0x14C00] =	vst v63  }
0x10c: {  	_ =	swait.ge [sflag:s17], $0x2000  }
0x10d: {  	[sflag:s17] =	ssyncset.done $0x0  }
0x10e: {  	[sflag:s17] =	ssyncadd.s32 $0xFFFFE000  }
0x10f: {  	[spmem:s2] =	stream.indirect.scatter.add.f32 [tilespmem:s9], [sflag:$0x9], $0x40, s21, s24, $0xb8;
	[tilespmem:$0x14C00] =	vst v63  }
0x110: {  	_ =	swait.ge [sflag:s23], $0x2000  }
0x111: {  	[sflag:s23] =	ssyncset.done $0x0  }
0x112: {  	[sflag:s23] =	ssyncadd.s32 $0xFFFFE000  }
0x113: {  	_ =	swait.ge [sflag:s0], $0x100  }
0x114: {  	[sflag:s0] =	ssyncset.done $0x0  }
0x115: {  	[sflag:s0] =	ssyncadd.s32 $0xFFFFFF00  }
0x116: {  	[tilespmem:s1], [sflag:$0x6] =	stream.indirect.gather [hbm4b:s4+s24], $0x40, s26, s24, $0xb8;
	[tilespmem:$0x14C00] =	vst v63  }
0x117: {  	s18 =	rddreg [dreg:$0xf]  }
0x118: {  	[tilespmem:s28], [sflag:$0x3] =	stream.strided.gather [hbm4b:s18+s24], $0x100, s25, s24, $0x38;
	[tilespmem:$0x14C00] =	vst v63  }
0x119: {  	_ =	swait.ge [sflag:s7], $0x2000  }
0x11a: {  	[sflag:s7] =	ssyncset.done $0x0  }
0x11b: {  	[sflag:s7] =	ssyncadd.s32 $0xFFFFE000  }
0x11c: {  	[spmem:s2] =	stream.indirect.scatter.add.f32 [tilespmem:s14], [sflag:$0x9], $0x40, s22, s24, $0xb8;
	[tilespmem:$0x14C00] =	vst v63  }
0x11d: {  	_ =	swait.ge [sflag:s23], $0x2000  }
0x11e: {  	[sflag:s23] =	ssyncset.done $0x0  }
0x11f: {  	[sflag:s23] =	ssyncadd.s32 $0xFFFFE000  }
0x120: {  	_ =	swait.ge [sflag:s8], $0x100  }
0x121: {  	s11 =	rddreg [dreg:$0x9]  }
0x122: {  	p1 =	seq.s32 s11, $0x1  }
.Ltmp7:
0x123: {  	_ = 	snop;
	(pc) =	sbr.rel @p1 .LBB2_6-.Ltmp7, $4  }
0x124: {  	s20 =	sadd.s32 $0x200, s16;
	s19 =	sadd.s32 $0x40, s19;
	s18 =	sadd.s32 $0x40, s18  }
0x125: {  	s22 =	simm.s32 $0x380;
	[sflag:s8] =	ssyncset.done $0x0;
	s16 =	rddreg [dreg:$0xe]  }
0x126: {  	[sflag:s8] =	ssyncadd.s32 $0xFFFFFF00;
	s13 =	sadd.s32 $0xFFFFFFFF, s11;
	s21 =	sadd.s32 $0x40, s16  }
0x127: {  	[tilespmem:s9], [sflag:$0x7] =	stream.indirect.gather [hbm4b:s4+s24], $0x40, s28, s24, $0xb8;
	[tilespmem:$0x14C00] =	vst v63  }
.LBB2_5:
0x128: {  	[tilespmem:s29], [sflag:$0x4] =	stream.strided.gather [hbm4b:s16+s24], $0x100, s25, s24, $0x38;
	[tilespmem:$0x14C00] =	vst v63  }
0x129: {  	p1 =	seq.s32 s13, $0x1;
	s13 =	sadd.s32 $0xFFFFFFFF, s13;
	_ =	swait.ge [sflag:s10], $0x2000  }
0x12a: {  	s16 =	smov.u32 s21;
	[sflag:s10] =	ssyncset.done $0x0  }
0x12b: {  	[sflag:s10] =	ssyncadd.s32 $0xFFFFE000  }
0x12c: {  	[spmem:s2] =	stream.indirect.scatter.add.f32 [tilespmem:s31], [sflag:$0x9], $0x40, s24, s24, $0xb8;
	[tilespmem:$0x14C00] =	vst v63  }
0x12d: {  	_ =	swait.ge [sflag:s23], $0x2000  }
0x12e: {  	[sflag:s23] =	ssyncset.done $0x0  }
0x12f: {  	[sflag:s23] =	ssyncadd.s32 $0xFFFFE000  }
0x130: {  	_ =	swait.ge [sflag:s12], $0x100  }
0x131: {  	[sflag:s12] =	ssyncset.done $0x0  }
0x132: {  	s11 =	sshrl.u32 s20, $0x3;
	[sflag:s12] =	ssyncadd.s32 $0xFFFFFF00  }
0x133: {  	[tilespmem:s14], [sflag:$0x8] =	stream.indirect.gather [hbm4b:s4+s24], $0x40, s29, s24, $0xb8;
	[tilespmem:$0x14C00] =	vst v63  }
0x134: {  	s11 =	sadd.s32 s6, s11  }
0x135: {  	[tilespmem:s3], [sflag:$0x1] =	stream.strided.gather [hbm4b:s11+s24], $0x100, s25, s24, $0x38;
	[tilespmem:$0x14C00] =	vst v63  }
0x136: {  	_ =	swait.ge [sflag:s15], $0x2000  }
0x137: {  	[sflag:s15] =	ssyncset.done $0x0  }
0x138: {  	s11 =	simm.s32 $0x180;
	[sflag:s15] =	ssyncadd.s32 $0xFFFFE000  }
0x139: {  	[spmem:s2] =	stream.indirect.scatter.add.f32 [tilespmem:s1], [sflag:$0x9], $0x40, s11, s24, $0xb8;
	[tilespmem:$0x14C00] =	vst v63  }
0x13a: {  	_ =	swait.ge [sflag:s23], $0x2000  }
0x13b: {  	[sflag:s23] =	ssyncset.done $0x0  }
0x13c: {  	[sflag:s23] =	ssyncadd.s32 $0xFFFFE000  }
0x13d: {  	_ =	swait.ge [sflag:s30], $0x100  }
0x13e: {  	[sflag:s30] =	ssyncset.done $0x0  }
0x13f: {  	[sflag:s30] =	ssyncadd.s32 $0xFFFFFF00  }
0x140: {  	[tilespmem:s31], [sflag:$0x5] =	stream.indirect.gather [hbm4b:s4+s24], $0x40, s3, s24, $0xb8;
	[tilespmem:$0x14C00] =	vst v63  }
0x141: {  	_ = 	snop  }
0x142: {  	[tilespmem:s26], [sflag:$0x2] =	stream.strided.gather [hbm4b:s19+s24], $0x100, s25, s24, $0x38;
	[tilespmem:$0x14C00] =	vst v63  }
0x143: {  	_ =	swait.ge [sflag:s17], $0x2000  }
0x144: {  	[sflag:s17] =	ssyncset.done $0x0  }
0x145: {  	s11 =	simm.s32 $0x280;
	[sflag:s17] =	ssyncadd.s32 $0xFFFFE000  }
0x146: {  	[spmem:s2] =	stream.indirect.scatter.add.f32 [tilespmem:s9], [sflag:$0x9], $0x40, s11, s24, $0xb8;
	[tilespmem:$0x14C00] =	vst v63  }
0x147: {  	_ =	swait.ge [sflag:s23], $0x2000  }
0x148: {  	[sflag:s23] =	ssyncset.done $0x0  }
0x149: {  	[sflag:s23] =	ssyncadd.s32 $0xFFFFE000  }
0x14a: {  	_ =	swait.ge [sflag:s0], $0x100  }
0x14b: {  	[sflag:s0] =	ssyncset.done $0x0  }
0x14c: {  	[sflag:s0] =	ssyncadd.s32 $0xFFFFFF00  }
0x14d: {  	[tilespmem:s1], [sflag:$0x6] =	stream.indirect.gather [hbm4b:s4+s24], $0x40, s26, s24, $0xb8;
	[tilespmem:$0x14C00] =	vst v63  }
0x14e: {  	_ = 	snop  }
0x14f: {  	[tilespmem:s28], [sflag:$0x3] =	stream.strided.gather [hbm4b:s18+s24], $0x100, s25, s24, $0x38;
	[tilespmem:$0x14C00] =	vst v63  }
0x150: {  	_ =	swait.ge [sflag:s7], $0x2000  }
0x151: {  	[sflag:s7] =	ssyncset.done $0x0  }
0x152: {  	[sflag:s7] =	ssyncadd.s32 $0xFFFFE000  }
0x153: {  	[spmem:s2] =	stream.indirect.scatter.add.f32 [tilespmem:s14], [sflag:$0x9], $0x40, s22, s24, $0xb8;
	[tilespmem:$0x14C00] =	vst v63  }
0x154: {  	_ =	swait.ge [sflag:s23], $0x2000  }
0x155: {  	[sflag:s23] =	ssyncset.done $0x0  }
0x156: {  	[sflag:s23] =	ssyncadd.s32 $0xFFFFE000  }
.Ltmp8:
0x157: {  	_ =	swait.ge [sflag:s8], $0x100;
	(pc) =	sbr.rel @!p1 .LBB2_5-.Ltmp8, $4  }
0x158: {  	[sflag:s8] =	ssyncset.done $0x0  }
0x159: {  	s20 =	sadd.s32 $0x200, s20;
	[sflag:s8] =	ssyncadd.s32 $0xFFFFFF00  }
0x15a: {  	[tilespmem:s9], [sflag:$0x7] =	stream.indirect.gather [hbm4b:s4+s24], $0x40, s28, s24, $0xb8;
	[tilespmem:$0x14C00] =	vst v63  }
0x15b: {  	s21 =	sadd.s32 $0x40, s21;
	s19 =	sadd.s32 $0x40, s19;
	s18 =	sadd.s32 $0x40, s18  }
.LBB2_6:
.Ltmp9:
0x15c: {  	(pc) =	sbr.rel .LBB2_10-.Ltmp9, $3  }
0x15d: {  	_ =	sdelay $0x1  }
0x15e: {  	[tilespmem:s29], [sflag:$0x4] =	stream.strided.gather [hbm4b:s16+s24], $0x100, s25, s24, $0x38;
	[tilespmem:$0x14C00] =	vst v63  }
0x15f: {  	s13 =	smov.u32 s4;
	s18 =	rddreg [dreg:$0x12]  }
.LBB2_11:
0x160: {  	_ =	sfence.sel $0x180000  }
0x161: {  	[bflag:$0x0] =	sbarrier.arrive $0xFFFF  }
0x162: {  	_ =	strace $0x90000047  }
0x163: {  	s0 =	stileid.u32;
	[bflag:$0x2] =	sbarrier.arrive $0xFFFF  }
0x164: {  	p0 =	sne.s32 s0, $0x0;
	s0 =	rddreg [dreg:$0x2]  }
0x165: {  	s0 =	sadd.s32 @!p0 $0x100000, s0  }
0x166: {  	[sflag:s0] =	ssyncadd.tile.s32 @!p0 $0x1;
	_ =	shalt  }
.Lfunc_end2:
_tile_overlayer_lowered:
.L_overlay_start_2:
0x167: {  	(tag) =	ssettag $0x2  }
0x168: {  	s0 =	rddreg [dreg:$0x0];
	s2 =	stileid.u32  }
0x169: {  	s1 =	rddreg [dreg:$0x1];
	p0 =	sne.s32 s2, $0x0  }
0x16a: {  	s3 =	rddreg [dreg:$0x2];
	[bflag:$0x3] =	sbarrier.arrive $0xFFFF;
	s2 =	simm.s32 @!p0 $0x1C09  }
0x16b: {  	[timem:s3], [sflag:s2] =	dma.local @!p0 [hbm:s0], s1  }
0x16c: {  	s0 =	simm.s32 @!p0 $0x9  }
0x16d: {  	_ =	swait.ge @!p0 [sflag:s0], s1  }
0x16e: {  	s1 =	ssub.s32 @!p0 $0x0, s1;
	[sflag:s0] =	ssyncset.done @!p0 $0x0  }
0x16f: {  	[sflag:s0] =	ssyncadd.s32 @!p0 s1  }
0x170: {  	[bflag:$0x3] =	sbarrier.arrive $0xFFFF  }
0x171: {  	_ =	shalt  }

</sc_bundles>
